<compile_context>
chip_gen: v7x
topology: tpu7x:2x2x1
jax: 0.10.2.dev20260603
libtpu: 0.0.44.dev20260713+nightly
codegen_flags: <defaults>
</compile_context>

<pallas_src>
import functools

import jax
import jax.numpy as jnp
from jax import lax
from jax.experimental import pallas as pl
from jax.experimental.pallas import tpu as pltpu
from jax.experimental.pallas import tpu_sc as plsc

WIDTH = 32
CH = 128
NC = 2
NS = 16
NW = NC * NS
NB = 8
CW = 16


def _mesh():
    return plsc.VectorSubcoreMesh(core_axis_name="c", subcore_axis_name="s")


def _worker_id():
    return lax.axis_index("s") * NC + lax.axis_index("c")


def _make_gather(n, ep):
    cpw = ep // (CH * NW)

    @functools.partial(
        pl.kernel,
        mesh=_mesh(),
        out_type=jax.ShapeDtypeStruct((ep, WIDTH), jnp.float32),
        compiler_params=pltpu.CompilerParams(use_tc_tiling_on_sc=False),
        scratch_types=[
            pltpu.VMEM((cpw, CH), jnp.int32),
            pltpu.VMEM((NB, CH, WIDTH), jnp.float32),
            [pltpu.SemaphoreType.DMA] * NB,
            [pltpu.SemaphoreType.DMA] * NB,
        ],
    )
    def gather(h_hbm, src_hbm, out_hbm, idx_v, rows_v, gsem, osem):
        wid = _worker_id()
        base = wid * cpw
        pltpu.sync_copy(src_hbm.at[pl.ds(base, cpw)], idx_v)

        def body(g, carry):
            descs = []
            for b in range(NB):
                c = g * NB + b
                descs.append(pltpu.async_copy(
                    h_hbm.at[idx_v.at[c]], rows_v.at[b], gsem[b]))
            odescs = []
            for b in range(NB):
                c = g * NB + b
                descs[b].wait()
                odescs.append(pltpu.async_copy(
                    rows_v.at[b], out_hbm.at[pl.ds((base + c) * CH, CH)],
                    osem[b]))
            for b in range(NB):
                odescs[b].wait()
            return carry

        lax.fori_loop(0, cpw // NB, body, 0)

    return gather


def _make_scatter(np_, ep, with_counts):
    cpw = ep // (CH * NW)
    rpt = np_ // NS

    out_type = [jax.ShapeDtypeStruct((NC * np_, WIDTH), jnp.float32)]
    scratch = [
        pltpu.VMEM_SHARED((np_, WIDTH), jnp.float32),
        pltpu.VMEM((cpw, CH), jnp.int32),
        pltpu.VMEM((NB, CH, WIDTH), jnp.float32),
        pltpu.VMEM((rpt, WIDTH), jnp.float32),
        [pltpu.SemaphoreType.DMA] * NB,
    ]
    if with_counts:
        out_type.append(jax.ShapeDtypeStruct((NC * np_, CW), jnp.float32))
        scratch += [
            pltpu.VMEM_SHARED((np_, CW), jnp.float32),
            pltpu.VMEM((CH, CW), jnp.float32),
            pltpu.VMEM((rpt, CW), jnp.float32),
        ]

    @functools.partial(
        pl.kernel,
        mesh=_mesh(),
        out_type=tuple(out_type),
        compiler_params=pltpu.CompilerParams(use_tc_tiling_on_sc=False),
        scratch_types=scratch,
    )
    def scatter(rows_hbm, dst_hbm, z32_hbm, *rest):
        if with_counts:
            (z16_hbm, ones_hbm, out_hbm, cnt_hbm, acc_sh, idx_v,
             rows_v, stage_v, rsem, cacc_sh, ones_v, cstage_v) = rest
        else:
            (out_hbm, acc_sh, idx_v, rows_v, stage_v, rsem) = rest
        cid = lax.axis_index("c")
        sid = lax.axis_index("s")
        wid = sid * NC + cid
        r0 = sid * rpt
        base = wid * cpw

        pltpu.sync_copy(z32_hbm.at[pl.ds(r0, rpt)], stage_v)
        pltpu.sync_copy(stage_v, acc_sh.at[pl.ds(r0, rpt)])
        pltpu.sync_copy(dst_hbm.at[pl.ds(base, cpw)], idx_v)
        if with_counts:
            pltpu.sync_copy(z16_hbm.at[pl.ds(r0, rpt)], cstage_v)
            pltpu.sync_copy(cstage_v, cacc_sh.at[pl.ds(r0, rpt)])
            pltpu.sync_copy(ones_hbm, ones_v)
        plsc.subcore_barrier()

        def body(g, carry):
            descs = []
            for b in range(NB):
                c = g * NB + b
                descs.append(pltpu.async_copy(
                    rows_hbm.at[pl.ds((base + c) * CH, CH)], rows_v.at[b],
                    rsem[b]))
            for b in range(NB):
                c = g * NB + b
                descs[b].wait()
                pltpu.sync_copy(rows_v.at[b], acc_sh.at[idx_v.at[c]], add=True)
                if with_counts:
                    pltpu.sync_copy(ones_v, cacc_sh.at[idx_v.at[c]], add=True)
            return carry

        lax.fori_loop(0, cpw // NB, body, 0)
        plsc.subcore_barrier()

        pltpu.sync_copy(acc_sh.at[pl.ds(r0, rpt)], stage_v)
        pltpu.sync_copy(stage_v, out_hbm.at[pl.ds(cid * np_ + r0, rpt)])
        if with_counts:
            pltpu.sync_copy(cacc_sh.at[pl.ds(r0, rpt)], cstage_v)
            pltpu.sync_copy(cstage_v, cnt_hbm.at[pl.ds(cid * np_ + r0, rpt)])

    return scatter


def _lin_body(x_ref, w_ref, b_ref, o_ref, *, relu):
    y = jnp.dot(x_ref[...], w_ref[...], preferred_element_type=jnp.float32)
    y = y + b_ref[...]
    o_ref[...] = jnp.maximum(y, 0.0) if relu else y


def _tc_linear(x, w, b, relu=False):
    n, _ = x.shape
    fo = w.shape[1]
    return pl.pallas_call(
        functools.partial(_lin_body, relu=relu),
        out_shape=jax.ShapeDtypeStruct((n, fo), jnp.float32),
    )(x, w, b.reshape(1, fo))


def _msg_body(ea_ref, hs_ref, k1w, k1b, k2w, k2b, k3w, rep_ref, sel_ref,
              kb_ref, o_ref, *, eb):
    a = jnp.dot(ea_ref[...], k1w[...], preferred_element_type=jnp.float32)
    a = jnp.maximum(a + k1b[...], 0.0)
    a = jnp.dot(a, k2w[...], preferred_element_type=jnp.float32)
    a = jnp.maximum(a + k2b[...], 0.0)
    w = jnp.dot(a, k3w[...], preferred_element_type=jnp.float32)
    pk = 128 // WIDTH
    sub = eb // pk
    hp = hs_ref[...]
    h = jnp.concatenate(
        [hp[:, j * WIDTH:(j + 1) * WIDTH] for j in range(pk)], axis=0)
    hrep = jnp.dot(h, rep_ref[...], preferred_element_type=jnp.float32)
    msg = jnp.dot(hrep * w, sel_ref[...], preferred_element_type=jnp.float32)
    msg = msg + jnp.dot(h, kb_ref[...], preferred_element_type=jnp.float32)
    o_ref[...] = jnp.concatenate(
        [msg[j * sub:(j + 1) * sub, :] for j in range(pk)], axis=1)


def _tc_msg(edge_attr, h_src, k1_w, k1_b, k2_w, k2_b, k3_w, k3_b, eb=640):
    e, ki = edge_attr.shape
    epk = h_src.shape[0]
    kw2 = k2_w.shape[1]
    kw1 = k1_w.shape[1]
    ww = WIDTH * WIDTH
    ebk = eb * WIDTH // 128
    grid = e // eb
    full = lambda i: (0, 0)
    j = jnp.arange(ww)
    rep = (j[None, :] // WIDTH == jnp.arange(WIDTH)[:, None]).astype(jnp.float32)
    sel = (j[:, None] % WIDTH == jnp.arange(WIDTH)[None, :]).astype(jnp.float32)
    return pl.pallas_call(
        functools.partial(_msg_body, eb=eb),
        grid=(grid,),
        in_specs=[
            pl.BlockSpec((eb, ki), lambda i: (i, 0)),
            pl.BlockSpec((ebk, 128), lambda i: (i, 0)),
            pl.BlockSpec(k1_w.shape, full),
            pl.BlockSpec((1, kw1), full),
            pl.BlockSpec(k2_w.shape, full),
            pl.BlockSpec((1, kw2), full),
            pl.BlockSpec(k3_w.shape, full),
            pl.BlockSpec((WIDTH, ww), full),
            pl.BlockSpec((ww, WIDTH), full),
            pl.BlockSpec((WIDTH, WIDTH), full),
        ],
        out_specs=pl.BlockSpec((ebk, 128), lambda i: (i, 0)),
        out_shape=jax.ShapeDtypeStruct((epk, 128), jnp.float32),
    )(edge_attr, h_src, k1_w, k1_b.reshape(1, kw1), k2_w, k2_b.reshape(1, kw2),
      k3_w, rep, sel, k3_b.reshape(WIDTH, WIDTH))


def _update_body(p_ref, c_ref, h_ref, rw_ref, cb_ref, o_ref, *, n, np_, relu):
    cnt = jnp.maximum(c_ref[0:n, 0:1] + c_ref[np_:np_ + n, 0:1], 1.0)
    agg = (p_ref[0:n, :] + p_ref[np_:np_ + n, :]) / cnt
    y = agg + jnp.dot(h_ref[...], rw_ref[...],
                      preferred_element_type=jnp.float32) + cb_ref[...]
    o_ref[...] = jnp.maximum(y, 0.0) if relu else y


def _tc_update(parts, cnts, h, root_w, conv_b, relu):
    n = h.shape[0]
    np_ = parts.shape[0] // NC
    return pl.pallas_call(
        functools.partial(_update_body, n=n, np_=np_, relu=relu),
        out_shape=jax.ShapeDtypeStruct((n, WIDTH), jnp.float32),
    )(parts, cnts, h, root_w, conv_b.reshape(1, WIDTH))


def _head_body(h_ref, w2_ref, b2_ref, w3_ref, b3_ref, o_ref):
    a = jnp.dot(h_ref[...], w2_ref[...], preferred_element_type=jnp.float32)
    a = jnp.maximum(a + b2_ref[...], 0.0)
    o_ref[...] = jnp.dot(a, w3_ref[...],
                         preferred_element_type=jnp.float32) + b3_ref[...]


def _tc_head(h, fc2_w, fc2_b, fc3_w, fc3_b):
    n = h.shape[0]
    kw = fc2_w.shape[1]
    return pl.pallas_call(
        _head_body,
        out_shape=jax.ShapeDtypeStruct((n, 1), jnp.float32),
    )(h, fc2_w, fc2_b.reshape(1, kw), fc3_w, fc3_b.reshape(1, 1))


def kernel(x, edge_index, edge_attr, fc1_w, fc1_b, k1_w, k1_b, k2_w, k2_b,
           k3_w, k3_b, root_w, conv_b, fc2_w, fc2_b, fc3_w, fc3_b):
    n = x.shape[0]
    e = edge_attr.shape[0]
    src = edge_index[0].astype(jnp.int32)
    dst = edge_index[1].astype(jnp.int32)

    grain = CH * NW * NB
    ep = ((e + grain - 1) // grain) * grain
    np_ = ((n + NS) // NS) * NS
    pad = ep - e
    srcp = jnp.concatenate([src, jnp.zeros((pad,), jnp.int32)])
    srcp = srcp.reshape(ep // CH, CH)
    dstp = jnp.concatenate([dst, jnp.full((pad,), n, jnp.int32)])
    dstp = dstp.reshape(ep // CH, CH)

    gather = _make_gather(n, ep)
    scatter_c = _make_scatter(np_, ep, with_counts=True)
    scatter = _make_scatter(np_, ep, with_counts=False)

    zeros32 = jnp.zeros((np_, WIDTH), jnp.float32)
    zeros16 = jnp.zeros((np_, CW), jnp.float32)
    ones16 = jnp.ones((CH, CW), jnp.float32)

    h = _tc_linear(x, fc1_w, fc1_b)

    depth = 2
    cnts = None
    eb = 640
    pk = 128 // WIDTH
    ki = edge_attr.shape[1]
    ea_perm = edge_attr.reshape(e // eb, eb // pk, pk, ki)
    ea_perm = ea_perm.transpose(0, 2, 1, 3).reshape(e, ki)

    for k in range(depth):
        h_src = gather(h, srcp)
        hs_packed = h_src.reshape(ep * WIDTH // 128, 128)
        msg_packed = _tc_msg(ea_perm, hs_packed, k1_w, k1_b, k2_w, k2_b,
                             k3_w, k3_b)
        msg = msg_packed.reshape(ep, WIDTH)
        if k == 0:
            parts, cnts = scatter_c(msg, dstp, zeros32, zeros16, ones16)
        else:
            (parts,) = scatter(msg, dstp, zeros32)
        h = _tc_update(parts, cnts, h, root_w, conv_b, relu=(k != depth - 1))

    return _tc_head(h, fc2_w, fc2_b, fc3_w, fc3_b)

# --- scband reference (transcript-rebuilt; emitter-appended) ---
"""Pipeline reference for scband-kernel-nn-80144089743498 (READ-ONLY COPY).

The authoritative reference and input builder live on the scoring server;
editing this copy changes nothing except your own understanding.
"""

import jax, jax.numpy as jnp
import numpy as np

N = 10000
E = 160000
WIDTH = 32
KER_WIDTH = 256
DEPTH = 2
KER_IN = 10
IN_WIDTH = 6


def setup_inputs(seed: int = 0):
    key = jax.random.key(seed)
    ks = jax.random.split(key, 20)

    def lin(k, fi, fo):
        s = 1.0 / np.sqrt(fi)
        return jax.random.uniform(k, (fi, fo), jnp.float32, -s, s)

    inp = {}
    inp["x"] = jax.random.normal(ks[0], (N, IN_WIDTH), dtype=jnp.float32)
    inp["edge_index"] = jax.random.randint(ks[1], (2, E), 0, N)
    inp["edge_attr"] = jax.random.uniform(ks[2], (E, KER_IN), dtype=jnp.float32)
    inp["fc1_w"] = lin(ks[3], IN_WIDTH, WIDTH)
    inp["fc1_b"] = jnp.zeros((WIDTH,), jnp.float32)
    inp["k1_w"] = lin(ks[4], KER_IN, KER_WIDTH // 2)
    inp["k1_b"] = jnp.zeros((KER_WIDTH // 2,), jnp.float32)
    inp["k2_w"] = lin(ks[5], KER_WIDTH // 2, KER_WIDTH)
    inp["k2_b"] = jnp.zeros((KER_WIDTH,), jnp.float32)
    inp["k3_w"] = lin(ks[6], KER_WIDTH, WIDTH * WIDTH)
    inp["k3_b"] = jnp.zeros((WIDTH * WIDTH,), jnp.float32)
    inp["root_w"] = lin(ks[7], WIDTH, WIDTH)
    inp["conv_b"] = jnp.zeros((WIDTH,), jnp.float32)
    inp["fc2_w"] = lin(ks[8], WIDTH, KER_WIDTH)
    inp["fc2_b"] = jnp.zeros((KER_WIDTH,), jnp.float32)
    inp["fc3_w"] = lin(ks[9], KER_WIDTH, 1)
    inp["fc3_b"] = jnp.zeros((1,), jnp.float32)
    return inp


def reference(x, edge_index, edge_attr, fc1_w, fc1_b, k1_w, k1_b, k2_w, k2_b, k3_w, k3_b, root_w, conv_b, fc2_w, fc2_b, fc3_w, fc3_b):
    src = edge_index[0]
    dst = edge_index[1]

    def nnconv(h):
        # DenseNet kernel: Linear -> ReLU -> Linear -> ReLU -> Linear (no final nonlinearity)
        w = jax.nn.relu(edge_attr @ k1_w + k1_b)
        w = jax.nn.relu(w @ k2_w + k2_b)
        w = (w @ k3_w + k3_b).reshape(E, WIDTH, WIDTH)
        # NNConv_old message: x_j (source node feature) @ per-edge weight matrix
        msg = jnp.einsum('ei,eio->eo', h[src], w)
        # aggr='mean' over destination nodes
        agg = jax.ops.segment_sum(msg, dst, num_segments=N)
        cnt = jax.ops.segment_sum(jnp.ones((E,), jnp.float32), dst, num_segments=N)
        agg = agg / jnp.maximum(cnt, 1.0)[:, None]
        # update: root weight + bias
        return agg + h @ root_w + conv_b

    h = x @ fc1_w + fc1_b
    for k in range(DEPTH):
        h = nnconv(h)
        if k != DEPTH - 1:
            h = jax.nn.relu(h)
    h = jax.nn.relu(h @ fc2_w + fc2_b)
    return h @ fc3_w + fc3_b

if __name__ == "__main__":
    import jax
    _d = setup_inputs()
    print(jax.jit(kernel)(*tuple(_d.values())))

</pallas_src>

<mosaic_0001>
#map = affine_map<(d0, d1) -> (0, 0)>
module attributes {stable_mosaic.version = 14 : i64} {
  func.func @gather(%arg0: i32, %arg1: i32, %arg2: memref<10000x32xf32, #tpu.memory_space<hbm>>, %arg3: memref<1280x128xi32, #tpu.memory_space<hbm>>, %arg4: memref<163840x32xf32, #tpu.memory_space<hbm>>, %arg5: memref<40x128xi32, #tpu.memory_space<vmem>>, %arg6: memref<8x128x32xf32, #tpu.memory_space<vmem>>, %arg7: memref<!tpu.dma_semaphore, #tpu.memory_space<semaphore_mem>>, %arg8: memref<!tpu.dma_semaphore, #tpu.memory_space<semaphore_mem>>, %arg9: memref<!tpu.dma_semaphore, #tpu.memory_space<semaphore_mem>>, %arg10: memref<!tpu.dma_semaphore, #tpu.memory_space<semaphore_mem>>, %arg11: memref<!tpu.dma_semaphore, #tpu.memory_space<semaphore_mem>>, %arg12: memref<!tpu.dma_semaphore, #tpu.memory_space<semaphore_mem>>, %arg13: memref<!tpu.dma_semaphore, #tpu.memory_space<semaphore_mem>>, %arg14: memref<!tpu.dma_semaphore, #tpu.memory_space<semaphore_mem>>, %arg15: memref<!tpu.dma_semaphore, #tpu.memory_space<semaphore_mem>>, %arg16: memref<!tpu.dma_semaphore, #tpu.memory_space<semaphore_mem>>, %arg17: memref<!tpu.dma_semaphore, #tpu.memory_space<semaphore_mem>>, %arg18: memref<!tpu.dma_semaphore, #tpu.memory_space<semaphore_mem>>, %arg19: memref<!tpu.dma_semaphore, #tpu.memory_space<semaphore_mem>>, %arg20: memref<!tpu.dma_semaphore, #tpu.memory_space<semaphore_mem>>, %arg21: memref<!tpu.dma_semaphore, #tpu.memory_space<semaphore_mem>>, %arg22: memref<!tpu.dma_semaphore, #tpu.memory_space<semaphore_mem>>) attributes {dimension_semantics = [#tpu.dimension_semantics<core_parallel>, #tpu.dimension_semantics<subcore_parallel>], iteration_bounds = array<i64: 2, 16>, scalar_prefetch = 0 : i64, scratch_operands = 18 : i64, tpu.core_type = #tpu.core_type<sc_vector_subcore>, window_params = [{transform_indices = #map}, {transform_indices = #map}, {transform_indices = #map}]} {
    %mul3A = arith.constant 2 : i32
    %mul3A_0 = arith.muli %arg1, %mul3A : i32
    %add3A = arith.addi %mul3A_0, %arg0 : i32
    %mul3A_1 = arith.constant 40 : i32
    %mul3A_2 = arith.muli %add3A, %mul3A_1 : i32
    "tpu.region"() ({
      %run_scoped3A = tpu.sem_alloc : memref<!tpu.dma_semaphore, #tpu.memory_space<semaphore_mem>>
      %dma_start3A = arith.constant 0 : i32
      %dma_start3A_8 = tpu.memref_slice %arg3[%mul3A_2, %dma_start3A] : memref<1280x128xi32, #tpu.memory_space<hbm>> -> memref<40x128xi32, #tpu.memory_space<hbm>>
      %dma_start3A_9 = arith.constant 0 : i32
      %dma_start3A_10 = tpu.memref_slice %arg3[%mul3A_2, %dma_start3A_9] : memref<1280x128xi32, #tpu.memory_space<hbm>> -> memref<40x128xi32, #tpu.memory_space<hbm>>
      tpu.enqueue_dma source(%dma_start3A_10 : memref<40x128xi32, #tpu.memory_space<hbm>>) target(%arg5 : memref<40x128xi32, #tpu.memory_space<vmem>>) target_semaphore(%run_scoped3A : memref<!tpu.dma_semaphore, #tpu.memory_space<semaphore_mem>>)
      %dma_wait3A = arith.constant 0 : i32
      %dma_wait3A_11 = tpu.memref_slice %arg3[%mul3A_2, %dma_wait3A] : memref<1280x128xi32, #tpu.memory_space<hbm>> -> memref<40x128xi32, #tpu.memory_space<hbm>>
      %dma_wait3A_12 = arith.constant 0 : i32
      %dma_wait3A_13 = tpu.memref_slice %arg3[%mul3A_2, %dma_wait3A_12] : memref<1280x128xi32, #tpu.memory_space<hbm>> -> memref<40x128xi32, #tpu.memory_space<hbm>>
      tpu.wait_dma2 semaphore(%run_scoped3A : memref<!tpu.dma_semaphore, #tpu.memory_space<semaphore_mem>>) src(%dma_wait3A_13 : memref<40x128xi32, #tpu.memory_space<hbm>>) dst(%arg5 : memref<40x128xi32, #tpu.memory_space<vmem>>)
      tpu.yield
    }) : () -> ()
    %scan3A = arith.constant 0 : i32
    %scan3A_3 = arith.constant 0 : i32
    %scan3A_4 = arith.constant 5 : i32
    %scan3A_5 = arith.addi %scan3A_3, %scan3A_4 : i32
    %scan3A_6 = arith.constant 1 : i32
    scf.for %scan3A_8 = %scan3A_3 to %scan3A_5 step %scan3A_6  : i32 {
      %mul3A_9 = arith.constant 8 : i32
      %mul3A_10 = arith.muli %scan3A_8, %mul3A_9 : i32
      %add3A_11 = arith.constant 0 : i32
      %add3A_12 = arith.addi %mul3A_10, %add3A_11 : i32
      %dma_start3A = arith.constant 0 : i32
      %dma_start3A_13 = arith.constant 0 : i32
      %dma_start3A_14 = arith.constant 0 : i32
      %dma_start3A_15 = tpu.memref_slice %arg6[%dma_start3A, %dma_start3A_13, %dma_start3A_14] : memref<8x128x32xf32, #tpu.memory_space<vmem>> -> memref<1x128x32xf32, #tpu.memory_space<vmem>>
      %dma_start3A_16 = tpu.memref_squeeze %dma_start3A_15 : memref<1x128x32xf32, #tpu.memory_space<vmem>> -> memref<128x32xf32, #tpu.memory_space<vmem>>
      %dma_start3A_17 = arith.constant 0 : i32
      %dma_start3A_18 = tpu.memref_slice %arg5[%add3A_12, %dma_start3A_17] : memref<40x128xi32, #tpu.memory_space<vmem>> -> memref<1x128xi32, #tpu.memory_space<vmem>>
      %dma_start3A_19 = tpu.memref_squeeze %dma_start3A_18 : memref<1x128xi32, #tpu.memory_space<vmem>> -> memref<128xi32, #tpu.memory_space<vmem>>
      %dma_start3A_20 = arith.constant 0 : i32
      %dma_start3A_21 = arith.constant 0 : i32
      %dma_start3A_22 = tpu.memref_slice %arg2[%dma_start3A_20, %dma_start3A_21] : memref<10000x32xf32, #tpu.memory_space<hbm>> -> memref<10000x32xf32, #tpu.memory_space<hbm>>
      tpu.enqueue_indirect_dma source(%dma_start3A_22 : memref<10000x32xf32, #tpu.memory_space<hbm>>) target(%dma_start3A_16 : memref<128x32xf32, #tpu.memory_space<vmem>>) offsets(%dma_start3A_19 : memref<128xi32, #tpu.memory_space<vmem>>) semaphore(%arg7 : memref<!tpu.dma_semaphore, #tpu.memory_space<semaphore_mem>>)
      %mul3A_23 = arith.constant 8 : i32
      %mul3A_24 = arith.muli %scan3A_8, %mul3A_23 : i32
      %add3A_25 = arith.constant 1 : i32
      %add3A_26 = arith.addi %mul3A_24, %add3A_25 : i32
      %dma_start3A_27 = arith.constant 1 : i32
      %dma_start3A_28 = arith.constant 0 : i32
      %dma_start3A_29 = arith.constant 0 : i32
      %dma_start3A_30 = tpu.memref_slice %arg6[%dma_start3A_27, %dma_start3A_28, %dma_start3A_29] : memref<8x128x32xf32, #tpu.memory_space<vmem>> -> memref<1x128x32xf32, #tpu.memory_space<vmem>>
      %dma_start3A_31 = tpu.memref_squeeze %dma_start3A_30 : memref<1x128x32xf32, #tpu.memory_space<vmem>> -> memref<128x32xf32, #tpu.memory_space<vmem>>
      %dma_start3A_32 = arith.constant 0 : i32
      %dma_start3A_33 = tpu.memref_slice %arg5[%add3A_26, %dma_start3A_32] : memref<40x128xi32, #tpu.memory_space<vmem>> -> memref<1x128xi32, #tpu.memory_space<vmem>>
      %dma_start3A_34 = tpu.memref_squeeze %dma_start3A_33 : memref<1x128xi32, #tpu.memory_space<vmem>> -> memref<128xi32, #tpu.memory_space<vmem>>
      %dma_start3A_35 = arith.constant 0 : i32
      %dma_start3A_36 = arith.constant 0 : i32
      %dma_start3A_37 = tpu.memref_slice %arg2[%dma_start3A_35, %dma_start3A_36] : memref<10000x32xf32, #tpu.memory_space<hbm>> -> memref<10000x32xf32, #tpu.memory_space<hbm>>
      tpu.enqueue_indirect_dma source(%dma_start3A_37 : memref<10000x32xf32, #tpu.memory_space<hbm>>) target(%dma_start3A_31 : memref<128x32xf32, #tpu.memory_space<vmem>>) offsets(%dma_start3A_34 : memref<128xi32, #tpu.memory_space<vmem>>) semaphore(%arg8 : memref<!tpu.dma_semaphore, #tpu.memory_space<semaphore_mem>>)
      %mul3A_38 = arith.constant 8 : i32
      %mul3A_39 = arith.muli %scan3A_8, %mul3A_38 : i32
      %add3A_40 = arith.constant 2 : i32
      %add3A_41 = arith.addi %mul3A_39, %add3A_40 : i32
      %dma_start3A_42 = arith.constant 2 : i32
      %dma_start3A_43 = arith.constant 0 : i32
      %dma_start3A_44 = arith.constant 0 : i32
      %dma_start3A_45 = tpu.memref_slice %arg6[%dma_start3A_42, %dma_start3A_43, %dma_start3A_44] : memref<8x128x32xf32, #tpu.memory_space<vmem>> -> memref<1x128x32xf32, #tpu.memory_space<vmem>>
      %dma_start3A_46 = tpu.memref_squeeze %dma_start3A_45 : memref<1x128x32xf32, #tpu.memory_space<vmem>> -> memref<128x32xf32, #tpu.memory_space<vmem>>
      %dma_start3A_47 = arith.constant 0 : i32
      %dma_start3A_48 = tpu.memref_slice %arg5[%add3A_41, %dma_start3A_47] : memref<40x128xi32, #tpu.memory_space<vmem>> -> memref<1x128xi32, #tpu.memory_space<vmem>>
      %dma_start3A_49 = tpu.memref_squeeze %dma_start3A_48 : memref<1x128xi32, #tpu.memory_space<vmem>> -> memref<128xi32, #tpu.memory_space<vmem>>
      %dma_start3A_50 = arith.constant 0 : i32
      %dma_start3A_51 = arith.constant 0 : i32
      %dma_start3A_52 = tpu.memref_slice %arg2[%dma_start3A_50, %dma_start3A_51] : memref<10000x32xf32, #tpu.memory_space<hbm>> -> memref<10000x32xf32, #tpu.memory_space<hbm>>
      tpu.enqueue_indirect_dma source(%dma_start3A_52 : memref<10000x32xf32, #tpu.memory_space<hbm>>) target(%dma_start3A_46 : memref<128x32xf32, #tpu.memory_space<vmem>>) offsets(%dma_start3A_49 : memref<128xi32, #tpu.memory_space<vmem>>) semaphore(%arg9 : memref<!tpu.dma_semaphore, #tpu.memory_space<semaphore_mem>>)
      %mul3A_53 = arith.constant 8 : i32
      %mul3A_54 = arith.muli %scan3A_8, %mul3A_53 : i32
      %add3A_55 = arith.constant 3 : i32
      %add3A_56 = arith.addi %mul3A_54, %add3A_55 : i32
      %dma_start3A_57 = arith.constant 3 : i32
      %dma_start3A_58 = arith.constant 0 : i32
      %dma_start3A_59 = arith.constant 0 : i32
      %dma_start3A_60 = tpu.memref_slice %arg6[%dma_start3A_57, %dma_start3A_58, %dma_start3A_59] : memref<8x128x32xf32, #tpu.memory_space<vmem>> -> memref<1x128x32xf32, #tpu.memory_space<vmem>>
      %dma_start3A_61 = tpu.memref_squeeze %dma_start3A_60 : memref<1x128x32xf32, #tpu.memory_space<vmem>> -> memref<128x32xf32, #tpu.memory_space<vmem>>
      %dma_start3A_62 = arith.constant 0 : i32
      %dma_start3A_63 = tpu.memref_slice %arg5[%add3A_56, %dma_start3A_62] : memref<40x128xi32, #tpu.memory_space<vmem>> -> memref<1x128xi32, #tpu.memory_space<vmem>>
      %dma_start3A_64 = tpu.memref_squeeze %dma_start3A_63 : memref<1x128xi32, #tpu.memory_space<vmem>> -> memref<128xi32, #tpu.memory_space<vmem>>
      %dma_start3A_65 = arith.constant 0 : i32
      %dma_start3A_66 = arith.constant 0 : i32
      %dma_start3A_67 = tpu.memref_slice %arg2[%dma_start3A_65, %dma_start3A_66] : memref<10000x32xf32, #tpu.memory_space<hbm>> -> memref<10000x32xf32, #tpu.memory_space<hbm>>
      tpu.enqueue_indirect_dma source(%dma_start3A_67 : memref<10000x32xf32, #tpu.memory_space<hbm>>) target(%dma_start3A_61 : memref<128x32xf32, #tpu.memory_space<vmem>>) offsets(%dma_start3A_64 : memref<128xi32, #tpu.memory_space<vmem>>) semaphore(%arg10 : memref<!tpu.dma_semaphore, #tpu.memory_space<semaphore_mem>>)
      %mul3A_68 = arith.constant 8 : i32
      %mul3A_69 = arith.muli %scan3A_8, %mul3A_68 : i32
      %add3A_70 = arith.constant 4 : i32
      %add3A_71 = arith.addi %mul3A_69, %add3A_70 : i32
      %dma_start3A_72 = arith.constant 4 : i32
      %dma_start3A_73 = arith.constant 0 : i32
      %dma_start3A_74 = arith.constant 0 : i32
      %dma_start3A_75 = tpu.memref_slice %arg6[%dma_start3A_72, %dma_start3A_73, %dma_start3A_74] : memref<8x128x32xf32, #tpu.memory_space<vmem>> -> memref<1x128x32xf32, #tpu.memory_space<vmem>>
      %dma_start3A_76 = tpu.memref_squeeze %dma_start3A_75 : memref<1x128x32xf32, #tpu.memory_space<vmem>> -> memref<128x32xf32, #tpu.memory_space<vmem>>
      %dma_start3A_77 = arith.constant 0 : i32
      %dma_start3A_78 = tpu.memref_slice %arg5[%add3A_71, %dma_start3A_77] : memref<40x128xi32, #tpu.memory_space<vmem>> -> memref<1x128xi32, #tpu.memory_space<vmem>>
      %dma_start3A_79 = tpu.memref_squeeze %dma_start3A_78 : memref<1x128xi32, #tpu.memory_space<vmem>> -> memref<128xi32, #tpu.memory_space<vmem>>
      %dma_start3A_80 = arith.constant 0 : i32
      %dma_start3A_81 = arith.constant 0 : i32
      %dma_start3A_82 = tpu.memref_slice %arg2[%dma_start3A_80, %dma_start3A_81] : memref<10000x32xf32, #tpu.memory_space<hbm>> -> memref<10000x32xf32, #tpu.memory_space<hbm>>
      tpu.enqueue_indirect_dma source(%dma_start3A_82 : memref<10000x32xf32, #tpu.memory_space<hbm>>) target(%dma_start3A_76 : memref<128x32xf32, #tpu.memory_space<vmem>>) offsets(%dma_start3A_79 : memref<128xi32, #tpu.memory_space<vmem>>) semaphore(%arg11 : memref<!tpu.dma_semaphore, #tpu.memory_space<semaphore_mem>>)
      %mul3A_83 = arith.constant 8 : i32
      %mul3A_84 = arith.muli %scan3A_8, %mul3A_83 : i32
      %add3A_85 = arith.constant 5 : i32
      %add3A_86 = arith.addi %mul3A_84, %add3A_85 : i32
      %dma_start3A_87 = arith.constant 5 : i32
      %dma_start3A_88 = arith.constant 0 : i32
      %dma_start3A_89 = arith.constant 0 : i32
      %dma_start3A_90 = tpu.memref_slice %arg6[%dma_start3A_87, %dma_start3A_88, %dma_start3A_89] : memref<8x128x32xf32, #tpu.memory_space<vmem>> -> memref<1x128x32xf32, #tpu.memory_space<vmem>>
      %dma_start3A_91 = tpu.memref_squeeze %dma_start3A_90 : memref<1x128x32xf32, #tpu.memory_space<vmem>> -> memref<128x32xf32, #tpu.memory_space<vmem>>
      %dma_start3A_92 = arith.constant 0 : i32
      %dma_start3A_93 = tpu.memref_slice %arg5[%add3A_86, %dma_start3A_92] : memref<40x128xi32, #tpu.memory_space<vmem>> -> memref<1x128xi32, #tpu.memory_space<vmem>>
      %dma_start3A_94 = tpu.memref_squeeze %dma_start3A_93 : memref<1x128xi32, #tpu.memory_space<vmem>> -> memref<128xi32, #tpu.memory_space<vmem>>
      %dma_start3A_95 = arith.constant 0 : i32
      %dma_start3A_96 = arith.constant 0 : i32
      %dma_start3A_97 = tpu.memref_slice %arg2[%dma_start3A_95, %dma_start3A_96] : memref<10000x32xf32, #tpu.memory_space<hbm>> -> memref<10000x32xf32, #tpu.memory_space<hbm>>
      tpu.enqueue_indirect_dma source(%dma_start3A_97 : memref<10000x32xf32, #tpu.memory_space<hbm>>) target(%dma_start3A_91 : memref<128x32xf32, #tpu.memory_space<vmem>>) offsets(%dma_start3A_94 : memref<128xi32, #tpu.memory_space<vmem>>) semaphore(%arg12 : memref<!tpu.dma_semaphore, #tpu.memory_space<semaphore_mem>>)
      %mul3A_98 = arith.constant 8 : i32
      %mul3A_99 = arith.muli %scan3A_8, %mul3A_98 : i32
      %add3A_100 = arith.constant 6 : i32
      %add3A_101 = arith.addi %mul3A_99, %add3A_100 : i32
      %dma_start3A_102 = arith.constant 6 : i32
      %dma_start3A_103 = arith.constant 0 : i32
      %dma_start3A_104 = arith.constant 0 : i32
      %dma_start3A_105 = tpu.memref_slice %arg6[%dma_start3A_102, %dma_start3A_103, %dma_start3A_104] : memref<8x128x32xf32, #tpu.memory_space<vmem>> -> memref<1x128x32xf32, #tpu.memory_space<vmem>>
      %dma_start3A_106 = tpu.memref_squeeze %dma_start3A_105 : memref<1x128x32xf32, #tpu.memory_space<vmem>> -> memref<128x32xf32, #tpu.memory_space<vmem>>
      %dma_start3A_107 = arith.constant 0 : i32
      %dma_start3A_108 = tpu.memref_slice %arg5[%add3A_101, %dma_start3A_107] : memref<40x128xi32, #tpu.memory_space<vmem>> -> memref<1x128xi32, #tpu.memory_space<vmem>>
      %dma_start3A_109 = tpu.memref_squeeze %dma_start3A_108 : memref<1x128xi32, #tpu.memory_space<vmem>> -> memref<128xi32, #tpu.memory_space<vmem>>
      %dma_start3A_110 = arith.constant 0 : i32
      %dma_start3A_111 = arith.constant 0 : i32
      %dma_start3A_112 = tpu.memref_slice %arg2[%dma_start3A_110, %dma_start3A_111] : memref<10000x32xf32, #tpu.memory_space<hbm>> -> memref<10000x32xf32, #tpu.memory_space<hbm>>
      tpu.enqueue_indirect_dma source(%dma_start3A_112 : memref<10000x32xf32, #tpu.memory_space<hbm>>) target(%dma_start3A_106 : memref<128x32xf32, #tpu.memory_space<vmem>>) offsets(%dma_start3A_109 : memref<128xi32, #tpu.memory_space<vmem>>) semaphore(%arg13 : memref<!tpu.dma_semaphore, #tpu.memory_space<semaphore_mem>>)
      %mul3A_113 = arith.constant 8 : i32
      %mul3A_114 = arith.muli %scan3A_8, %mul3A_113 : i32
      %add3A_115 = arith.constant 7 : i32
      %add3A_116 = arith.addi %mul3A_114, %add3A_115 : i32
      %dma_start3A_117 = arith.constant 7 : i32
      %dma_start3A_118 = arith.constant 0 : i32
      %dma_start3A_119 = arith.constant 0 : i32
      %dma_start3A_120 = tpu.memref_slice %arg6[%dma_start3A_117, %dma_start3A_118, %dma_start3A_119] : memref<8x128x32xf32, #tpu.memory_space<vmem>> -> memref<1x128x32xf32, #tpu.memory_space<vmem>>
      %dma_start3A_121 = tpu.memref_squeeze %dma_start3A_120 : memref<1x128x32xf32, #tpu.memory_space<vmem>> -> memref<128x32xf32, #tpu.memory_space<vmem>>
      %dma_start3A_122 = arith.constant 0 : i32
      %dma_start3A_123 = tpu.memref_slice %arg5[%add3A_116, %dma_start3A_122] : memref<40x128xi32, #tpu.memory_space<vmem>> -> memref<1x128xi32, #tpu.memory_space<vmem>>
      %dma_start3A_124 = tpu.memref_squeeze %dma_start3A_123 : memref<1x128xi32, #tpu.memory_space<vmem>> -> memref<128xi32, #tpu.memory_space<vmem>>
      %dma_start3A_125 = arith.constant 0 : i32
      %dma_start3A_126 = arith.constant 0 : i32
      %dma_start3A_127 = tpu.memref_slice %arg2[%dma_start3A_125, %dma_start3A_126] : memref<10000x32xf32, #tpu.memory_space<hbm>> -> memref<10000x32xf32, #tpu.memory_space<hbm>>
      tpu.enqueue_indirect_dma source(%dma_start3A_127 : memref<10000x32xf32, #tpu.memory_space<hbm>>) target(%dma_start3A_121 : memref<128x32xf32, #tpu.memory_space<vmem>>) offsets(%dma_start3A_124 : memref<128xi32, #tpu.memory_space<vmem>>) semaphore(%arg14 : memref<!tpu.dma_semaphore, #tpu.memory_space<semaphore_mem>>)
      %mul3A_128 = arith.constant 8 : i32
      %mul3A_129 = arith.muli %scan3A_8, %mul3A_128 : i32
      %add3A_130 = arith.constant 0 : i32
      %add3A_131 = arith.addi %mul3A_129, %add3A_130 : i32
      %dma_wait3A = arith.constant 0 : i32
      %dma_wait3A_132 = arith.constant 0 : i32
      %dma_wait3A_133 = arith.constant 0 : i32
      %dma_wait3A_134 = tpu.memref_slice %arg6[%dma_wait3A, %dma_wait3A_132, %dma_wait3A_133] : memref<8x128x32xf32, #tpu.memory_space<vmem>> -> memref<1x128x32xf32, #tpu.memory_space<vmem>>
      %dma_wait3A_135 = tpu.memref_squeeze %dma_wait3A_134 : memref<1x128x32xf32, #tpu.memory_space<vmem>> -> memref<128x32xf32, #tpu.memory_space<vmem>>
      %dma_wait3A_136 = arith.constant 0 : i32
      %dma_wait3A_137 = tpu.memref_slice %arg5[%add3A_12, %dma_wait3A_136] : memref<40x128xi32, #tpu.memory_space<vmem>> -> memref<1x128xi32, #tpu.memory_space<vmem>>
      %dma_wait3A_138 = tpu.memref_squeeze %dma_wait3A_137 : memref<1x128xi32, #tpu.memory_space<vmem>> -> memref<128xi32, #tpu.memory_space<vmem>>
      %dma_wait3A_139 = arith.constant 0 : i32
      %dma_wait3A_140 = arith.constant 0 : i32
      %dma_wait3A_141 = tpu.memref_slice %arg2[%dma_wait3A_139, %dma_wait3A_140] : memref<10000x32xf32, #tpu.memory_space<hbm>> -> memref<10000x32xf32, #tpu.memory_space<hbm>>
      tpu.wait_indirect_dma semaphore(%arg7 : memref<!tpu.dma_semaphore, #tpu.memory_space<semaphore_mem>>) src(%dma_wait3A_141 : memref<10000x32xf32, #tpu.memory_space<hbm>>) dst(%dma_wait3A_135 : memref<128x32xf32, #tpu.memory_space<vmem>>)
      %add3A_142 = arith.addi %mul3A_2, %add3A_131 : i32
      %mul3A_143 = arith.constant 128 : i32
      %mul3A_144 = arith.muli %add3A_142, %mul3A_143 : i32
      %dma_start3A_145 = arith.constant 0 : i32
      %dma_start3A_146 = arith.constant 0 : i32
      %dma_start3A_147 = arith.constant 0 : i32
      %dma_start3A_148 = tpu.memref_slice %arg6[%dma_start3A_145, %dma_start3A_146, %dma_start3A_147] : memref<8x128x32xf32, #tpu.memory_space<vmem>> -> memref<1x128x32xf32, #tpu.memory_space<vmem>>
      %dma_start3A_149 = tpu.memref_squeeze %dma_start3A_148 : memref<1x128x32xf32, #tpu.memory_space<vmem>> -> memref<128x32xf32, #tpu.memory_space<vmem>>
      %dma_start3A_150 = arith.constant 0 : i32
      %dma_start3A_151 = tpu.memref_slice %arg4[%mul3A_144, %dma_start3A_150] : memref<163840x32xf32, #tpu.memory_space<hbm>> -> memref<128x32xf32, #tpu.memory_space<hbm>>
      %dma_start3A_152 = arith.constant 0 : i32
      %dma_start3A_153 = tpu.memref_slice %arg4[%mul3A_144, %dma_start3A_152] : memref<163840x32xf32, #tpu.memory_space<hbm>> -> memref<128x32xf32, #tpu.memory_space<hbm>>
      %dma_start3A_154 = arith.constant 0 : i32
      %dma_start3A_155 = arith.constant 0 : i32
      %dma_start3A_156 = tpu.memref_slice %arg6[%dma_start3A_145, %dma_start3A_154, %dma_start3A_155] : memref<8x128x32xf32, #tpu.memory_space<vmem>> -> memref<1x128x32xf32, #tpu.memory_space<vmem>>
      %dma_start3A_157 = tpu.memref_squeeze %dma_start3A_156 : memref<1x128x32xf32, #tpu.memory_space<vmem>> -> memref<128x32xf32, #tpu.memory_space<vmem>>
      tpu.enqueue_dma source(%dma_start3A_157 : memref<128x32xf32, #tpu.memory_space<vmem>>) target(%dma_start3A_153 : memref<128x32xf32, #tpu.memory_space<hbm>>) target_semaphore(%arg15 : memref<!tpu.dma_semaphore, #tpu.memory_space<semaphore_mem>>)
      %mul3A_158 = arith.constant 8 : i32
      %mul3A_159 = arith.muli %scan3A_8, %mul3A_158 : i32
      %add3A_160 = arith.constant 1 : i32
      %add3A_161 = arith.addi %mul3A_159, %add3A_160 : i32
      %dma_wait3A_162 = arith.constant 1 : i32
      %dma_wait3A_163 = arith.constant 0 : i32
      %dma_wait3A_164 = arith.constant 0 : i32
      %dma_wait3A_165 = tpu.memref_slice %arg6[%dma_wait3A_162, %dma_wait3A_163, %dma_wait3A_164] : memref<8x128x32xf32, #tpu.memory_space<vmem>> -> memref<1x128x32xf32, #tpu.memory_space<vmem>>
      %dma_wait3A_166 = tpu.memref_squeeze %dma_wait3A_165 : memref<1x128x32xf32, #tpu.memory_space<vmem>> -> memref<128x32xf32, #tpu.memory_space<vmem>>
      %dma_wait3A_167 = arith.constant 0 : i32
      %dma_wait3A_168 = tpu.memref_slice %arg5[%add3A_26, %dma_wait3A_167] : memref<40x128xi32, #tpu.memory_space<vmem>> -> memref<1x128xi32, #tpu.memory_space<vmem>>
      %dma_wait3A_169 = tpu.memref_squeeze %dma_wait3A_168 : memref<1x128xi32, #tpu.memory_space<vmem>> -> memref<128xi32, #tpu.memory_space<vmem>>
      %dma_wait3A_170 = arith.constant 0 : i32
      %dma_wait3A_171 = arith.constant 0 : i32
      %dma_wait3A_172 = tpu.memref_slice %arg2[%dma_wait3A_170, %dma_wait3A_171] : memref<10000x32xf32, #tpu.memory_space<hbm>> -> memref<10000x32xf32, #tpu.memory_space<hbm>>
      tpu.wait_indirect_dma semaphore(%arg8 : memref<!tpu.dma_semaphore, #tpu.memory_space<semaphore_mem>>) src(%dma_wait3A_172 : memref<10000x32xf32, #tpu.memory_space<hbm>>) dst(%dma_wait3A_166 : memref<128x32xf32, #tpu.memory_space<vmem>>)
      %add3A_173 = arith.addi %mul3A_2, %add3A_161 : i32
      %mul3A_174 = arith.constant 128 : i32
      %mul3A_175 = arith.muli %add3A_173, %mul3A_174 : i32
      %dma_start3A_176 = arith.constant 1 : i32
      %dma_start3A_177 = arith.constant 0 : i32
      %dma_start3A_178 = arith.constant 0 : i32
      %dma_start3A_179 = tpu.memref_slice %arg6[%dma_start3A_176, %dma_start3A_177, %dma_start3A_178] : memref<8x128x32xf32, #tpu.memory_space<vmem>> -> memref<1x128x32xf32, #tpu.memory_space<vmem>>
      %dma_start3A_180 = tpu.memref_squeeze %dma_start3A_179 : memref<1x128x32xf32, #tpu.memory_space<vmem>> -> memref<128x32xf32, #tpu.memory_space<vmem>>
      %dma_start3A_181 = arith.constant 0 : i32
      %dma_start3A_182 = tpu.memref_slice %arg4[%mul3A_175, %dma_start3A_181] : memref<163840x32xf32, #tpu.memory_space<hbm>> -> memref<128x32xf32, #tpu.memory_space<hbm>>
      %dma_start3A_183 = arith.constant 0 : i32
      %dma_start3A_184 = tpu.memref_slice %arg4[%mul3A_175, %dma_start3A_183] : memref<163840x32xf32, #tpu.memory_space<hbm>> -> memref<128x32xf32, #tpu.memory_space<hbm>>
      %dma_start3A_185 = arith.constant 0 : i32
      %dma_start3A_186 = arith.constant 0 : i32
      %dma_start3A_187 = tpu.memref_slice %arg6[%dma_start3A_176, %dma_start3A_185, %dma_start3A_186] : memref<8x128x32xf32, #tpu.memory_space<vmem>> -> memref<1x128x32xf32, #tpu.memory_space<vmem>>
      %dma_start3A_188 = tpu.memref_squeeze %dma_start3A_187 : memref<1x128x32xf32, #tpu.memory_space<vmem>> -> memref<128x32xf32, #tpu.memory_space<vmem>>
      tpu.enqueue_dma source(%dma_start3A_188 : memref<128x32xf32, #tpu.memory_space<vmem>>) target(%dma_start3A_184 : memref<128x32xf32, #tpu.memory_space<hbm>>) target_semaphore(%arg16 : memref<!tpu.dma_semaphore, #tpu.memory_space<semaphore_mem>>)
      %mul3A_189 = arith.constant 8 : i32
      %mul3A_190 = arith.muli %scan3A_8, %mul3A_189 : i32
      %add3A_191 = arith.constant 2 : i32
      %add3A_192 = arith.addi %mul3A_190, %add3A_191 : i32
      %dma_wait3A_193 = arith.constant 2 : i32
      %dma_wait3A_194 = arith.constant 0 : i32
      %dma_wait3A_195 = arith.constant 0 : i32
      %dma_wait3A_196 = tpu.memref_slice %arg6[%dma_wait3A_193, %dma_wait3A_194, %dma_wait3A_195] : memref<8x128x32xf32, #tpu.memory_space<vmem>> -> memref<1x128x32xf32, #tpu.memory_space<vmem>>
      %dma_wait3A_197 = tpu.memref_squeeze %dma_wait3A_196 : memref<1x128x32xf32, #tpu.memory_space<vmem>> -> memref<128x32xf32, #tpu.memory_space<vmem>>
      %dma_wait3A_198 = arith.constant 0 : i32
      %dma_wait3A_199 = tpu.memref_slice %arg5[%add3A_41, %dma_wait3A_198] : memref<40x128xi32, #tpu.memory_space<vmem>> -> memref<1x128xi32, #tpu.memory_space<vmem>>
      %dma_wait3A_200 = tpu.memref_squeeze %dma_wait3A_199 : memref<1x128xi32, #tpu.memory_space<vmem>> -> memref<128xi32, #tpu.memory_space<vmem>>
      %dma_wait3A_201 = arith.constant 0 : i32
      %dma_wait3A_202 = arith.constant 0 : i32
      %dma_wait3A_203 = tpu.memref_slice %arg2[%dma_wait3A_201, %dma_wait3A_202] : memref<10000x32xf32, #tpu.memory_space<hbm>> -> memref<10000x32xf32, #tpu.memory_space<hbm>>
      tpu.wait_indirect_dma semaphore(%arg9 : memref<!tpu.dma_semaphore, #tpu.memory_space<semaphore_mem>>) src(%dma_wait3A_203 : memref<10000x32xf32, #tpu.memory_space<hbm>>) dst(%dma_wait3A_197 : memref<128x32xf32, #tpu.memory_space<vmem>>)
      %add3A_204 = arith.addi %mul3A_2, %add3A_192 : i32
      %mul3A_205 = arith.constant 128 : i32
      %mul3A_206 = arith.muli %add3A_204, %mul3A_205 : i32
      %dma_start3A_207 = arith.constant 2 : i32
      %dma_start3A_208 = arith.constant 0 : i32
      %dma_start3A_209 = arith.constant 0 : i32
      %dma_start3A_210 = tpu.memref_slice %arg6[%dma_start3A_207, %dma_start3A_208, %dma_start3A_209] : memref<8x128x32xf32, #tpu.memory_space<vmem>> -> memref<1x128x32xf32, #tpu.memory_space<vmem>>
      %dma_start3A_211 = tpu.memref_squeeze %dma_start3A_210 : memref<1x128x32xf32, #tpu.memory_space<vmem>> -> memref<128x32xf32, #tpu.memory_space<vmem>>
      %dma_start3A_212 = arith.constant 0 : i32
      %dma_start3A_213 = tpu.memref_slice %arg4[%mul3A_206, %dma_start3A_212] : memref<163840x32xf32, #tpu.memory_space<hbm>> -> memref<128x32xf32, #tpu.memory_space<hbm>>
      %dma_start3A_214 = arith.constant 0 : i32
      %dma_start3A_215 = tpu.memref_slice %arg4[%mul3A_206, %dma_start3A_214] : memref<163840x32xf32, #tpu.memory_space<hbm>> -> memref<128x32xf32, #tpu.memory_space<hbm>>
      %dma_start3A_216 = arith.constant 0 : i32
      %dma_start3A_217 = arith.constant 0 : i32
      %dma_start3A_218 = tpu.memref_slice %arg6[%dma_start3A_207, %dma_start3A_216, %dma_start3A_217] : memref<8x128x32xf32, #tpu.memory_space<vmem>> -> memref<1x128x32xf32, #tpu.memory_space<vmem>>
      %dma_start3A_219 = tpu.memref_squeeze %dma_start3A_218 : memref<1x128x32xf32, #tpu.memory_space<vmem>> -> memref<128x32xf32, #tpu.memory_space<vmem>>
      tpu.enqueue_dma source(%dma_start3A_219 : memref<128x32xf32, #tpu.memory_space<vmem>>) target(%dma_start3A_215 : memref<128x32xf32, #tpu.memory_space<hbm>>) target_semaphore(%arg17 : memref<!tpu.dma_semaphore, #tpu.memory_space<semaphore_mem>>)
      %mul3A_220 = arith.constant 8 : i32
      %mul3A_221 = arith.muli %scan3A_8, %mul3A_220 : i32
      %add3A_222 = arith.constant 3 : i32
      %add3A_223 = arith.addi %mul3A_221, %add3A_222 : i32
      %dma_wait3A_224 = arith.constant 3 : i32
      %dma_wait3A_225 = arith.constant 0 : i32
      %dma_wait3A_226 = arith.constant 0 : i32
      %dma_wait3A_227 = tpu.memref_slice %arg6[%dma_wait3A_224, %dma_wait3A_225, %dma_wait3A_226] : memref<8x128x32xf32, #tpu.memory_space<vmem>> -> memref<1x128x32xf32, #tpu.memory_space<vmem>>
      %dma_wait3A_228 = tpu.memref_squeeze %dma_wait3A_227 : memref<1x128x32xf32, #tpu.memory_space<vmem>> -> memref<128x32xf32, #tpu.memory_space<vmem>>
      %dma_wait3A_229 = arith.constant 0 : i32
      %dma_wait3A_230 = tpu.memref_slice %arg5[%add3A_56, %dma_wait3A_229] : memref<40x128xi32, #tpu.memory_space<vmem>> -> memref<1x128xi32, #tpu.memory_space<vmem>>
      %dma_wait3A_231 = tpu.memref_squeeze %dma_wait3A_230 : memref<1x128xi32, #tpu.memory_space<vmem>> -> memref<128xi32, #tpu.memory_space<vmem>>
      %dma_wait3A_232 = arith.constant 0 : i32
      %dma_wait3A_233 = arith.constant 0 : i32
      %dma_wait3A_234 = tpu.memref_slice %arg2[%dma_wait3A_232, %dma_wait3A_233] : memref<10000x32xf32, #tpu.memory_space<hbm>> -> memref<10000x32xf32, #tpu.memory_space<hbm>>
      tpu.wait_indirect_dma semaphore(%arg10 : memref<!tpu.dma_semaphore, #tpu.memory_space<semaphore_mem>>) src(%dma_wait3A_234 : memref<10000x32xf32, #tpu.memory_space<hbm>>) dst(%dma_wait3A_228 : memref<128x32xf32, #tpu.memory_space<vmem>>)
      %add3A_235 = arith.addi %mul3A_2, %add3A_223 : i32
      %mul3A_236 = arith.constant 128 : i32
      %mul3A_237 = arith.muli %add3A_235, %mul3A_236 : i32
      %dma_start3A_238 = arith.constant 3 : i32
      %dma_start3A_239 = arith.constant 0 : i32
      %dma_start3A_240 = arith.constant 0 : i32
      %dma_start3A_241 = tpu.memref_slice %arg6[%dma_start3A_238, %dma_start3A_239, %dma_start3A_240] : memref<8x128x32xf32, #tpu.memory_space<vmem>> -> memref<1x128x32xf32, #tpu.memory_space<vmem>>
      %dma_start3A_242 = tpu.memref_squeeze %dma_start3A_241 : memref<1x128x32xf32, #tpu.memory_space<vmem>> -> memref<128x32xf32, #tpu.memory_space<vmem>>
      %dma_start3A_243 = arith.constant 0 : i32
      %dma_start3A_244 = tpu.memref_slice %arg4[%mul3A_237, %dma_start3A_243] : memref<163840x32xf32, #tpu.memory_space<hbm>> -> memref<128x32xf32, #tpu.memory_space<hbm>>
      %dma_start3A_245 = arith.constant 0 : i32
      %dma_start3A_246 = tpu.memref_slice %arg4[%mul3A_237, %dma_start3A_245] : memref<163840x32xf32, #tpu.memory_space<hbm>> -> memref<128x32xf32, #tpu.memory_space<hbm>>
      %dma_start3A_247 = arith.constant 0 : i32
      %dma_start3A_248 = arith.constant 0 : i32
      %dma_start3A_249 = tpu.memref_slice %arg6[%dma_start3A_238, %dma_start3A_247, %dma_start3A_248] : memref<8x128x32xf32, #tpu.memory_space<vmem>> -> memref<1x128x32xf32, #tpu.memory_space<vmem>>
      %dma_start3A_250 = tpu.memref_squeeze %dma_start3A_249 : memref<1x128x32xf32, #tpu.memory_space<vmem>> -> memref<128x32xf32, #tpu.memory_space<vmem>>
      tpu.enqueue_dma source(%dma_start3A_250 : memref<128x32xf32, #tpu.memory_space<vmem>>) target(%dma_start3A_246 : memref<128x32xf32, #tpu.memory_space<hbm>>) target_semaphore(%arg18 : memref<!tpu.dma_semaphore, #tpu.memory_space<semaphore_mem>>)
      %mul3A_251 = arith.constant 8 : i32
      %mul3A_252 = arith.muli %scan3A_8, %mul3A_251 : i32
      %add3A_253 = arith.constant 4 : i32
      %add3A_254 = arith.addi %mul3A_252, %add3A_253 : i32
      %dma_wait3A_255 = arith.constant 4 : i32
      %dma_wait3A_256 = arith.constant 0 : i32
      %dma_wait3A_257 = arith.constant 0 : i32
      %dma_wait3A_258 = tpu.memref_slice %arg6[%dma_wait3A_255, %dma_wait3A_256, %dma_wait3A_257] : memref<8x128x32xf32, #tpu.memory_space<vmem>> -> memref<1x128x32xf32, #tpu.memory_space<vmem>>
      %dma_wait3A_259 = tpu.memref_squeeze %dma_wait3A_258 : memref<1x128x32xf32, #tpu.memory_space<vmem>> -> memref<128x32xf32, #tpu.memory_space<vmem>>
      %dma_wait3A_260 = arith.constant 0 : i32
      %dma_wait3A_261 = tpu.memref_slice %arg5[%add3A_71, %dma_wait3A_260] : memref<40x128xi32, #tpu.memory_space<vmem>> -> memref<1x128xi32, #tpu.memory_space<vmem>>
      %dma_wait3A_262 = tpu.memref_squeeze %dma_wait3A_261 : memref<1x128xi32, #tpu.memory_space<vmem>> -> memref<128xi32, #tpu.memory_space<vmem>>
      %dma_wait3A_263 = arith.constant 0 : i32
      %dma_wait3A_264 = arith.constant 0 : i32
      %dma_wait3A_265 = tpu.memref_slice %arg2[%dma_wait3A_263, %dma_wait3A_264] : memref<10000x32xf32, #tpu.memory_space<hbm>> -> memref<10000x32xf32, #tpu.memory_space<hbm>>
      tpu.wait_indirect_dma semaphore(%arg11 : memref<!tpu.dma_semaphore, #tpu.memory_space<semaphore_mem>>) src(%dma_wait3A_265 : memref<10000x32xf32, #tpu.memory_space<hbm>>) dst(%dma_wait3A_259 : memref<128x32xf32, #tpu.memory_space<vmem>>)
      %add3A_266 = arith.addi %mul3A_2, %add3A_254 : i32
      %mul3A_267 = arith.constant 128 : i32
      %mul3A_268 = arith.muli %add3A_266, %mul3A_267 : i32
      %dma_start3A_269 = arith.constant 4 : i32
      %dma_start3A_270 = arith.constant 0 : i32
      %dma_start3A_271 = arith.constant 0 : i32
      %dma_start3A_272 = tpu.memref_slice %arg6[%dma_start3A_269, %dma_start3A_270, %dma_start3A_271] : memref<8x128x32xf32, #tpu.memory_space<vmem>> -> memref<1x128x32xf32, #tpu.memory_space<vmem>>
      %dma_start3A_273 = tpu.memref_squeeze %dma_start3A_272 : memref<1x128x32xf32, #tpu.memory_space<vmem>> -> memref<128x32xf32, #tpu.memory_space<vmem>>
      %dma_start3A_274 = arith.constant 0 : i32
      %dma_start3A_275 = tpu.memref_slice %arg4[%mul3A_268, %dma_start3A_274] : memref<163840x32xf32, #tpu.memory_space<hbm>> -> memref<128x32xf32, #tpu.memory_space<hbm>>
      %dma_start3A_276 = arith.constant 0 : i32
      %dma_start3A_277 = tpu.memref_slice %arg4[%mul3A_268, %dma_start3A_276] : memref<163840x32xf32, #tpu.memory_space<hbm>> -> memref<128x32xf32, #tpu.memory_space<hbm>>
      %dma_start3A_278 = arith.constant 0 : i32
      %dma_start3A_279 = arith.constant 0 : i32
      %dma_start3A_280 = tpu.memref_slice %arg6[%dma_start3A_269, %dma_start3A_278, %dma_start3A_279] : memref<8x128x32xf32, #tpu.memory_space<vmem>> -> memref<1x128x32xf32, #tpu.memory_space<vmem>>
      %dma_start3A_281 = tpu.memref_squeeze %dma_start3A_280 : memref<1x128x32xf32, #tpu.memory_space<vmem>> -> memref<128x32xf32, #tpu.memory_space<vmem>>
      tpu.enqueue_dma source(%dma_start3A_281 : memref<128x32xf32, #tpu.memory_space<vmem>>) target(%dma_start3A_277 : memref<128x32xf32, #tpu.memory_space<hbm>>) target_semaphore(%arg19 : memref<!tpu.dma_semaphore, #tpu.memory_space<semaphore_mem>>)
      %mul3A_282 = arith.constant 8 : i32
      %mul3A_283 = arith.muli %scan3A_8, %mul3A_282 : i32
      %add3A_284 = arith.constant 5 : i32
      %add3A_285 = arith.addi %mul3A_283, %add3A_284 : i32
      %dma_wait3A_286 = arith.constant 5 : i32
      %dma_wait3A_287 = arith.constant 0 : i32
      %dma_wait3A_288 = arith.constant 0 : i32
      %dma_wait3A_289 = tpu.memref_slice %arg6[%dma_wait3A_286, %dma_wait3A_287, %dma_wait3A_288] : memref<8x128x32xf32, #tpu.memory_space<vmem>> -> memref<1x128x32xf32, #tpu.memory_space<vmem>>
      %dma_wait3A_290 = tpu.memref_squeeze %dma_wait3A_289 : memref<1x128x32xf32, #tpu.memory_space<vmem>> -> memref<128x32xf32, #tpu.memory_space<vmem>>
      %dma_wait3A_291 = arith.constant 0 : i32
      %dma_wait3A_292 = tpu.memref_slice %arg5[%add3A_86, %dma_wait3A_291] : memref<40x128xi32, #tpu.memory_space<vmem>> -> memref<1x128xi32, #tpu.memory_space<vmem>>
      %dma_wait3A_293 = tpu.memref_squeeze %dma_wait3A_292 : memref<1x128xi32, #tpu.memory_space<vmem>> -> memref<128xi32, #tpu.memory_space<vmem>>
      %dma_wait3A_294 = arith.constant 0 : i32
      %dma_wait3A_295 = arith.constant 0 : i32
      %dma_wait3A_296 = tpu.memref_slice %arg2[%dma_wait3A_294, %dma_wait3A_295] : memref<10000x32xf32, #tpu.memory_space<hbm>> -> memref<10000x32xf32, #tpu.memory_space<hbm>>
      tpu.wait_indirect_dma semaphore(%arg12 : memref<!tpu.dma_semaphore, #tpu.memory_space<semaphore_mem>>) src(%dma_wait3A_296 : memref<10000x32xf32, #tpu.memory_space<hbm>>) dst(%dma_wait3A_290 : memref<128x32xf32, #tpu.memory_space<vmem>>)
      %add3A_297 = arith.addi %mul3A_2, %add3A_285 : i32
      %mul3A_298 = arith.constant 128 : i32
      %mul3A_299 = arith.muli %add3A_297, %mul3A_298 : i32
      %dma_start3A_300 = arith.constant 5 : i32
      %dma_start3A_301 = arith.constant 0 : i32
      %dma_start3A_302 = arith.constant 0 : i32
      %dma_start3A_303 = tpu.memref_slice %arg6[%dma_start3A_300, %dma_start3A_301, %dma_start3A_302] : memref<8x128x32xf32, #tpu.memory_space<vmem>> -> memref<1x128x32xf32, #tpu.memory_space<vmem>>
      %dma_start3A_304 = tpu.memref_squeeze %dma_start3A_303 : memref<1x128x32xf32, #tpu.memory_space<vmem>> -> memref<128x32xf32, #tpu.memory_space<vmem>>
      %dma_start3A_305 = arith.constant 0 : i32
      %dma_start3A_306 = tpu.memref_slice %arg4[%mul3A_299, %dma_start3A_305] : memref<163840x32xf32, #tpu.memory_space<hbm>> -> memref<128x32xf32, #tpu.memory_space<hbm>>
      %dma_start3A_307 = arith.constant 0 : i32
      %dma_start3A_308 = tpu.memref_slice %arg4[%mul3A_299, %dma_start3A_307] : memref<163840x32xf32, #tpu.memory_space<hbm>> -> memref<128x32xf32, #tpu.memory_space<hbm>>
      %dma_start3A_309 = arith.constant 0 : i32
      %dma_start3A_310 = arith.constant 0 : i32
      %dma_start3A_311 = tpu.memref_slice %arg6[%dma_start3A_300, %dma_start3A_309, %dma_start3A_310] : memref<8x128x32xf32, #tpu.memory_space<vmem>> -> memref<1x128x32xf32, #tpu.memory_space<vmem>>
      %dma_start3A_312 = tpu.memref_squeeze %dma_start3A_311 : memref<1x128x32xf32, #tpu.memory_space<vmem>> -> memref<128x32xf32, #tpu.memory_space<vmem>>
      tpu.enqueue_dma source(%dma_start3A_312 : memref<128x32xf32, #tpu.memory_space<vmem>>) target(%dma_start3A_308 : memref<128x32xf32, #tpu.memory_space<hbm>>) target_semaphore(%arg20 : memref<!tpu.dma_semaphore, #tpu.memory_space<semaphore_mem>>)
      %mul3A_313 = arith.constant 8 : i32
      %mul3A_314 = arith.muli %scan3A_8, %mul3A_313 : i32
      %add3A_315 = arith.constant 6 : i32
      %add3A_316 = arith.addi %mul3A_314, %add3A_315 : i32
      %dma_wait3A_317 = arith.constant 6 : i32
      %dma_wait3A_318 = arith.constant 0 : i32
      %dma_wait3A_319 = arith.constant 0 : i32
      %dma_wait3A_320 = tpu.memref_slice %arg6[%dma_wait3A_317, %dma_wait3A_318, %dma_wait3A_319] : memref<8x128x32xf32, #tpu.memory_space<vmem>> -> memref<1x128x32xf32, #tpu.memory_space<vmem>>
      %dma_wait3A_321 = tpu.memref_squeeze %dma_wait3A_320 : memref<1x128x32xf32, #tpu.memory_space<vmem>> -> memref<128x32xf32, #tpu.memory_space<vmem>>
      %dma_wait3A_322 = arith.constant 0 : i32
      %dma_wait3A_323 = tpu.memref_slice %arg5[%add3A_101, %dma_wait3A_322] : memref<40x128xi32, #tpu.memory_space<vmem>> -> memref<1x128xi32, #tpu.memory_space<vmem>>
      %dma_wait3A_324 = tpu.memref_squeeze %dma_wait3A_323 : memref<1x128xi32, #tpu.memory_space<vmem>> -> memref<128xi32, #tpu.memory_space<vmem>>
      %dma_wait3A_325 = arith.constant 0 : i32
      %dma_wait3A_326 = arith.constant 0 : i32
      %dma_wait3A_327 = tpu.memref_slice %arg2[%dma_wait3A_325, %dma_wait3A_326] : memref<10000x32xf32, #tpu.memory_space<hbm>> -> memref<10000x32xf32, #tpu.memory_space<hbm>>
      tpu.wait_indirect_dma semaphore(%arg13 : memref<!tpu.dma_semaphore, #tpu.memory_space<semaphore_mem>>) src(%dma_wait3A_327 : memref<10000x32xf32, #tpu.memory_space<hbm>>) dst(%dma_wait3A_321 : memref<128x32xf32, #tpu.memory_space<vmem>>)
      %add3A_328 = arith.addi %mul3A_2, %add3A_316 : i32
      %mul3A_329 = arith.constant 128 : i32
      %mul3A_330 = arith.muli %add3A_328, %mul3A_329 : i32
      %dma_start3A_331 = arith.constant 6 : i32
      %dma_start3A_332 = arith.constant 0 : i32
      %dma_start3A_333 = arith.constant 0 : i32
      %dma_start3A_334 = tpu.memref_slice %arg6[%dma_start3A_331, %dma_start3A_332, %dma_start3A_333] : memref<8x128x32xf32, #tpu.memory_space<vmem>> -> memref<1x128x32xf32, #tpu.memory_space<vmem>>
      %dma_start3A_335 = tpu.memref_squeeze %dma_start3A_334 : memref<1x128x32xf32, #tpu.memory_space<vmem>> -> memref<128x32xf32, #tpu.memory_space<vmem>>
      %dma_start3A_336 = arith.constant 0 : i32
      %dma_start3A_337 = tpu.memref_slice %arg4[%mul3A_330, %dma_start3A_336] : memref<163840x32xf32, #tpu.memory_space<hbm>> -> memref<128x32xf32, #tpu.memory_space<hbm>>
      %dma_start3A_338 = arith.constant 0 : i32
      %dma_start3A_339 = tpu.memref_slice %arg4[%mul3A_330, %dma_start3A_338] : memref<163840x32xf32, #tpu.memory_space<hbm>> -> memref<128x32xf32, #tpu.memory_space<hbm>>
      %dma_start3A_340 = arith.constant 0 : i32
      %dma_start3A_341 = arith.constant 0 : i32
      %dma_start3A_342 = tpu.memref_slice %arg6[%dma_start3A_331, %dma_start3A_340, %dma_start3A_341] : memref<8x128x32xf32, #tpu.memory_space<vmem>> -> memref<1x128x32xf32, #tpu.memory_space<vmem>>
      %dma_start3A_343 = tpu.memref_squeeze %dma_start3A_342 : memref<1x128x32xf32, #tpu.memory_space<vmem>> -> memref<128x32xf32, #tpu.memory_space<vmem>>
      tpu.enqueue_dma source(%dma_start3A_343 : memref<128x32xf32, #tpu.memory_space<vmem>>) target(%dma_start3A_339 : memref<128x32xf32, #tpu.memory_space<hbm>>) target_semaphore(%arg21 : memref<!tpu.dma_semaphore, #tpu.memory_space<semaphore_mem>>)
      %mul3A_344 = arith.constant 8 : i32
      %mul3A_345 = arith.muli %scan3A_8, %mul3A_344 : i32
      %add3A_346 = arith.constant 7 : i32
      %add3A_347 = arith.addi %mul3A_345, %add3A_346 : i32
      %dma_wait3A_348 = arith.constant 7 : i32
      %dma_wait3A_349 = arith.constant 0 : i32
      %dma_wait3A_350 = arith.constant 0 : i32
      %dma_wait3A_351 = tpu.memref_slice %arg6[%dma_wait3A_348, %dma_wait3A_349, %dma_wait3A_350] : memref<8x128x32xf32, #tpu.memory_space<vmem>> -> memref<1x128x32xf32, #tpu.memory_space<vmem>>
      %dma_wait3A_352 = tpu.memref_squeeze %dma_wait3A_351 : memref<1x128x32xf32, #tpu.memory_space<vmem>> -> memref<128x32xf32, #tpu.memory_space<vmem>>
      %dma_wait3A_353 = arith.constant 0 : i32
      %dma_wait3A_354 = tpu.memref_slice %arg5[%add3A_116, %dma_wait3A_353] : memref<40x128xi32, #tpu.memory_space<vmem>> -> memref<1x128xi32, #tpu.memory_space<vmem>>
      %dma_wait3A_355 = tpu.memref_squeeze %dma_wait3A_354 : memref<1x128xi32, #tpu.memory_space<vmem>> -> memref<128xi32, #tpu.memory_space<vmem>>
      %dma_wait3A_356 = arith.constant 0 : i32
      %dma_wait3A_357 = arith.constant 0 : i32
      %dma_wait3A_358 = tpu.memref_slice %arg2[%dma_wait3A_356, %dma_wait3A_357] : memref<10000x32xf32, #tpu.memory_space<hbm>> -> memref<10000x32xf32, #tpu.memory_space<hbm>>
      tpu.wait_indirect_dma semaphore(%arg14 : memref<!tpu.dma_semaphore, #tpu.memory_space<semaphore_mem>>) src(%dma_wait3A_358 : memref<10000x32xf32, #tpu.memory_space<hbm>>) dst(%dma_wait3A_352 : memref<128x32xf32, #tpu.memory_space<vmem>>)
      %add3A_359 = arith.addi %mul3A_2, %add3A_347 : i32
      %mul3A_360 = arith.constant 128 : i32
      %mul3A_361 = arith.muli %add3A_359, %mul3A_360 : i32
      %dma_start3A_362 = arith.constant 7 : i32
      %dma_start3A_363 = arith.constant 0 : i32
      %dma_start3A_364 = arith.constant 0 : i32
      %dma_start3A_365 = tpu.memref_slice %arg6[%dma_start3A_362, %dma_start3A_363, %dma_start3A_364] : memref<8x128x32xf32, #tpu.memory_space<vmem>> -> memref<1x128x32xf32, #tpu.memory_space<vmem>>
      %dma_start3A_366 = tpu.memref_squeeze %dma_start3A_365 : memref<1x128x32xf32, #tpu.memory_space<vmem>> -> memref<128x32xf32, #tpu.memory_space<vmem>>
      %dma_start3A_367 = arith.constant 0 : i32
      %dma_start3A_368 = tpu.memref_slice %arg4[%mul3A_361, %dma_start3A_367] : memref<163840x32xf32, #tpu.memory_space<hbm>> -> memref<128x32xf32, #tpu.memory_space<hbm>>
      %dma_start3A_369 = arith.constant 0 : i32
      %dma_start3A_370 = tpu.memref_slice %arg4[%mul3A_361, %dma_start3A_369] : memref<163840x32xf32, #tpu.memory_space<hbm>> -> memref<128x32xf32, #tpu.memory_space<hbm>>
      %dma_start3A_371 = arith.constant 0 : i32
      %dma_start3A_372 = arith.constant 0 : i32
      %dma_start3A_373 = tpu.memref_slice %arg6[%dma_start3A_362, %dma_start3A_371, %dma_start3A_372] : memref<8x128x32xf32, #tpu.memory_space<vmem>> -> memref<1x128x32xf32, #tpu.memory_space<vmem>>
      %dma_start3A_374 = tpu.memref_squeeze %dma_start3A_373 : memref<1x128x32xf32, #tpu.memory_space<vmem>> -> memref<128x32xf32, #tpu.memory_space<vmem>>
      tpu.enqueue_dma source(%dma_start3A_374 : memref<128x32xf32, #tpu.memory_space<vmem>>) target(%dma_start3A_370 : memref<128x32xf32, #tpu.memory_space<hbm>>) target_semaphore(%arg22 : memref<!tpu.dma_semaphore, #tpu.memory_space<semaphore_mem>>)
      %dma_wait3A_375 = arith.constant 0 : i32
      %dma_wait3A_376 = arith.constant 0 : i32
      %dma_wait3A_377 = arith.constant 0 : i32
      %dma_wait3A_378 = tpu.memref_slice %arg6[%dma_wait3A_375, %dma_wait3A_376, %dma_wait3A_377] : memref<8x128x32xf32, #tpu.memory_space<vmem>> -> memref<1x128x32xf32, #tpu.memory_space<vmem>>
      %dma_wait3A_379 = tpu.memref_squeeze %dma_wait3A_378 : memref<1x128x32xf32, #tpu.memory_space<vmem>> -> memref<128x32xf32, #tpu.memory_space<vmem>>
      %dma_wait3A_380 = arith.constant 0 : i32
      %dma_wait3A_381 = tpu.memref_slice %arg4[%mul3A_144, %dma_wait3A_380] : memref<163840x32xf32, #tpu.memory_space<hbm>> -> memref<128x32xf32, #tpu.memory_space<hbm>>
      %dma_wait3A_382 = arith.constant 0 : i32
      %dma_wait3A_383 = tpu.memref_slice %arg4[%mul3A_144, %dma_wait3A_382] : memref<163840x32xf32, #tpu.memory_space<hbm>> -> memref<128x32xf32, #tpu.memory_space<hbm>>
      %dma_wait3A_384 = arith.constant 0 : i32
      %dma_wait3A_385 = arith.constant 0 : i32
      %dma_wait3A_386 = tpu.memref_slice %arg6[%dma_wait3A_375, %dma_wait3A_384, %dma_wait3A_385] : memref<8x128x32xf32, #tpu.memory_space<vmem>> -> memref<1x128x32xf32, #tpu.memory_space<vmem>>
      %dma_wait3A_387 = tpu.memref_squeeze %dma_wait3A_386 : memref<1x128x32xf32, #tpu.memory_space<vmem>> -> memref<128x32xf32, #tpu.memory_space<vmem>>
      tpu.wait_dma2 semaphore(%arg15 : memref<!tpu.dma_semaphore, #tpu.memory_space<semaphore_mem>>) src(%dma_wait3A_387 : memref<128x32xf32, #tpu.memory_space<vmem>>) dst(%dma_wait3A_383 : memref<128x32xf32, #tpu.memory_space<hbm>>)
      %dma_wait3A_388 = arith.constant 1 : i32
      %dma_wait3A_389 = arith.constant 0 : i32
      %dma_wait3A_390 = arith.constant 0 : i32
      %dma_wait3A_391 = tpu.memref_slice %arg6[%dma_wait3A_388, %dma_wait3A_389, %dma_wait3A_390] : memref<8x128x32xf32, #tpu.memory_space<vmem>> -> memref<1x128x32xf32, #tpu.memory_space<vmem>>
      %dma_wait3A_392 = tpu.memref_squeeze %dma_wait3A_391 : memref<1x128x32xf32, #tpu.memory_space<vmem>> -> memref<128x32xf32, #tpu.memory_space<vmem>>
      %dma_wait3A_393 = arith.constant 0 : i32
      %dma_wait3A_394 = tpu.memref_slice %arg4[%mul3A_175, %dma_wait3A_393] : memref<163840x32xf32, #tpu.memory_space<hbm>> -> memref<128x32xf32, #tpu.memory_space<hbm>>
      %dma_wait3A_395 = arith.constant 0 : i32
      %dma_wait3A_396 = tpu.memref_slice %arg4[%mul3A_175, %dma_wait3A_395] : memref<163840x32xf32, #tpu.memory_space<hbm>> -> memref<128x32xf32, #tpu.memory_space<hbm>>
      %dma_wait3A_397 = arith.constant 0 : i32
      %dma_wait3A_398 = arith.constant 0 : i32
      %dma_wait3A_399 = tpu.memref_slice %arg6[%dma_wait3A_388, %dma_wait3A_397, %dma_wait3A_398] : memref<8x128x32xf32, #tpu.memory_space<vmem>> -> memref<1x128x32xf32, #tpu.memory_space<vmem>>
      %dma_wait3A_400 = tpu.memref_squeeze %dma_wait3A_399 : memref<1x128x32xf32, #tpu.memory_space<vmem>> -> memref<128x32xf32, #tpu.memory_space<vmem>>
      tpu.wait_dma2 semaphore(%arg16 : memref<!tpu.dma_semaphore, #tpu.memory_space<semaphore_mem>>) src(%dma_wait3A_400 : memref<128x32xf32, #tpu.memory_space<vmem>>) dst(%dma_wait3A_396 : memref<128x32xf32, #tpu.memory_space<hbm>>)
      %dma_wait3A_401 = arith.constant 2 : i32
      %dma_wait3A_402 = arith.constant 0 : i32
      %dma_wait3A_403 = arith.constant 0 : i32
      %dma_wait3A_404 = tpu.memref_slice %arg6[%dma_wait3A_401, %dma_wait3A_402, %dma_wait3A_403] : memref<8x128x32xf32, #tpu.memory_space<vmem>> -> memref<1x128x32xf32, #tpu.memory_space<vmem>>
      %dma_wait3A_405 = tpu.memref_squeeze %dma_wait3A_404 : memref<1x128x32xf32, #tpu.memory_space<vmem>> -> memref<128x32xf32, #tpu.memory_space<vmem>>
      %dma_wait3A_406 = arith.constant 0 : i32
      %dma_wait3A_407 = tpu.memref_slice %arg4[%mul3A_206, %dma_wait3A_406] : memref<163840x32xf32, #tpu.memory_space<hbm>> -> memref<128x32xf32, #tpu.memory_space<hbm>>
      %dma_wait3A_408 = arith.constant 0 : i32
      %dma_wait3A_409 = tpu.memref_slice %arg4[%mul3A_206, %dma_wait3A_408] : memref<163840x32xf32, #tpu.memory_space<hbm>> -> memref<128x32xf32, #tpu.memory_space<hbm>>
      %dma_wait3A_410 = arith.constant 0 : i32
      %dma_wait3A_411 = arith.constant 0 : i32
      %dma_wait3A_412 = tpu.memref_slice %arg6[%dma_wait3A_401, %dma_wait3A_410, %dma_wait3A_411] : memref<8x128x32xf32, #tpu.memory_space<vmem>> -> memref<1x128x32xf32, #tpu.memory_space<vmem>>
      %dma_wait3A_413 = tpu.memref_squeeze %dma_wait3A_412 : memref<1x128x32xf32, #tpu.memory_space<vmem>> -> memref<128x32xf32, #tpu.memory_space<vmem>>
      tpu.wait_dma2 semaphore(%arg17 : memref<!tpu.dma_semaphore, #tpu.memory_space<semaphore_mem>>) src(%dma_wait3A_413 : memref<128x32xf32, #tpu.memory_space<vmem>>) dst(%dma_wait3A_409 : memref<128x32xf32, #tpu.memory_space<hbm>>)
      %dma_wait3A_414 = arith.constant 3 : i32
      %dma_wait3A_415 = arith.constant 0 : i32
      %dma_wait3A_416 = arith.constant 0 : i32
      %dma_wait3A_417 = tpu.memref_slice %arg6[%dma_wait3A_414, %dma_wait3A_415, %dma_wait3A_416] : memref<8x128x32xf32, #tpu.memory_space<vmem>> -> memref<1x128x32xf32, #tpu.memory_space<vmem>>
      %dma_wait3A_418 = tpu.memref_squeeze %dma_wait3A_417 : memref<1x128x32xf32, #tpu.memory_space<vmem>> -> memref<128x32xf32, #tpu.memory_space<vmem>>
      %dma_wait3A_419 = arith.constant 0 : i32
      %dma_wait3A_420 = tpu.memref_slice %arg4[%mul3A_237, %dma_wait3A_419] : memref<163840x32xf32, #tpu.memory_space<hbm>> -> memref<128x32xf32, #tpu.memory_space<hbm>>
      %dma_wait3A_421 = arith.constant 0 : i32
      %dma_wait3A_422 = tpu.memref_slice %arg4[%mul3A_237, %dma_wait3A_421] : memref<163840x32xf32, #tpu.memory_space<hbm>> -> memref<128x32xf32, #tpu.memory_space<hbm>>
      %dma_wait3A_423 = arith.constant 0 : i32
      %dma_wait3A_424 = arith.constant 0 : i32
      %dma_wait3A_425 = tpu.memref_slice %arg6[%dma_wait3A_414, %dma_wait3A_423, %dma_wait3A_424] : memref<8x128x32xf32, #tpu.memory_space<vmem>> -> memref<1x128x32xf32, #tpu.memory_space<vmem>>
      %dma_wait3A_426 = tpu.memref_squeeze %dma_wait3A_425 : memref<1x128x32xf32, #tpu.memory_space<vmem>> -> memref<128x32xf32, #tpu.memory_space<vmem>>
      tpu.wait_dma2 semaphore(%arg18 : memref<!tpu.dma_semaphore, #tpu.memory_space<semaphore_mem>>) src(%dma_wait3A_426 : memref<128x32xf32, #tpu.memory_space<vmem>>) dst(%dma_wait3A_422 : memref<128x32xf32, #tpu.memory_space<hbm>>)
      %dma_wait3A_427 = arith.constant 4 : i32
      %dma_wait3A_428 = arith.constant 0 : i32
      %dma_wait3A_429 = arith.constant 0 : i32
      %dma_wait3A_430 = tpu.memref_slice %arg6[%dma_wait3A_427, %dma_wait3A_428, %dma_wait3A_429] : memref<8x128x32xf32, #tpu.memory_space<vmem>> -> memref<1x128x32xf32, #tpu.memory_space<vmem>>
      %dma_wait3A_431 = tpu.memref_squeeze %dma_wait3A_430 : memref<1x128x32xf32, #tpu.memory_space<vmem>> -> memref<128x32xf32, #tpu.memory_space<vmem>>
      %dma_wait3A_432 = arith.constant 0 : i32
      %dma_wait3A_433 = tpu.memref_slice %arg4[%mul3A_268, %dma_wait3A_432] : memref<163840x32xf32, #tpu.memory_space<hbm>> -> memref<128x32xf32, #tpu.memory_space<hbm>>
      %dma_wait3A_434 = arith.constant 0 : i32
      %dma_wait3A_435 = tpu.memref_slice %arg4[%mul3A_268, %dma_wait3A_434] : memref<163840x32xf32, #tpu.memory_space<hbm>> -> memref<128x32xf32, #tpu.memory_space<hbm>>
      %dma_wait3A_436 = arith.constant 0 : i32
      %dma_wait3A_437 = arith.constant 0 : i32
      %dma_wait3A_438 = tpu.memref_slice %arg6[%dma_wait3A_427, %dma_wait3A_436, %dma_wait3A_437] : memref<8x128x32xf32, #tpu.memory_space<vmem>> -> memref<1x128x32xf32, #tpu.memory_space<vmem>>
      %dma_wait3A_439 = tpu.memref_squeeze %dma_wait3A_438 : memref<1x128x32xf32, #tpu.memory_space<vmem>> -> memref<128x32xf32, #tpu.memory_space<vmem>>
      tpu.wait_dma2 semaphore(%arg19 : memref<!tpu.dma_semaphore, #tpu.memory_space<semaphore_mem>>) src(%dma_wait3A_439 : memref<128x32xf32, #tpu.memory_space<vmem>>) dst(%dma_wait3A_435 : memref<128x32xf32, #tpu.memory_space<hbm>>)
      %dma_wait3A_440 = arith.constant 5 : i32
      %dma_wait3A_441 = arith.constant 0 : i32
      %dma_wait3A_442 = arith.constant 0 : i32
      %dma_wait3A_443 = tpu.memref_slice %arg6[%dma_wait3A_440, %dma_wait3A_441, %dma_wait3A_442] : memref<8x128x32xf32, #tpu.memory_space<vmem>> -> memref<1x128x32xf32, #tpu.memory_space<vmem>>
      %dma_wait3A_444 = tpu.memref_squeeze %dma_wait3A_443 : memref<1x128x32xf32, #tpu.memory_space<vmem>> -> memref<128x32xf32, #tpu.memory_space<vmem>>
      %dma_wait3A_445 = arith.constant 0 : i32
      %dma_wait3A_446 = tpu.memref_slice %arg4[%mul3A_299, %dma_wait3A_445] : memref<163840x32xf32, #tpu.memory_space<hbm>> -> memref<128x32xf32, #tpu.memory_space<hbm>>
      %dma_wait3A_447 = arith.constant 0 : i32
      %dma_wait3A_448 = tpu.memref_slice %arg4[%mul3A_299, %dma_wait3A_447] : memref<163840x32xf32, #tpu.memory_space<hbm>> -> memref<128x32xf32, #tpu.memory_space<hbm>>
      %dma_wait3A_449 = arith.constant 0 : i32
      %dma_wait3A_450 = arith.constant 0 : i32
      %dma_wait3A_451 = tpu.memref_slice %arg6[%dma_wait3A_440, %dma_wait3A_449, %dma_wait3A_450] : memref<8x128x32xf32, #tpu.memory_space<vmem>> -> memref<1x128x32xf32, #tpu.memory_space<vmem>>
      %dma_wait3A_452 = tpu.memref_squeeze %dma_wait3A_451 : memref<1x128x32xf32, #tpu.memory_space<vmem>> -> memref<128x32xf32, #tpu.memory_space<vmem>>
      tpu.wait_dma2 semaphore(%arg20 : memref<!tpu.dma_semaphore, #tpu.memory_space<semaphore_mem>>) src(%dma_wait3A_452 : memref<128x32xf32, #tpu.memory_space<vmem>>) dst(%dma_wait3A_448 : memref<128x32xf32, #tpu.memory_space<hbm>>)
      %dma_wait3A_453 = arith.constant 6 : i32
      %dma_wait3A_454 = arith.constant 0 : i32
      %dma_wait3A_455 = arith.constant 0 : i32
      %dma_wait3A_456 = tpu.memref_slice %arg6[%dma_wait3A_453, %dma_wait3A_454, %dma_wait3A_455] : memref<8x128x32xf32, #tpu.memory_space<vmem>> -> memref<1x128x32xf32, #tpu.memory_space<vmem>>
      %dma_wait3A_457 = tpu.memref_squeeze %dma_wait3A_456 : memref<1x128x32xf32, #tpu.memory_space<vmem>> -> memref<128x32xf32, #tpu.memory_space<vmem>>
      %dma_wait3A_458 = arith.constant 0 : i32
      %dma_wait3A_459 = tpu.memref_slice %arg4[%mul3A_330, %dma_wait3A_458] : memref<163840x32xf32, #tpu.memory_space<hbm>> -> memref<128x32xf32, #tpu.memory_space<hbm>>
      %dma_wait3A_460 = arith.constant 0 : i32
      %dma_wait3A_461 = tpu.memref_slice %arg4[%mul3A_330, %dma_wait3A_460] : memref<163840x32xf32, #tpu.memory_space<hbm>> -> memref<128x32xf32, #tpu.memory_space<hbm>>
      %dma_wait3A_462 = arith.constant 0 : i32
      %dma_wait3A_463 = arith.constant 0 : i32
      %dma_wait3A_464 = tpu.memref_slice %arg6[%dma_wait3A_453, %dma_wait3A_462, %dma_wait3A_463] : memref<8x128x32xf32, #tpu.memory_space<vmem>> -> memref<1x128x32xf32, #tpu.memory_space<vmem>>
      %dma_wait3A_465 = tpu.memref_squeeze %dma_wait3A_464 : memref<1x128x32xf32, #tpu.memory_space<vmem>> -> memref<128x32xf32, #tpu.memory_space<vmem>>
      tpu.wait_dma2 semaphore(%arg21 : memref<!tpu.dma_semaphore, #tpu.memory_space<semaphore_mem>>) src(%dma_wait3A_465 : memref<128x32xf32, #tpu.memory_space<vmem>>) dst(%dma_wait3A_461 : memref<128x32xf32, #tpu.memory_space<hbm>>)
      %dma_wait3A_466 = arith.constant 7 : i32
      %dma_wait3A_467 = arith.constant 0 : i32
      %dma_wait3A_468 = arith.constant 0 : i32
      %dma_wait3A_469 = tpu.memref_slice %arg6[%dma_wait3A_466, %dma_wait3A_467, %dma_wait3A_468] : memref<8x128x32xf32, #tpu.memory_space<vmem>> -> memref<1x128x32xf32, #tpu.memory_space<vmem>>
      %dma_wait3A_470 = tpu.memref_squeeze %dma_wait3A_469 : memref<1x128x32xf32, #tpu.memory_space<vmem>> -> memref<128x32xf32, #tpu.memory_space<vmem>>
      %dma_wait3A_471 = arith.constant 0 : i32
      %dma_wait3A_472 = tpu.memref_slice %arg4[%mul3A_361, %dma_wait3A_471] : memref<163840x32xf32, #tpu.memory_space<hbm>> -> memref<128x32xf32, #tpu.memory_space<hbm>>
      %dma_wait3A_473 = arith.constant 0 : i32
      %dma_wait3A_474 = tpu.memref_slice %arg4[%mul3A_361, %dma_wait3A_473] : memref<163840x32xf32, #tpu.memory_space<hbm>> -> memref<128x32xf32, #tpu.memory_space<hbm>>
      %dma_wait3A_475 = arith.constant 0 : i32
      %dma_wait3A_476 = arith.constant 0 : i32
      %dma_wait3A_477 = tpu.memref_slice %arg6[%dma_wait3A_466, %dma_wait3A_475, %dma_wait3A_476] : memref<8x128x32xf32, #tpu.memory_space<vmem>> -> memref<1x128x32xf32, #tpu.memory_space<vmem>>
      %dma_wait3A_478 = tpu.memref_squeeze %dma_wait3A_477 : memref<1x128x32xf32, #tpu.memory_space<vmem>> -> memref<128x32xf32, #tpu.memory_space<vmem>>
      tpu.wait_dma2 semaphore(%arg22 : memref<!tpu.dma_semaphore, #tpu.memory_space<semaphore_mem>>) src(%dma_wait3A_478 : memref<128x32xf32, #tpu.memory_space<vmem>>) dst(%dma_wait3A_474 : memref<128x32xf32, #tpu.memory_space<hbm>>)
    }
    %scan3A_7 = arith.constant 5 : i32
    return
  }
}

#map = affine_map<(d0, d1) -> (0, 0)>
module attributes {stable_mosaic.version = 14 : i64} {
  func.func @gather(%arg0: i32, %arg1: i32, %arg2: memref<10000x32xf32, #tpu.memory_space<hbm>>, %arg3: memref<1280x128xi32, #tpu.memory_space<hbm>>, %arg4: memref<163840x32xf32, #tpu.memory_space<hbm>>, %arg5: memref<40x128xi32, #tpu.memory_space<vmem>>, %arg6: memref<8x128x32xf32, #tpu.memory_space<vmem>>, %arg7: memref<!tpu.dma_semaphore, #tpu.memory_space<semaphore_mem>>, %arg8: memref<!tpu.dma_semaphore, #tpu.memory_space<semaphore_mem>>, %arg9: memref<!tpu.dma_semaphore, #tpu.memory_space<semaphore_mem>>, %arg10: memref<!tpu.dma_semaphore, #tpu.memory_space<semaphore_mem>>, %arg11: memref<!tpu.dma_semaphore, #tpu.memory_space<semaphore_mem>>, %arg12: memref<!tpu.dma_semaphore, #tpu.memory_space<semaphore_mem>>, %arg13: memref<!tpu.dma_semaphore, #tpu.memory_space<semaphore_mem>>, %arg14: memref<!tpu.dma_semaphore, #tpu.memory_space<semaphore_mem>>, %arg15: memref<!tpu.dma_semaphore, #tpu.memory_space<semaphore_mem>>, %arg16: memref<!tpu.dma_semaphore, #tpu.memory_space<semaphore_mem>>, %arg17: memref<!tpu.dma_semaphore, #tpu.memory_space<semaphore_mem>>, %arg18: memref<!tpu.dma_semaphore, #tpu.memory_space<semaphore_mem>>, %arg19: memref<!tpu.dma_semaphore, #tpu.memory_space<semaphore_mem>>, %arg20: memref<!tpu.dma_semaphore, #tpu.memory_space<semaphore_mem>>, %arg21: memref<!tpu.dma_semaphore, #tpu.memory_space<semaphore_mem>>, %arg22: memref<!tpu.dma_semaphore, #tpu.memory_space<semaphore_mem>>) attributes {dimension_semantics = [#tpu.dimension_semantics<core_parallel>, #tpu.dimension_semantics<subcore_parallel>], iteration_bounds = array<i64: 2, 16>, scalar_prefetch = 0 : i64, scratch_operands = 18 : i64, tpu.core_type = #tpu.core_type<sc_vector_subcore>, window_params = [{transform_indices = #map}, {transform_indices = #map}, {transform_indices = #map}]} {
    %mul3A = arith.constant 2 : i32
    %mul3A_0 = arith.muli %arg1, %mul3A : i32
    %add3A = arith.addi %mul3A_0, %arg0 : i32
    %mul3A_1 = arith.constant 40 : i32
    %mul3A_2 = arith.muli %add3A, %mul3A_1 : i32
    "tpu.region"() ({
      %run_scoped3A = tpu.sem_alloc : memref<!tpu.dma_semaphore, #tpu.memory_space<semaphore_mem>>
      %dma_start3A = arith.constant 0 : i32
      %dma_start3A_8 = tpu.memref_slice %arg3[%mul3A_2, %dma_start3A] : memref<1280x128xi32, #tpu.memory_space<hbm>> -> memref<40x128xi32, #tpu.memory_space<hbm>>
      %dma_start3A_9 = arith.constant 0 : i32
      %dma_start3A_10 = tpu.memref_slice %arg3[%mul3A_2, %dma_start3A_9] : memref<1280x128xi32, #tpu.memory_space<hbm>> -> memref<40x128xi32, #tpu.memory_space<hbm>>
      tpu.enqueue_dma source(%dma_start3A_10 : memref<40x128xi32, #tpu.memory_space<hbm>>) target(%arg5 : memref<40x128xi32, #tpu.memory_space<vmem>>) target_semaphore(%run_scoped3A : memref<!tpu.dma_semaphore, #tpu.memory_space<semaphore_mem>>)
      %dma_wait3A = arith.constant 0 : i32
      %dma_wait3A_11 = tpu.memref_slice %arg3[%mul3A_2, %dma_wait3A] : memref<1280x128xi32, #tpu.memory_space<hbm>> -> memref<40x128xi32, #tpu.memory_space<hbm>>
      %dma_wait3A_12 = arith.constant 0 : i32
      %dma_wait3A_13 = tpu.memref_slice %arg3[%mul3A_2, %dma_wait3A_12] : memref<1280x128xi32, #tpu.memory_space<hbm>> -> memref<40x128xi32, #tpu.memory_space<hbm>>
      tpu.wait_dma2 semaphore(%run_scoped3A : memref<!tpu.dma_semaphore, #tpu.memory_space<semaphore_mem>>) src(%dma_wait3A_13 : memref<40x128xi32, #tpu.memory_space<hbm>>) dst(%arg5 : memref<40x128xi32, #tpu.memory_space<vmem>>)
      tpu.yield
    }) : () -> ()
    %scan3A = arith.constant 0 : i32
    %scan3A_3 = arith.constant 0 : i32
    %scan3A_4 = arith.constant 5 : i32
    %scan3A_5 = arith.addi %scan3A_3, %scan3A_4 : i32
    %scan3A_6 = arith.constant 1 : i32
    scf.for %scan3A_8 = %scan3A_3 to %scan3A_5 step %scan3A_6  : i32 {
      %mul3A_9 = arith.constant 8 : i32
      %mul3A_10 = arith.muli %scan3A_8, %mul3A_9 : i32
      %add3A_11 = arith.constant 0 : i32
      %add3A_12 = arith.addi %mul3A_10, %add3A_11 : i32
      %dma_start3A = arith.constant 0 : i32
      %dma_start3A_13 = arith.constant 0 : i32
      %dma_start3A_14 = arith.constant 0 : i32
      %dma_start3A_15 = tpu.memref_slice %arg6[%dma_start3A, %dma_start3A_13, %dma_start3A_14] : memref<8x128x32xf32, #tpu.memory_space<vmem>> -> memref<1x128x32xf32, #tpu.memory_space<vmem>>
      %dma_start3A_16 = tpu.memref_squeeze %dma_start3A_15 : memref<1x128x32xf32, #tpu.memory_space<vmem>> -> memref<128x32xf32, #tpu.memory_space<vmem>>
      %dma_start3A_17 = arith.constant 0 : i32
      %dma_start3A_18 = tpu.memref_slice %arg5[%add3A_12, %dma_start3A_17] : memref<40x128xi32, #tpu.memory_space<vmem>> -> memref<1x128xi32, #tpu.memory_space<vmem>>
      %dma_start3A_19 = tpu.memref_squeeze %dma_start3A_18 : memref<1x128xi32, #tpu.memory_space<vmem>> -> memref<128xi32, #tpu.memory_space<vmem>>
      %dma_start3A_20 = arith.constant 0 : i32
      %dma_start3A_21 = arith.constant 0 : i32
      %dma_start3A_22 = tpu.memref_slice %arg2[%dma_start3A_20, %dma_start3A_21] : memref<10000x32xf32, #tpu.memory_space<hbm>> -> memref<10000x32xf32, #tpu.memory_space<hbm>>
      tpu.enqueue_indirect_dma source(%dma_start3A_22 : memref<10000x32xf32, #tpu.memory_space<hbm>>) target(%dma_start3A_16 : memref<128x32xf32, #tpu.memory_space<vmem>>) offsets(%dma_start3A_19 : memref<128xi32, #tpu.memory_space<vmem>>) semaphore(%arg7 : memref<!tpu.dma_semaphore, #tpu.memory_space<semaphore_mem>>)
      %mul3A_23 = arith.constant 8 : i32
      %mul3A_24 = arith.muli %scan3A_8, %mul3A_23 : i32
      %add3A_25 = arith.constant 1 : i32
      %add3A_26 = arith.addi %mul3A_24, %add3A_25 : i32
      %dma_start3A_27 = arith.constant 1 : i32
      %dma_start3A_28 = arith.constant 0 : i32
      %dma_start3A_29 = arith.constant 0 : i32
      %dma_start3A_30 = tpu.memref_slice %arg6[%dma_start3A_27, %dma_start3A_28, %dma_start3A_29] : memref<8x128x32xf32, #tpu.memory_space<vmem>> -> memref<1x128x32xf32, #tpu.memory_space<vmem>>
      %dma_start3A_31 = tpu.memref_squeeze %dma_start3A_30 : memref<1x128x32xf32, #tpu.memory_space<vmem>> -> memref<128x32xf32, #tpu.memory_space<vmem>>
      %dma_start3A_32 = arith.constant 0 : i32
      %dma_start3A_33 = tpu.memref_slice %arg5[%add3A_26, %dma_start3A_32] : memref<40x128xi32, #tpu.memory_space<vmem>> -> memref<1x128xi32, #tpu.memory_space<vmem>>
      %dma_start3A_34 = tpu.memref_squeeze %dma_start3A_33 : memref<1x128xi32, #tpu.memory_space<vmem>> -> memref<128xi32, #tpu.memory_space<vmem>>
      %dma_start3A_35 = arith.constant 0 : i32
      %dma_start3A_36 = arith.constant 0 : i32
      %dma_start3A_37 = tpu.memref_slice %arg2[%dma_start3A_35, %dma_start3A_36] : memref<10000x32xf32, #tpu.memory_space<hbm>> -> memref<10000x32xf32, #tpu.memory_space<hbm>>
      tpu.enqueue_indirect_dma source(%dma_start3A_37 : memref<10000x32xf32, #tpu.memory_space<hbm>>) target(%dma_start3A_31 : memref<128x32xf32, #tpu.memory_space<vmem>>) offsets(%dma_start3A_34 : memref<128xi32, #tpu.memory_space<vmem>>) semaphore(%arg8 : memref<!tpu.dma_semaphore, #tpu.memory_space<semaphore_mem>>)
      %mul3A_38 = arith.constant 8 : i32
      %mul3A_39 = arith.muli %scan3A_8, %mul3A_38 : i32
      %add3A_40 = arith.constant 2 : i32
      %add3A_41 = arith.addi %mul3A_39, %add3A_40 : i32
      %dma_start3A_42 = arith.constant 2 : i32
      %dma_start3A_43 = arith.constant 0 : i32
      %dma_start3A_44 = arith.constant 0 : i32
      %dma_start3A_45 = tpu.memref_slice %arg6[%dma_start3A_42, %dma_start3A_43, %dma_start3A_44] : memref<8x128x32xf32, #tpu.memory_space<vmem>> -> memref<1x128x32xf32, #tpu.memory_space<vmem>>
      %dma_start3A_46 = tpu.memref_squeeze %dma_start3A_45 : memref<1x128x32xf32, #tpu.memory_space<vmem>> -> memref<128x32xf32, #tpu.memory_space<vmem>>
      %dma_start3A_47 = arith.constant 0 : i32
      %dma_start3A_48 = tpu.memref_slice %arg5[%add3A_41, %dma_start3A_47] : memref<40x128xi32, #tpu.memory_space<vmem>> -> memref<1x128xi32, #tpu.memory_space<vmem>>
      %dma_start3A_49 = tpu.memref_squeeze %dma_start3A_48 : memref<1x128xi32, #tpu.memory_space<vmem>> -> memref<128xi32, #tpu.memory_space<vmem>>
      %dma_start3A_50 = arith.constant 0 : i32
      %dma_start3A_51 = arith.constant 0 : i32
      %dma_start3A_52 = tpu.memref_slice %arg2[%dma_start3A_50, %dma_start3A_51] : memref<10000x32xf32, #tpu.memory_space<hbm>> -> memref<10000x32xf32, #tpu.memory_space<hbm>>
      tpu.enqueue_indirect_dma source(%dma_start3A_52 : memref<10000x32xf32, #tpu.memory_space<hbm>>) target(%dma_start3A_46 : memref<128x32xf32, #tpu.memory_space<vmem>>) offsets(%dma_start3A_49 : memref<128xi32, #tpu.memory_space<vmem>>) semaphore(%arg9 : memref<!tpu.dma_semaphore, #tpu.memory_space<semaphore_mem>>)
      %mul3A_53 = arith.constant 8 : i32
      %mul3A_54 = arith.muli %scan3A_8, %mul3A_53 : i32
      %add3A_55 = arith.constant 3 : i32
      %add3A_56 = arith.addi %mul3A_54, %add3A_55 : i32
      %dma_start3A_57 = arith.constant 3 : i32
      %dma_start3A_58 = arith.constant 0 : i32
      %dma_start3A_59 = arith.constant 0 : i32
      %dma_start3A_60 = tpu.memref_slice %arg6[%dma_start3A_57, %dma_start3A_58, %dma_start3A_59] : memref<8x128x32xf32, #tpu.memory_space<vmem>> -> memref<1x128x32xf32, #tpu.memory_space<vmem>>
      %dma_start3A_61 = tpu.memref_squeeze %dma_start3A_60 : memref<1x128x32xf32, #tpu.memory_space<vmem>> -> memref<128x32xf32, #tpu.memory_space<vmem>>
      %dma_start3A_62 = arith.constant 0 : i32
      %dma_start3A_63 = tpu.memref_slice %arg5[%add3A_56, %dma_start3A_62] : memref<40x128xi32, #tpu.memory_space<vmem>> -> memref<1x128xi32, #tpu.memory_space<vmem>>
      %dma_start3A_64 = tpu.memref_squeeze %dma_start3A_63 : memref<1x128xi32, #tpu.memory_space<vmem>> -> memref<128xi32, #tpu.memory_space<vmem>>
      %dma_start3A_65 = arith.constant 0 : i32
      %dma_start3A_66 = arith.constant 0 : i32
      %dma_start3A_67 = tpu.memref_slice %arg2[%dma_start3A_65, %dma_start3A_66] : memref<10000x32xf32, #tpu.memory_space<hbm>> -> memref<10000x32xf32, #tpu.memory_space<hbm>>
      tpu.enqueue_indirect_dma source(%dma_start3A_67 : memref<10000x32xf32, #tpu.memory_space<hbm>>) target(%dma_start3A_61 : memref<128x32xf32, #tpu.memory_space<vmem>>) offsets(%dma_start3A_64 : memref<128xi32, #tpu.memory_space<vmem>>) semaphore(%arg10 : memref<!tpu.dma_semaphore, #tpu.memory_space<semaphore_mem>>)
      %mul3A_68 = arith.constant 8 : i32
      %mul3A_69 = arith.muli %scan3A_8, %mul3A_68 : i32
      %add3A_70 = arith.constant 4 : i32
      %add3A_71 = arith.addi %mul3A_69, %add3A_70 : i32
      %dma_start3A_72 = arith.constant 4 : i32
      %dma_start3A_73 = arith.constant 0 : i32
      %dma_start3A_74 = arith.constant 0 : i32
      %dma_start3A_75 = tpu.memref_slice %arg6[%dma_start3A_72, %dma_start3A_73, %dma_start3A_74] : memref<8x128x32xf32, #tpu.memory_space<vmem>> -> memref<1x128x32xf32, #tpu.memory_space<vmem>>
      %dma_start3A_76 = tpu.memref_squeeze %dma_start3A_75 : memref<1x128x32xf32, #tpu.memory_space<vmem>> -> memref<128x32xf32, #tpu.memory_space<vmem>>
      %dma_start3A_77 = arith.constant 0 : i32
      %dma_start3A_78 = tpu.memref_slice %arg5[%add3A_71, %dma_start3A_77] : memref<40x128xi32, #tpu.memory_space<vmem>> -> memref<1x128xi32, #tpu.memory_space<vmem>>
      %dma_start3A_79 = tpu.memref_squeeze %dma_start3A_78 : memref<1x128xi32, #tpu.memory_space<vmem>> -> memref<128xi32, #tpu.memory_space<vmem>>
      %dma_start3A_80 = arith.constant 0 : i32
      %dma_start3A_81 = arith.constant 0 : i32
      %dma_start3A_82 = tpu.memref_slice %arg2[%dma_start3A_80, %dma_start3A_81] : memref<10000x32xf32, #tpu.memory_space<hbm>> -> memref<10000x32xf32, #tpu.memory_space<hbm>>
      tpu.enqueue_indirect_dma source(%dma_start3A_82 : memref<10000x32xf32, #tpu.memory_space<hbm>>) target(%dma_start3A_76 : memref<128x32xf32, #tpu.memory_space<vmem>>) offsets(%dma_start3A_79 : memref<128xi32, #tpu.memory_space<vmem>>) semaphore(%arg11 : memref<!tpu.dma_semaphore, #tpu.memory_space<semaphore_mem>>)
      %mul3A_83 = arith.constant 8 : i32
      %mul3A_84 = arith.muli %scan3A_8, %mul3A_83 : i32
      %add3A_85 = arith.constant 5 : i32
      %add3A_86 = arith.addi %mul3A_84, %add3A_85 : i32
      %dma_start3A_87 = arith.constant 5 : i32
      %dma_start3A_88 = arith.constant 0 : i32
      %dma_start3A_89 = arith.constant 0 : i32
      %dma_start3A_90 = tpu.memref_slice %arg6[%dma_start3A_87, %dma_start3A_88, %dma_start3A_89] : memref<8x128x32xf32, #tpu.memory_space<vmem>> -> memref<1x128x32xf32, #tpu.memory_space<vmem>>
      %dma_start3A_91 = tpu.memref_squeeze %dma_start3A_90 : memref<1x128x32xf32, #tpu.memory_space<vmem>> -> memref<128x32xf32, #tpu.memory_space<vmem>>
      %dma_start3A_92 = arith.constant 0 : i32
      %dma_start3A_93 = tpu.memref_slice %arg5[%add3A_86, %dma_start3A_92] : memref<40x128xi32, #tpu.memory_space<vmem>> -> memref<1x128xi32, #tpu.memory_space<vmem>>
      %dma_start3A_94 = tpu.memref_squeeze %dma_start3A_93 : memref<1x128xi32, #tpu.memory_space<vmem>> -> memref<128xi32, #tpu.memory_space<vmem>>
      %dma_start3A_95 = arith.constant 0 : i32
      %dma_start3A_96 = arith.constant 0 : i32
      %dma_start3A_97 = tpu.memref_slice %arg2[%dma_start3A_95, %dma_start3A_96] : memref<10000x32xf32, #tpu.memory_space<hbm>> -> memref<10000x32xf32, #tpu.memory_space<hbm>>
      tpu.enqueue_indirect_dma source(%dma_start3A_97 : memref<10000x32xf32, #tpu.memory_space<hbm>>) target(%dma_start3A_91 : memref<128x32xf32, #tpu.memory_space<vmem>>) offsets(%dma_start3A_94 : memref<128xi32, #tpu.memory_space<vmem>>) semaphore(%arg12 : memref<!tpu.dma_semaphore, #tpu.memory_space<semaphore_mem>>)
      %mul3A_98 = arith.constant 8 : i32
      %mul3A_99 = arith.muli %scan3A_8, %mul3A_98 : i32
      %add3A_100 = arith.constant 6 : i32
      %add3A_101 = arith.addi %mul3A_99, %add3A_100 : i32
      %dma_start3A_102 = arith.constant 6 : i32
      %dma_start3A_103 = arith.constant 0 : i32
      %dma_start3A_104 = arith.constant 0 : i32
      %dma_start3A_105 = tpu.memref_slice %arg6[%dma_start3A_102, %dma_start3A_103, %dma_start3A_104] : memref<8x128x32xf32, #tpu.memory_space<vmem>> -> memref<1x128x32xf32, #tpu.memory_space<vmem>>
      %dma_start3A_106 = tpu.memref_squeeze %dma_start3A_105 : memref<1x128x32xf32, #tpu.memory_space<vmem>> -> memref<128x32xf32, #tpu.memory_space<vmem>>
      %dma_start3A_107 = arith.constant 0 : i32
      %dma_start3A_108 = tpu.memref_slice %arg5[%add3A_101, %dma_start3A_107] : memref<40x128xi32, #tpu.memory_space<vmem>> -> memref<1x128xi32, #tpu.memory_space<vmem>>
      %dma_start3A_109 = tpu.memref_squeeze %dma_start3A_108 : memref<1x128xi32, #tpu.memory_space<vmem>> -> memref<128xi32, #tpu.memory_space<vmem>>
      %dma_start3A_110 = arith.constant 0 : i32
      %dma_start3A_111 = arith.constant 0 : i32
      %dma_start3A_112 = tpu.memref_slice %arg2[%dma_start3A_110, %dma_start3A_111] : memref<10000x32xf32, #tpu.memory_space<hbm>> -> memref<10000x32xf32, #tpu.memory_space<hbm>>
      tpu.enqueue_indirect_dma source(%dma_start3A_112 : memref<10000x32xf32, #tpu.memory_space<hbm>>) target(%dma_start3A_106 : memref<128x32xf32, #tpu.memory_space<vmem>>) offsets(%dma_start3A_109 : memref<128xi32, #tpu.memory_space<vmem>>) semaphore(%arg13 : memref<!tpu.dma_semaphore, #tpu.memory_space<semaphore_mem>>)
      %mul3A_113 = arith.constant 8 : i32
      %mul3A_114 = arith.muli %scan3A_8, %mul3A_113 : i32
      %add3A_115 = arith.constant 7 : i32
      %add3A_116 = arith.addi %mul3A_114, %add3A_115 : i32
      %dma_start3A_117 = arith.constant 7 : i32
      %dma_start3A_118 = arith.constant 0 : i32
      %dma_start3A_119 = arith.constant 0 : i32
      %dma_start3A_120 = tpu.memref_slice %arg6[%dma_start3A_117, %dma_start3A_118, %dma_start3A_119] : memref<8x128x32xf32, #tpu.memory_space<vmem>> -> memref<1x128x32xf32, #tpu.memory_space<vmem>>
      %dma_start3A_121 = tpu.memref_squeeze %dma_start3A_120 : memref<1x128x32xf32, #tpu.memory_space<vmem>> -> memref<128x32xf32, #tpu.memory_space<vmem>>
      %dma_start3A_122 = arith.constant 0 : i32
      %dma_start3A_123 = tpu.memref_slice %arg5[%add3A_116, %dma_start3A_122] : memref<40x128xi32, #tpu.memory_space<vmem>> -> memref<1x128xi32, #tpu.memory_space<vmem>>
      %dma_start3A_124 = tpu.memref_squeeze %dma_start3A_123 : memref<1x128xi32, #tpu.memory_space<vmem>> -> memref<128xi32, #tpu.memory_space<vmem>>
      %dma_start3A_125 = arith.constant 0 : i32
      %dma_start3A_126 = arith.constant 0 : i32
      %dma_start3A_127 = tpu.memref_slice %arg2[%dma_start3A_125, %dma_start3A_126] : memref<10000x32xf32, #tpu.memory_space<hbm>> -> memref<10000x32xf32, #tpu.memory_space<hbm>>
      tpu.enqueue_indirect_dma source(%dma_start3A_127 : memref<10000x32xf32, #tpu.memory_space<hbm>>) target(%dma_start3A_121 : memref<128x32xf32, #tpu.memory_space<vmem>>) offsets(%dma_start3A_124 : memref<128xi32, #tpu.memory_space<vmem>>) semaphore(%arg14 : memref<!tpu.dma_semaphore, #tpu.memory_space<semaphore_mem>>)
      %mul3A_128 = arith.constant 8 : i32
      %mul3A_129 = arith.muli %scan3A_8, %mul3A_128 : i32
      %add3A_130 = arith.constant 0 : i32
      %add3A_131 = arith.addi %mul3A_129, %add3A_130 : i32
      %dma_wait3A = arith.constant 0 : i32
      %dma_wait3A_132 = arith.constant 0 : i32
      %dma_wait3A_133 = arith.constant 0 : i32
      %dma_wait3A_134 = tpu.memref_slice %arg6[%dma_wait3A, %dma_wait3A_132, %dma_wait3A_133] : memref<8x128x32xf32, #tpu.memory_space<vmem>> -> memref<1x128x32xf32, #tpu.memory_space<vmem>>
      %dma_wait3A_135 = tpu.memref_squeeze %dma_wait3A_134 : memref<1x128x32xf32, #tpu.memory_space<vmem>> -> memref<128x32xf32, #tpu.memory_space<vmem>>
      %dma_wait3A_136 = arith.constant 0 : i32
      %dma_wait3A_137 = tpu.memref_slice %arg5[%add3A_12, %dma_wait3A_136] : memref<40x128xi32, #tpu.memory_space<vmem>> -> memref<1x128xi32, #tpu.memory_space<vmem>>
      %dma_wait3A_138 = tpu.memref_squeeze %dma_wait3A_137 : memref<1x128xi32, #tpu.memory_space<vmem>> -> memref<128xi32, #tpu.memory_space<vmem>>
      %dma_wait3A_139 = arith.constant 0 : i32
      %dma_wait3A_140 = arith.constant 0 : i32
      %dma_wait3A_141 = tpu.memref_slice %arg2[%dma_wait3A_139, %dma_wait3A_140] : memref<10000x32xf32, #tpu.memory_space<hbm>> -> memref<10000x32xf32, #tpu.memory_space<hbm>>
      tpu.wait_indirect_dma semaphore(%arg7 : memref<!tpu.dma_semaphore, #tpu.memory_space<semaphore_mem>>) src(%dma_wait3A_141 : memref<10000x32xf32, #tpu.memory_space<hbm>>) dst(%dma_wait3A_135 : memref<128x32xf32, #tpu.memory_space<vmem>>)
      %add3A_142 = arith.addi %mul3A_2, %add3A_131 : i32
      %mul3A_143 = arith.constant 128 : i32
      %mul3A_144 = arith.muli %add3A_142, %mul3A_143 : i32
      %dma_start3A_145 = arith.constant 0 : i32
      %dma_start3A_146 = arith.constant 0 : i32
      %dma_start3A_147 = arith.constant 0 : i32
      %dma_start3A_148 = tpu.memref_slice %arg6[%dma_start3A_145, %dma_start3A_146, %dma_start3A_147] : memref<8x128x32xf32, #tpu.memory_space<vmem>> -> memref<1x128x32xf32, #tpu.memory_space<vmem>>
      %dma_start3A_149 = tpu.memref_squeeze %dma_start3A_148 : memref<1x128x32xf32, #tpu.memory_space<vmem>> -> memref<128x32xf32, #tpu.memory_space<vmem>>
      %dma_start3A_150 = arith.constant 0 : i32
      %dma_start3A_151 = tpu.memref_slice %arg4[%mul3A_144, %dma_start3A_150] : memref<163840x32xf32, #tpu.memory_space<hbm>> -> memref<128x32xf32, #tpu.memory_space<hbm>>
      %dma_start3A_152 = arith.constant 0 : i32
      %dma_start3A_153 = tpu.memref_slice %arg4[%mul3A_144, %dma_start3A_152] : memref<163840x32xf32, #tpu.memory_space<hbm>> -> memref<128x32xf32, #tpu.memory_space<hbm>>
      %dma_start3A_154 = arith.constant 0 : i32
      %dma_start3A_155 = arith.constant 0 : i32
      %dma_start3A_156 = tpu.memref_slice %arg6[%dma_start3A_145, %dma_start3A_154, %dma_start3A_155] : memref<8x128x32xf32, #tpu.memory_space<vmem>> -> memref<1x128x32xf32, #tpu.memory_space<vmem>>
      %dma_start3A_157 = tpu.memref_squeeze %dma_start3A_156 : memref<1x128x32xf32, #tpu.memory_space<vmem>> -> memref<128x32xf32, #tpu.memory_space<vmem>>
      tpu.enqueue_dma source(%dma_start3A_157 : memref<128x32xf32, #tpu.memory_space<vmem>>) target(%dma_start3A_153 : memref<128x32xf32, #tpu.memory_space<hbm>>) target_semaphore(%arg15 : memref<!tpu.dma_semaphore, #tpu.memory_space<semaphore_mem>>)
      %mul3A_158 = arith.constant 8 : i32
      %mul3A_159 = arith.muli %scan3A_8, %mul3A_158 : i32
      %add3A_160 = arith.constant 1 : i32
      %add3A_161 = arith.addi %mul3A_159, %add3A_160 : i32
      %dma_wait3A_162 = arith.constant 1 : i32
      %dma_wait3A_163 = arith.constant 0 : i32
      %dma_wait3A_164 = arith.constant 0 : i32
      %dma_wait3A_165 = tpu.memref_slice %arg6[%dma_wait3A_162, %dma_wait3A_163, %dma_wait3A_164] : memref<8x128x32xf32, #tpu.memory_space<vmem>> -> memref<1x128x32xf32, #tpu.memory_space<vmem>>
      %dma_wait3A_166 = tpu.memref_squeeze %dma_wait3A_165 : memref<1x128x32xf32, #tpu.memory_space<vmem>> -> memref<128x32xf32, #tpu.memory_space<vmem>>
      %dma_wait3A_167 = arith.constant 0 : i32
      %dma_wait3A_168 = tpu.memref_slice %arg5[%add3A_26, %dma_wait3A_167] : memref<40x128xi32, #tpu.memory_space<vmem>> -> memref<1x128xi32, #tpu.memory_space<vmem>>
      %dma_wait3A_169 = tpu.memref_squeeze %dma_wait3A_168 : memref<1x128xi32, #tpu.memory_space<vmem>> -> memref<128xi32, #tpu.memory_space<vmem>>
      %dma_wait3A_170 = arith.constant 0 : i32
      %dma_wait3A_171 = arith.constant 0 : i32
      %dma_wait3A_172 = tpu.memref_slice %arg2[%dma_wait3A_170, %dma_wait3A_171] : memref<10000x32xf32, #tpu.memory_space<hbm>> -> memref<10000x32xf32, #tpu.memory_space<hbm>>
      tpu.wait_indirect_dma semaphore(%arg8 : memref<!tpu.dma_semaphore, #tpu.memory_space<semaphore_mem>>) src(%dma_wait3A_172 : memref<10000x32xf32, #tpu.memory_space<hbm>>) dst(%dma_wait3A_166 : memref<128x32xf32, #tpu.memory_space<vmem>>)
      %add3A_173 = arith.addi %mul3A_2, %add3A_161 : i32
      %mul3A_174 = arith.constant 128 : i32
      %mul3A_175 = arith.muli %add3A_173, %mul3A_174 : i32
      %dma_start3A_176 = arith.constant 1 : i32
      %dma_start3A_177 = arith.constant 0 : i32
      %dma_start3A_178 = arith.constant 0 : i32
      %dma_start3A_179 = tpu.memref_slice %arg6[%dma_start3A_176, %dma_start3A_177, %dma_start3A_178] : memref<8x128x32xf32, #tpu.memory_space<vmem>> -> memref<1x128x32xf32, #tpu.memory_space<vmem>>
      %dma_start3A_180 = tpu.memref_squeeze %dma_start3A_179 : memref<1x128x32xf32, #tpu.memory_space<vmem>> -> memref<128x32xf32, #tpu.memory_space<vmem>>
      %dma_start3A_181 = arith.constant 0 : i32
      %dma_start3A_182 = tpu.memref_slice %arg4[%mul3A_175, %dma_start3A_181] : memref<163840x32xf32, #tpu.memory_space<hbm>> -> memref<128x32xf32, #tpu.memory_space<hbm>>
      %dma_start3A_183 = arith.constant 0 : i32
      %dma_start3A_184 = tpu.memref_slice %arg4[%mul3A_175, %dma_start3A_183] : memref<163840x32xf32, #tpu.memory_space<hbm>> -> memref<128x32xf32, #tpu.memory_space<hbm>>
      %dma_start3A_185 = arith.constant 0 : i32
      %dma_start3A_186 = arith.constant 0 : i32
      %dma_start3A_187 = tpu.memref_slice %arg6[%dma_start3A_176, %dma_start3A_185, %dma_start3A_186] : memref<8x128x32xf32, #tpu.memory_space<vmem>> -> memref<1x128x32xf32, #tpu.memory_space<vmem>>
      %dma_start3A_188 = tpu.memref_squeeze %dma_start3A_187 : memref<1x128x32xf32, #tpu.memory_space<vmem>> -> memref<128x32xf32, #tpu.memory_space<vmem>>
      tpu.enqueue_dma source(%dma_start3A_188 : memref<128x32xf32, #tpu.memory_space<vmem>>) target(%dma_start3A_184 : memref<128x32xf32, #tpu.memory_space<hbm>>) target_semaphore(%arg16 : memref<!tpu.dma_semaphore, #tpu.memory_space<semaphore_mem>>)
      %mul3A_189 = arith.constant 8 : i32
      %mul3A_190 = arith.muli %scan3A_8, %mul3A_189 : i32
      %add3A_191 = arith.constant 2 : i32
      %add3A_192 = arith.addi %mul3A_190, %add3A_191 : i32
      %dma_wait3A_193 = arith.constant 2 : i32
      %dma_wait3A_194 = arith.constant 0 : i32
      %dma_wait3A_195 = arith.constant 0 : i32
      %dma_wait3A_196 = tpu.memref_slice %arg6[%dma_wait3A_193, %dma_wait3A_194, %dma_wait3A_195] : memref<8x128x32xf32, #tpu.memory_space<vmem>> -> memref<1x128x32xf32, #tpu.memory_space<vmem>>
      %dma_wait3A_197 = tpu.memref_squeeze %dma_wait3A_196 : memref<1x128x32xf32, #tpu.memory_space<vmem>> -> memref<128x32xf32, #tpu.memory_space<vmem>>
      %dma_wait3A_198 = arith.constant 0 : i32
      %dma_wait3A_199 = tpu.memref_slice %arg5[%add3A_41, %dma_wait3A_198] : memref<40x128xi32, #tpu.memory_space<vmem>> -> memref<1x128xi32, #tpu.memory_space<vmem>>
      %dma_wait3A_200 = tpu.memref_squeeze %dma_wait3A_199 : memref<1x128xi32, #tpu.memory_space<vmem>> -> memref<128xi32, #tpu.memory_space<vmem>>
      %dma_wait3A_201 = arith.constant 0 : i32
      %dma_wait3A_202 = arith.constant 0 : i32
      %dma_wait3A_203 = tpu.memref_slice %arg2[%dma_wait3A_201, %dma_wait3A_202] : memref<10000x32xf32, #tpu.memory_space<hbm>> -> memref<10000x32xf32, #tpu.memory_space<hbm>>
      tpu.wait_indirect_dma semaphore(%arg9 : memref<!tpu.dma_semaphore, #tpu.memory_space<semaphore_mem>>) src(%dma_wait3A_203 : memref<10000x32xf32, #tpu.memory_space<hbm>>) dst(%dma_wait3A_197 : memref<128x32xf32, #tpu.memory_space<vmem>>)
      %add3A_204 = arith.addi %mul3A_2, %add3A_192 : i32
      %mul3A_205 = arith.constant 128 : i32
      %mul3A_206 = arith.muli %add3A_204, %mul3A_205 : i32
      %dma_start3A_207 = arith.constant 2 : i32
      %dma_start3A_208 = arith.constant 0 : i32
      %dma_start3A_209 = arith.constant 0 : i32
      %dma_start3A_210 = tpu.memref_slice %arg6[%dma_start3A_207, %dma_start3A_208, %dma_start3A_209] : memref<8x128x32xf32, #tpu.memory_space<vmem>> -> memref<1x128x32xf32, #tpu.memory_space<vmem>>
      %dma_start3A_211 = tpu.memref_squeeze %dma_start3A_210 : memref<1x128x32xf32, #tpu.memory_space<vmem>> -> memref<128x32xf32, #tpu.memory_space<vmem>>
      %dma_start3A_212 = arith.constant 0 : i32
      %dma_start3A_213 = tpu.memref_slice %arg4[%mul3A_206, %dma_start3A_212] : memref<163840x32xf32, #tpu.memory_space<hbm>> -> memref<128x32xf32, #tpu.memory_space<hbm>>
      %dma_start3A_214 = arith.constant 0 : i32
      %dma_start3A_215 = tpu.memref_slice %arg4[%mul3A_206, %dma_start3A_214] : memref<163840x32xf32, #tpu.memory_space<hbm>> -> memref<128x32xf32, #tpu.memory_space<hbm>>
      %dma_start3A_216 = arith.constant 0 : i32
      %dma_start3A_217 = arith.constant 0 : i32
      %dma_start3A_218 = tpu.memref_slice %arg6[%dma_start3A_207, %dma_start3A_216, %dma_start3A_217] : memref<8x128x32xf32, #tpu.memory_space<vmem>> -> memref<1x128x32xf32, #tpu.memory_space<vmem>>
      %dma_start3A_219 = tpu.memref_squeeze %dma_start3A_218 : memref<1x128x32xf32, #tpu.memory_space<vmem>> -> memref<128x32xf32, #tpu.memory_space<vmem>>
      tpu.enqueue_dma source(%dma_start3A_219 : memref<128x32xf32, #tpu.memory_space<vmem>>) target(%dma_start3A_215 : memref<128x32xf32, #tpu.memory_space<hbm>>) target_semaphore(%arg17 : memref<!tpu.dma_semaphore, #tpu.memory_space<semaphore_mem>>)
      %mul3A_220 = arith.constant 8 : i32
      %mul3A_221 = arith.muli %scan3A_8, %mul3A_220 : i32
      %add3A_222 = arith.constant 3 : i32
      %add3A_223 = arith.addi %mul3A_221, %add3A_222 : i32
      %dma_wait3A_224 = arith.constant 3 : i32
      %dma_wait3A_225 = arith.constant 0 : i32
      %dma_wait3A_226 = arith.constant 0 : i32
      %dma_wait3A_227 = tpu.memref_slice %arg6[%dma_wait3A_224, %dma_wait3A_225, %dma_wait3A_226] : memref<8x128x32xf32, #tpu.memory_space<vmem>> -> memref<1x128x32xf32, #tpu.memory_space<vmem>>
      %dma_wait3A_228 = tpu.memref_squeeze %dma_wait3A_227 : memref<1x128x32xf32, #tpu.memory_space<vmem>> -> memref<128x32xf32, #tpu.memory_space<vmem>>
      %dma_wait3A_229 = arith.constant 0 : i32
      %dma_wait3A_230 = tpu.memref_slice %arg5[%add3A_56, %dma_wait3A_229] : memref<40x128xi32, #tpu.memory_space<vmem>> -> memref<1x128xi32, #tpu.memory_space<vmem>>
      %dma_wait3A_231 = tpu.memref_squeeze %dma_wait3A_230 : memref<1x128xi32, #tpu.memory_space<vmem>> -> memref<128xi32, #tpu.memory_space<vmem>>
      %dma_wait3A_232 = arith.constant 0 : i32
      %dma_wait3A_233 = arith.constant 0 : i32
      %dma_wait3A_234 = tpu.memref_slice %arg2[%dma_wait3A_232, %dma_wait3A_233] : memref<10000x32xf32, #tpu.memory_space<hbm>> -> memref<10000x32xf32, #tpu.memory_space<hbm>>
      tpu.wait_indirect_dma semaphore(%arg10 : memref<!tpu.dma_semaphore, #tpu.memory_space<semaphore_mem>>) src(%dma_wait3A_234 : memref<10000x32xf32, #tpu.memory_space<hbm>>) dst(%dma_wait3A_228 : memref<128x32xf32, #tpu.memory_space<vmem>>)
      %add3A_235 = arith.addi %mul3A_2, %add3A_223 : i32
      %mul3A_236 = arith.constant 128 : i32
      %mul3A_237 = arith.muli %add3A_235, %mul3A_236 : i32
      %dma_start3A_238 = arith.constant 3 : i32
      %dma_start3A_239 = arith.constant 0 : i32
      %dma_start3A_240 = arith.constant 0 : i32
      %dma_start3A_241 = tpu.memref_slice %arg6[%dma_start3A_238, %dma_start3A_239, %dma_start3A_240] : memref<8x128x32xf32, #tpu.memory_space<vmem>> -> memref<1x128x32xf32, #tpu.memory_space<vmem>>
      %dma_start3A_242 = tpu.memref_squeeze %dma_start3A_241 : memref<1x128x32xf32, #tpu.memory_space<vmem>> -> memref<128x32xf32, #tpu.memory_space<vmem>>
      %dma_start3A_243 = arith.constant 0 : i32
      %dma_start3A_244 = tpu.memref_slice %arg4[%mul3A_237, %dma_start3A_243] : memref<163840x32xf32, #tpu.memory_space<hbm>> -> memref<128x32xf32, #tpu.memory_space<hbm>>
      %dma_start3A_245 = arith.constant 0 : i32
      %dma_start3A_246 = tpu.memref_slice %arg4[%mul3A_237, %dma_start3A_245] : memref<163840x32xf32, #tpu.memory_space<hbm>> -> memref<128x32xf32, #tpu.memory_space<hbm>>
      %dma_start3A_247 = arith.constant 0 : i32
      %dma_start3A_248 = arith.constant 0 : i32
      %dma_start3A_249 = tpu.memref_slice %arg6[%dma_start3A_238, %dma_start3A_247, %dma_start3A_248] : memref<8x128x32xf32, #tpu.memory_space<vmem>> -> memref<1x128x32xf32, #tpu.memory_space<vmem>>
      %dma_start3A_250 = tpu.memref_squeeze %dma_start3A_249 : memref<1x128x32xf32, #tpu.memory_space<vmem>> -> memref<128x32xf32, #tpu.memory_space<vmem>>
      tpu.enqueue_dma source(%dma_start3A_250 : memref<128x32xf32, #tpu.memory_space<vmem>>) target(%dma_start3A_246 : memref<128x32xf32, #tpu.memory_space<hbm>>) target_semaphore(%arg18 : memref<!tpu.dma_semaphore, #tpu.memory_space<semaphore_mem>>)
      %mul3A_251 = arith.constant 8 : i32
      %mul3A_252 = arith.muli %scan3A_8, %mul3A_251 : i32
      %add3A_253 = arith.constant 4 : i32
      %add3A_254 = arith.addi %mul3A_252, %add3A_253 : i32
      %dma_wait3A_255 = arith.constant 4 : i32
      %dma_wait3A_256 = arith.constant 0 : i32
      %dma_wait3A_257 = arith.constant 0 : i32
      %dma_wait3A_258 = tpu.memref_slice %arg6[%dma_wait3A_255, %dma_wait3A_256, %dma_wait3A_257] : memref<8x128x32xf32, #tpu.memory_space<vmem>> -> memref<1x128x32xf32, #tpu.memory_space<vmem>>
      %dma_wait3A_259 = tpu.memref_squeeze %dma_wait3A_258 : memref<1x128x32xf32, #tpu.memory_space<vmem>> -> memref<128x32xf32, #tpu.memory_space<vmem>>
      %dma_wait3A_260 = arith.constant 0 : i32
      %dma_wait3A_261 = tpu.memref_slice %arg5[%add3A_71, %dma_wait3A_260] : memref<40x128xi32, #tpu.memory_space<vmem>> -> memref<1x128xi32, #tpu.memory_space<vmem>>
      %dma_wait3A_262 = tpu.memref_squeeze %dma_wait3A_261 : memref<1x128xi32, #tpu.memory_space<vmem>> -> memref<128xi32, #tpu.memory_space<vmem>>
      %dma_wait3A_263 = arith.constant 0 : i32
      %dma_wait3A_264 = arith.constant 0 : i32
      %dma_wait3A_265 = tpu.memref_slice %arg2[%dma_wait3A_263, %dma_wait3A_264] : memref<10000x32xf32, #tpu.memory_space<hbm>> -> memref<10000x32xf32, #tpu.memory_space<hbm>>
      tpu.wait_indirect_dma semaphore(%arg11 : memref<!tpu.dma_semaphore, #tpu.memory_space<semaphore_mem>>) src(%dma_wait3A_265 : memref<10000x32xf32, #tpu.memory_space<hbm>>) dst(%dma_wait3A_259 : memref<128x32xf32, #tpu.memory_space<vmem>>)
      %add3A_266 = arith.addi %mul3A_2, %add3A_254 : i32
      %mul3A_267 = arith.constant 128 : i32
      %mul3A_268 = arith.muli %add3A_266, %mul3A_267 : i32
      %dma_start3A_269 = arith.constant 4 : i32
      %dma_start3A_270 = arith.constant 0 : i32
      %dma_start3A_271 = arith.constant 0 : i32
      %dma_start3A_272 = tpu.memref_slice %arg6[%dma_start3A_269, %dma_start3A_270, %dma_start3A_271] : memref<8x128x32xf32, #tpu.memory_space<vmem>> -> memref<1x128x32xf32, #tpu.memory_space<vmem>>
      %dma_start3A_273 = tpu.memref_squeeze %dma_start3A_272 : memref<1x128x32xf32, #tpu.memory_space<vmem>> -> memref<128x32xf32, #tpu.memory_space<vmem>>
      %dma_start3A_274 = arith.constant 0 : i32
      %dma_start3A_275 = tpu.memref_slice %arg4[%mul3A_268, %dma_start3A_274] : memref<163840x32xf32, #tpu.memory_space<hbm>> -> memref<128x32xf32, #tpu.memory_space<hbm>>
      %dma_start3A_276 = arith.constant 0 : i32
      %dma_start3A_277 = tpu.memref_slice %arg4[%mul3A_268, %dma_start3A_276] : memref<163840x32xf32, #tpu.memory_space<hbm>> -> memref<128x32xf32, #tpu.memory_space<hbm>>
      %dma_start3A_278 = arith.constant 0 : i32
      %dma_start3A_279 = arith.constant 0 : i32
      %dma_start3A_280 = tpu.memref_slice %arg6[%dma_start3A_269, %dma_start3A_278, %dma_start3A_279] : memref<8x128x32xf32, #tpu.memory_space<vmem>> -> memref<1x128x32xf32, #tpu.memory_space<vmem>>
      %dma_start3A_281 = tpu.memref_squeeze %dma_start3A_280 : memref<1x128x32xf32, #tpu.memory_space<vmem>> -> memref<128x32xf32, #tpu.memory_space<vmem>>
      tpu.enqueue_dma source(%dma_start3A_281 : memref<128x32xf32, #tpu.memory_space<vmem>>) target(%dma_start3A_277 : memref<128x32xf32, #tpu.memory_space<hbm>>) target_semaphore(%arg19 : memref<!tpu.dma_semaphore, #tpu.memory_space<semaphore_mem>>)
      %mul3A_282 = arith.constant 8 : i32
      %mul3A_283 = arith.muli %scan3A_8, %mul3A_282 : i32
      %add3A_284 = arith.constant 5 : i32
      %add3A_285 = arith.addi %mul3A_283, %add3A_284 : i32
      %dma_wait3A_286 = arith.constant 5 : i32
      %dma_wait3A_287 = arith.constant 0 : i32
      %dma_wait3A_288 = arith.constant 0 : i32
      %dma_wait3A_289 = tpu.memref_slice %arg6[%dma_wait3A_286, %dma_wait3A_287, %dma_wait3A_288] : memref<8x128x32xf32, #tpu.memory_space<vmem>> -> memref<1x128x32xf32, #tpu.memory_space<vmem>>
      %dma_wait3A_290 = tpu.memref_squeeze %dma_wait3A_289 : memref<1x128x32xf32, #tpu.memory_space<vmem>> -> memref<128x32xf32, #tpu.memory_space<vmem>>
      %dma_wait3A_291 = arith.constant 0 : i32
      %dma_wait3A_292 = tpu.memref_slice %arg5[%add3A_86, %dma_wait3A_291] : memref<40x128xi32, #tpu.memory_space<vmem>> -> memref<1x128xi32, #tpu.memory_space<vmem>>
      %dma_wait3A_293 = tpu.memref_squeeze %dma_wait3A_292 : memref<1x128xi32, #tpu.memory_space<vmem>> -> memref<128xi32, #tpu.memory_space<vmem>>
      %dma_wait3A_294 = arith.constant 0 : i32
      %dma_wait3A_295 = arith.constant 0 : i32
      %dma_wait3A_296 = tpu.memref_slice %arg2[%dma_wait3A_294, %dma_wait3A_295] : memref<10000x32xf32, #tpu.memory_space<hbm>> -> memref<10000x32xf32, #tpu.memory_space<hbm>>
      tpu.wait_indirect_dma semaphore(%arg12 : memref<!tpu.dma_semaphore, #tpu.memory_space<semaphore_mem>>) src(%dma_wait3A_296 : memref<10000x32xf32, #tpu.memory_space<hbm>>) dst(%dma_wait3A_290 : memref<128x32xf32, #tpu.memory_space<vmem>>)
      %add3A_297 = arith.addi %mul3A_2, %add3A_285 : i32
      %mul3A_298 = arith.constant 128 : i32
      %mul3A_299 = arith.muli %add3A_297, %mul3A_298 : i32
      %dma_start3A_300 = arith.constant 5 : i32
      %dma_start3A_301 = arith.constant 0 : i32
      %dma_start3A_302 = arith.constant 0 : i32
      %dma_start3A_303 = tpu.memref_slice %arg6[%dma_start3A_300, %dma_start3A_301, %dma_start3A_302] : memref<8x128x32xf32, #tpu.memory_space<vmem>> -> memref<1x128x32xf32, #tpu.memory_space<vmem>>
      %dma_start3A_304 = tpu.memref_squeeze %dma_start3A_303 : memref<1x128x32xf32, #tpu.memory_space<vmem>> -> memref<128x32xf32, #tpu.memory_space<vmem>>
      %dma_start3A_305 = arith.constant 0 : i32
      %dma_start3A_306 = tpu.memref_slice %arg4[%mul3A_299, %dma_start3A_305] : memref<163840x32xf32, #tpu.memory_space<hbm>> -> memref<128x32xf32, #tpu.memory_space<hbm>>
      %dma_start3A_307 = arith.constant 0 : i32
      %dma_start3A_308 = tpu.memref_slice %arg4[%mul3A_299, %dma_start3A_307] : memref<163840x32xf32, #tpu.memory_space<hbm>> -> memref<128x32xf32, #tpu.memory_space<hbm>>
      %dma_start3A_309 = arith.constant 0 : i32
      %dma_start3A_310 = arith.constant 0 : i32
      %dma_start3A_311 = tpu.memref_slice %arg6[%dma_start3A_300, %dma_start3A_309, %dma_start3A_310] : memref<8x128x32xf32, #tpu.memory_space<vmem>> -> memref<1x128x32xf32, #tpu.memory_space<vmem>>
      %dma_start3A_312 = tpu.memref_squeeze %dma_start3A_311 : memref<1x128x32xf32, #tpu.memory_space<vmem>> -> memref<128x32xf32, #tpu.memory_space<vmem>>
      tpu.enqueue_dma source(%dma_start3A_312 : memref<128x32xf32, #tpu.memory_space<vmem>>) target(%dma_start3A_308 : memref<128x32xf32, #tpu.memory_space<hbm>>) target_semaphore(%arg20 : memref<!tpu.dma_semaphore, #tpu.memory_space<semaphore_mem>>)
      %mul3A_313 = arith.constant 8 : i32
      %mul3A_314 = arith.muli %scan3A_8, %mul3A_313 : i32
      %add3A_315 = arith.constant 6 : i32
      %add3A_316 = arith.addi %mul3A_314, %add3A_315 : i32
      %dma_wait3A_317 = arith.constant 6 : i32
      %dma_wait3A_318 = arith.constant 0 : i32
      %dma_wait3A_319 = arith.constant 0 : i32
      %dma_wait3A_320 = tpu.memref_slice %arg6[%dma_wait3A_317, %dma_wait3A_318, %dma_wait3A_319] : memref<8x128x32xf32, #tpu.memory_space<vmem>> -> memref<1x128x32xf32, #tpu.memory_space<vmem>>
      %dma_wait3A_321 = tpu.memref_squeeze %dma_wait3A_320 : memref<1x128x32xf32, #tpu.memory_space<vmem>> -> memref<128x32xf32, #tpu.memory_space<vmem>>
      %dma_wait3A_322 = arith.constant 0 : i32
      %dma_wait3A_323 = tpu.memref_slice %arg5[%add3A_101, %dma_wait3A_322] : memref<40x128xi32, #tpu.memory_space<vmem>> -> memref<1x128xi32, #tpu.memory_space<vmem>>
      %dma_wait3A_324 = tpu.memref_squeeze %dma_wait3A_323 : memref<1x128xi32, #tpu.memory_space<vmem>> -> memref<128xi32, #tpu.memory_space<vmem>>
      %dma_wait3A_325 = arith.constant 0 : i32
      %dma_wait3A_326 = arith.constant 0 : i32
      %dma_wait3A_327 = tpu.memref_slice %arg2[%dma_wait3A_325, %dma_wait3A_326] : memref<10000x32xf32, #tpu.memory_space<hbm>> -> memref<10000x32xf32, #tpu.memory_space<hbm>>
      tpu.wait_indirect_dma semaphore(%arg13 : memref<!tpu.dma_semaphore, #tpu.memory_space<semaphore_mem>>) src(%dma_wait3A_327 : memref<10000x32xf32, #tpu.memory_space<hbm>>) dst(%dma_wait3A_321 : memref<128x32xf32, #tpu.memory_space<vmem>>)
      %add3A_328 = arith.addi %mul3A_2, %add3A_316 : i32
      %mul3A_329 = arith.constant 128 : i32
      %mul3A_330 = arith.muli %add3A_328, %mul3A_329 : i32
      %dma_start3A_331 = arith.constant 6 : i32
      %dma_start3A_332 = arith.constant 0 : i32
      %dma_start3A_333 = arith.constant 0 : i32
      %dma_start3A_334 = tpu.memref_slice %arg6[%dma_start3A_331, %dma_start3A_332, %dma_start3A_333] : memref<8x128x32xf32, #tpu.memory_space<vmem>> -> memref<1x128x32xf32, #tpu.memory_space<vmem>>
      %dma_start3A_335 = tpu.memref_squeeze %dma_start3A_334 : memref<1x128x32xf32, #tpu.memory_space<vmem>> -> memref<128x32xf32, #tpu.memory_space<vmem>>
      %dma_start3A_336 = arith.constant 0 : i32
      %dma_start3A_337 = tpu.memref_slice %arg4[%mul3A_330, %dma_start3A_336] : memref<163840x32xf32, #tpu.memory_space<hbm>> -> memref<128x32xf32, #tpu.memory_space<hbm>>
      %dma_start3A_338 = arith.constant 0 : i32
      %dma_start3A_339 = tpu.memref_slice %arg4[%mul3A_330, %dma_start3A_338] : memref<163840x32xf32, #tpu.memory_space<hbm>> -> memref<128x32xf32, #tpu.memory_space<hbm>>
      %dma_start3A_340 = arith.constant 0 : i32
      %dma_start3A_341 = arith.constant 0 : i32
      %dma_start3A_342 = tpu.memref_slice %arg6[%dma_start3A_331, %dma_start3A_340, %dma_start3A_341] : memref<8x128x32xf32, #tpu.memory_space<vmem>> -> memref<1x128x32xf32, #tpu.memory_space<vmem>>
      %dma_start3A_343 = tpu.memref_squeeze %dma_start3A_342 : memref<1x128x32xf32, #tpu.memory_space<vmem>> -> memref<128x32xf32, #tpu.memory_space<vmem>>
      tpu.enqueue_dma source(%dma_start3A_343 : memref<128x32xf32, #tpu.memory_space<vmem>>) target(%dma_start3A_339 : memref<128x32xf32, #tpu.memory_space<hbm>>) target_semaphore(%arg21 : memref<!tpu.dma_semaphore, #tpu.memory_space<semaphore_mem>>)
      %mul3A_344 = arith.constant 8 : i32
      %mul3A_345 = arith.muli %scan3A_8, %mul3A_344 : i32
      %add3A_346 = arith.constant 7 : i32
      %add3A_347 = arith.addi %mul3A_345, %add3A_346 : i32
      %dma_wait3A_348 = arith.constant 7 : i32
      %dma_wait3A_349 = arith.constant 0 : i32
      %dma_wait3A_350 = arith.constant 0 : i32
      %dma_wait3A_351 = tpu.memref_slice %arg6[%dma_wait3A_348, %dma_wait3A_349, %dma_wait3A_350] : memref<8x128x32xf32, #tpu.memory_space<vmem>> -> memref<1x128x32xf32, #tpu.memory_space<vmem>>
      %dma_wait3A_352 = tpu.memref_squeeze %dma_wait3A_351 : memref<1x128x32xf32, #tpu.memory_space<vmem>> -> memref<128x32xf32, #tpu.memory_space<vmem>>
      %dma_wait3A_353 = arith.constant 0 : i32
      %dma_wait3A_354 = tpu.memref_slice %arg5[%add3A_116, %dma_wait3A_353] : memref<40x128xi32, #tpu.memory_space<vmem>> -> memref<1x128xi32, #tpu.memory_space<vmem>>
      %dma_wait3A_355 = tpu.memref_squeeze %dma_wait3A_354 : memref<1x128xi32, #tpu.memory_space<vmem>> -> memref<128xi32, #tpu.memory_space<vmem>>
      %dma_wait3A_356 = arith.constant 0 : i32
      %dma_wait3A_357 = arith.constant 0 : i32
      %dma_wait3A_358 = tpu.memref_slice %arg2[%dma_wait3A_356, %dma_wait3A_357] : memref<10000x32xf32, #tpu.memory_space<hbm>> -> memref<10000x32xf32, #tpu.memory_space<hbm>>
      tpu.wait_indirect_dma semaphore(%arg14 : memref<!tpu.dma_semaphore, #tpu.memory_space<semaphore_mem>>) src(%dma_wait3A_358 : memref<10000x32xf32, #tpu.memory_space<hbm>>) dst(%dma_wait3A_352 : memref<128x32xf32, #tpu.memory_space<vmem>>)
      %add3A_359 = arith.addi %mul3A_2, %add3A_347 : i32
      %mul3A_360 = arith.constant 128 : i32
      %mul3A_361 = arith.muli %add3A_359, %mul3A_360 : i32
      %dma_start3A_362 = arith.constant 7 : i32
      %dma_start3A_363 = arith.constant 0 : i32
      %dma_start3A_364 = arith.constant 0 : i32
      %dma_start3A_365 = tpu.memref_slice %arg6[%dma_start3A_362, %dma_start3A_363, %dma_start3A_364] : memref<8x128x32xf32, #tpu.memory_space<vmem>> -> memref<1x128x32xf32, #tpu.memory_space<vmem>>
      %dma_start3A_366 = tpu.memref_squeeze %dma_start3A_365 : memref<1x128x32xf32, #tpu.memory_space<vmem>> -> memref<128x32xf32, #tpu.memory_space<vmem>>
      %dma_start3A_367 = arith.constant 0 : i32
      %dma_start3A_368 = tpu.memref_slice %arg4[%mul3A_361, %dma_start3A_367] : memref<163840x32xf32, #tpu.memory_space<hbm>> -> memref<128x32xf32, #tpu.memory_space<hbm>>
      %dma_start3A_369 = arith.constant 0 : i32
      %dma_start3A_370 = tpu.memref_slice %arg4[%mul3A_361, %dma_start3A_369] : memref<163840x32xf32, #tpu.memory_space<hbm>> -> memref<128x32xf32, #tpu.memory_space<hbm>>
      %dma_start3A_371 = arith.constant 0 : i32
      %dma_start3A_372 = arith.constant 0 : i32
      %dma_start3A_373 = tpu.memref_slice %arg6[%dma_start3A_362, %dma_start3A_371, %dma_start3A_372] : memref<8x128x32xf32, #tpu.memory_space<vmem>> -> memref<1x128x32xf32, #tpu.memory_space<vmem>>
      %dma_start3A_374 = tpu.memref_squeeze %dma_start3A_373 : memref<1x128x32xf32, #tpu.memory_space<vmem>> -> memref<128x32xf32, #tpu.memory_space<vmem>>
      tpu.enqueue_dma source(%dma_start3A_374 : memref<128x32xf32, #tpu.memory_space<vmem>>) target(%dma_start3A_370 : memref<128x32xf32, #tpu.memory_space<hbm>>) target_semaphore(%arg22 : memref<!tpu.dma_semaphore, #tpu.memory_space<semaphore_mem>>)
      %dma_wait3A_375 = arith.constant 0 : i32
      %dma_wait3A_376 = arith.constant 0 : i32
      %dma_wait3A_377 = arith.constant 0 : i32
      %dma_wait3A_378 = tpu.memref_slice %arg6[%dma_wait3A_375, %dma_wait3A_376, %dma_wait3A_377] : memref<8x128x32xf32, #tpu.memory_space<vmem>> -> memref<1x128x32xf32, #tpu.memory_space<vmem>>
      %dma_wait3A_379 = tpu.memref_squeeze %dma_wait3A_378 : memref<1x128x32xf32, #tpu.memory_space<vmem>> -> memref<128x32xf32, #tpu.memory_space<vmem>>
      %dma_wait3A_380 = arith.constant 0 : i32
      %dma_wait3A_381 = tpu.memref_slice %arg4[%mul3A_144, %dma_wait3A_380] : memref<163840x32xf32, #tpu.memory_space<hbm>> -> memref<128x32xf32, #tpu.memory_space<hbm>>
      %dma_wait3A_382 = arith.constant 0 : i32
      %dma_wait3A_383 = tpu.memref_slice %arg4[%mul3A_144, %dma_wait3A_382] : memref<163840x32xf32, #tpu.memory_space<hbm>> -> memref<128x32xf32, #tpu.memory_space<hbm>>
      %dma_wait3A_384 = arith.constant 0 : i32
      %dma_wait3A_385 = arith.constant 0 : i32
      %dma_wait3A_386 = tpu.memref_slice %arg6[%dma_wait3A_375, %dma_wait3A_384, %dma_wait3A_385] : memref<8x128x32xf32, #tpu.memory_space<vmem>> -> memref<1x128x32xf32, #tpu.memory_space<vmem>>
      %dma_wait3A_387 = tpu.memref_squeeze %dma_wait3A_386 : memref<1x128x32xf32, #tpu.memory_space<vmem>> -> memref<128x32xf32, #tpu.memory_space<vmem>>
      tpu.wait_dma2 semaphore(%arg15 : memref<!tpu.dma_semaphore, #tpu.memory_space<semaphore_mem>>) src(%dma_wait3A_387 : memref<128x32xf32, #tpu.memory_space<vmem>>) dst(%dma_wait3A_383 : memref<128x32xf32, #tpu.memory_space<hbm>>)
      %dma_wait3A_388 = arith.constant 1 : i32
      %dma_wait3A_389 = arith.constant 0 : i32
      %dma_wait3A_390 = arith.constant 0 : i32
      %dma_wait3A_391 = tpu.memref_slice %arg6[%dma_wait3A_388, %dma_wait3A_389, %dma_wait3A_390] : memref<8x128x32xf32, #tpu.memory_space<vmem>> -> memref<1x128x32xf32, #tpu.memory_space<vmem>>
      %dma_wait3A_392 = tpu.memref_squeeze %dma_wait3A_391 : memref<1x128x32xf32, #tpu.memory_space<vmem>> -> memref<128x32xf32, #tpu.memory_space<vmem>>
      %dma_wait3A_393 = arith.constant 0 : i32
      %dma_wait3A_394 = tpu.memref_slice %arg4[%mul3A_175, %dma_wait3A_393] : memref<163840x32xf32, #tpu.memory_space<hbm>> -> memref<128x32xf32, #tpu.memory_space<hbm>>
      %dma_wait3A_395 = arith.constant 0 : i32
      %dma_wait3A_396 = tpu.memref_slice %arg4[%mul3A_175, %dma_wait3A_395] : memref<163840x32xf32, #tpu.memory_space<hbm>> -> memref<128x32xf32, #tpu.memory_space<hbm>>
      %dma_wait3A_397 = arith.constant 0 : i32
      %dma_wait3A_398 = arith.constant 0 : i32
      %dma_wait3A_399 = tpu.memref_slice %arg6[%dma_wait3A_388, %dma_wait3A_397, %dma_wait3A_398] : memref<8x128x32xf32, #tpu.memory_space<vmem>> -> memref<1x128x32xf32, #tpu.memory_space<vmem>>
      %dma_wait3A_400 = tpu.memref_squeeze %dma_wait3A_399 : memref<1x128x32xf32, #tpu.memory_space<vmem>> -> memref<128x32xf32, #tpu.memory_space<vmem>>
      tpu.wait_dma2 semaphore(%arg16 : memref<!tpu.dma_semaphore, #tpu.memory_space<semaphore_mem>>) src(%dma_wait3A_400 : memref<128x32xf32, #tpu.memory_space<vmem>>) dst(%dma_wait3A_396 : memref<128x32xf32, #tpu.memory_space<hbm>>)
      %dma_wait3A_401 = arith.constant 2 : i32
      %dma_wait3A_402 = arith.constant 0 : i32
      %dma_wait3A_403 = arith.constant 0 : i32
      %dma_wait3A_404 = tpu.memref_slice %arg6[%dma_wait3A_401, %dma_wait3A_402, %dma_wait3A_403] : memref<8x128x32xf32, #tpu.memory_space<vmem>> -> memref<1x128x32xf32, #tpu.memory_space<vmem>>
      %dma_wait3A_405 = tpu.memref_squeeze %dma_wait3A_404 : memref<1x128x32xf32, #tpu.memory_space<vmem>> -> memref<128x32xf32, #tpu.memory_space<vmem>>
      %dma_wait3A_406 = arith.constant 0 : i32
      %dma_wait3A_407 = tpu.memref_slice %arg4[%mul3A_206, %dma_wait3A_406] : memref<163840x32xf32, #tpu.memory_space<hbm>> -> memref<128x32xf32, #tpu.memory_space<hbm>>
      %dma_wait3A_408 = arith.constant 0 : i32
      %dma_wait3A_409 = tpu.memref_slice %arg4[%mul3A_206, %dma_wait3A_408] : memref<163840x32xf32, #tpu.memory_space<hbm>> -> memref<128x32xf32, #tpu.memory_space<hbm>>
      %dma_wait3A_410 = arith.constant 0 : i32
      %dma_wait3A_411 = arith.constant 0 : i32
      %dma_wait3A_412 = tpu.memref_slice %arg6[%dma_wait3A_401, %dma_wait3A_410, %dma_wait3A_411] : memref<8x128x32xf32, #tpu.memory_space<vmem>> -> memref<1x128x32xf32, #tpu.memory_space<vmem>>
      %dma_wait3A_413 = tpu.memref_squeeze %dma_wait3A_412 : memref<1x128x32xf32, #tpu.memory_space<vmem>> -> memref<128x32xf32, #tpu.memory_space<vmem>>
      tpu.wait_dma2 semaphore(%arg17 : memref<!tpu.dma_semaphore, #tpu.memory_space<semaphore_mem>>) src(%dma_wait3A_413 : memref<128x32xf32, #tpu.memory_space<vmem>>) dst(%dma_wait3A_409 : memref<128x32xf32, #tpu.memory_space<hbm>>)
      %dma_wait3A_414 = arith.constant 3 : i32
      %dma_wait3A_415 = arith.constant 0 : i32
      %dma_wait3A_416 = arith.constant 0 : i32
      %dma_wait3A_417 = tpu.memref_slice %arg6[%dma_wait3A_414, %dma_wait3A_415, %dma_wait3A_416] : memref<8x128x32xf32, #tpu.memory_space<vmem>> -> memref<1x128x32xf32, #tpu.memory_space<vmem>>
      %dma_wait3A_418 = tpu.memref_squeeze %dma_wait3A_417 : memref<1x128x32xf32, #tpu.memory_space<vmem>> -> memref<128x32xf32, #tpu.memory_space<vmem>>
      %dma_wait3A_419 = arith.constant 0 : i32
      %dma_wait3A_420 = tpu.memref_slice %arg4[%mul3A_237, %dma_wait3A_419] : memref<163840x32xf32, #tpu.memory_space<hbm>> -> memref<128x32xf32, #tpu.memory_space<hbm>>
      %dma_wait3A_421 = arith.constant 0 : i32
      %dma_wait3A_422 = tpu.memref_slice %arg4[%mul3A_237, %dma_wait3A_421] : memref<163840x32xf32, #tpu.memory_space<hbm>> -> memref<128x32xf32, #tpu.memory_space<hbm>>
      %dma_wait3A_423 = arith.constant 0 : i32
      %dma_wait3A_424 = arith.constant 0 : i32
      %dma_wait3A_425 = tpu.memref_slice %arg6[%dma_wait3A_414, %dma_wait3A_423, %dma_wait3A_424] : memref<8x128x32xf32, #tpu.memory_space<vmem>> -> memref<1x128x32xf32, #tpu.memory_space<vmem>>
      %dma_wait3A_426 = tpu.memref_squeeze %dma_wait3A_425 : memref<1x128x32xf32, #tpu.memory_space<vmem>> -> memref<128x32xf32, #tpu.memory_space<vmem>>
      tpu.wait_dma2 semaphore(%arg18 : memref<!tpu.dma_semaphore, #tpu.memory_space<semaphore_mem>>) src(%dma_wait3A_426 : memref<128x32xf32, #tpu.memory_space<vmem>>) dst(%dma_wait3A_422 : memref<128x32xf32, #tpu.memory_space<hbm>>)
      %dma_wait3A_427 = arith.constant 4 : i32
      %dma_wait3A_428 = arith.constant 0 : i32
      %dma_wait3A_429 = arith.constant 0 : i32
      %dma_wait3A_430 = tpu.memref_slice %arg6[%dma_wait3A_427, %dma_wait3A_428, %dma_wait3A_429] : memref<8x128x32xf32, #tpu.memory_space<vmem>> -> memref<1x128x32xf32, #tpu.memory_space<vmem>>
      %dma_wait3A_431 = tpu.memref_squeeze %dma_wait3A_430 : memref<1x128x32xf32, #tpu.memory_space<vmem>> -> memref<128x32xf32, #tpu.memory_space<vmem>>
      %dma_wait3A_432 = arith.constant 0 : i32
      %dma_wait3A_433 = tpu.memref_slice %arg4[%mul3A_268, %dma_wait3A_432] : memref<163840x32xf32, #tpu.memory_space<hbm>> -> memref<128x32xf32, #tpu.memory_space<hbm>>
      %dma_wait3A_434 = arith.constant 0 : i32
      %dma_wait3A_435 = tpu.memref_slice %arg4[%mul3A_268, %dma_wait3A_434] : memref<163840x32xf32, #tpu.memory_space<hbm>> -> memref<128x32xf32, #tpu.memory_space<hbm>>
      %dma_wait3A_436 = arith.constant 0 : i32
      %dma_wait3A_437 = arith.constant 0 : i32
      %dma_wait3A_438 = tpu.memref_slice %arg6[%dma_wait3A_427, %dma_wait3A_436, %dma_wait3A_437] : memref<8x128x32xf32, #tpu.memory_space<vmem>> -> memref<1x128x32xf32, #tpu.memory_space<vmem>>
      %dma_wait3A_439 = tpu.memref_squeeze %dma_wait3A_438 : memref<1x128x32xf32, #tpu.memory_space<vmem>> -> memref<128x32xf32, #tpu.memory_space<vmem>>
      tpu.wait_dma2 semaphore(%arg19 : memref<!tpu.dma_semaphore, #tpu.memory_space<semaphore_mem>>) src(%dma_wait3A_439 : memref<128x32xf32, #tpu.memory_space<vmem>>) dst(%dma_wait3A_435 : memref<128x32xf32, #tpu.memory_space<hbm>>)
      %dma_wait3A_440 = arith.constant 5 : i32
      %dma_wait3A_441 = arith.constant 0 : i32
      %dma_wait3A_442 = arith.constant 0 : i32
      %dma_wait3A_443 = tpu.memref_slice %arg6[%dma_wait3A_440, %dma_wait3A_441, %dma_wait3A_442] : memref<8x128x32xf32, #tpu.memory_space<vmem>> -> memref<1x128x32xf32, #tpu.memory_space<vmem>>
      %dma_wait3A_444 = tpu.memref_squeeze %dma_wait3A_443 : memref<1x128x32xf32, #tpu.memory_space<vmem>> -> memref<128x32xf32, #tpu.memory_space<vmem>>
      %dma_wait3A_445 = arith.constant 0 : i32
      %dma_wait3A_446 = tpu.memref_slice %arg4[%mul3A_299, %dma_wait3A_445] : memref<163840x32xf32, #tpu.memory_space<hbm>> -> memref<128x32xf32, #tpu.memory_space<hbm>>
      %dma_wait3A_447 = arith.constant 0 : i32
      %dma_wait3A_448 = tpu.memref_slice %arg4[%mul3A_299, %dma_wait3A_447] : memref<163840x32xf32, #tpu.memory_space<hbm>> -> memref<128x32xf32, #tpu.memory_space<hbm>>
      %dma_wait3A_449 = arith.constant 0 : i32
      %dma_wait3A_450 = arith.constant 0 : i32
      %dma_wait3A_451 = tpu.memref_slice %arg6[%dma_wait3A_440, %dma_wait3A_449, %dma_wait3A_450] : memref<8x128x32xf32, #tpu.memory_space<vmem>> -> memref<1x128x32xf32, #tpu.memory_space<vmem>>
      %dma_wait3A_452 = tpu.memref_squeeze %dma_wait3A_451 : memref<1x128x32xf32, #tpu.memory_space<vmem>> -> memref<128x32xf32, #tpu.memory_space<vmem>>
      tpu.wait_dma2 semaphore(%arg20 : memref<!tpu.dma_semaphore, #tpu.memory_space<semaphore_mem>>) src(%dma_wait3A_452 : memref<128x32xf32, #tpu.memory_space<vmem>>) dst(%dma_wait3A_448 : memref<128x32xf32, #tpu.memory_space<hbm>>)
      %dma_wait3A_453 = arith.constant 6 : i32
      %dma_wait3A_454 = arith.constant 0 : i32
      %dma_wait3A_455 = arith.constant 0 : i32
      %dma_wait3A_456 = tpu.memref_slice %arg6[%dma_wait3A_453, %dma_wait3A_454, %dma_wait3A_455] : memref<8x128x32xf32, #tpu.memory_space<vmem>> -> memref<1x128x32xf32, #tpu.memory_space<vmem>>
      %dma_wait3A_457 = tpu.memref_squeeze %dma_wait3A_456 : memref<1x128x32xf32, #tpu.memory_space<vmem>> -> memref<128x32xf32, #tpu.memory_space<vmem>>
      %dma_wait3A_458 = arith.constant 0 : i32
      %dma_wait3A_459 = tpu.memref_slice %arg4[%mul3A_330, %dma_wait3A_458] : memref<163840x32xf32, #tpu.memory_space<hbm>> -> memref<128x32xf32, #tpu.memory_space<hbm>>
      %dma_wait3A_460 = arith.constant 0 : i32
      %dma_wait3A_461 = tpu.memref_slice %arg4[%mul3A_330, %dma_wait3A_460] : memref<163840x32xf32, #tpu.memory_space<hbm>> -> memref<128x32xf32, #tpu.memory_space<hbm>>
      %dma_wait3A_462 = arith.constant 0 : i32
      %dma_wait3A_463 = arith.constant 0 : i32
      %dma_wait3A_464 = tpu.memref_slice %arg6[%dma_wait3A_453, %dma_wait3A_462, %dma_wait3A_463] : memref<8x128x32xf32, #tpu.memory_space<vmem>> -> memref<1x128x32xf32, #tpu.memory_space<vmem>>
      %dma_wait3A_465 = tpu.memref_squeeze %dma_wait3A_464 : memref<1x128x32xf32, #tpu.memory_space<vmem>> -> memref<128x32xf32, #tpu.memory_space<vmem>>
      tpu.wait_dma2 semaphore(%arg21 : memref<!tpu.dma_semaphore, #tpu.memory_space<semaphore_mem>>) src(%dma_wait3A_465 : memref<128x32xf32, #tpu.memory_space<vmem>>) dst(%dma_wait3A_461 : memref<128x32xf32, #tpu.memory_space<hbm>>)
      %dma_wait3A_466 = arith.constant 7 : i32
      %dma_wait3A_467 = arith.constant 0 : i32
      %dma_wait3A_468 = arith.constant 0 : i32
      %dma_wait3A_469 = tpu.memref_slice %arg6[%dma_wait3A_466, %dma_wait3A_467, %dma_wait3A_468] : memref<8x128x32xf32, #tpu.memory_space<vmem>> -> memref<1x128x32xf32, #tpu.memory_space<vmem>>
      %dma_wait3A_470 = tpu.memref_squeeze %dma_wait3A_469 : memref<1x128x32xf32, #tpu.memory_space<vmem>> -> memref<128x32xf32, #tpu.memory_space<vmem>>
      %dma_wait3A_471 = arith.constant 0 : i32
      %dma_wait3A_472 = tpu.memref_slice %arg4[%mul3A_361, %dma_wait3A_471] : memref<163840x32xf32, #tpu.memory_space<hbm>> -> memref<128x32xf32, #tpu.memory_space<hbm>>
      %dma_wait3A_473 = arith.constant 0 : i32
      %dma_wait3A_474 = tpu.memref_slice %arg4[%mul3A_361, %dma_wait3A_473] : memref<163840x32xf32, #tpu.memory_space<hbm>> -> memref<128x32xf32, #tpu.memory_space<hbm>>
      %dma_wait3A_475 = arith.constant 0 : i32
      %dma_wait3A_476 = arith.constant 0 : i32
      %dma_wait3A_477 = tpu.memref_slice %arg6[%dma_wait3A_466, %dma_wait3A_475, %dma_wait3A_476] : memref<8x128x32xf32, #tpu.memory_space<vmem>> -> memref<1x128x32xf32, #tpu.memory_space<vmem>>
      %dma_wait3A_478 = tpu.memref_squeeze %dma_wait3A_477 : memref<1x128x32xf32, #tpu.memory_space<vmem>> -> memref<128x32xf32, #tpu.memory_space<vmem>>
      tpu.wait_dma2 semaphore(%arg22 : memref<!tpu.dma_semaphore, #tpu.memory_space<semaphore_mem>>) src(%dma_wait3A_478 : memref<128x32xf32, #tpu.memory_space<vmem>>) dst(%dma_wait3A_474 : memref<128x32xf32, #tpu.memory_space<hbm>>)
    }
    %scan3A_7 = arith.constant 5 : i32
    return
  }
}

#map = affine_map<(d0, d1) -> (0, 0)>
module attributes {stable_mosaic.version = 14 : i64} {
  func.func @scatter(%arg0: i32, %arg1: i32, %arg2: memref<163840x32xf32, #tpu.memory_space<hbm>>, %arg3: memref<1280x128xi32, #tpu.memory_space<hbm>>, %arg4: memref<10016x32xf32, #tpu.memory_space<hbm>>, %arg5: memref<20032x32xf32, #tpu.memory_space<hbm>>, %arg6: memref<10016x32xf32, #tpu.memory_space<vmem_shared>>, %arg7: memref<40x128xi32, #tpu.memory_space<vmem>>, %arg8: memref<8x128x32xf32, #tpu.memory_space<vmem>>, %arg9: memref<626x32xf32, #tpu.memory_space<vmem>>, %arg10: memref<!tpu.dma_semaphore, #tpu.memory_space<semaphore_mem>>, %arg11: memref<!tpu.dma_semaphore, #tpu.memory_space<semaphore_mem>>, %arg12: memref<!tpu.dma_semaphore, #tpu.memory_space<semaphore_mem>>, %arg13: memref<!tpu.dma_semaphore, #tpu.memory_space<semaphore_mem>>, %arg14: memref<!tpu.dma_semaphore, #tpu.memory_space<semaphore_mem>>, %arg15: memref<!tpu.dma_semaphore, #tpu.memory_space<semaphore_mem>>, %arg16: memref<!tpu.dma_semaphore, #tpu.memory_space<semaphore_mem>>, %arg17: memref<!tpu.dma_semaphore, #tpu.memory_space<semaphore_mem>>) attributes {dimension_semantics = [#tpu.dimension_semantics<core_parallel>, #tpu.dimension_semantics<subcore_parallel>], iteration_bounds = array<i64: 2, 16>, scalar_prefetch = 0 : i64, scratch_operands = 12 : i64, tpu.core_type = #tpu.core_type<sc_vector_subcore>, window_params = [{transform_indices = #map}, {transform_indices = #map}, {transform_indices = #map}, {transform_indices = #map}]} {
    %mul3A = arith.constant 2 : i32
    %mul3A_0 = arith.muli %arg1, %mul3A : i32
    %add3A = arith.addi %mul3A_0, %arg0 : i32
    %mul3A_1 = arith.constant 626 : i32
    %mul3A_2 = arith.muli %arg1, %mul3A_1 : i32
    %mul3A_3 = arith.constant 40 : i32
    %mul3A_4 = arith.muli %add3A, %mul3A_3 : i32
    "tpu.region"() ({
      %run_scoped3A = tpu.sem_alloc : memref<!tpu.dma_semaphore, #tpu.memory_space<semaphore_mem>>
      %dma_start3A = arith.constant 0 : i32
      %dma_start3A_14 = tpu.memref_slice %arg4[%mul3A_2, %dma_start3A] : memref<10016x32xf32, #tpu.memory_space<hbm>> -> memref<626x32xf32, #tpu.memory_space<hbm>>
      %dma_start3A_15 = arith.constant 0 : i32
      %dma_start3A_16 = tpu.memref_slice %arg4[%mul3A_2, %dma_start3A_15] : memref<10016x32xf32, #tpu.memory_space<hbm>> -> memref<626x32xf32, #tpu.memory_space<hbm>>
      tpu.enqueue_dma source(%dma_start3A_16 : memref<626x32xf32, #tpu.memory_space<hbm>>) target(%arg9 : memref<626x32xf32, #tpu.memory_space<vmem>>) target_semaphore(%run_scoped3A : memref<!tpu.dma_semaphore, #tpu.memory_space<semaphore_mem>>)
      %dma_wait3A = arith.constant 0 : i32
      %dma_wait3A_17 = tpu.memref_slice %arg4[%mul3A_2, %dma_wait3A] : memref<10016x32xf32, #tpu.memory_space<hbm>> -> memref<626x32xf32, #tpu.memory_space<hbm>>
      %dma_wait3A_18 = arith.constant 0 : i32
      %dma_wait3A_19 = tpu.memref_slice %arg4[%mul3A_2, %dma_wait3A_18] : memref<10016x32xf32, #tpu.memory_space<hbm>> -> memref<626x32xf32, #tpu.memory_space<hbm>>
      tpu.wait_dma2 semaphore(%run_scoped3A : memref<!tpu.dma_semaphore, #tpu.memory_space<semaphore_mem>>) src(%dma_wait3A_19 : memref<626x32xf32, #tpu.memory_space<hbm>>) dst(%arg9 : memref<626x32xf32, #tpu.memory_space<vmem>>)
      tpu.yield
    }) : () -> ()
    "tpu.region"() ({
      %run_scoped3A = tpu.sem_alloc : memref<!tpu.dma_semaphore, #tpu.memory_space<semaphore_mem>>
      %dma_start3A = arith.constant 0 : i32
      %dma_start3A_14 = tpu.memref_slice %arg6[%mul3A_2, %dma_start3A] : memref<10016x32xf32, #tpu.memory_space<vmem_shared>> -> memref<626x32xf32, #tpu.memory_space<vmem_shared>>
      %dma_start3A_15 = arith.constant 0 : i32
      %dma_start3A_16 = tpu.memref_slice %arg6[%mul3A_2, %dma_start3A_15] : memref<10016x32xf32, #tpu.memory_space<vmem_shared>> -> memref<626x32xf32, #tpu.memory_space<vmem_shared>>
      tpu.enqueue_dma source(%arg9 : memref<626x32xf32, #tpu.memory_space<vmem>>) target(%dma_start3A_16 : memref<626x32xf32, #tpu.memory_space<vmem_shared>>) target_semaphore(%run_scoped3A : memref<!tpu.dma_semaphore, #tpu.memory_space<semaphore_mem>>)
      %dma_wait3A = arith.constant 0 : i32
      %dma_wait3A_17 = tpu.memref_slice %arg6[%mul3A_2, %dma_wait3A] : memref<10016x32xf32, #tpu.memory_space<vmem_shared>> -> memref<626x32xf32, #tpu.memory_space<vmem_shared>>
      %dma_wait3A_18 = arith.constant 0 : i32
      %dma_wait3A_19 = tpu.memref_slice %arg6[%mul3A_2, %dma_wait3A_18] : memref<10016x32xf32, #tpu.memory_space<vmem_shared>> -> memref<626x32xf32, #tpu.memory_space<vmem_shared>>
      tpu.wait_dma2 semaphore(%run_scoped3A : memref<!tpu.dma_semaphore, #tpu.memory_space<semaphore_mem>>) src(%arg9 : memref<626x32xf32, #tpu.memory_space<vmem>>) dst(%dma_wait3A_19 : memref<626x32xf32, #tpu.memory_space<vmem_shared>>)
      tpu.yield
    }) : () -> ()
    "tpu.region"() ({
      %run_scoped3A = tpu.sem_alloc : memref<!tpu.dma_semaphore, #tpu.memory_space<semaphore_mem>>
      %dma_start3A = arith.constant 0 : i32
      %dma_start3A_14 = tpu.memref_slice %arg3[%mul3A_4, %dma_start3A] : memref<1280x128xi32, #tpu.memory_space<hbm>> -> memref<40x128xi32, #tpu.memory_space<hbm>>
      %dma_start3A_15 = arith.constant 0 : i32
      %dma_start3A_16 = tpu.memref_slice %arg3[%mul3A_4, %dma_start3A_15] : memref<1280x128xi32, #tpu.memory_space<hbm>> -> memref<40x128xi32, #tpu.memory_space<hbm>>
      tpu.enqueue_dma source(%dma_start3A_16 : memref<40x128xi32, #tpu.memory_space<hbm>>) target(%arg7 : memref<40x128xi32, #tpu.memory_space<vmem>>) target_semaphore(%run_scoped3A : memref<!tpu.dma_semaphore, #tpu.memory_space<semaphore_mem>>)
      %dma_wait3A = arith.constant 0 : i32
      %dma_wait3A_17 = tpu.memref_slice %arg3[%mul3A_4, %dma_wait3A] : memref<1280x128xi32, #tpu.memory_space<hbm>> -> memref<40x128xi32, #tpu.memory_space<hbm>>
      %dma_wait3A_18 = arith.constant 0 : i32
      %dma_wait3A_19 = tpu.memref_slice %arg3[%mul3A_4, %dma_wait3A_18] : memref<1280x128xi32, #tpu.memory_space<hbm>> -> memref<40x128xi32, #tpu.memory_space<hbm>>
      tpu.wait_dma2 semaphore(%run_scoped3A : memref<!tpu.dma_semaphore, #tpu.memory_space<semaphore_mem>>) src(%dma_wait3A_19 : memref<40x128xi32, #tpu.memory_space<hbm>>) dst(%arg7 : memref<40x128xi32, #tpu.memory_space<vmem>>)
      tpu.yield
    }) : () -> ()
    %barrier3A = arith.constant 0 : index
    tpu.barrier barrier_id(%barrier3A)
    %scan3A = arith.constant 0 : i32
    %scan3A_5 = arith.constant 0 : i32
    %scan3A_6 = arith.constant 5 : i32
    %scan3A_7 = arith.addi %scan3A_5, %scan3A_6 : i32
    %scan3A_8 = arith.constant 1 : i32
    scf.for %scan3A_14 = %scan3A_5 to %scan3A_7 step %scan3A_8  : i32 {
      %mul3A_15 = arith.constant 8 : i32
      %mul3A_16 = arith.muli %scan3A_14, %mul3A_15 : i32
      %add3A_17 = arith.constant 0 : i32
      %add3A_18 = arith.addi %mul3A_16, %add3A_17 : i32
      %add3A_19 = arith.addi %mul3A_4, %add3A_18 : i32
      %mul3A_20 = arith.constant 128 : i32
      %mul3A_21 = arith.muli %add3A_19, %mul3A_20 : i32
      %dma_start3A = arith.constant 0 : i32
      %dma_start3A_22 = arith.constant 0 : i32
      %dma_start3A_23 = arith.constant 0 : i32
      %dma_start3A_24 = tpu.memref_slice %arg8[%dma_start3A, %dma_start3A_22, %dma_start3A_23] : memref<8x128x32xf32, #tpu.memory_space<vmem>> -> memref<1x128x32xf32, #tpu.memory_space<vmem>>
      %dma_start3A_25 = tpu.memref_squeeze %dma_start3A_24 : memref<1x128x32xf32, #tpu.memory_space<vmem>> -> memref<128x32xf32, #tpu.memory_space<vmem>>
      %dma_start3A_26 = arith.constant 0 : i32
      %dma_start3A_27 = tpu.memref_slice %arg2[%mul3A_21, %dma_start3A_26] : memref<163840x32xf32, #tpu.memory_space<hbm>> -> memref<128x32xf32, #tpu.memory_space<hbm>>
      %dma_start3A_28 = arith.constant 0 : i32
      %dma_start3A_29 = arith.constant 0 : i32
      %dma_start3A_30 = tpu.memref_slice %arg8[%dma_start3A, %dma_start3A_28, %dma_start3A_29] : memref<8x128x32xf32, #tpu.memory_space<vmem>> -> memref<1x128x32xf32, #tpu.memory_space<vmem>>
      %dma_start3A_31 = tpu.memref_squeeze %dma_start3A_30 : memref<1x128x32xf32, #tpu.memory_space<vmem>> -> memref<128x32xf32, #tpu.memory_space<vmem>>
      %dma_start3A_32 = arith.constant 0 : i32
      %dma_start3A_33 = tpu.memref_slice %arg2[%mul3A_21, %dma_start3A_32] : memref<163840x32xf32, #tpu.memory_space<hbm>> -> memref<128x32xf32, #tpu.memory_space<hbm>>
      tpu.enqueue_dma source(%dma_start3A_33 : memref<128x32xf32, #tpu.memory_space<hbm>>) target(%dma_start3A_31 : memref<128x32xf32, #tpu.memory_space<vmem>>) target_semaphore(%arg10 : memref<!tpu.dma_semaphore, #tpu.memory_space<semaphore_mem>>)
      %mul3A_34 = arith.constant 8 : i32
      %mul3A_35 = arith.muli %scan3A_14, %mul3A_34 : i32
      %add3A_36 = arith.constant 1 : i32
      %add3A_37 = arith.addi %mul3A_35, %add3A_36 : i32
      %add3A_38 = arith.addi %mul3A_4, %add3A_37 : i32
      %mul3A_39 = arith.constant 128 : i32
      %mul3A_40 = arith.muli %add3A_38, %mul3A_39 : i32
      %dma_start3A_41 = arith.constant 1 : i32
      %dma_start3A_42 = arith.constant 0 : i32
      %dma_start3A_43 = arith.constant 0 : i32
      %dma_start3A_44 = tpu.memref_slice %arg8[%dma_start3A_41, %dma_start3A_42, %dma_start3A_43] : memref<8x128x32xf32, #tpu.memory_space<vmem>> -> memref<1x128x32xf32, #tpu.memory_space<vmem>>
      %dma_start3A_45 = tpu.memref_squeeze %dma_start3A_44 : memref<1x128x32xf32, #tpu.memory_space<vmem>> -> memref<128x32xf32, #tpu.memory_space<vmem>>
      %dma_start3A_46 = arith.constant 0 : i32
      %dma_start3A_47 = tpu.memref_slice %arg2[%mul3A_40, %dma_start3A_46] : memref<163840x32xf32, #tpu.memory_space<hbm>> -> memref<128x32xf32, #tpu.memory_space<hbm>>
      %dma_start3A_48 = arith.constant 0 : i32
      %dma_start3A_49 = arith.constant 0 : i32
      %dma_start3A_50 = tpu.memref_slice %arg8[%dma_start3A_41, %dma_start3A_48, %dma_start3A_49] : memref<8x128x32xf32, #tpu.memory_space<vmem>> -> memref<1x128x32xf32, #tpu.memory_space<vmem>>
      %dma_start3A_51 = tpu.memref_squeeze %dma_start3A_50 : memref<1x128x32xf32, #tpu.memory_space<vmem>> -> memref<128x32xf32, #tpu.memory_space<vmem>>
      %dma_start3A_52 = arith.constant 0 : i32
      %dma_start3A_53 = tpu.memref_slice %arg2[%mul3A_40, %dma_start3A_52] : memref<163840x32xf32, #tpu.memory_space<hbm>> -> memref<128x32xf32, #tpu.memory_space<hbm>>
      tpu.enqueue_dma source(%dma_start3A_53 : memref<128x32xf32, #tpu.memory_space<hbm>>) target(%dma_start3A_51 : memref<128x32xf32, #tpu.memory_space<vmem>>) target_semaphore(%arg11 : memref<!tpu.dma_semaphore, #tpu.memory_space<semaphore_mem>>)
      %mul3A_54 = arith.constant 8 : i32
      %mul3A_55 = arith.muli %scan3A_14, %mul3A_54 : i32
      %add3A_56 = arith.constant 2 : i32
      %add3A_57 = arith.addi %mul3A_55, %add3A_56 : i32
      %add3A_58 = arith.addi %mul3A_4, %add3A_57 : i32
      %mul3A_59 = arith.constant 128 : i32
      %mul3A_60 = arith.muli %add3A_58, %mul3A_59 : i32
      %dma_start3A_61 = arith.constant 2 : i32
      %dma_start3A_62 = arith.constant 0 : i32
      %dma_start3A_63 = arith.constant 0 : i32
      %dma_start3A_64 = tpu.memref_slice %arg8[%dma_start3A_61, %dma_start3A_62, %dma_start3A_63] : memref<8x128x32xf32, #tpu.memory_space<vmem>> -> memref<1x128x32xf32, #tpu.memory_space<vmem>>
      %dma_start3A_65 = tpu.memref_squeeze %dma_start3A_64 : memref<1x128x32xf32, #tpu.memory_space<vmem>> -> memref<128x32xf32, #tpu.memory_space<vmem>>
      %dma_start3A_66 = arith.constant 0 : i32
      %dma_start3A_67 = tpu.memref_slice %arg2[%mul3A_60, %dma_start3A_66] : memref<163840x32xf32, #tpu.memory_space<hbm>> -> memref<128x32xf32, #tpu.memory_space<hbm>>
      %dma_start3A_68 = arith.constant 0 : i32
      %dma_start3A_69 = arith.constant 0 : i32
      %dma_start3A_70 = tpu.memref_slice %arg8[%dma_start3A_61, %dma_start3A_68, %dma_start3A_69] : memref<8x128x32xf32, #tpu.memory_space<vmem>> -> memref<1x128x32xf32, #tpu.memory_space<vmem>>
      %dma_start3A_71 = tpu.memref_squeeze %dma_start3A_70 : memref<1x128x32xf32, #tpu.memory_space<vmem>> -> memref<128x32xf32, #tpu.memory_space<vmem>>
      %dma_start3A_72 = arith.constant 0 : i32
      %dma_start3A_73 = tpu.memref_slice %arg2[%mul3A_60, %dma_start3A_72] : memref<163840x32xf32, #tpu.memory_space<hbm>> -> memref<128x32xf32, #tpu.memory_space<hbm>>
      tpu.enqueue_dma source(%dma_start3A_73 : memref<128x32xf32, #tpu.memory_space<hbm>>) target(%dma_start3A_71 : memref<128x32xf32, #tpu.memory_space<vmem>>) target_semaphore(%arg12 : memref<!tpu.dma_semaphore, #tpu.memory_space<semaphore_mem>>)
      %mul3A_74 = arith.constant 8 : i32
      %mul3A_75 = arith.muli %scan3A_14, %mul3A_74 : i32
      %add3A_76 = arith.constant 3 : i32
      %add3A_77 = arith.addi %mul3A_75, %add3A_76 : i32
      %add3A_78 = arith.addi %mul3A_4, %add3A_77 : i32
      %mul3A_79 = arith.constant 128 : i32
      %mul3A_80 = arith.muli %add3A_78, %mul3A_79 : i32
      %dma_start3A_81 = arith.constant 3 : i32
      %dma_start3A_82 = arith.constant 0 : i32
      %dma_start3A_83 = arith.constant 0 : i32
      %dma_start3A_84 = tpu.memref_slice %arg8[%dma_start3A_81, %dma_start3A_82, %dma_start3A_83] : memref<8x128x32xf32, #tpu.memory_space<vmem>> -> memref<1x128x32xf32, #tpu.memory_space<vmem>>
      %dma_start3A_85 = tpu.memref_squeeze %dma_start3A_84 : memref<1x128x32xf32, #tpu.memory_space<vmem>> -> memref<128x32xf32, #tpu.memory_space<vmem>>
      %dma_start3A_86 = arith.constant 0 : i32
      %dma_start3A_87 = tpu.memref_slice %arg2[%mul3A_80, %dma_start3A_86] : memref<163840x32xf32, #tpu.memory_space<hbm>> -> memref<128x32xf32, #tpu.memory_space<hbm>>
      %dma_start3A_88 = arith.constant 0 : i32
      %dma_start3A_89 = arith.constant 0 : i32
      %dma_start3A_90 = tpu.memref_slice %arg8[%dma_start3A_81, %dma_start3A_88, %dma_start3A_89] : memref<8x128x32xf32, #tpu.memory_space<vmem>> -> memref<1x128x32xf32, #tpu.memory_space<vmem>>
      %dma_start3A_91 = tpu.memref_squeeze %dma_start3A_90 : memref<1x128x32xf32, #tpu.memory_space<vmem>> -> memref<128x32xf32, #tpu.memory_space<vmem>>
      %dma_start3A_92 = arith.constant 0 : i32
      %dma_start3A_93 = tpu.memref_slice %arg2[%mul3A_80, %dma_start3A_92] : memref<163840x32xf32, #tpu.memory_space<hbm>> -> memref<128x32xf32, #tpu.memory_space<hbm>>
      tpu.enqueue_dma source(%dma_start3A_93 : memref<128x32xf32, #tpu.memory_space<hbm>>) target(%dma_start3A_91 : memref<128x32xf32, #tpu.memory_space<vmem>>) target_semaphore(%arg13 : memref<!tpu.dma_semaphore, #tpu.memory_space<semaphore_mem>>)
      %mul3A_94 = arith.constant 8 : i32
      %mul3A_95 = arith.muli %scan3A_14, %mul3A_94 : i32
      %add3A_96 = arith.constant 4 : i32
      %add3A_97 = arith.addi %mul3A_95, %add3A_96 : i32
      %add3A_98 = arith.addi %mul3A_4, %add3A_97 : i32
      %mul3A_99 = arith.constant 128 : i32
      %mul3A_100 = arith.muli %add3A_98, %mul3A_99 : i32
      %dma_start3A_101 = arith.constant 4 : i32
      %dma_start3A_102 = arith.constant 0 : i32
      %dma_start3A_103 = arith.constant 0 : i32
      %dma_start3A_104 = tpu.memref_slice %arg8[%dma_start3A_101, %dma_start3A_102, %dma_start3A_103] : memref<8x128x32xf32, #tpu.memory_space<vmem>> -> memref<1x128x32xf32, #tpu.memory_space<vmem>>
      %dma_start3A_105 = tpu.memref_squeeze %dma_start3A_104 : memref<1x128x32xf32, #tpu.memory_space<vmem>> -> memref<128x32xf32, #tpu.memory_space<vmem>>
      %dma_start3A_106 = arith.constant 0 : i32
      %dma_start3A_107 = tpu.memref_slice %arg2[%mul3A_100, %dma_start3A_106] : memref<163840x32xf32, #tpu.memory_space<hbm>> -> memref<128x32xf32, #tpu.memory_space<hbm>>
      %dma_start3A_108 = arith.constant 0 : i32
      %dma_start3A_109 = arith.constant 0 : i32
      %dma_start3A_110 = tpu.memref_slice %arg8[%dma_start3A_101, %dma_start3A_108, %dma_start3A_109] : memref<8x128x32xf32, #tpu.memory_space<vmem>> -> memref<1x128x32xf32, #tpu.memory_space<vmem>>
      %dma_start3A_111 = tpu.memref_squeeze %dma_start3A_110 : memref<1x128x32xf32, #tpu.memory_space<vmem>> -> memref<128x32xf32, #tpu.memory_space<vmem>>
      %dma_start3A_112 = arith.constant 0 : i32
      %dma_start3A_113 = tpu.memref_slice %arg2[%mul3A_100, %dma_start3A_112] : memref<163840x32xf32, #tpu.memory_space<hbm>> -> memref<128x32xf32, #tpu.memory_space<hbm>>
      tpu.enqueue_dma source(%dma_start3A_113 : memref<128x32xf32, #tpu.memory_space<hbm>>) target(%dma_start3A_111 : memref<128x32xf32, #tpu.memory_space<vmem>>) target_semaphore(%arg14 : memref<!tpu.dma_semaphore, #tpu.memory_space<semaphore_mem>>)
      %mul3A_114 = arith.constant 8 : i32
      %mul3A_115 = arith.muli %scan3A_14, %mul3A_114 : i32
      %add3A_116 = arith.constant 5 : i32
      %add3A_117 = arith.addi %mul3A_115, %add3A_116 : i32
      %add3A_118 = arith.addi %mul3A_4, %add3A_117 : i32
      %mul3A_119 = arith.constant 128 : i32
      %mul3A_120 = arith.muli %add3A_118, %mul3A_119 : i32
      %dma_start3A_121 = arith.constant 5 : i32
      %dma_start3A_122 = arith.constant 0 : i32
      %dma_start3A_123 = arith.constant 0 : i32
      %dma_start3A_124 = tpu.memref_slice %arg8[%dma_start3A_121, %dma_start3A_122, %dma_start3A_123] : memref<8x128x32xf32, #tpu.memory_space<vmem>> -> memref<1x128x32xf32, #tpu.memory_space<vmem>>
      %dma_start3A_125 = tpu.memref_squeeze %dma_start3A_124 : memref<1x128x32xf32, #tpu.memory_space<vmem>> -> memref<128x32xf32, #tpu.memory_space<vmem>>
      %dma_start3A_126 = arith.constant 0 : i32
      %dma_start3A_127 = tpu.memref_slice %arg2[%mul3A_120, %dma_start3A_126] : memref<163840x32xf32, #tpu.memory_space<hbm>> -> memref<128x32xf32, #tpu.memory_space<hbm>>
      %dma_start3A_128 = arith.constant 0 : i32
      %dma_start3A_129 = arith.constant 0 : i32
      %dma_start3A_130 = tpu.memref_slice %arg8[%dma_start3A_121, %dma_start3A_128, %dma_start3A_129] : memref<8x128x32xf32, #tpu.memory_space<vmem>> -> memref<1x128x32xf32, #tpu.memory_space<vmem>>
      %dma_start3A_131 = tpu.memref_squeeze %dma_start3A_130 : memref<1x128x32xf32, #tpu.memory_space<vmem>> -> memref<128x32xf32, #tpu.memory_space<vmem>>
      %dma_start3A_132 = arith.constant 0 : i32
      %dma_start3A_133 = tpu.memref_slice %arg2[%mul3A_120, %dma_start3A_132] : memref<163840x32xf32, #tpu.memory_space<hbm>> -> memref<128x32xf32, #tpu.memory_space<hbm>>
      tpu.enqueue_dma source(%dma_start3A_133 : memref<128x32xf32, #tpu.memory_space<hbm>>) target(%dma_start3A_131 : memref<128x32xf32, #tpu.memory_space<vmem>>) target_semaphore(%arg15 : memref<!tpu.dma_semaphore, #tpu.memory_space<semaphore_mem>>)
      %mul3A_134 = arith.constant 8 : i32
      %mul3A_135 = arith.muli %scan3A_14, %mul3A_134 : i32
      %add3A_136 = arith.constant 6 : i32
      %add3A_137 = arith.addi %mul3A_135, %add3A_136 : i32
      %add3A_138 = arith.addi %mul3A_4, %add3A_137 : i32
      %mul3A_139 = arith.constant 128 : i32
      %mul3A_140 = arith.muli %add3A_138, %mul3A_139 : i32
      %dma_start3A_141 = arith.constant 6 : i32
      %dma_start3A_142 = arith.constant 0 : i32
      %dma_start3A_143 = arith.constant 0 : i32
      %dma_start3A_144 = tpu.memref_slice %arg8[%dma_start3A_141, %dma_start3A_142, %dma_start3A_143] : memref<8x128x32xf32, #tpu.memory_space<vmem>> -> memref<1x128x32xf32, #tpu.memory_space<vmem>>
      %dma_start3A_145 = tpu.memref_squeeze %dma_start3A_144 : memref<1x128x32xf32, #tpu.memory_space<vmem>> -> memref<128x32xf32, #tpu.memory_space<vmem>>
      %dma_start3A_146 = arith.constant 0 : i32
      %dma_start3A_147 = tpu.memref_slice %arg2[%mul3A_140, %dma_start3A_146] : memref<163840x32xf32, #tpu.memory_space<hbm>> -> memref<128x32xf32, #tpu.memory_space<hbm>>
      %dma_start3A_148 = arith.constant 0 : i32
      %dma_start3A_149 = arith.constant 0 : i32
      %dma_start3A_150 = tpu.memref_slice %arg8[%dma_start3A_141, %dma_start3A_148, %dma_start3A_149] : memref<8x128x32xf32, #tpu.memory_space<vmem>> -> memref<1x128x32xf32, #tpu.memory_space<vmem>>
      %dma_start3A_151 = tpu.memref_squeeze %dma_start3A_150 : memref<1x128x32xf32, #tpu.memory_space<vmem>> -> memref<128x32xf32, #tpu.memory_space<vmem>>
      %dma_start3A_152 = arith.constant 0 : i32
      %dma_start3A_153 = tpu.memref_slice %arg2[%mul3A_140, %dma_start3A_152] : memref<163840x32xf32, #tpu.memory_space<hbm>> -> memref<128x32xf32, #tpu.memory_space<hbm>>
      tpu.enqueue_dma source(%dma_start3A_153 : memref<128x32xf32, #tpu.memory_space<hbm>>) target(%dma_start3A_151 : memref<128x32xf32, #tpu.memory_space<vmem>>) target_semaphore(%arg16 : memref<!tpu.dma_semaphore, #tpu.memory_space<semaphore_mem>>)
      %mul3A_154 = arith.constant 8 : i32
      %mul3A_155 = arith.muli %scan3A_14, %mul3A_154 : i32
      %add3A_156 = arith.constant 7 : i32
      %add3A_157 = arith.addi %mul3A_155, %add3A_156 : i32
      %add3A_158 = arith.addi %mul3A_4, %add3A_157 : i32
      %mul3A_159 = arith.constant 128 : i32
      %mul3A_160 = arith.muli %add3A_158, %mul3A_159 : i32
      %dma_start3A_161 = arith.constant 7 : i32
      %dma_start3A_162 = arith.constant 0 : i32
      %dma_start3A_163 = arith.constant 0 : i32
      %dma_start3A_164 = tpu.memref_slice %arg8[%dma_start3A_161, %dma_start3A_162, %dma_start3A_163] : memref<8x128x32xf32, #tpu.memory_space<vmem>> -> memref<1x128x32xf32, #tpu.memory_space<vmem>>
      %dma_start3A_165 = tpu.memref_squeeze %dma_start3A_164 : memref<1x128x32xf32, #tpu.memory_space<vmem>> -> memref<128x32xf32, #tpu.memory_space<vmem>>
      %dma_start3A_166 = arith.constant 0 : i32
      %dma_start3A_167 = tpu.memref_slice %arg2[%mul3A_160, %dma_start3A_166] : memref<163840x32xf32, #tpu.memory_space<hbm>> -> memref<128x32xf32, #tpu.memory_space<hbm>>
      %dma_start3A_168 = arith.constant 0 : i32
      %dma_start3A_169 = arith.constant 0 : i32
      %dma_start3A_170 = tpu.memref_slice %arg8[%dma_start3A_161, %dma_start3A_168, %dma_start3A_169] : memref<8x128x32xf32, #tpu.memory_space<vmem>> -> memref<1x128x32xf32, #tpu.memory_space<vmem>>
      %dma_start3A_171 = tpu.memref_squeeze %dma_start3A_170 : memref<1x128x32xf32, #tpu.memory_space<vmem>> -> memref<128x32xf32, #tpu.memory_space<vmem>>
      %dma_start3A_172 = arith.constant 0 : i32
      %dma_start3A_173 = tpu.memref_slice %arg2[%mul3A_160, %dma_start3A_172] : memref<163840x32xf32, #tpu.memory_space<hbm>> -> memref<128x32xf32, #tpu.memory_space<hbm>>
      tpu.enqueue_dma source(%dma_start3A_173 : memref<128x32xf32, #tpu.memory_space<hbm>>) target(%dma_start3A_171 : memref<128x32xf32, #tpu.memory_space<vmem>>) target_semaphore(%arg17 : memref<!tpu.dma_semaphore, #tpu.memory_space<semaphore_mem>>)
      %mul3A_174 = arith.constant 8 : i32
      %mul3A_175 = arith.muli %scan3A_14, %mul3A_174 : i32
      %add3A_176 = arith.constant 0 : i32
      %add3A_177 = arith.addi %mul3A_175, %add3A_176 : i32
      %dma_wait3A = arith.constant 0 : i32
      %dma_wait3A_178 = arith.constant 0 : i32
      %dma_wait3A_179 = arith.constant 0 : i32
      %dma_wait3A_180 = tpu.memref_slice %arg8[%dma_wait3A, %dma_wait3A_178, %dma_wait3A_179] : memref<8x128x32xf32, #tpu.memory_space<vmem>> -> memref<1x128x32xf32, #tpu.memory_space<vmem>>
      %dma_wait3A_181 = tpu.memref_squeeze %dma_wait3A_180 : memref<1x128x32xf32, #tpu.memory_space<vmem>> -> memref<128x32xf32, #tpu.memory_space<vmem>>
      %dma_wait3A_182 = arith.constant 0 : i32
      %dma_wait3A_183 = tpu.memref_slice %arg2[%mul3A_21, %dma_wait3A_182] : memref<163840x32xf32, #tpu.memory_space<hbm>> -> memref<128x32xf32, #tpu.memory_space<hbm>>
      %dma_wait3A_184 = arith.constant 0 : i32
      %dma_wait3A_185 = arith.constant 0 : i32
      %dma_wait3A_186 = tpu.memref_slice %arg8[%dma_wait3A, %dma_wait3A_184, %dma_wait3A_185] : memref<8x128x32xf32, #tpu.memory_space<vmem>> -> memref<1x128x32xf32, #tpu.memory_space<vmem>>
      %dma_wait3A_187 = tpu.memref_squeeze %dma_wait3A_186 : memref<1x128x32xf32, #tpu.memory_space<vmem>> -> memref<128x32xf32, #tpu.memory_space<vmem>>
      %dma_wait3A_188 = arith.constant 0 : i32
      %dma_wait3A_189 = tpu.memref_slice %arg2[%mul3A_21, %dma_wait3A_188] : memref<163840x32xf32, #tpu.memory_space<hbm>> -> memref<128x32xf32, #tpu.memory_space<hbm>>
      tpu.wait_dma2 semaphore(%arg10 : memref<!tpu.dma_semaphore, #tpu.memory_space<semaphore_mem>>) src(%dma_wait3A_189 : memref<128x32xf32, #tpu.memory_space<hbm>>) dst(%dma_wait3A_187 : memref<128x32xf32, #tpu.memory_space<vmem>>)
      %run_scoped3A = arith.constant 0 : i32
      "tpu.region"() ({
        %run_scoped3A_316 = tpu.sem_alloc : memref<!tpu.dma_semaphore, #tpu.memory_space<semaphore_mem>>
        %dma_start3A_317 = arith.constant 0 : i32
        %dma_start3A_318 = arith.constant 0 : i32
        %dma_start3A_319 = tpu.memref_slice %arg8[%run_scoped3A, %dma_start3A_317, %dma_start3A_318] : memref<8x128x32xf32, #tpu.memory_space<vmem>> -> memref<1x128x32xf32, #tpu.memory_space<vmem>>
        %dma_start3A_320 = tpu.memref_squeeze %dma_start3A_319 : memref<1x128x32xf32, #tpu.memory_space<vmem>> -> memref<128x32xf32, #tpu.memory_space<vmem>>
        %dma_start3A_321 = arith.constant 0 : i32
        %dma_start3A_322 = tpu.memref_slice %arg7[%add3A_177, %dma_start3A_321] : memref<40x128xi32, #tpu.memory_space<vmem>> -> memref<1x128xi32, #tpu.memory_space<vmem>>
        %dma_start3A_323 = tpu.memref_squeeze %dma_start3A_322 : memref<1x128xi32, #tpu.memory_space<vmem>> -> memref<128xi32, #tpu.memory_space<vmem>>
        %dma_start3A_324 = arith.constant 0 : i32
        %dma_start3A_325 = arith.constant 0 : i32
        %dma_start3A_326 = tpu.memref_slice %arg6[%dma_start3A_324, %dma_start3A_325] : memref<10016x32xf32, #tpu.memory_space<vmem_shared>> -> memref<10016x32xf32, #tpu.memory_space<vmem_shared>>
        tpu.enqueue_indirect_dma source(%dma_start3A_320 : memref<128x32xf32, #tpu.memory_space<vmem>>) target(%dma_start3A_326 : memref<10016x32xf32, #tpu.memory_space<vmem_shared>>) offsets(%dma_start3A_323 : memref<128xi32, #tpu.memory_space<vmem>>) semaphore(%run_scoped3A_316 : memref<!tpu.dma_semaphore, #tpu.memory_space<semaphore_mem>>) {add = true}
        %dma_wait3A_327 = arith.constant 0 : i32
        %dma_wait3A_328 = arith.constant 0 : i32
        %dma_wait3A_329 = tpu.memref_slice %arg8[%run_scoped3A, %dma_wait3A_327, %dma_wait3A_328] : memref<8x128x32xf32, #tpu.memory_space<vmem>> -> memref<1x128x32xf32, #tpu.memory_space<vmem>>
        %dma_wait3A_330 = tpu.memref_squeeze %dma_wait3A_329 : memref<1x128x32xf32, #tpu.memory_space<vmem>> -> memref<128x32xf32, #tpu.memory_space<vmem>>
        %dma_wait3A_331 = arith.constant 0 : i32
        %dma_wait3A_332 = tpu.memref_slice %arg7[%add3A_177, %dma_wait3A_331] : memref<40x128xi32, #tpu.memory_space<vmem>> -> memref<1x128xi32, #tpu.memory_space<vmem>>
        %dma_wait3A_333 = tpu.memref_squeeze %dma_wait3A_332 : memref<1x128xi32, #tpu.memory_space<vmem>> -> memref<128xi32, #tpu.memory_space<vmem>>
        %dma_wait3A_334 = arith.constant 0 : i32
        %dma_wait3A_335 = arith.constant 0 : i32
        %dma_wait3A_336 = tpu.memref_slice %arg6[%dma_wait3A_334, %dma_wait3A_335] : memref<10016x32xf32, #tpu.memory_space<vmem_shared>> -> memref<10016x32xf32, #tpu.memory_space<vmem_shared>>
        tpu.wait_indirect_dma semaphore(%run_scoped3A_316 : memref<!tpu.dma_semaphore, #tpu.memory_space<semaphore_mem>>) src(%dma_wait3A_330 : memref<128x32xf32, #tpu.memory_space<vmem>>) dst(%dma_wait3A_336 : memref<10016x32xf32, #tpu.memory_space<vmem_shared>>)
        tpu.yield
      }) : () -> ()
      %mul3A_190 = arith.constant 8 : i32
      %mul3A_191 = arith.muli %scan3A_14, %mul3A_190 : i32
      %add3A_192 = arith.constant 1 : i32
      %add3A_193 = arith.addi %mul3A_191, %add3A_192 : i32
      %dma_wait3A_194 = arith.constant 1 : i32
      %dma_wait3A_195 = arith.constant 0 : i32
      %dma_wait3A_196 = arith.constant 0 : i32
      %dma_wait3A_197 = tpu.memref_slice %arg8[%dma_wait3A_194, %dma_wait3A_195, %dma_wait3A_196] : memref<8x128x32xf32, #tpu.memory_space<vmem>> -> memref<1x128x32xf32, #tpu.memory_space<vmem>>
      %dma_wait3A_198 = tpu.memref_squeeze %dma_wait3A_197 : memref<1x128x32xf32, #tpu.memory_space<vmem>> -> memref<128x32xf32, #tpu.memory_space<vmem>>
      %dma_wait3A_199 = arith.constant 0 : i32
      %dma_wait3A_200 = tpu.memref_slice %arg2[%mul3A_40, %dma_wait3A_199] : memref<163840x32xf32, #tpu.memory_space<hbm>> -> memref<128x32xf32, #tpu.memory_space<hbm>>
      %dma_wait3A_201 = arith.constant 0 : i32
      %dma_wait3A_202 = arith.constant 0 : i32
      %dma_wait3A_203 = tpu.memref_slice %arg8[%dma_wait3A_194, %dma_wait3A_201, %dma_wait3A_202] : memref<8x128x32xf32, #tpu.memory_space<vmem>> -> memref<1x128x32xf32, #tpu.memory_space<vmem>>
      %dma_wait3A_204 = tpu.memref_squeeze %dma_wait3A_203 : memref<1x128x32xf32, #tpu.memory_space<vmem>> -> memref<128x32xf32, #tpu.memory_space<vmem>>
      %dma_wait3A_205 = arith.constant 0 : i32
      %dma_wait3A_206 = tpu.memref_slice %arg2[%mul3A_40, %dma_wait3A_205] : memref<163840x32xf32, #tpu.memory_space<hbm>> -> memref<128x32xf32, #tpu.memory_space<hbm>>
      tpu.wait_dma2 semaphore(%arg11 : memref<!tpu.dma_semaphore, #tpu.memory_space<semaphore_mem>>) src(%dma_wait3A_206 : memref<128x32xf32, #tpu.memory_space<hbm>>) dst(%dma_wait3A_204 : memref<128x32xf32, #tpu.memory_space<vmem>>)
      %run_scoped3A_207 = arith.constant 1 : i32
      "tpu.region"() ({
        %run_scoped3A_316 = tpu.sem_alloc : memref<!tpu.dma_semaphore, #tpu.memory_space<semaphore_mem>>
        %dma_start3A_317 = arith.constant 0 : i32
        %dma_start3A_318 = arith.constant 0 : i32
        %dma_start3A_319 = tpu.memref_slice %arg8[%run_scoped3A_207, %dma_start3A_317, %dma_start3A_318] : memref<8x128x32xf32, #tpu.memory_space<vmem>> -> memref<1x128x32xf32, #tpu.memory_space<vmem>>
        %dma_start3A_320 = tpu.memref_squeeze %dma_start3A_319 : memref<1x128x32xf32, #tpu.memory_space<vmem>> -> memref<128x32xf32, #tpu.memory_space<vmem>>
        %dma_start3A_321 = arith.constant 0 : i32
        %dma_start3A_322 = tpu.memref_slice %arg7[%add3A_193, %dma_start3A_321] : memref<40x128xi32, #tpu.memory_space<vmem>> -> memref<1x128xi32, #tpu.memory_space<vmem>>
        %dma_start3A_323 = tpu.memref_squeeze %dma_start3A_322 : memref<1x128xi32, #tpu.memory_space<vmem>> -> memref<128xi32, #tpu.memory_space<vmem>>
        %dma_start3A_324 = arith.constant 0 : i32
        %dma_start3A_325 = arith.constant 0 : i32
        %dma_start3A_326 = tpu.memref_slice %arg6[%dma_start3A_324, %dma_start3A_325] : memref<10016x32xf32, #tpu.memory_space<vmem_shared>> -> memref<10016x32xf32, #tpu.memory_space<vmem_shared>>
        tpu.enqueue_indirect_dma source(%dma_start3A_320 : memref<128x32xf32, #tpu.memory_space<vmem>>) target(%dma_start3A_326 : memref<10016x32xf32, #tpu.memory_space<vmem_shared>>) offsets(%dma_start3A_323 : memref<128xi32, #tpu.memory_space<vmem>>) semaphore(%run_scoped3A_316 : memref<!tpu.dma_semaphore, #tpu.memory_space<semaphore_mem>>) {add = true}
        %dma_wait3A_327 = arith.constant 0 : i32
        %dma_wait3A_328 = arith.constant 0 : i32
        %dma_wait3A_329 = tpu.memref_slice %arg8[%run_scoped3A_207, %dma_wait3A_327, %dma_wait3A_328] : memref<8x128x32xf32, #tpu.memory_space<vmem>> -> memref<1x128x32xf32, #tpu.memory_space<vmem>>
        %dma_wait3A_330 = tpu.memref_squeeze %dma_wait3A_329 : memref<1x128x32xf32, #tpu.memory_space<vmem>> -> memref<128x32xf32, #tpu.memory_space<vmem>>
        %dma_wait3A_331 = arith.constant 0 : i32
        %dma_wait3A_332 = tpu.memref_slice %arg7[%add3A_193, %dma_wait3A_331] : memref<40x128xi32, #tpu.memory_space<vmem>> -> memref<1x128xi32, #tpu.memory_space<vmem>>
        %dma_wait3A_333 = tpu.memref_squeeze %dma_wait3A_332 : memref<1x128xi32, #tpu.memory_space<vmem>> -> memref<128xi32, #tpu.memory_space<vmem>>
        %dma_wait3A_334 = arith.constant 0 : i32
        %dma_wait3A_335 = arith.constant 0 : i32
        %dma_wait3A_336 = tpu.memref_slice %arg6[%dma_wait3A_334, %dma_wait3A_335] : memref<10016x32xf32, #tpu.memory_space<vmem_shared>> -> memref<10016x32xf32, #tpu.memory_space<vmem_shared>>
        tpu.wait_indirect_dma semaphore(%run_scoped3A_316 : memref<!tpu.dma_semaphore, #tpu.memory_space<semaphore_mem>>) src(%dma_wait3A_330 : memref<128x32xf32, #tpu.memory_space<vmem>>) dst(%dma_wait3A_336 : memref<10016x32xf32, #tpu.memory_space<vmem_shared>>)
        tpu.yield
      }) : () -> ()
      %mul3A_208 = arith.constant 8 : i32
      %mul3A_209 = arith.muli %scan3A_14, %mul3A_208 : i32
      %add3A_210 = arith.constant 2 : i32
      %add3A_211 = arith.addi %mul3A_209, %add3A_210 : i32
      %dma_wait3A_212 = arith.constant 2 : i32
      %dma_wait3A_213 = arith.constant 0 : i32
      %dma_wait3A_214 = arith.constant 0 : i32
      %dma_wait3A_215 = tpu.memref_slice %arg8[%dma_wait3A_212, %dma_wait3A_213, %dma_wait3A_214] : memref<8x128x32xf32, #tpu.memory_space<vmem>> -> memref<1x128x32xf32, #tpu.memory_space<vmem>>
      %dma_wait3A_216 = tpu.memref_squeeze %dma_wait3A_215 : memref<1x128x32xf32, #tpu.memory_space<vmem>> -> memref<128x32xf32, #tpu.memory_space<vmem>>
      %dma_wait3A_217 = arith.constant 0 : i32
      %dma_wait3A_218 = tpu.memref_slice %arg2[%mul3A_60, %dma_wait3A_217] : memref<163840x32xf32, #tpu.memory_space<hbm>> -> memref<128x32xf32, #tpu.memory_space<hbm>>
      %dma_wait3A_219 = arith.constant 0 : i32
      %dma_wait3A_220 = arith.constant 0 : i32
      %dma_wait3A_221 = tpu.memref_slice %arg8[%dma_wait3A_212, %dma_wait3A_219, %dma_wait3A_220] : memref<8x128x32xf32, #tpu.memory_space<vmem>> -> memref<1x128x32xf32, #tpu.memory_space<vmem>>
      %dma_wait3A_222 = tpu.memref_squeeze %dma_wait3A_221 : memref<1x128x32xf32, #tpu.memory_space<vmem>> -> memref<128x32xf32, #tpu.memory_space<vmem>>
      %dma_wait3A_223 = arith.constant 0 : i32
      %dma_wait3A_224 = tpu.memref_slice %arg2[%mul3A_60, %dma_wait3A_223] : memref<163840x32xf32, #tpu.memory_space<hbm>> -> memref<128x32xf32, #tpu.memory_space<hbm>>
      tpu.wait_dma2 semaphore(%arg12 : memref<!tpu.dma_semaphore, #tpu.memory_space<semaphore_mem>>) src(%dma_wait3A_224 : memref<128x32xf32, #tpu.memory_space<hbm>>) dst(%dma_wait3A_222 : memref<128x32xf32, #tpu.memory_space<vmem>>)
      %run_scoped3A_225 = arith.constant 2 : i32
      "tpu.region"() ({
        %run_scoped3A_316 = tpu.sem_alloc : memref<!tpu.dma_semaphore, #tpu.memory_space<semaphore_mem>>
        %dma_start3A_317 = arith.constant 0 : i32
        %dma_start3A_318 = arith.constant 0 : i32
        %dma_start3A_319 = tpu.memref_slice %arg8[%run_scoped3A_225, %dma_start3A_317, %dma_start3A_318] : memref<8x128x32xf32, #tpu.memory_space<vmem>> -> memref<1x128x32xf32, #tpu.memory_space<vmem>>
        %dma_start3A_320 = tpu.memref_squeeze %dma_start3A_319 : memref<1x128x32xf32, #tpu.memory_space<vmem>> -> memref<128x32xf32, #tpu.memory_space<vmem>>
        %dma_start3A_321 = arith.constant 0 : i32
        %dma_start3A_322 = tpu.memref_slice %arg7[%add3A_211, %dma_start3A_321] : memref<40x128xi32, #tpu.memory_space<vmem>> -> memref<1x128xi32, #tpu.memory_space<vmem>>
        %dma_start3A_323 = tpu.memref_squeeze %dma_start3A_322 : memref<1x128xi32, #tpu.memory_space<vmem>> -> memref<128xi32, #tpu.memory_space<vmem>>
        %dma_start3A_324 = arith.constant 0 : i32
        %dma_start3A_325 = arith.constant 0 : i32
        %dma_start3A_326 = tpu.memref_slice %arg6[%dma_start3A_324, %dma_start3A_325] : memref<10016x32xf32, #tpu.memory_space<vmem_shared>> -> memref<10016x32xf32, #tpu.memory_space<vmem_shared>>
        tpu.enqueue_indirect_dma source(%dma_start3A_320 : memref<128x32xf32, #tpu.memory_space<vmem>>) target(%dma_start3A_326 : memref<10016x32xf32, #tpu.memory_space<vmem_shared>>) offsets(%dma_start3A_323 : memref<128xi32, #tpu.memory_space<vmem>>) semaphore(%run_scoped3A_316 : memref<!tpu.dma_semaphore, #tpu.memory_space<semaphore_mem>>) {add = true}
        %dma_wait3A_327 = arith.constant 0 : i32
        %dma_wait3A_328 = arith.constant 0 : i32
        %dma_wait3A_329 = tpu.memref_slice %arg8[%run_scoped3A_225, %dma_wait3A_327, %dma_wait3A_328] : memref<8x128x32xf32, #tpu.memory_space<vmem>> -> memref<1x128x32xf32, #tpu.memory_space<vmem>>
        %dma_wait3A_330 = tpu.memref_squeeze %dma_wait3A_329 : memref<1x128x32xf32, #tpu.memory_space<vmem>> -> memref<128x32xf32, #tpu.memory_space<vmem>>
        %dma_wait3A_331 = arith.constant 0 : i32
        %dma_wait3A_332 = tpu.memref_slice %arg7[%add3A_211, %dma_wait3A_331] : memref<40x128xi32, #tpu.memory_space<vmem>> -> memref<1x128xi32, #tpu.memory_space<vmem>>
        %dma_wait3A_333 = tpu.memref_squeeze %dma_wait3A_332 : memref<1x128xi32, #tpu.memory_space<vmem>> -> memref<128xi32, #tpu.memory_space<vmem>>
        %dma_wait3A_334 = arith.constant 0 : i32
        %dma_wait3A_335 = arith.constant 0 : i32
        %dma_wait3A_336 = tpu.memref_slice %arg6[%dma_wait3A_334, %dma_wait3A_335] : memref<10016x32xf32, #tpu.memory_space<vmem_shared>> -> memref<10016x32xf32, #tpu.memory_space<vmem_shared>>
        tpu.wait_indirect_dma semaphore(%run_scoped3A_316 : memref<!tpu.dma_semaphore, #tpu.memory_space<semaphore_mem>>) src(%dma_wait3A_330 : memref<128x32xf32, #tpu.memory_space<vmem>>) dst(%dma_wait3A_336 : memref<10016x32xf32, #tpu.memory_space<vmem_shared>>)
        tpu.yield
      }) : () -> ()
      %mul3A_226 = arith.constant 8 : i32
      %mul3A_227 = arith.muli %scan3A_14, %mul3A_226 : i32
      %add3A_228 = arith.constant 3 : i32
      %add3A_229 = arith.addi %mul3A_227, %add3A_228 : i32
      %dma_wait3A_230 = arith.constant 3 : i32
      %dma_wait3A_231 = arith.constant 0 : i32
      %dma_wait3A_232 = arith.constant 0 : i32
      %dma_wait3A_233 = tpu.memref_slice %arg8[%dma_wait3A_230, %dma_wait3A_231, %dma_wait3A_232] : memref<8x128x32xf32, #tpu.memory_space<vmem>> -> memref<1x128x32xf32, #tpu.memory_space<vmem>>
      %dma_wait3A_234 = tpu.memref_squeeze %dma_wait3A_233 : memref<1x128x32xf32, #tpu.memory_space<vmem>> -> memref<128x32xf32, #tpu.memory_space<vmem>>
      %dma_wait3A_235 = arith.constant 0 : i32
      %dma_wait3A_236 = tpu.memref_slice %arg2[%mul3A_80, %dma_wait3A_235] : memref<163840x32xf32, #tpu.memory_space<hbm>> -> memref<128x32xf32, #tpu.memory_space<hbm>>
      %dma_wait3A_237 = arith.constant 0 : i32
      %dma_wait3A_238 = arith.constant 0 : i32
      %dma_wait3A_239 = tpu.memref_slice %arg8[%dma_wait3A_230, %dma_wait3A_237, %dma_wait3A_238] : memref<8x128x32xf32, #tpu.memory_space<vmem>> -> memref<1x128x32xf32, #tpu.memory_space<vmem>>
      %dma_wait3A_240 = tpu.memref_squeeze %dma_wait3A_239 : memref<1x128x32xf32, #tpu.memory_space<vmem>> -> memref<128x32xf32, #tpu.memory_space<vmem>>
      %dma_wait3A_241 = arith.constant 0 : i32
      %dma_wait3A_242 = tpu.memref_slice %arg2[%mul3A_80, %dma_wait3A_241] : memref<163840x32xf32, #tpu.memory_space<hbm>> -> memref<128x32xf32, #tpu.memory_space<hbm>>
      tpu.wait_dma2 semaphore(%arg13 : memref<!tpu.dma_semaphore, #tpu.memory_space<semaphore_mem>>) src(%dma_wait3A_242 : memref<128x32xf32, #tpu.memory_space<hbm>>) dst(%dma_wait3A_240 : memref<128x32xf32, #tpu.memory_space<vmem>>)
      %run_scoped3A_243 = arith.constant 3 : i32
      "tpu.region"() ({
        %run_scoped3A_316 = tpu.sem_alloc : memref<!tpu.dma_semaphore, #tpu.memory_space<semaphore_mem>>
        %dma_start3A_317 = arith.constant 0 : i32
        %dma_start3A_318 = arith.constant 0 : i32
        %dma_start3A_319 = tpu.memref_slice %arg8[%run_scoped3A_243, %dma_start3A_317, %dma_start3A_318] : memref<8x128x32xf32, #tpu.memory_space<vmem>> -> memref<1x128x32xf32, #tpu.memory_space<vmem>>
        %dma_start3A_320 = tpu.memref_squeeze %dma_start3A_319 : memref<1x128x32xf32, #tpu.memory_space<vmem>> -> memref<128x32xf32, #tpu.memory_space<vmem>>
        %dma_start3A_321 = arith.constant 0 : i32
        %dma_start3A_322 = tpu.memref_slice %arg7[%add3A_229, %dma_start3A_321] : memref<40x128xi32, #tpu.memory_space<vmem>> -> memref<1x128xi32, #tpu.memory_space<vmem>>
        %dma_start3A_323 = tpu.memref_squeeze %dma_start3A_322 : memref<1x128xi32, #tpu.memory_space<vmem>> -> memref<128xi32, #tpu.memory_space<vmem>>
        %dma_start3A_324 = arith.constant 0 : i32
        %dma_start3A_325 = arith.constant 0 : i32
        %dma_start3A_326 = tpu.memref_slice %arg6[%dma_start3A_324, %dma_start3A_325] : memref<10016x32xf32, #tpu.memory_space<vmem_shared>> -> memref<10016x32xf32, #tpu.memory_space<vmem_shared>>
        tpu.enqueue_indirect_dma source(%dma_start3A_320 : memref<128x32xf32, #tpu.memory_space<vmem>>) target(%dma_start3A_326 : memref<10016x32xf32, #tpu.memory_space<vmem_shared>>) offsets(%dma_start3A_323 : memref<128xi32, #tpu.memory_space<vmem>>) semaphore(%run_scoped3A_316 : memref<!tpu.dma_semaphore, #tpu.memory_space<semaphore_mem>>) {add = true}
        %dma_wait3A_327 = arith.constant 0 : i32
        %dma_wait3A_328 = arith.constant 0 : i32
        %dma_wait3A_329 = tpu.memref_slice %arg8[%run_scoped3A_243, %dma_wait3A_327, %dma_wait3A_328] : memref<8x128x32xf32, #tpu.memory_space<vmem>> -> memref<1x128x32xf32, #tpu.memory_space<vmem>>
        %dma_wait3A_330 = tpu.memref_squeeze %dma_wait3A_329 : memref<1x128x32xf32, #tpu.memory_space<vmem>> -> memref<128x32xf32, #tpu.memory_space<vmem>>
        %dma_wait3A_331 = arith.constant 0 : i32
        %dma_wait3A_332 = tpu.memref_slice %arg7[%add3A_229, %dma_wait3A_331] : memref<40x128xi32, #tpu.memory_space<vmem>> -> memref<1x128xi32, #tpu.memory_space<vmem>>
        %dma_wait3A_333 = tpu.memref_squeeze %dma_wait3A_332 : memref<1x128xi32, #tpu.memory_space<vmem>> -> memref<128xi32, #tpu.memory_space<vmem>>
        %dma_wait3A_334 = arith.constant 0 : i32
        %dma_wait3A_335 = arith.constant 0 : i32
        %dma_wait3A_336 = tpu.memref_slice %arg6[%dma_wait3A_334, %dma_wait3A_335] : memref<10016x32xf32, #tpu.memory_space<vmem_shared>> -> memref<10016x32xf32, #tpu.memory_space<vmem_shared>>
        tpu.wait_indirect_dma semaphore(%run_scoped3A_316 : memref<!tpu.dma_semaphore, #tpu.memory_space<semaphore_mem>>) src(%dma_wait3A_330 : memref<128x32xf32, #tpu.memory_space<vmem>>) dst(%dma_wait3A_336 : memref<10016x32xf32, #tpu.memory_space<vmem_shared>>)
        tpu.yield
      }) : () -> ()
      %mul3A_244 = arith.constant 8 : i32
      %mul3A_245 = arith.muli %scan3A_14, %mul3A_244 : i32
      %add3A_246 = arith.constant 4 : i32
      %add3A_247 = arith.addi %mul3A_245, %add3A_246 : i32
      %dma_wait3A_248 = arith.constant 4 : i32
      %dma_wait3A_249 = arith.constant 0 : i32
      %dma_wait3A_250 = arith.constant 0 : i32
      %dma_wait3A_251 = tpu.memref_slice %arg8[%dma_wait3A_248, %dma_wait3A_249, %dma_wait3A_250] : memref<8x128x32xf32, #tpu.memory_space<vmem>> -> memref<1x128x32xf32, #tpu.memory_space<vmem>>
      %dma_wait3A_252 = tpu.memref_squeeze %dma_wait3A_251 : memref<1x128x32xf32, #tpu.memory_space<vmem>> -> memref<128x32xf32, #tpu.memory_space<vmem>>
      %dma_wait3A_253 = arith.constant 0 : i32
      %dma_wait3A_254 = tpu.memref_slice %arg2[%mul3A_100, %dma_wait3A_253] : memref<163840x32xf32, #tpu.memory_space<hbm>> -> memref<128x32xf32, #tpu.memory_space<hbm>>
      %dma_wait3A_255 = arith.constant 0 : i32
      %dma_wait3A_256 = arith.constant 0 : i32
      %dma_wait3A_257 = tpu.memref_slice %arg8[%dma_wait3A_248, %dma_wait3A_255, %dma_wait3A_256] : memref<8x128x32xf32, #tpu.memory_space<vmem>> -> memref<1x128x32xf32, #tpu.memory_space<vmem>>
      %dma_wait3A_258 = tpu.memref_squeeze %dma_wait3A_257 : memref<1x128x32xf32, #tpu.memory_space<vmem>> -> memref<128x32xf32, #tpu.memory_space<vmem>>
      %dma_wait3A_259 = arith.constant 0 : i32
      %dma_wait3A_260 = tpu.memref_slice %arg2[%mul3A_100, %dma_wait3A_259] : memref<163840x32xf32, #tpu.memory_space<hbm>> -> memref<128x32xf32, #tpu.memory_space<hbm>>
      tpu.wait_dma2 semaphore(%arg14 : memref<!tpu.dma_semaphore, #tpu.memory_space<semaphore_mem>>) src(%dma_wait3A_260 : memref<128x32xf32, #tpu.memory_space<hbm>>) dst(%dma_wait3A_258 : memref<128x32xf32, #tpu.memory_space<vmem>>)
      %run_scoped3A_261 = arith.constant 4 : i32
      "tpu.region"() ({
        %run_scoped3A_316 = tpu.sem_alloc : memref<!tpu.dma_semaphore, #tpu.memory_space<semaphore_mem>>
        %dma_start3A_317 = arith.constant 0 : i32
        %dma_start3A_318 = arith.constant 0 : i32
        %dma_start3A_319 = tpu.memref_slice %arg8[%run_scoped3A_261, %dma_start3A_317, %dma_start3A_318] : memref<8x128x32xf32, #tpu.memory_space<vmem>> -> memref<1x128x32xf32, #tpu.memory_space<vmem>>
        %dma_start3A_320 = tpu.memref_squeeze %dma_start3A_319 : memref<1x128x32xf32, #tpu.memory_space<vmem>> -> memref<128x32xf32, #tpu.memory_space<vmem>>
        %dma_start3A_321 = arith.constant 0 : i32
        %dma_start3A_322 = tpu.memref_slice %arg7[%add3A_247, %dma_start3A_321] : memref<40x128xi32, #tpu.memory_space<vmem>> -> memref<1x128xi32, #tpu.memory_space<vmem>>
        %dma_start3A_323 = tpu.memref_squeeze %dma_start3A_322 : memref<1x128xi32, #tpu.memory_space<vmem>> -> memref<128xi32, #tpu.memory_space<vmem>>
        %dma_start3A_324 = arith.constant 0 : i32
        %dma_start3A_325 = arith.constant 0 : i32
        %dma_start3A_326 = tpu.memref_slice %arg6[%dma_start3A_324, %dma_start3A_325] : memref<10016x32xf32, #tpu.memory_space<vmem_shared>> -> memref<10016x32xf32, #tpu.memory_space<vmem_shared>>
        tpu.enqueue_indirect_dma source(%dma_start3A_320 : memref<128x32xf32, #tpu.memory_space<vmem>>) target(%dma_start3A_326 : memref<10016x32xf32, #tpu.memory_space<vmem_shared>>) offsets(%dma_start3A_323 : memref<128xi32, #tpu.memory_space<vmem>>) semaphore(%run_scoped3A_316 : memref<!tpu.dma_semaphore, #tpu.memory_space<semaphore_mem>>) {add = true}
        %dma_wait3A_327 = arith.constant 0 : i32
        %dma_wait3A_328 = arith.constant 0 : i32
        %dma_wait3A_329 = tpu.memref_slice %arg8[%run_scoped3A_261, %dma_wait3A_327, %dma_wait3A_328] : memref<8x128x32xf32, #tpu.memory_space<vmem>> -> memref<1x128x32xf32, #tpu.memory_space<vmem>>
        %dma_wait3A_330 = tpu.memref_squeeze %dma_wait3A_329 : memref<1x128x32xf32, #tpu.memory_space<vmem>> -> memref<128x32xf32, #tpu.memory_space<vmem>>
        %dma_wait3A_331 = arith.constant 0 : i32
        %dma_wait3A_332 = tpu.memref_slice %arg7[%add3A_247, %dma_wait3A_331] : memref<40x128xi32, #tpu.memory_space<vmem>> -> memref<1x128xi32, #tpu.memory_space<vmem>>
        %dma_wait3A_333 = tpu.memref_squeeze %dma_wait3A_332 : memref<1x128xi32, #tpu.memory_space<vmem>> -> memref<128xi32, #tpu.memory_space<vmem>>
        %dma_wait3A_334 = arith.constant 0 : i32
        %dma_wait3A_335 = arith.constant 0 : i32
        %dma_wait3A_336 = tpu.memref_slice %arg6[%dma_wait3A_334, %dma_wait3A_335] : memref<10016x32xf32, #tpu.memory_space<vmem_shared>> -> memref<10016x32xf32, #tpu.memory_space<vmem_shared>>
        tpu.wait_indirect_dma semaphore(%run_scoped3A_316 : memref<!tpu.dma_semaphore, #tpu.memory_space<semaphore_mem>>) src(%dma_wait3A_330 : memref<128x32xf32, #tpu.memory_space<vmem>>) dst(%dma_wait3A_336 : memref<10016x32xf32, #tpu.memory_space<vmem_shared>>)
        tpu.yield
      }) : () -> ()
      %mul3A_262 = arith.constant 8 : i32
      %mul3A_263 = arith.muli %scan3A_14, %mul3A_262 : i32
      %add3A_264 = arith.constant 5 : i32
      %add3A_265 = arith.addi %mul3A_263, %add3A_264 : i32
      %dma_wait3A_266 = arith.constant 5 : i32
      %dma_wait3A_267 = arith.constant 0 : i32
      %dma_wait3A_268 = arith.constant 0 : i32
      %dma_wait3A_269 = tpu.memref_slice %arg8[%dma_wait3A_266, %dma_wait3A_267, %dma_wait3A_268] : memref<8x128x32xf32, #tpu.memory_space<vmem>> -> memref<1x128x32xf32, #tpu.memory_space<vmem>>
      %dma_wait3A_270 = tpu.memref_squeeze %dma_wait3A_269 : memref<1x128x32xf32, #tpu.memory_space<vmem>> -> memref<128x32xf32, #tpu.memory_space<vmem>>
      %dma_wait3A_271 = arith.constant 0 : i32
      %dma_wait3A_272 = tpu.memref_slice %arg2[%mul3A_120, %dma_wait3A_271] : memref<163840x32xf32, #tpu.memory_space<hbm>> -> memref<128x32xf32, #tpu.memory_space<hbm>>
      %dma_wait3A_273 = arith.constant 0 : i32
      %dma_wait3A_274 = arith.constant 0 : i32
      %dma_wait3A_275 = tpu.memref_slice %arg8[%dma_wait3A_266, %dma_wait3A_273, %dma_wait3A_274] : memref<8x128x32xf32, #tpu.memory_space<vmem>> -> memref<1x128x32xf32, #tpu.memory_space<vmem>>
      %dma_wait3A_276 = tpu.memref_squeeze %dma_wait3A_275 : memref<1x128x32xf32, #tpu.memory_space<vmem>> -> memref<128x32xf32, #tpu.memory_space<vmem>>
      %dma_wait3A_277 = arith.constant 0 : i32
      %dma_wait3A_278 = tpu.memref_slice %arg2[%mul3A_120, %dma_wait3A_277] : memref<163840x32xf32, #tpu.memory_space<hbm>> -> memref<128x32xf32, #tpu.memory_space<hbm>>
      tpu.wait_dma2 semaphore(%arg15 : memref<!tpu.dma_semaphore, #tpu.memory_space<semaphore_mem>>) src(%dma_wait3A_278 : memref<128x32xf32, #tpu.memory_space<hbm>>) dst(%dma_wait3A_276 : memref<128x32xf32, #tpu.memory_space<vmem>>)
      %run_scoped3A_279 = arith.constant 5 : i32
      "tpu.region"() ({
        %run_scoped3A_316 = tpu.sem_alloc : memref<!tpu.dma_semaphore, #tpu.memory_space<semaphore_mem>>
        %dma_start3A_317 = arith.constant 0 : i32
        %dma_start3A_318 = arith.constant 0 : i32
        %dma_start3A_319 = tpu.memref_slice %arg8[%run_scoped3A_279, %dma_start3A_317, %dma_start3A_318] : memref<8x128x32xf32, #tpu.memory_space<vmem>> -> memref<1x128x32xf32, #tpu.memory_space<vmem>>
        %dma_start3A_320 = tpu.memref_squeeze %dma_start3A_319 : memref<1x128x32xf32, #tpu.memory_space<vmem>> -> memref<128x32xf32, #tpu.memory_space<vmem>>
        %dma_start3A_321 = arith.constant 0 : i32
        %dma_start3A_322 = tpu.memref_slice %arg7[%add3A_265, %dma_start3A_321] : memref<40x128xi32, #tpu.memory_space<vmem>> -> memref<1x128xi32, #tpu.memory_space<vmem>>
        %dma_start3A_323 = tpu.memref_squeeze %dma_start3A_322 : memref<1x128xi32, #tpu.memory_space<vmem>> -> memref<128xi32, #tpu.memory_space<vmem>>
        %dma_start3A_324 = arith.constant 0 : i32
        %dma_start3A_325 = arith.constant 0 : i32
        %dma_start3A_326 = tpu.memref_slice %arg6[%dma_start3A_324, %dma_start3A_325] : memref<10016x32xf32, #tpu.memory_space<vmem_shared>> -> memref<10016x32xf32, #tpu.memory_space<vmem_shared>>
        tpu.enqueue_indirect_dma source(%dma_start3A_320 : memref<128x32xf32, #tpu.memory_space<vmem>>) target(%dma_start3A_326 : memref<10016x32xf32, #tpu.memory_space<vmem_shared>>) offsets(%dma_start3A_323 : memref<128xi32, #tpu.memory_space<vmem>>) semaphore(%run_scoped3A_316 : memref<!tpu.dma_semaphore, #tpu.memory_space<semaphore_mem>>) {add = true}
        %dma_wait3A_327 = arith.constant 0 : i32
        %dma_wait3A_328 = arith.constant 0 : i32
        %dma_wait3A_329 = tpu.memref_slice %arg8[%run_scoped3A_279, %dma_wait3A_327, %dma_wait3A_328] : memref<8x128x32xf32, #tpu.memory_space<vmem>> -> memref<1x128x32xf32, #tpu.memory_space<vmem>>
        %dma_wait3A_330 = tpu.memref_squeeze %dma_wait3A_329 : memref<1x128x32xf32, #tpu.memory_space<vmem>> -> memref<128x32xf32, #tpu.memory_space<vmem>>
        %dma_wait3A_331 = arith.constant 0 : i32
        %dma_wait3A_332 = tpu.memref_slice %arg7[%add3A_265, %dma_wait3A_331] : memref<40x128xi32, #tpu.memory_space<vmem>> -> memref<1x128xi32, #tpu.memory_space<vmem>>
        %dma_wait3A_333 = tpu.memref_squeeze %dma_wait3A_332 : memref<1x128xi32, #tpu.memory_space<vmem>> -> memref<128xi32, #tpu.memory_space<vmem>>
        %dma_wait3A_334 = arith.constant 0 : i32
        %dma_wait3A_335 = arith.constant 0 : i32
        %dma_wait3A_336 = tpu.memref_slice %arg6[%dma_wait3A_334, %dma_wait3A_335] : memref<10016x32xf32, #tpu.memory_space<vmem_shared>> -> memref<10016x32xf32, #tpu.memory_space<vmem_shared>>
        tpu.wait_indirect_dma semaphore(%run_scoped3A_316 : memref<!tpu.dma_semaphore, #tpu.memory_space<semaphore_mem>>) src(%dma_wait3A_330 : memref<128x32xf32, #tpu.memory_space<vmem>>) dst(%dma_wait3A_336 : memref<10016x32xf32, #tpu.memory_space<vmem_shared>>)
        tpu.yield
      }) : () -> ()
      %mul3A_280 = arith.constant 8 : i32
      %mul3A_281 = arith.muli %scan3A_14, %mul3A_280 : i32
      %add3A_282 = arith.constant 6 : i32
      %add3A_283 = arith.addi %mul3A_281, %add3A_282 : i32
      %dma_wait3A_284 = arith.constant 6 : i32
      %dma_wait3A_285 = arith.constant 0 : i32
      %dma_wait3A_286 = arith.constant 0 : i32
      %dma_wait3A_287 = tpu.memref_slice %arg8[%dma_wait3A_284, %dma_wait3A_285, %dma_wait3A_286] : memref<8x128x32xf32, #tpu.memory_space<vmem>> -> memref<1x128x32xf32, #tpu.memory_space<vmem>>
      %dma_wait3A_288 = tpu.memref_squeeze %dma_wait3A_287 : memref<1x128x32xf32, #tpu.memory_space<vmem>> -> memref<128x32xf32, #tpu.memory_space<vmem>>
      %dma_wait3A_289 = arith.constant 0 : i32
      %dma_wait3A_290 = tpu.memref_slice %arg2[%mul3A_140, %dma_wait3A_289] : memref<163840x32xf32, #tpu.memory_space<hbm>> -> memref<128x32xf32, #tpu.memory_space<hbm>>
      %dma_wait3A_291 = arith.constant 0 : i32
      %dma_wait3A_292 = arith.constant 0 : i32
      %dma_wait3A_293 = tpu.memref_slice %arg8[%dma_wait3A_284, %dma_wait3A_291, %dma_wait3A_292] : memref<8x128x32xf32, #tpu.memory_space<vmem>> -> memref<1x128x32xf32, #tpu.memory_space<vmem>>
      %dma_wait3A_294 = tpu.memref_squeeze %dma_wait3A_293 : memref<1x128x32xf32, #tpu.memory_space<vmem>> -> memref<128x32xf32, #tpu.memory_space<vmem>>
      %dma_wait3A_295 = arith.constant 0 : i32
      %dma_wait3A_296 = tpu.memref_slice %arg2[%mul3A_140, %dma_wait3A_295] : memref<163840x32xf32, #tpu.memory_space<hbm>> -> memref<128x32xf32, #tpu.memory_space<hbm>>
      tpu.wait_dma2 semaphore(%arg16 : memref<!tpu.dma_semaphore, #tpu.memory_space<semaphore_mem>>) src(%dma_wait3A_296 : memref<128x32xf32, #tpu.memory_space<hbm>>) dst(%dma_wait3A_294 : memref<128x32xf32, #tpu.memory_space<vmem>>)
      %run_scoped3A_297 = arith.constant 6 : i32
      "tpu.region"() ({
        %run_scoped3A_316 = tpu.sem_alloc : memref<!tpu.dma_semaphore, #tpu.memory_space<semaphore_mem>>
        %dma_start3A_317 = arith.constant 0 : i32
        %dma_start3A_318 = arith.constant 0 : i32
        %dma_start3A_319 = tpu.memref_slice %arg8[%run_scoped3A_297, %dma_start3A_317, %dma_start3A_318] : memref<8x128x32xf32, #tpu.memory_space<vmem>> -> memref<1x128x32xf32, #tpu.memory_space<vmem>>
        %dma_start3A_320 = tpu.memref_squeeze %dma_start3A_319 : memref<1x128x32xf32, #tpu.memory_space<vmem>> -> memref<128x32xf32, #tpu.memory_space<vmem>>
        %dma_start3A_321 = arith.constant 0 : i32
        %dma_start3A_322 = tpu.memref_slice %arg7[%add3A_283, %dma_start3A_321] : memref<40x128xi32, #tpu.memory_space<vmem>> -> memref<1x128xi32, #tpu.memory_space<vmem>>
        %dma_start3A_323 = tpu.memref_squeeze %dma_start3A_322 : memref<1x128xi32, #tpu.memory_space<vmem>> -> memref<128xi32, #tpu.memory_space<vmem>>
        %dma_start3A_324 = arith.constant 0 : i32
        %dma_start3A_325 = arith.constant 0 : i32
        %dma_start3A_326 = tpu.memref_slice %arg6[%dma_start3A_324, %dma_start3A_325] : memref<10016x32xf32, #tpu.memory_space<vmem_shared>> -> memref<10016x32xf32, #tpu.memory_space<vmem_shared>>
        tpu.enqueue_indirect_dma source(%dma_start3A_320 : memref<128x32xf32, #tpu.memory_space<vmem>>) target(%dma_start3A_326 : memref<10016x32xf32, #tpu.memory_space<vmem_shared>>) offsets(%dma_start3A_323 : memref<128xi32, #tpu.memory_space<vmem>>) semaphore(%run_scoped3A_316 : memref<!tpu.dma_semaphore, #tpu.memory_space<semaphore_mem>>) {add = true}
        %dma_wait3A_327 = arith.constant 0 : i32
        %dma_wait3A_328 = arith.constant 0 : i32
        %dma_wait3A_329 = tpu.memref_slice %arg8[%run_scoped3A_297, %dma_wait3A_327, %dma_wait3A_328] : memref<8x128x32xf32, #tpu.memory_space<vmem>> -> memref<1x128x32xf32, #tpu.memory_space<vmem>>
        %dma_wait3A_330 = tpu.memref_squeeze %dma_wait3A_329 : memref<1x128x32xf32, #tpu.memory_space<vmem>> -> memref<128x32xf32, #tpu.memory_space<vmem>>
        %dma_wait3A_331 = arith.constant 0 : i32
        %dma_wait3A_332 = tpu.memref_slice %arg7[%add3A_283, %dma_wait3A_331] : memref<40x128xi32, #tpu.memory_space<vmem>> -> memref<1x128xi32, #tpu.memory_space<vmem>>
        %dma_wait3A_333 = tpu.memref_squeeze %dma_wait3A_332 : memref<1x128xi32, #tpu.memory_space<vmem>> -> memref<128xi32, #tpu.memory_space<vmem>>
        %dma_wait3A_334 = arith.constant 0 : i32
        %dma_wait3A_335 = arith.constant 0 : i32
        %dma_wait3A_336 = tpu.memref_slice %arg6[%dma_wait3A_334, %dma_wait3A_335] : memref<10016x32xf32, #tpu.memory_space<vmem_shared>> -> memref<10016x32xf32, #tpu.memory_space<vmem_shared>>
        tpu.wait_indirect_dma semaphore(%run_scoped3A_316 : memref<!tpu.dma_semaphore, #tpu.memory_space<semaphore_mem>>) src(%dma_wait3A_330 : memref<128x32xf32, #tpu.memory_space<vmem>>) dst(%dma_wait3A_336 : memref<10016x32xf32, #tpu.memory_space<vmem_shared>>)
        tpu.yield
      }) : () -> ()
      %mul3A_298 = arith.constant 8 : i32
      %mul3A_299 = arith.muli %scan3A_14, %mul3A_298 : i32
      %add3A_300 = arith.constant 7 : i32
      %add3A_301 = arith.addi %mul3A_299, %add3A_300 : i32
      %dma_wait3A_302 = arith.constant 7 : i32
      %dma_wait3A_303 = arith.constant 0 : i32
      %dma_wait3A_304 = arith.constant 0 : i32
      %dma_wait3A_305 = tpu.memref_slice %arg8[%dma_wait3A_302, %dma_wait3A_303, %dma_wait3A_304] : memref<8x128x32xf32, #tpu.memory_space<vmem>> -> memref<1x128x32xf32, #tpu.memory_space<vmem>>
      %dma_wait3A_306 = tpu.memref_squeeze %dma_wait3A_305 : memref<1x128x32xf32, #tpu.memory_space<vmem>> -> memref<128x32xf32, #tpu.memory_space<vmem>>
      %dma_wait3A_307 = arith.constant 0 : i32
      %dma_wait3A_308 = tpu.memref_slice %arg2[%mul3A_160, %dma_wait3A_307] : memref<163840x32xf32, #tpu.memory_space<hbm>> -> memref<128x32xf32, #tpu.memory_space<hbm>>
      %dma_wait3A_309 = arith.constant 0 : i32
      %dma_wait3A_310 = arith.constant 0 : i32
      %dma_wait3A_311 = tpu.memref_slice %arg8[%dma_wait3A_302, %dma_wait3A_309, %dma_wait3A_310] : memref<8x128x32xf32, #tpu.memory_space<vmem>> -> memref<1x128x32xf32, #tpu.memory_space<vmem>>
      %dma_wait3A_312 = tpu.memref_squeeze %dma_wait3A_311 : memref<1x128x32xf32, #tpu.memory_space<vmem>> -> memref<128x32xf32, #tpu.memory_space<vmem>>
      %dma_wait3A_313 = arith.constant 0 : i32
      %dma_wait3A_314 = tpu.memref_slice %arg2[%mul3A_160, %dma_wait3A_313] : memref<163840x32xf32, #tpu.memory_space<hbm>> -> memref<128x32xf32, #tpu.memory_space<hbm>>
      tpu.wait_dma2 semaphore(%arg17 : memref<!tpu.dma_semaphore, #tpu.memory_space<semaphore_mem>>) src(%dma_wait3A_314 : memref<128x32xf32, #tpu.memory_space<hbm>>) dst(%dma_wait3A_312 : memref<128x32xf32, #tpu.memory_space<vmem>>)
      %run_scoped3A_315 = arith.constant 7 : i32
      "tpu.region"() ({
        %run_scoped3A_316 = tpu.sem_alloc : memref<!tpu.dma_semaphore, #tpu.memory_space<semaphore_mem>>
        %dma_start3A_317 = arith.constant 0 : i32
        %dma_start3A_318 = arith.constant 0 : i32
        %dma_start3A_319 = tpu.memref_slice %arg8[%run_scoped3A_315, %dma_start3A_317, %dma_start3A_318] : memref<8x128x32xf32, #tpu.memory_space<vmem>> -> memref<1x128x32xf32, #tpu.memory_space<vmem>>
        %dma_start3A_320 = tpu.memref_squeeze %dma_start3A_319 : memref<1x128x32xf32, #tpu.memory_space<vmem>> -> memref<128x32xf32, #tpu.memory_space<vmem>>
        %dma_start3A_321 = arith.constant 0 : i32
        %dma_start3A_322 = tpu.memref_slice %arg7[%add3A_301, %dma_start3A_321] : memref<40x128xi32, #tpu.memory_space<vmem>> -> memref<1x128xi32, #tpu.memory_space<vmem>>
        %dma_start3A_323 = tpu.memref_squeeze %dma_start3A_322 : memref<1x128xi32, #tpu.memory_space<vmem>> -> memref<128xi32, #tpu.memory_space<vmem>>
        %dma_start3A_324 = arith.constant 0 : i32
        %dma_start3A_325 = arith.constant 0 : i32
        %dma_start3A_326 = tpu.memref_slice %arg6[%dma_start3A_324, %dma_start3A_325] : memref<10016x32xf32, #tpu.memory_space<vmem_shared>> -> memref<10016x32xf32, #tpu.memory_space<vmem_shared>>
        tpu.enqueue_indirect_dma source(%dma_start3A_320 : memref<128x32xf32, #tpu.memory_space<vmem>>) target(%dma_start3A_326 : memref<10016x32xf32, #tpu.memory_space<vmem_shared>>) offsets(%dma_start3A_323 : memref<128xi32, #tpu.memory_space<vmem>>) semaphore(%run_scoped3A_316 : memref<!tpu.dma_semaphore, #tpu.memory_space<semaphore_mem>>) {add = true}
        %dma_wait3A_327 = arith.constant 0 : i32
        %dma_wait3A_328 = arith.constant 0 : i32
        %dma_wait3A_329 = tpu.memref_slice %arg8[%run_scoped3A_315, %dma_wait3A_327, %dma_wait3A_328] : memref<8x128x32xf32, #tpu.memory_space<vmem>> -> memref<1x128x32xf32, #tpu.memory_space<vmem>>
        %dma_wait3A_330 = tpu.memref_squeeze %dma_wait3A_329 : memref<1x128x32xf32, #tpu.memory_space<vmem>> -> memref<128x32xf32, #tpu.memory_space<vmem>>
        %dma_wait3A_331 = arith.constant 0 : i32
        %dma_wait3A_332 = tpu.memref_slice %arg7[%add3A_301, %dma_wait3A_331] : memref<40x128xi32, #tpu.memory_space<vmem>> -> memref<1x128xi32, #tpu.memory_space<vmem>>
        %dma_wait3A_333 = tpu.memref_squeeze %dma_wait3A_332 : memref<1x128xi32, #tpu.memory_space<vmem>> -> memref<128xi32, #tpu.memory_space<vmem>>
        %dma_wait3A_334 = arith.constant 0 : i32
        %dma_wait3A_335 = arith.constant 0 : i32
        %dma_wait3A_336 = tpu.memref_slice %arg6[%dma_wait3A_334, %dma_wait3A_335] : memref<10016x32xf32, #tpu.memory_space<vmem_shared>> -> memref<10016x32xf32, #tpu.memory_space<vmem_shared>>
        tpu.wait_indirect_dma semaphore(%run_scoped3A_316 : memref<!tpu.dma_semaphore, #tpu.memory_space<semaphore_mem>>) src(%dma_wait3A_330 : memref<128x32xf32, #tpu.memory_space<vmem>>) dst(%dma_wait3A_336 : memref<10016x32xf32, #tpu.memory_space<vmem_shared>>)
        tpu.yield
      }) : () -> ()
    }
    %scan3A_9 = arith.constant 5 : i32
    %barrier3A_10 = arith.constant 0 : index
    tpu.barrier barrier_id(%barrier3A_10)
    "tpu.region"() ({
      %run_scoped3A = tpu.sem_alloc : memref<!tpu.dma_semaphore, #tpu.memory_space<semaphore_mem>>
      %dma_start3A = arith.constant 0 : i32
      %dma_start3A_14 = tpu.memref_slice %arg6[%mul3A_2, %dma_start3A] : memref<10016x32xf32, #tpu.memory_space<vmem_shared>> -> memref<626x32xf32, #tpu.memory_space<vmem_shared>>
      %dma_start3A_15 = arith.constant 0 : i32
      %dma_start3A_16 = tpu.memref_slice %arg6[%mul3A_2, %dma_start3A_15] : memref<10016x32xf32, #tpu.memory_space<vmem_shared>> -> memref<626x32xf32, #tpu.memory_space<vmem_shared>>
      tpu.enqueue_dma source(%dma_start3A_16 : memref<626x32xf32, #tpu.memory_space<vmem_shared>>) target(%arg9 : memref<626x32xf32, #tpu.memory_space<vmem>>) target_semaphore(%run_scoped3A : memref<!tpu.dma_semaphore, #tpu.memory_space<semaphore_mem>>)
      %dma_wait3A = arith.constant 0 : i32
      %dma_wait3A_17 = tpu.memref_slice %arg6[%mul3A_2, %dma_wait3A] : memref<10016x32xf32, #tpu.memory_space<vmem_shared>> -> memref<626x32xf32, #tpu.memory_space<vmem_shared>>
      %dma_wait3A_18 = arith.constant 0 : i32
      %dma_wait3A_19 = tpu.memref_slice %arg6[%mul3A_2, %dma_wait3A_18] : memref<10016x32xf32, #tpu.memory_space<vmem_shared>> -> memref<626x32xf32, #tpu.memory_space<vmem_shared>>
      tpu.wait_dma2 semaphore(%run_scoped3A : memref<!tpu.dma_semaphore, #tpu.memory_space<semaphore_mem>>) src(%dma_wait3A_19 : memref<626x32xf32, #tpu.memory_space<vmem_shared>>) dst(%arg9 : memref<626x32xf32, #tpu.memory_space<vmem>>)
      tpu.yield
    }) : () -> ()
    %mul3A_11 = arith.constant 10016 : i32
    %mul3A_12 = arith.muli %arg0, %mul3A_11 : i32
    %add3A_13 = arith.addi %mul3A_12, %mul3A_2 : i32
    "tpu.region"() ({
      %run_scoped3A = tpu.sem_alloc : memref<!tpu.dma_semaphore, #tpu.memory_space<semaphore_mem>>
      %dma_start3A = arith.constant 0 : i32
      %dma_start3A_14 = tpu.memref_slice %arg5[%add3A_13, %dma_start3A] : memref<20032x32xf32, #tpu.memory_space<hbm>> -> memref<626x32xf32, #tpu.memory_space<hbm>>
      %dma_start3A_15 = arith.constant 0 : i32
      %dma_start3A_16 = tpu.memref_slice %arg5[%add3A_13, %dma_start3A_15] : memref<20032x32xf32, #tpu.memory_space<hbm>> -> memref<626x32xf32, #tpu.memory_space<hbm>>
      tpu.enqueue_dma source(%arg9 : memref<626x32xf32, #tpu.memory_space<vmem>>) target(%dma_start3A_16 : memref<626x32xf32, #tpu.memory_space<hbm>>) target_semaphore(%run_scoped3A : memref<!tpu.dma_semaphore, #tpu.memory_space<semaphore_mem>>)
      %dma_wait3A = arith.constant 0 : i32
      %dma_wait3A_17 = tpu.memref_slice %arg5[%add3A_13, %dma_wait3A] : memref<20032x32xf32, #tpu.memory_space<hbm>> -> memref<626x32xf32, #tpu.memory_space<hbm>>
      %dma_wait3A_18 = arith.constant 0 : i32
      %dma_wait3A_19 = tpu.memref_slice %arg5[%add3A_13, %dma_wait3A_18] : memref<20032x32xf32, #tpu.memory_space<hbm>> -> memref<626x32xf32, #tpu.memory_space<hbm>>
      tpu.wait_dma2 semaphore(%run_scoped3A : memref<!tpu.dma_semaphore, #tpu.memory_space<semaphore_mem>>) src(%arg9 : memref<626x32xf32, #tpu.memory_space<vmem>>) dst(%dma_wait3A_19 : memref<626x32xf32, #tpu.memory_space<hbm>>)
      tpu.yield
    }) : () -> ()
    return
  }
}

#map = affine_map<(d0, d1) -> (0, 0)>
module attributes {stable_mosaic.version = 14 : i64} {
  func.func @scatter(%arg0: i32, %arg1: i32, %arg2: memref<163840x32xf32, #tpu.memory_space<hbm>>, %arg3: memref<1280x128xi32, #tpu.memory_space<hbm>>, %arg4: memref<10016x32xf32, #tpu.memory_space<hbm>>, %arg5: memref<10016x16xf32, #tpu.memory_space<hbm>>, %arg6: memref<128x16xf32, #tpu.memory_space<hbm>>, %arg7: memref<20032x32xf32, #tpu.memory_space<hbm>>, %arg8: memref<20032x16xf32, #tpu.memory_space<hbm>>, %arg9: memref<10016x32xf32, #tpu.memory_space<vmem_shared>>, %arg10: memref<40x128xi32, #tpu.memory_space<vmem>>, %arg11: memref<8x128x32xf32, #tpu.memory_space<vmem>>, %arg12: memref<626x32xf32, #tpu.memory_space<vmem>>, %arg13: memref<!tpu.dma_semaphore, #tpu.memory_space<semaphore_mem>>, %arg14: memref<!tpu.dma_semaphore, #tpu.memory_space<semaphore_mem>>, %arg15: memref<!tpu.dma_semaphore, #tpu.memory_space<semaphore_mem>>, %arg16: memref<!tpu.dma_semaphore, #tpu.memory_space<semaphore_mem>>, %arg17: memref<!tpu.dma_semaphore, #tpu.memory_space<semaphore_mem>>, %arg18: memref<!tpu.dma_semaphore, #tpu.memory_space<semaphore_mem>>, %arg19: memref<!tpu.dma_semaphore, #tpu.memory_space<semaphore_mem>>, %arg20: memref<!tpu.dma_semaphore, #tpu.memory_space<semaphore_mem>>, %arg21: memref<10016x16xf32, #tpu.memory_space<vmem_shared>>, %arg22: memref<128x16xf32, #tpu.memory_space<vmem>>, %arg23: memref<626x16xf32, #tpu.memory_space<vmem>>) attributes {dimension_semantics = [#tpu.dimension_semantics<core_parallel>, #tpu.dimension_semantics<subcore_parallel>], iteration_bounds = array<i64: 2, 16>, scalar_prefetch = 0 : i64, scratch_operands = 15 : i64, tpu.core_type = #tpu.core_type<sc_vector_subcore>, window_params = [{transform_indices = #map}, {transform_indices = #map}, {transform_indices = #map}, {transform_indices = #map}, {transform_indices = #map}, {transform_indices = #map}, {transform_indices = #map}]} {
    %mul3A = arith.constant 2 : i32
    %mul3A_0 = arith.muli %arg1, %mul3A : i32
    %add3A = arith.addi %mul3A_0, %arg0 : i32
    %mul3A_1 = arith.constant 626 : i32
    %mul3A_2 = arith.muli %arg1, %mul3A_1 : i32
    %mul3A_3 = arith.constant 40 : i32
    %mul3A_4 = arith.muli %add3A, %mul3A_3 : i32
    "tpu.region"() ({
      %run_scoped3A = tpu.sem_alloc : memref<!tpu.dma_semaphore, #tpu.memory_space<semaphore_mem>>
      %dma_start3A = arith.constant 0 : i32
      %dma_start3A_17 = tpu.memref_slice %arg4[%mul3A_2, %dma_start3A] : memref<10016x32xf32, #tpu.memory_space<hbm>> -> memref<626x32xf32, #tpu.memory_space<hbm>>
      %dma_start3A_18 = arith.constant 0 : i32
      %dma_start3A_19 = tpu.memref_slice %arg4[%mul3A_2, %dma_start3A_18] : memref<10016x32xf32, #tpu.memory_space<hbm>> -> memref<626x32xf32, #tpu.memory_space<hbm>>
      tpu.enqueue_dma source(%dma_start3A_19 : memref<626x32xf32, #tpu.memory_space<hbm>>) target(%arg12 : memref<626x32xf32, #tpu.memory_space<vmem>>) target_semaphore(%run_scoped3A : memref<!tpu.dma_semaphore, #tpu.memory_space<semaphore_mem>>)
      %dma_wait3A = arith.constant 0 : i32
      %dma_wait3A_20 = tpu.memref_slice %arg4[%mul3A_2, %dma_wait3A] : memref<10016x32xf32, #tpu.memory_space<hbm>> -> memref<626x32xf32, #tpu.memory_space<hbm>>
      %dma_wait3A_21 = arith.constant 0 : i32
      %dma_wait3A_22 = tpu.memref_slice %arg4[%mul3A_2, %dma_wait3A_21] : memref<10016x32xf32, #tpu.memory_space<hbm>> -> memref<626x32xf32, #tpu.memory_space<hbm>>
      tpu.wait_dma2 semaphore(%run_scoped3A : memref<!tpu.dma_semaphore, #tpu.memory_space<semaphore_mem>>) src(%dma_wait3A_22 : memref<626x32xf32, #tpu.memory_space<hbm>>) dst(%arg12 : memref<626x32xf32, #tpu.memory_space<vmem>>)
      tpu.yield
    }) : () -> ()
    "tpu.region"() ({
      %run_scoped3A = tpu.sem_alloc : memref<!tpu.dma_semaphore, #tpu.memory_space<semaphore_mem>>
      %dma_start3A = arith.constant 0 : i32
      %dma_start3A_17 = tpu.memref_slice %arg9[%mul3A_2, %dma_start3A] : memref<10016x32xf32, #tpu.memory_space<vmem_shared>> -> memref<626x32xf32, #tpu.memory_space<vmem_shared>>
      %dma_start3A_18 = arith.constant 0 : i32
      %dma_start3A_19 = tpu.memref_slice %arg9[%mul3A_2, %dma_start3A_18] : memref<10016x32xf32, #tpu.memory_space<vmem_shared>> -> memref<626x32xf32, #tpu.memory_space<vmem_shared>>
      tpu.enqueue_dma source(%arg12 : memref<626x32xf32, #tpu.memory_space<vmem>>) target(%dma_start3A_19 : memref<626x32xf32, #tpu.memory_space<vmem_shared>>) target_semaphore(%run_scoped3A : memref<!tpu.dma_semaphore, #tpu.memory_space<semaphore_mem>>)
      %dma_wait3A = arith.constant 0 : i32
      %dma_wait3A_20 = tpu.memref_slice %arg9[%mul3A_2, %dma_wait3A] : memref<10016x32xf32, #tpu.memory_space<vmem_shared>> -> memref<626x32xf32, #tpu.memory_space<vmem_shared>>
      %dma_wait3A_21 = arith.constant 0 : i32
      %dma_wait3A_22 = tpu.memref_slice %arg9[%mul3A_2, %dma_wait3A_21] : memref<10016x32xf32, #tpu.memory_space<vmem_shared>> -> memref<626x32xf32, #tpu.memory_space<vmem_shared>>
      tpu.wait_dma2 semaphore(%run_scoped3A : memref<!tpu.dma_semaphore, #tpu.memory_space<semaphore_mem>>) src(%arg12 : memref<626x32xf32, #tpu.memory_space<vmem>>) dst(%dma_wait3A_22 : memref<626x32xf32, #tpu.memory_space<vmem_shared>>)
      tpu.yield
    }) : () -> ()
    "tpu.region"() ({
      %run_scoped3A = tpu.sem_alloc : memref<!tpu.dma_semaphore, #tpu.memory_space<semaphore_mem>>
      %dma_start3A = arith.constant 0 : i32
      %dma_start3A_17 = tpu.memref_slice %arg3[%mul3A_4, %dma_start3A] : memref<1280x128xi32, #tpu.memory_space<hbm>> -> memref<40x128xi32, #tpu.memory_space<hbm>>
      %dma_start3A_18 = arith.constant 0 : i32
      %dma_start3A_19 = tpu.memref_slice %arg3[%mul3A_4, %dma_start3A_18] : memref<1280x128xi32, #tpu.memory_space<hbm>> -> memref<40x128xi32, #tpu.memory_space<hbm>>
      tpu.enqueue_dma source(%dma_start3A_19 : memref<40x128xi32, #tpu.memory_space<hbm>>) target(%arg10 : memref<40x128xi32, #tpu.memory_space<vmem>>) target_semaphore(%run_scoped3A : memref<!tpu.dma_semaphore, #tpu.memory_space<semaphore_mem>>)
      %dma_wait3A = arith.constant 0 : i32
      %dma_wait3A_20 = tpu.memref_slice %arg3[%mul3A_4, %dma_wait3A] : memref<1280x128xi32, #tpu.memory_space<hbm>> -> memref<40x128xi32, #tpu.memory_space<hbm>>
      %dma_wait3A_21 = arith.constant 0 : i32
      %dma_wait3A_22 = tpu.memref_slice %arg3[%mul3A_4, %dma_wait3A_21] : memref<1280x128xi32, #tpu.memory_space<hbm>> -> memref<40x128xi32, #tpu.memory_space<hbm>>
      tpu.wait_dma2 semaphore(%run_scoped3A : memref<!tpu.dma_semaphore, #tpu.memory_space<semaphore_mem>>) src(%dma_wait3A_22 : memref<40x128xi32, #tpu.memory_space<hbm>>) dst(%arg10 : memref<40x128xi32, #tpu.memory_space<vmem>>)
      tpu.yield
    }) : () -> ()
    "tpu.region"() ({
      %run_scoped3A = tpu.sem_alloc : memref<!tpu.dma_semaphore, #tpu.memory_space<semaphore_mem>>
      %dma_start3A = arith.constant 0 : i32
      %dma_start3A_17 = tpu.memref_slice %arg5[%mul3A_2, %dma_start3A] : memref<10016x16xf32, #tpu.memory_space<hbm>> -> memref<626x16xf32, #tpu.memory_space<hbm>>
      %dma_start3A_18 = arith.constant 0 : i32
      %dma_start3A_19 = tpu.memref_slice %arg5[%mul3A_2, %dma_start3A_18] : memref<10016x16xf32, #tpu.memory_space<hbm>> -> memref<626x16xf32, #tpu.memory_space<hbm>>
      tpu.enqueue_dma source(%dma_start3A_19 : memref<626x16xf32, #tpu.memory_space<hbm>>) target(%arg23 : memref<626x16xf32, #tpu.memory_space<vmem>>) target_semaphore(%run_scoped3A : memref<!tpu.dma_semaphore, #tpu.memory_space<semaphore_mem>>)
      %dma_wait3A = arith.constant 0 : i32
      %dma_wait3A_20 = tpu.memref_slice %arg5[%mul3A_2, %dma_wait3A] : memref<10016x16xf32, #tpu.memory_space<hbm>> -> memref<626x16xf32, #tpu.memory_space<hbm>>
      %dma_wait3A_21 = arith.constant 0 : i32
      %dma_wait3A_22 = tpu.memref_slice %arg5[%mul3A_2, %dma_wait3A_21] : memref<10016x16xf32, #tpu.memory_space<hbm>> -> memref<626x16xf32, #tpu.memory_space<hbm>>
      tpu.wait_dma2 semaphore(%run_scoped3A : memref<!tpu.dma_semaphore, #tpu.memory_space<semaphore_mem>>) src(%dma_wait3A_22 : memref<626x16xf32, #tpu.memory_space<hbm>>) dst(%arg23 : memref<626x16xf32, #tpu.memory_space<vmem>>)
      tpu.yield
    }) : () -> ()
    "tpu.region"() ({
      %run_scoped3A = tpu.sem_alloc : memref<!tpu.dma_semaphore, #tpu.memory_space<semaphore_mem>>
      %dma_start3A = arith.constant 0 : i32
      %dma_start3A_17 = tpu.memref_slice %arg21[%mul3A_2, %dma_start3A] : memref<10016x16xf32, #tpu.memory_space<vmem_shared>> -> memref<626x16xf32, #tpu.memory_space<vmem_shared>>
      %dma_start3A_18 = arith.constant 0 : i32
      %dma_start3A_19 = tpu.memref_slice %arg21[%mul3A_2, %dma_start3A_18] : memref<10016x16xf32, #tpu.memory_space<vmem_shared>> -> memref<626x16xf32, #tpu.memory_space<vmem_shared>>
      tpu.enqueue_dma source(%arg23 : memref<626x16xf32, #tpu.memory_space<vmem>>) target(%dma_start3A_19 : memref<626x16xf32, #tpu.memory_space<vmem_shared>>) target_semaphore(%run_scoped3A : memref<!tpu.dma_semaphore, #tpu.memory_space<semaphore_mem>>)
      %dma_wait3A = arith.constant 0 : i32
      %dma_wait3A_20 = tpu.memref_slice %arg21[%mul3A_2, %dma_wait3A] : memref<10016x16xf32, #tpu.memory_space<vmem_shared>> -> memref<626x16xf32, #tpu.memory_space<vmem_shared>>
      %dma_wait3A_21 = arith.constant 0 : i32
      %dma_wait3A_22 = tpu.memref_slice %arg21[%mul3A_2, %dma_wait3A_21] : memref<10016x16xf32, #tpu.memory_space<vmem_shared>> -> memref<626x16xf32, #tpu.memory_space<vmem_shared>>
      tpu.wait_dma2 semaphore(%run_scoped3A : memref<!tpu.dma_semaphore, #tpu.memory_space<semaphore_mem>>) src(%arg23 : memref<626x16xf32, #tpu.memory_space<vmem>>) dst(%dma_wait3A_22 : memref<626x16xf32, #tpu.memory_space<vmem_shared>>)
      tpu.yield
    }) : () -> ()
    "tpu.region"() ({
      %run_scoped3A = tpu.sem_alloc : memref<!tpu.dma_semaphore, #tpu.memory_space<semaphore_mem>>
      tpu.enqueue_dma source(%arg6 : memref<128x16xf32, #tpu.memory_space<hbm>>) target(%arg22 : memref<128x16xf32, #tpu.memory_space<vmem>>) target_semaphore(%run_scoped3A : memref<!tpu.dma_semaphore, #tpu.memory_space<semaphore_mem>>)
      tpu.wait_dma2 semaphore(%run_scoped3A : memref<!tpu.dma_semaphore, #tpu.memory_space<semaphore_mem>>) src(%arg6 : memref<128x16xf32, #tpu.memory_space<hbm>>) dst(%arg22 : memref<128x16xf32, #tpu.memory_space<vmem>>)
      tpu.yield
    }) : () -> ()
    %barrier3A = arith.constant 0 : index
    tpu.barrier barrier_id(%barrier3A)
    %scan3A = arith.constant 0 : i32
    %scan3A_5 = arith.constant 0 : i32
    %scan3A_6 = arith.constant 5 : i32
    %scan3A_7 = arith.addi %scan3A_5, %scan3A_6 : i32
    %scan3A_8 = arith.constant 1 : i32
    scf.for %scan3A_17 = %scan3A_5 to %scan3A_7 step %scan3A_8  : i32 {
      %mul3A_18 = arith.constant 8 : i32
      %mul3A_19 = arith.muli %scan3A_17, %mul3A_18 : i32
      %add3A_20 = arith.constant 0 : i32
      %add3A_21 = arith.addi %mul3A_19, %add3A_20 : i32
      %add3A_22 = arith.addi %mul3A_4, %add3A_21 : i32
      %mul3A_23 = arith.constant 128 : i32
      %mul3A_24 = arith.muli %add3A_22, %mul3A_23 : i32
      %dma_start3A = arith.constant 0 : i32
      %dma_start3A_25 = arith.constant 0 : i32
      %dma_start3A_26 = arith.constant 0 : i32
      %dma_start3A_27 = tpu.memref_slice %arg11[%dma_start3A, %dma_start3A_25, %dma_start3A_26] : memref<8x128x32xf32, #tpu.memory_space<vmem>> -> memref<1x128x32xf32, #tpu.memory_space<vmem>>
      %dma_start3A_28 = tpu.memref_squeeze %dma_start3A_27 : memref<1x128x32xf32, #tpu.memory_space<vmem>> -> memref<128x32xf32, #tpu.memory_space<vmem>>
      %dma_start3A_29 = arith.constant 0 : i32
      %dma_start3A_30 = tpu.memref_slice %arg2[%mul3A_24, %dma_start3A_29] : memref<163840x32xf32, #tpu.memory_space<hbm>> -> memref<128x32xf32, #tpu.memory_space<hbm>>
      %dma_start3A_31 = arith.constant 0 : i32
      %dma_start3A_32 = arith.constant 0 : i32
      %dma_start3A_33 = tpu.memref_slice %arg11[%dma_start3A, %dma_start3A_31, %dma_start3A_32] : memref<8x128x32xf32, #tpu.memory_space<vmem>> -> memref<1x128x32xf32, #tpu.memory_space<vmem>>
      %dma_start3A_34 = tpu.memref_squeeze %dma_start3A_33 : memref<1x128x32xf32, #tpu.memory_space<vmem>> -> memref<128x32xf32, #tpu.memory_space<vmem>>
      %dma_start3A_35 = arith.constant 0 : i32
      %dma_start3A_36 = tpu.memref_slice %arg2[%mul3A_24, %dma_start3A_35] : memref<163840x32xf32, #tpu.memory_space<hbm>> -> memref<128x32xf32, #tpu.memory_space<hbm>>
      tpu.enqueue_dma source(%dma_start3A_36 : memref<128x32xf32, #tpu.memory_space<hbm>>) target(%dma_start3A_34 : memref<128x32xf32, #tpu.memory_space<vmem>>) target_semaphore(%arg13 : memref<!tpu.dma_semaphore, #tpu.memory_space<semaphore_mem>>)
      %mul3A_37 = arith.constant 8 : i32
      %mul3A_38 = arith.muli %scan3A_17, %mul3A_37 : i32
      %add3A_39 = arith.constant 1 : i32
      %add3A_40 = arith.addi %mul3A_38, %add3A_39 : i32
      %add3A_41 = arith.addi %mul3A_4, %add3A_40 : i32
      %mul3A_42 = arith.constant 128 : i32
      %mul3A_43 = arith.muli %add3A_41, %mul3A_42 : i32
      %dma_start3A_44 = arith.constant 1 : i32
      %dma_start3A_45 = arith.constant 0 : i32
      %dma_start3A_46 = arith.constant 0 : i32
      %dma_start3A_47 = tpu.memref_slice %arg11[%dma_start3A_44, %dma_start3A_45, %dma_start3A_46] : memref<8x128x32xf32, #tpu.memory_space<vmem>> -> memref<1x128x32xf32, #tpu.memory_space<vmem>>
      %dma_start3A_48 = tpu.memref_squeeze %dma_start3A_47 : memref<1x128x32xf32, #tpu.memory_space<vmem>> -> memref<128x32xf32, #tpu.memory_space<vmem>>
      %dma_start3A_49 = arith.constant 0 : i32
      %dma_start3A_50 = tpu.memref_slice %arg2[%mul3A_43, %dma_start3A_49] : memref<163840x32xf32, #tpu.memory_space<hbm>> -> memref<128x32xf32, #tpu.memory_space<hbm>>
      %dma_start3A_51 = arith.constant 0 : i32
      %dma_start3A_52 = arith.constant 0 : i32
      %dma_start3A_53 = tpu.memref_slice %arg11[%dma_start3A_44, %dma_start3A_51, %dma_start3A_52] : memref<8x128x32xf32, #tpu.memory_space<vmem>> -> memref<1x128x32xf32, #tpu.memory_space<vmem>>
      %dma_start3A_54 = tpu.memref_squeeze %dma_start3A_53 : memref<1x128x32xf32, #tpu.memory_space<vmem>> -> memref<128x32xf32, #tpu.memory_space<vmem>>
      %dma_start3A_55 = arith.constant 0 : i32
      %dma_start3A_56 = tpu.memref_slice %arg2[%mul3A_43, %dma_start3A_55] : memref<163840x32xf32, #tpu.memory_space<hbm>> -> memref<128x32xf32, #tpu.memory_space<hbm>>
      tpu.enqueue_dma source(%dma_start3A_56 : memref<128x32xf32, #tpu.memory_space<hbm>>) target(%dma_start3A_54 : memref<128x32xf32, #tpu.memory_space<vmem>>) target_semaphore(%arg14 : memref<!tpu.dma_semaphore, #tpu.memory_space<semaphore_mem>>)
      %mul3A_57 = arith.constant 8 : i32
      %mul3A_58 = arith.muli %scan3A_17, %mul3A_57 : i32
      %add3A_59 = arith.constant 2 : i32
      %add3A_60 = arith.addi %mul3A_58, %add3A_59 : i32
      %add3A_61 = arith.addi %mul3A_4, %add3A_60 : i32
      %mul3A_62 = arith.constant 128 : i32
      %mul3A_63 = arith.muli %add3A_61, %mul3A_62 : i32
      %dma_start3A_64 = arith.constant 2 : i32
      %dma_start3A_65 = arith.constant 0 : i32
      %dma_start3A_66 = arith.constant 0 : i32
      %dma_start3A_67 = tpu.memref_slice %arg11[%dma_start3A_64, %dma_start3A_65, %dma_start3A_66] : memref<8x128x32xf32, #tpu.memory_space<vmem>> -> memref<1x128x32xf32, #tpu.memory_space<vmem>>
      %dma_start3A_68 = tpu.memref_squeeze %dma_start3A_67 : memref<1x128x32xf32, #tpu.memory_space<vmem>> -> memref<128x32xf32, #tpu.memory_space<vmem>>
      %dma_start3A_69 = arith.constant 0 : i32
      %dma_start3A_70 = tpu.memref_slice %arg2[%mul3A_63, %dma_start3A_69] : memref<163840x32xf32, #tpu.memory_space<hbm>> -> memref<128x32xf32, #tpu.memory_space<hbm>>
      %dma_start3A_71 = arith.constant 0 : i32
      %dma_start3A_72 = arith.constant 0 : i32
      %dma_start3A_73 = tpu.memref_slice %arg11[%dma_start3A_64, %dma_start3A_71, %dma_start3A_72] : memref<8x128x32xf32, #tpu.memory_space<vmem>> -> memref<1x128x32xf32, #tpu.memory_space<vmem>>
      %dma_start3A_74 = tpu.memref_squeeze %dma_start3A_73 : memref<1x128x32xf32, #tpu.memory_space<vmem>> -> memref<128x32xf32, #tpu.memory_space<vmem>>
      %dma_start3A_75 = arith.constant 0 : i32
      %dma_start3A_76 = tpu.memref_slice %arg2[%mul3A_63, %dma_start3A_75] : memref<163840x32xf32, #tpu.memory_space<hbm>> -> memref<128x32xf32, #tpu.memory_space<hbm>>
      tpu.enqueue_dma source(%dma_start3A_76 : memref<128x32xf32, #tpu.memory_space<hbm>>) target(%dma_start3A_74 : memref<128x32xf32, #tpu.memory_space<vmem>>) target_semaphore(%arg15 : memref<!tpu.dma_semaphore, #tpu.memory_space<semaphore_mem>>)
      %mul3A_77 = arith.constant 8 : i32
      %mul3A_78 = arith.muli %scan3A_17, %mul3A_77 : i32
      %add3A_79 = arith.constant 3 : i32
      %add3A_80 = arith.addi %mul3A_78, %add3A_79 : i32
      %add3A_81 = arith.addi %mul3A_4, %add3A_80 : i32
      %mul3A_82 = arith.constant 128 : i32
      %mul3A_83 = arith.muli %add3A_81, %mul3A_82 : i32
      %dma_start3A_84 = arith.constant 3 : i32
      %dma_start3A_85 = arith.constant 0 : i32
      %dma_start3A_86 = arith.constant 0 : i32
      %dma_start3A_87 = tpu.memref_slice %arg11[%dma_start3A_84, %dma_start3A_85, %dma_start3A_86] : memref<8x128x32xf32, #tpu.memory_space<vmem>> -> memref<1x128x32xf32, #tpu.memory_space<vmem>>
      %dma_start3A_88 = tpu.memref_squeeze %dma_start3A_87 : memref<1x128x32xf32, #tpu.memory_space<vmem>> -> memref<128x32xf32, #tpu.memory_space<vmem>>
      %dma_start3A_89 = arith.constant 0 : i32
      %dma_start3A_90 = tpu.memref_slice %arg2[%mul3A_83, %dma_start3A_89] : memref<163840x32xf32, #tpu.memory_space<hbm>> -> memref<128x32xf32, #tpu.memory_space<hbm>>
      %dma_start3A_91 = arith.constant 0 : i32
      %dma_start3A_92 = arith.constant 0 : i32
      %dma_start3A_93 = tpu.memref_slice %arg11[%dma_start3A_84, %dma_start3A_91, %dma_start3A_92] : memref<8x128x32xf32, #tpu.memory_space<vmem>> -> memref<1x128x32xf32, #tpu.memory_space<vmem>>
      %dma_start3A_94 = tpu.memref_squeeze %dma_start3A_93 : memref<1x128x32xf32, #tpu.memory_space<vmem>> -> memref<128x32xf32, #tpu.memory_space<vmem>>
      %dma_start3A_95 = arith.constant 0 : i32
      %dma_start3A_96 = tpu.memref_slice %arg2[%mul3A_83, %dma_start3A_95] : memref<163840x32xf32, #tpu.memory_space<hbm>> -> memref<128x32xf32, #tpu.memory_space<hbm>>
      tpu.enqueue_dma source(%dma_start3A_96 : memref<128x32xf32, #tpu.memory_space<hbm>>) target(%dma_start3A_94 : memref<128x32xf32, #tpu.memory_space<vmem>>) target_semaphore(%arg16 : memref<!tpu.dma_semaphore, #tpu.memory_space<semaphore_mem>>)
      %mul3A_97 = arith.constant 8 : i32
      %mul3A_98 = arith.muli %scan3A_17, %mul3A_97 : i32
      %add3A_99 = arith.constant 4 : i32
      %add3A_100 = arith.addi %mul3A_98, %add3A_99 : i32
      %add3A_101 = arith.addi %mul3A_4, %add3A_100 : i32
      %mul3A_102 = arith.constant 128 : i32
      %mul3A_103 = arith.muli %add3A_101, %mul3A_102 : i32
      %dma_start3A_104 = arith.constant 4 : i32
      %dma_start3A_105 = arith.constant 0 : i32
      %dma_start3A_106 = arith.constant 0 : i32
      %dma_start3A_107 = tpu.memref_slice %arg11[%dma_start3A_104, %dma_start3A_105, %dma_start3A_106] : memref<8x128x32xf32, #tpu.memory_space<vmem>> -> memref<1x128x32xf32, #tpu.memory_space<vmem>>
      %dma_start3A_108 = tpu.memref_squeeze %dma_start3A_107 : memref<1x128x32xf32, #tpu.memory_space<vmem>> -> memref<128x32xf32, #tpu.memory_space<vmem>>
      %dma_start3A_109 = arith.constant 0 : i32
      %dma_start3A_110 = tpu.memref_slice %arg2[%mul3A_103, %dma_start3A_109] : memref<163840x32xf32, #tpu.memory_space<hbm>> -> memref<128x32xf32, #tpu.memory_space<hbm>>
      %dma_start3A_111 = arith.constant 0 : i32
      %dma_start3A_112 = arith.constant 0 : i32
      %dma_start3A_113 = tpu.memref_slice %arg11[%dma_start3A_104, %dma_start3A_111, %dma_start3A_112] : memref<8x128x32xf32, #tpu.memory_space<vmem>> -> memref<1x128x32xf32, #tpu.memory_space<vmem>>
      %dma_start3A_114 = tpu.memref_squeeze %dma_start3A_113 : memref<1x128x32xf32, #tpu.memory_space<vmem>> -> memref<128x32xf32, #tpu.memory_space<vmem>>
      %dma_start3A_115 = arith.constant 0 : i32
      %dma_start3A_116 = tpu.memref_slice %arg2[%mul3A_103, %dma_start3A_115] : memref<163840x32xf32, #tpu.memory_space<hbm>> -> memref<128x32xf32, #tpu.memory_space<hbm>>
      tpu.enqueue_dma source(%dma_start3A_116 : memref<128x32xf32, #tpu.memory_space<hbm>>) target(%dma_start3A_114 : memref<128x32xf32, #tpu.memory_space<vmem>>) target_semaphore(%arg17 : memref<!tpu.dma_semaphore, #tpu.memory_space<semaphore_mem>>)
      %mul3A_117 = arith.constant 8 : i32
      %mul3A_118 = arith.muli %scan3A_17, %mul3A_117 : i32
      %add3A_119 = arith.constant 5 : i32
      %add3A_120 = arith.addi %mul3A_118, %add3A_119 : i32
      %add3A_121 = arith.addi %mul3A_4, %add3A_120 : i32
      %mul3A_122 = arith.constant 128 : i32
      %mul3A_123 = arith.muli %add3A_121, %mul3A_122 : i32
      %dma_start3A_124 = arith.constant 5 : i32
      %dma_start3A_125 = arith.constant 0 : i32
      %dma_start3A_126 = arith.constant 0 : i32
      %dma_start3A_127 = tpu.memref_slice %arg11[%dma_start3A_124, %dma_start3A_125, %dma_start3A_126] : memref<8x128x32xf32, #tpu.memory_space<vmem>> -> memref<1x128x32xf32, #tpu.memory_space<vmem>>
      %dma_start3A_128 = tpu.memref_squeeze %dma_start3A_127 : memref<1x128x32xf32, #tpu.memory_space<vmem>> -> memref<128x32xf32, #tpu.memory_space<vmem>>
      %dma_start3A_129 = arith.constant 0 : i32
      %dma_start3A_130 = tpu.memref_slice %arg2[%mul3A_123, %dma_start3A_129] : memref<163840x32xf32, #tpu.memory_space<hbm>> -> memref<128x32xf32, #tpu.memory_space<hbm>>
      %dma_start3A_131 = arith.constant 0 : i32
      %dma_start3A_132 = arith.constant 0 : i32
      %dma_start3A_133 = tpu.memref_slice %arg11[%dma_start3A_124, %dma_start3A_131, %dma_start3A_132] : memref<8x128x32xf32, #tpu.memory_space<vmem>> -> memref<1x128x32xf32, #tpu.memory_space<vmem>>
      %dma_start3A_134 = tpu.memref_squeeze %dma_start3A_133 : memref<1x128x32xf32, #tpu.memory_space<vmem>> -> memref<128x32xf32, #tpu.memory_space<vmem>>
      %dma_start3A_135 = arith.constant 0 : i32
      %dma_start3A_136 = tpu.memref_slice %arg2[%mul3A_123, %dma_start3A_135] : memref<163840x32xf32, #tpu.memory_space<hbm>> -> memref<128x32xf32, #tpu.memory_space<hbm>>
      tpu.enqueue_dma source(%dma_start3A_136 : memref<128x32xf32, #tpu.memory_space<hbm>>) target(%dma_start3A_134 : memref<128x32xf32, #tpu.memory_space<vmem>>) target_semaphore(%arg18 : memref<!tpu.dma_semaphore, #tpu.memory_space<semaphore_mem>>)
      %mul3A_137 = arith.constant 8 : i32
      %mul3A_138 = arith.muli %scan3A_17, %mul3A_137 : i32
      %add3A_139 = arith.constant 6 : i32
      %add3A_140 = arith.addi %mul3A_138, %add3A_139 : i32
      %add3A_141 = arith.addi %mul3A_4, %add3A_140 : i32
      %mul3A_142 = arith.constant 128 : i32
      %mul3A_143 = arith.muli %add3A_141, %mul3A_142 : i32
      %dma_start3A_144 = arith.constant 6 : i32
      %dma_start3A_145 = arith.constant 0 : i32
      %dma_start3A_146 = arith.constant 0 : i32
      %dma_start3A_147 = tpu.memref_slice %arg11[%dma_start3A_144, %dma_start3A_145, %dma_start3A_146] : memref<8x128x32xf32, #tpu.memory_space<vmem>> -> memref<1x128x32xf32, #tpu.memory_space<vmem>>
      %dma_start3A_148 = tpu.memref_squeeze %dma_start3A_147 : memref<1x128x32xf32, #tpu.memory_space<vmem>> -> memref<128x32xf32, #tpu.memory_space<vmem>>
      %dma_start3A_149 = arith.constant 0 : i32
      %dma_start3A_150 = tpu.memref_slice %arg2[%mul3A_143, %dma_start3A_149] : memref<163840x32xf32, #tpu.memory_space<hbm>> -> memref<128x32xf32, #tpu.memory_space<hbm>>
      %dma_start3A_151 = arith.constant 0 : i32
      %dma_start3A_152 = arith.constant 0 : i32
      %dma_start3A_153 = tpu.memref_slice %arg11[%dma_start3A_144, %dma_start3A_151, %dma_start3A_152] : memref<8x128x32xf32, #tpu.memory_space<vmem>> -> memref<1x128x32xf32, #tpu.memory_space<vmem>>
      %dma_start3A_154 = tpu.memref_squeeze %dma_start3A_153 : memref<1x128x32xf32, #tpu.memory_space<vmem>> -> memref<128x32xf32, #tpu.memory_space<vmem>>
      %dma_start3A_155 = arith.constant 0 : i32
      %dma_start3A_156 = tpu.memref_slice %arg2[%mul3A_143, %dma_start3A_155] : memref<163840x32xf32, #tpu.memory_space<hbm>> -> memref<128x32xf32, #tpu.memory_space<hbm>>
      tpu.enqueue_dma source(%dma_start3A_156 : memref<128x32xf32, #tpu.memory_space<hbm>>) target(%dma_start3A_154 : memref<128x32xf32, #tpu.memory_space<vmem>>) target_semaphore(%arg19 : memref<!tpu.dma_semaphore, #tpu.memory_space<semaphore_mem>>)
      %mul3A_157 = arith.constant 8 : i32
      %mul3A_158 = arith.muli %scan3A_17, %mul3A_157 : i32
      %add3A_159 = arith.constant 7 : i32
      %add3A_160 = arith.addi %mul3A_158, %add3A_159 : i32
      %add3A_161 = arith.addi %mul3A_4, %add3A_160 : i32
      %mul3A_162 = arith.constant 128 : i32
      %mul3A_163 = arith.muli %add3A_161, %mul3A_162 : i32
      %dma_start3A_164 = arith.constant 7 : i32
      %dma_start3A_165 = arith.constant 0 : i32
      %dma_start3A_166 = arith.constant 0 : i32
      %dma_start3A_167 = tpu.memref_slice %arg11[%dma_start3A_164, %dma_start3A_165, %dma_start3A_166] : memref<8x128x32xf32, #tpu.memory_space<vmem>> -> memref<1x128x32xf32, #tpu.memory_space<vmem>>
      %dma_start3A_168 = tpu.memref_squeeze %dma_start3A_167 : memref<1x128x32xf32, #tpu.memory_space<vmem>> -> memref<128x32xf32, #tpu.memory_space<vmem>>
      %dma_start3A_169 = arith.constant 0 : i32
      %dma_start3A_170 = tpu.memref_slice %arg2[%mul3A_163, %dma_start3A_169] : memref<163840x32xf32, #tpu.memory_space<hbm>> -> memref<128x32xf32, #tpu.memory_space<hbm>>
      %dma_start3A_171 = arith.constant 0 : i32
      %dma_start3A_172 = arith.constant 0 : i32
      %dma_start3A_173 = tpu.memref_slice %arg11[%dma_start3A_164, %dma_start3A_171, %dma_start3A_172] : memref<8x128x32xf32, #tpu.memory_space<vmem>> -> memref<1x128x32xf32, #tpu.memory_space<vmem>>
      %dma_start3A_174 = tpu.memref_squeeze %dma_start3A_173 : memref<1x128x32xf32, #tpu.memory_space<vmem>> -> memref<128x32xf32, #tpu.memory_space<vmem>>
      %dma_start3A_175 = arith.constant 0 : i32
      %dma_start3A_176 = tpu.memref_slice %arg2[%mul3A_163, %dma_start3A_175] : memref<163840x32xf32, #tpu.memory_space<hbm>> -> memref<128x32xf32, #tpu.memory_space<hbm>>
      tpu.enqueue_dma source(%dma_start3A_176 : memref<128x32xf32, #tpu.memory_space<hbm>>) target(%dma_start3A_174 : memref<128x32xf32, #tpu.memory_space<vmem>>) target_semaphore(%arg20 : memref<!tpu.dma_semaphore, #tpu.memory_space<semaphore_mem>>)
      %mul3A_177 = arith.constant 8 : i32
      %mul3A_178 = arith.muli %scan3A_17, %mul3A_177 : i32
      %add3A_179 = arith.constant 0 : i32
      %add3A_180 = arith.addi %mul3A_178, %add3A_179 : i32
      %dma_wait3A = arith.constant 0 : i32
      %dma_wait3A_181 = arith.constant 0 : i32
      %dma_wait3A_182 = arith.constant 0 : i32
      %dma_wait3A_183 = tpu.memref_slice %arg11[%dma_wait3A, %dma_wait3A_181, %dma_wait3A_182] : memref<8x128x32xf32, #tpu.memory_space<vmem>> -> memref<1x128x32xf32, #tpu.memory_space<vmem>>
      %dma_wait3A_184 = tpu.memref_squeeze %dma_wait3A_183 : memref<1x128x32xf32, #tpu.memory_space<vmem>> -> memref<128x32xf32, #tpu.memory_space<vmem>>
      %dma_wait3A_185 = arith.constant 0 : i32
      %dma_wait3A_186 = tpu.memref_slice %arg2[%mul3A_24, %dma_wait3A_185] : memref<163840x32xf32, #tpu.memory_space<hbm>> -> memref<128x32xf32, #tpu.memory_space<hbm>>
      %dma_wait3A_187 = arith.constant 0 : i32
      %dma_wait3A_188 = arith.constant 0 : i32
      %dma_wait3A_189 = tpu.memref_slice %arg11[%dma_wait3A, %dma_wait3A_187, %dma_wait3A_188] : memref<8x128x32xf32, #tpu.memory_space<vmem>> -> memref<1x128x32xf32, #tpu.memory_space<vmem>>
      %dma_wait3A_190 = tpu.memref_squeeze %dma_wait3A_189 : memref<1x128x32xf32, #tpu.memory_space<vmem>> -> memref<128x32xf32, #tpu.memory_space<vmem>>
      %dma_wait3A_191 = arith.constant 0 : i32
      %dma_wait3A_192 = tpu.memref_slice %arg2[%mul3A_24, %dma_wait3A_191] : memref<163840x32xf32, #tpu.memory_space<hbm>> -> memref<128x32xf32, #tpu.memory_space<hbm>>
      tpu.wait_dma2 semaphore(%arg13 : memref<!tpu.dma_semaphore, #tpu.memory_space<semaphore_mem>>) src(%dma_wait3A_192 : memref<128x32xf32, #tpu.memory_space<hbm>>) dst(%dma_wait3A_190 : memref<128x32xf32, #tpu.memory_space<vmem>>)
      %run_scoped3A = arith.constant 0 : i32
      "tpu.region"() ({
        %run_scoped3A_319 = tpu.sem_alloc : memref<!tpu.dma_semaphore, #tpu.memory_space<semaphore_mem>>
        %dma_start3A_320 = arith.constant 0 : i32
        %dma_start3A_321 = arith.constant 0 : i32
        %dma_start3A_322 = tpu.memref_slice %arg11[%run_scoped3A, %dma_start3A_320, %dma_start3A_321] : memref<8x128x32xf32, #tpu.memory_space<vmem>> -> memref<1x128x32xf32, #tpu.memory_space<vmem>>
        %dma_start3A_323 = tpu.memref_squeeze %dma_start3A_322 : memref<1x128x32xf32, #tpu.memory_space<vmem>> -> memref<128x32xf32, #tpu.memory_space<vmem>>
        %dma_start3A_324 = arith.constant 0 : i32
        %dma_start3A_325 = tpu.memref_slice %arg10[%add3A_180, %dma_start3A_324] : memref<40x128xi32, #tpu.memory_space<vmem>> -> memref<1x128xi32, #tpu.memory_space<vmem>>
        %dma_start3A_326 = tpu.memref_squeeze %dma_start3A_325 : memref<1x128xi32, #tpu.memory_space<vmem>> -> memref<128xi32, #tpu.memory_space<vmem>>
        %dma_start3A_327 = arith.constant 0 : i32
        %dma_start3A_328 = arith.constant 0 : i32
        %dma_start3A_329 = tpu.memref_slice %arg9[%dma_start3A_327, %dma_start3A_328] : memref<10016x32xf32, #tpu.memory_space<vmem_shared>> -> memref<10016x32xf32, #tpu.memory_space<vmem_shared>>
        tpu.enqueue_indirect_dma source(%dma_start3A_323 : memref<128x32xf32, #tpu.memory_space<vmem>>) target(%dma_start3A_329 : memref<10016x32xf32, #tpu.memory_space<vmem_shared>>) offsets(%dma_start3A_326 : memref<128xi32, #tpu.memory_space<vmem>>) semaphore(%run_scoped3A_319 : memref<!tpu.dma_semaphore, #tpu.memory_space<semaphore_mem>>) {add = true}
        %dma_wait3A_330 = arith.constant 0 : i32
        %dma_wait3A_331 = arith.constant 0 : i32
        %dma_wait3A_332 = tpu.memref_slice %arg11[%run_scoped3A, %dma_wait3A_330, %dma_wait3A_331] : memref<8x128x32xf32, #tpu.memory_space<vmem>> -> memref<1x128x32xf32, #tpu.memory_space<vmem>>
        %dma_wait3A_333 = tpu.memref_squeeze %dma_wait3A_332 : memref<1x128x32xf32, #tpu.memory_space<vmem>> -> memref<128x32xf32, #tpu.memory_space<vmem>>
        %dma_wait3A_334 = arith.constant 0 : i32
        %dma_wait3A_335 = tpu.memref_slice %arg10[%add3A_180, %dma_wait3A_334] : memref<40x128xi32, #tpu.memory_space<vmem>> -> memref<1x128xi32, #tpu.memory_space<vmem>>
        %dma_wait3A_336 = tpu.memref_squeeze %dma_wait3A_335 : memref<1x128xi32, #tpu.memory_space<vmem>> -> memref<128xi32, #tpu.memory_space<vmem>>
        %dma_wait3A_337 = arith.constant 0 : i32
        %dma_wait3A_338 = arith.constant 0 : i32
        %dma_wait3A_339 = tpu.memref_slice %arg9[%dma_wait3A_337, %dma_wait3A_338] : memref<10016x32xf32, #tpu.memory_space<vmem_shared>> -> memref<10016x32xf32, #tpu.memory_space<vmem_shared>>
        tpu.wait_indirect_dma semaphore(%run_scoped3A_319 : memref<!tpu.dma_semaphore, #tpu.memory_space<semaphore_mem>>) src(%dma_wait3A_333 : memref<128x32xf32, #tpu.memory_space<vmem>>) dst(%dma_wait3A_339 : memref<10016x32xf32, #tpu.memory_space<vmem_shared>>)
        tpu.yield
      }) : () -> ()
      "tpu.region"() ({
        %run_scoped3A_319 = tpu.sem_alloc : memref<!tpu.dma_semaphore, #tpu.memory_space<semaphore_mem>>
        %dma_start3A_320 = arith.constant 0 : i32
        %dma_start3A_321 = tpu.memref_slice %arg10[%add3A_180, %dma_start3A_320] : memref<40x128xi32, #tpu.memory_space<vmem>> -> memref<1x128xi32, #tpu.memory_space<vmem>>
        %dma_start3A_322 = tpu.memref_squeeze %dma_start3A_321 : memref<1x128xi32, #tpu.memory_space<vmem>> -> memref<128xi32, #tpu.memory_space<vmem>>
        %dma_start3A_323 = arith.constant 0 : i32
        %dma_start3A_324 = arith.constant 0 : i32
        %dma_start3A_325 = tpu.memref_slice %arg21[%dma_start3A_323, %dma_start3A_324] : memref<10016x16xf32, #tpu.memory_space<vmem_shared>> -> memref<10016x16xf32, #tpu.memory_space<vmem_shared>>
        tpu.enqueue_indirect_dma source(%arg22 : memref<128x16xf32, #tpu.memory_space<vmem>>) target(%dma_start3A_325 : memref<10016x16xf32, #tpu.memory_space<vmem_shared>>) offsets(%dma_start3A_322 : memref<128xi32, #tpu.memory_space<vmem>>) semaphore(%run_scoped3A_319 : memref<!tpu.dma_semaphore, #tpu.memory_space<semaphore_mem>>) {add = true}
        %dma_wait3A_326 = arith.constant 0 : i32
        %dma_wait3A_327 = tpu.memref_slice %arg10[%add3A_180, %dma_wait3A_326] : memref<40x128xi32, #tpu.memory_space<vmem>> -> memref<1x128xi32, #tpu.memory_space<vmem>>
        %dma_wait3A_328 = tpu.memref_squeeze %dma_wait3A_327 : memref<1x128xi32, #tpu.memory_space<vmem>> -> memref<128xi32, #tpu.memory_space<vmem>>
        %dma_wait3A_329 = arith.constant 0 : i32
        %dma_wait3A_330 = arith.constant 0 : i32
        %dma_wait3A_331 = tpu.memref_slice %arg21[%dma_wait3A_329, %dma_wait3A_330] : memref<10016x16xf32, #tpu.memory_space<vmem_shared>> -> memref<10016x16xf32, #tpu.memory_space<vmem_shared>>
        tpu.wait_indirect_dma semaphore(%run_scoped3A_319 : memref<!tpu.dma_semaphore, #tpu.memory_space<semaphore_mem>>) src(%arg22 : memref<128x16xf32, #tpu.memory_space<vmem>>) dst(%dma_wait3A_331 : memref<10016x16xf32, #tpu.memory_space<vmem_shared>>)
        tpu.yield
      }) : () -> ()
      %mul3A_193 = arith.constant 8 : i32
      %mul3A_194 = arith.muli %scan3A_17, %mul3A_193 : i32
      %add3A_195 = arith.constant 1 : i32
      %add3A_196 = arith.addi %mul3A_194, %add3A_195 : i32
      %dma_wait3A_197 = arith.constant 1 : i32
      %dma_wait3A_198 = arith.constant 0 : i32
      %dma_wait3A_199 = arith.constant 0 : i32
      %dma_wait3A_200 = tpu.memref_slice %arg11[%dma_wait3A_197, %dma_wait3A_198, %dma_wait3A_199] : memref<8x128x32xf32, #tpu.memory_space<vmem>> -> memref<1x128x32xf32, #tpu.memory_space<vmem>>
      %dma_wait3A_201 = tpu.memref_squeeze %dma_wait3A_200 : memref<1x128x32xf32, #tpu.memory_space<vmem>> -> memref<128x32xf32, #tpu.memory_space<vmem>>
      %dma_wait3A_202 = arith.constant 0 : i32
      %dma_wait3A_203 = tpu.memref_slice %arg2[%mul3A_43, %dma_wait3A_202] : memref<163840x32xf32, #tpu.memory_space<hbm>> -> memref<128x32xf32, #tpu.memory_space<hbm>>
      %dma_wait3A_204 = arith.constant 0 : i32
      %dma_wait3A_205 = arith.constant 0 : i32
      %dma_wait3A_206 = tpu.memref_slice %arg11[%dma_wait3A_197, %dma_wait3A_204, %dma_wait3A_205] : memref<8x128x32xf32, #tpu.memory_space<vmem>> -> memref<1x128x32xf32, #tpu.memory_space<vmem>>
      %dma_wait3A_207 = tpu.memref_squeeze %dma_wait3A_206 : memref<1x128x32xf32, #tpu.memory_space<vmem>> -> memref<128x32xf32, #tpu.memory_space<vmem>>
      %dma_wait3A_208 = arith.constant 0 : i32
      %dma_wait3A_209 = tpu.memref_slice %arg2[%mul3A_43, %dma_wait3A_208] : memref<163840x32xf32, #tpu.memory_space<hbm>> -> memref<128x32xf32, #tpu.memory_space<hbm>>
      tpu.wait_dma2 semaphore(%arg14 : memref<!tpu.dma_semaphore, #tpu.memory_space<semaphore_mem>>) src(%dma_wait3A_209 : memref<128x32xf32, #tpu.memory_space<hbm>>) dst(%dma_wait3A_207 : memref<128x32xf32, #tpu.memory_space<vmem>>)
      %run_scoped3A_210 = arith.constant 1 : i32
      "tpu.region"() ({
        %run_scoped3A_319 = tpu.sem_alloc : memref<!tpu.dma_semaphore, #tpu.memory_space<semaphore_mem>>
        %dma_start3A_320 = arith.constant 0 : i32
        %dma_start3A_321 = arith.constant 0 : i32
        %dma_start3A_322 = tpu.memref_slice %arg11[%run_scoped3A_210, %dma_start3A_320, %dma_start3A_321] : memref<8x128x32xf32, #tpu.memory_space<vmem>> -> memref<1x128x32xf32, #tpu.memory_space<vmem>>
        %dma_start3A_323 = tpu.memref_squeeze %dma_start3A_322 : memref<1x128x32xf32, #tpu.memory_space<vmem>> -> memref<128x32xf32, #tpu.memory_space<vmem>>
        %dma_start3A_324 = arith.constant 0 : i32
        %dma_start3A_325 = tpu.memref_slice %arg10[%add3A_196, %dma_start3A_324] : memref<40x128xi32, #tpu.memory_space<vmem>> -> memref<1x128xi32, #tpu.memory_space<vmem>>
        %dma_start3A_326 = tpu.memref_squeeze %dma_start3A_325 : memref<1x128xi32, #tpu.memory_space<vmem>> -> memref<128xi32, #tpu.memory_space<vmem>>
        %dma_start3A_327 = arith.constant 0 : i32
        %dma_start3A_328 = arith.constant 0 : i32
        %dma_start3A_329 = tpu.memref_slice %arg9[%dma_start3A_327, %dma_start3A_328] : memref<10016x32xf32, #tpu.memory_space<vmem_shared>> -> memref<10016x32xf32, #tpu.memory_space<vmem_shared>>
        tpu.enqueue_indirect_dma source(%dma_start3A_323 : memref<128x32xf32, #tpu.memory_space<vmem>>) target(%dma_start3A_329 : memref<10016x32xf32, #tpu.memory_space<vmem_shared>>) offsets(%dma_start3A_326 : memref<128xi32, #tpu.memory_space<vmem>>) semaphore(%run_scoped3A_319 : memref<!tpu.dma_semaphore, #tpu.memory_space<semaphore_mem>>) {add = true}
        %dma_wait3A_330 = arith.constant 0 : i32
        %dma_wait3A_331 = arith.constant 0 : i32
        %dma_wait3A_332 = tpu.memref_slice %arg11[%run_scoped3A_210, %dma_wait3A_330, %dma_wait3A_331] : memref<8x128x32xf32, #tpu.memory_space<vmem>> -> memref<1x128x32xf32, #tpu.memory_space<vmem>>
        %dma_wait3A_333 = tpu.memref_squeeze %dma_wait3A_332 : memref<1x128x32xf32, #tpu.memory_space<vmem>> -> memref<128x32xf32, #tpu.memory_space<vmem>>
        %dma_wait3A_334 = arith.constant 0 : i32
        %dma_wait3A_335 = tpu.memref_slice %arg10[%add3A_196, %dma_wait3A_334] : memref<40x128xi32, #tpu.memory_space<vmem>> -> memref<1x128xi32, #tpu.memory_space<vmem>>
        %dma_wait3A_336 = tpu.memref_squeeze %dma_wait3A_335 : memref<1x128xi32, #tpu.memory_space<vmem>> -> memref<128xi32, #tpu.memory_space<vmem>>
        %dma_wait3A_337 = arith.constant 0 : i32
        %dma_wait3A_338 = arith.constant 0 : i32
        %dma_wait3A_339 = tpu.memref_slice %arg9[%dma_wait3A_337, %dma_wait3A_338] : memref<10016x32xf32, #tpu.memory_space<vmem_shared>> -> memref<10016x32xf32, #tpu.memory_space<vmem_shared>>
        tpu.wait_indirect_dma semaphore(%run_scoped3A_319 : memref<!tpu.dma_semaphore, #tpu.memory_space<semaphore_mem>>) src(%dma_wait3A_333 : memref<128x32xf32, #tpu.memory_space<vmem>>) dst(%dma_wait3A_339 : memref<10016x32xf32, #tpu.memory_space<vmem_shared>>)
        tpu.yield
      }) : () -> ()
      "tpu.region"() ({
        %run_scoped3A_319 = tpu.sem_alloc : memref<!tpu.dma_semaphore, #tpu.memory_space<semaphore_mem>>
        %dma_start3A_320 = arith.constant 0 : i32
        %dma_start3A_321 = tpu.memref_slice %arg10[%add3A_196, %dma_start3A_320] : memref<40x128xi32, #tpu.memory_space<vmem>> -> memref<1x128xi32, #tpu.memory_space<vmem>>
        %dma_start3A_322 = tpu.memref_squeeze %dma_start3A_321 : memref<1x128xi32, #tpu.memory_space<vmem>> -> memref<128xi32, #tpu.memory_space<vmem>>
        %dma_start3A_323 = arith.constant 0 : i32
        %dma_start3A_324 = arith.constant 0 : i32
        %dma_start3A_325 = tpu.memref_slice %arg21[%dma_start3A_323, %dma_start3A_324] : memref<10016x16xf32, #tpu.memory_space<vmem_shared>> -> memref<10016x16xf32, #tpu.memory_space<vmem_shared>>
        tpu.enqueue_indirect_dma source(%arg22 : memref<128x16xf32, #tpu.memory_space<vmem>>) target(%dma_start3A_325 : memref<10016x16xf32, #tpu.memory_space<vmem_shared>>) offsets(%dma_start3A_322 : memref<128xi32, #tpu.memory_space<vmem>>) semaphore(%run_scoped3A_319 : memref<!tpu.dma_semaphore, #tpu.memory_space<semaphore_mem>>) {add = true}
        %dma_wait3A_326 = arith.constant 0 : i32
        %dma_wait3A_327 = tpu.memref_slice %arg10[%add3A_196, %dma_wait3A_326] : memref<40x128xi32, #tpu.memory_space<vmem>> -> memref<1x128xi32, #tpu.memory_space<vmem>>
        %dma_wait3A_328 = tpu.memref_squeeze %dma_wait3A_327 : memref<1x128xi32, #tpu.memory_space<vmem>> -> memref<128xi32, #tpu.memory_space<vmem>>
        %dma_wait3A_329 = arith.constant 0 : i32
        %dma_wait3A_330 = arith.constant 0 : i32
        %dma_wait3A_331 = tpu.memref_slice %arg21[%dma_wait3A_329, %dma_wait3A_330] : memref<10016x16xf32, #tpu.memory_space<vmem_shared>> -> memref<10016x16xf32, #tpu.memory_space<vmem_shared>>
        tpu.wait_indirect_dma semaphore(%run_scoped3A_319 : memref<!tpu.dma_semaphore, #tpu.memory_space<semaphore_mem>>) src(%arg22 : memref<128x16xf32, #tpu.memory_space<vmem>>) dst(%dma_wait3A_331 : memref<10016x16xf32, #tpu.memory_space<vmem_shared>>)
        tpu.yield
      }) : () -> ()
      %mul3A_211 = arith.constant 8 : i32
      %mul3A_212 = arith.muli %scan3A_17, %mul3A_211 : i32
      %add3A_213 = arith.constant 2 : i32
      %add3A_214 = arith.addi %mul3A_212, %add3A_213 : i32
      %dma_wait3A_215 = arith.constant 2 : i32
      %dma_wait3A_216 = arith.constant 0 : i32
      %dma_wait3A_217 = arith.constant 0 : i32
      %dma_wait3A_218 = tpu.memref_slice %arg11[%dma_wait3A_215, %dma_wait3A_216, %dma_wait3A_217] : memref<8x128x32xf32, #tpu.memory_space<vmem>> -> memref<1x128x32xf32, #tpu.memory_space<vmem>>
      %dma_wait3A_219 = tpu.memref_squeeze %dma_wait3A_218 : memref<1x128x32xf32, #tpu.memory_space<vmem>> -> memref<128x32xf32, #tpu.memory_space<vmem>>
      %dma_wait3A_220 = arith.constant 0 : i32
      %dma_wait3A_221 = tpu.memref_slice %arg2[%mul3A_63, %dma_wait3A_220] : memref<163840x32xf32, #tpu.memory_space<hbm>> -> memref<128x32xf32, #tpu.memory_space<hbm>>
      %dma_wait3A_222 = arith.constant 0 : i32
      %dma_wait3A_223 = arith.constant 0 : i32
      %dma_wait3A_224 = tpu.memref_slice %arg11[%dma_wait3A_215, %dma_wait3A_222, %dma_wait3A_223] : memref<8x128x32xf32, #tpu.memory_space<vmem>> -> memref<1x128x32xf32, #tpu.memory_space<vmem>>
      %dma_wait3A_225 = tpu.memref_squeeze %dma_wait3A_224 : memref<1x128x32xf32, #tpu.memory_space<vmem>> -> memref<128x32xf32, #tpu.memory_space<vmem>>
      %dma_wait3A_226 = arith.constant 0 : i32
      %dma_wait3A_227 = tpu.memref_slice %arg2[%mul3A_63, %dma_wait3A_226] : memref<163840x32xf32, #tpu.memory_space<hbm>> -> memref<128x32xf32, #tpu.memory_space<hbm>>
      tpu.wait_dma2 semaphore(%arg15 : memref<!tpu.dma_semaphore, #tpu.memory_space<semaphore_mem>>) src(%dma_wait3A_227 : memref<128x32xf32, #tpu.memory_space<hbm>>) dst(%dma_wait3A_225 : memref<128x32xf32, #tpu.memory_space<vmem>>)
      %run_scoped3A_228 = arith.constant 2 : i32
      "tpu.region"() ({
        %run_scoped3A_319 = tpu.sem_alloc : memref<!tpu.dma_semaphore, #tpu.memory_space<semaphore_mem>>
        %dma_start3A_320 = arith.constant 0 : i32
        %dma_start3A_321 = arith.constant 0 : i32
        %dma_start3A_322 = tpu.memref_slice %arg11[%run_scoped3A_228, %dma_start3A_320, %dma_start3A_321] : memref<8x128x32xf32, #tpu.memory_space<vmem>> -> memref<1x128x32xf32, #tpu.memory_space<vmem>>
        %dma_start3A_323 = tpu.memref_squeeze %dma_start3A_322 : memref<1x128x32xf32, #tpu.memory_space<vmem>> -> memref<128x32xf32, #tpu.memory_space<vmem>>
        %dma_start3A_324 = arith.constant 0 : i32
        %dma_start3A_325 = tpu.memref_slice %arg10[%add3A_214, %dma_start3A_324] : memref<40x128xi32, #tpu.memory_space<vmem>> -> memref<1x128xi32, #tpu.memory_space<vmem>>
        %dma_start3A_326 = tpu.memref_squeeze %dma_start3A_325 : memref<1x128xi32, #tpu.memory_space<vmem>> -> memref<128xi32, #tpu.memory_space<vmem>>
        %dma_start3A_327 = arith.constant 0 : i32
        %dma_start3A_328 = arith.constant 0 : i32
        %dma_start3A_329 = tpu.memref_slice %arg9[%dma_start3A_327, %dma_start3A_328] : memref<10016x32xf32, #tpu.memory_space<vmem_shared>> -> memref<10016x32xf32, #tpu.memory_space<vmem_shared>>
        tpu.enqueue_indirect_dma source(%dma_start3A_323 : memref<128x32xf32, #tpu.memory_space<vmem>>) target(%dma_start3A_329 : memref<10016x32xf32, #tpu.memory_space<vmem_shared>>) offsets(%dma_start3A_326 : memref<128xi32, #tpu.memory_space<vmem>>) semaphore(%run_scoped3A_319 : memref<!tpu.dma_semaphore, #tpu.memory_space<semaphore_mem>>) {add = true}
        %dma_wait3A_330 = arith.constant 0 : i32
        %dma_wait3A_331 = arith.constant 0 : i32
        %dma_wait3A_332 = tpu.memref_slice %arg11[%run_scoped3A_228, %dma_wait3A_330, %dma_wait3A_331] : memref<8x128x32xf32, #tpu.memory_space<vmem>> -> memref<1x128x32xf32, #tpu.memory_space<vmem>>
        %dma_wait3A_333 = tpu.memref_squeeze %dma_wait3A_332 : memref<1x128x32xf32, #tpu.memory_space<vmem>> -> memref<128x32xf32, #tpu.memory_space<vmem>>
        %dma_wait3A_334 = arith.constant 0 : i32
        %dma_wait3A_335 = tpu.memref_slice %arg10[%add3A_214, %dma_wait3A_334] : memref<40x128xi32, #tpu.memory_space<vmem>> -> memref<1x128xi32, #tpu.memory_space<vmem>>
        %dma_wait3A_336 = tpu.memref_squeeze %dma_wait3A_335 : memref<1x128xi32, #tpu.memory_space<vmem>> -> memref<128xi32, #tpu.memory_space<vmem>>
        %dma_wait3A_337 = arith.constant 0 : i32
        %dma_wait3A_338 = arith.constant 0 : i32
        %dma_wait3A_339 = tpu.memref_slice %arg9[%dma_wait3A_337, %dma_wait3A_338] : memref<10016x32xf32, #tpu.memory_space<vmem_shared>> -> memref<10016x32xf32, #tpu.memory_space<vmem_shared>>
        tpu.wait_indirect_dma semaphore(%run_scoped3A_319 : memref<!tpu.dma_semaphore, #tpu.memory_space<semaphore_mem>>) src(%dma_wait3A_333 : memref<128x32xf32, #tpu.memory_space<vmem>>) dst(%dma_wait3A_339 : memref<10016x32xf32, #tpu.memory_space<vmem_shared>>)
        tpu.yield
      }) : () -> ()
      "tpu.region"() ({
        %run_scoped3A_319 = tpu.sem_alloc : memref<!tpu.dma_semaphore, #tpu.memory_space<semaphore_mem>>
        %dma_start3A_320 = arith.constant 0 : i32
        %dma_start3A_321 = tpu.memref_slice %arg10[%add3A_214, %dma_start3A_320] : memref<40x128xi32, #tpu.memory_space<vmem>> -> memref<1x128xi32, #tpu.memory_space<vmem>>
        %dma_start3A_322 = tpu.memref_squeeze %dma_start3A_321 : memref<1x128xi32, #tpu.memory_space<vmem>> -> memref<128xi32, #tpu.memory_space<vmem>>
        %dma_start3A_323 = arith.constant 0 : i32
        %dma_start3A_324 = arith.constant 0 : i32
        %dma_start3A_325 = tpu.memref_slice %arg21[%dma_start3A_323, %dma_start3A_324] : memref<10016x16xf32, #tpu.memory_space<vmem_shared>> -> memref<10016x16xf32, #tpu.memory_space<vmem_shared>>
        tpu.enqueue_indirect_dma source(%arg22 : memref<128x16xf32, #tpu.memory_space<vmem>>) target(%dma_start3A_325 : memref<10016x16xf32, #tpu.memory_space<vmem_shared>>) offsets(%dma_start3A_322 : memref<128xi32, #tpu.memory_space<vmem>>) semaphore(%run_scoped3A_319 : memref<!tpu.dma_semaphore, #tpu.memory_space<semaphore_mem>>) {add = true}
        %dma_wait3A_326 = arith.constant 0 : i32
        %dma_wait3A_327 = tpu.memref_slice %arg10[%add3A_214, %dma_wait3A_326] : memref<40x128xi32, #tpu.memory_space<vmem>> -> memref<1x128xi32, #tpu.memory_space<vmem>>
        %dma_wait3A_328 = tpu.memref_squeeze %dma_wait3A_327 : memref<1x128xi32, #tpu.memory_space<vmem>> -> memref<128xi32, #tpu.memory_space<vmem>>
        %dma_wait3A_329 = arith.constant 0 : i32
        %dma_wait3A_330 = arith.constant 0 : i32
        %dma_wait3A_331 = tpu.memref_slice %arg21[%dma_wait3A_329, %dma_wait3A_330] : memref<10016x16xf32, #tpu.memory_space<vmem_shared>> -> memref<10016x16xf32, #tpu.memory_space<vmem_shared>>
        tpu.wait_indirect_dma semaphore(%run_scoped3A_319 : memref<!tpu.dma_semaphore, #tpu.memory_space<semaphore_mem>>) src(%arg22 : memref<128x16xf32, #tpu.memory_space<vmem>>) dst(%dma_wait3A_331 : memref<10016x16xf32, #tpu.memory_space<vmem_shared>>)
        tpu.yield
      }) : () -> ()
      %mul3A_229 = arith.constant 8 : i32
      %mul3A_230 = arith.muli %scan3A_17, %mul3A_229 : i32
      %add3A_231 = arith.constant 3 : i32
      %add3A_232 = arith.addi %mul3A_230, %add3A_231 : i32
      %dma_wait3A_233 = arith.constant 3 : i32
      %dma_wait3A_234 = arith.constant 0 : i32
      %dma_wait3A_235 = arith.constant 0 : i32
      %dma_wait3A_236 = tpu.memref_slice %arg11[%dma_wait3A_233, %dma_wait3A_234, %dma_wait3A_235] : memref<8x128x32xf32, #tpu.memory_space<vmem>> -> memref<1x128x32xf32, #tpu.memory_space<vmem>>
      %dma_wait3A_237 = tpu.memref_squeeze %dma_wait3A_236 : memref<1x128x32xf32, #tpu.memory_space<vmem>> -> memref<128x32xf32, #tpu.memory_space<vmem>>
      %dma_wait3A_238 = arith.constant 0 : i32
      %dma_wait3A_239 = tpu.memref_slice %arg2[%mul3A_83, %dma_wait3A_238] : memref<163840x32xf32, #tpu.memory_space<hbm>> -> memref<128x32xf32, #tpu.memory_space<hbm>>
      %dma_wait3A_240 = arith.constant 0 : i32
      %dma_wait3A_241 = arith.constant 0 : i32
      %dma_wait3A_242 = tpu.memref_slice %arg11[%dma_wait3A_233, %dma_wait3A_240, %dma_wait3A_241] : memref<8x128x32xf32, #tpu.memory_space<vmem>> -> memref<1x128x32xf32, #tpu.memory_space<vmem>>
      %dma_wait3A_243 = tpu.memref_squeeze %dma_wait3A_242 : memref<1x128x32xf32, #tpu.memory_space<vmem>> -> memref<128x32xf32, #tpu.memory_space<vmem>>
      %dma_wait3A_244 = arith.constant 0 : i32
      %dma_wait3A_245 = tpu.memref_slice %arg2[%mul3A_83, %dma_wait3A_244] : memref<163840x32xf32, #tpu.memory_space<hbm>> -> memref<128x32xf32, #tpu.memory_space<hbm>>
      tpu.wait_dma2 semaphore(%arg16 : memref<!tpu.dma_semaphore, #tpu.memory_space<semaphore_mem>>) src(%dma_wait3A_245 : memref<128x32xf32, #tpu.memory_space<hbm>>) dst(%dma_wait3A_243 : memref<128x32xf32, #tpu.memory_space<vmem>>)
      %run_scoped3A_246 = arith.constant 3 : i32
      "tpu.region"() ({
        %run_scoped3A_319 = tpu.sem_alloc : memref<!tpu.dma_semaphore, #tpu.memory_space<semaphore_mem>>
        %dma_start3A_320 = arith.constant 0 : i32
        %dma_start3A_321 = arith.constant 0 : i32
        %dma_start3A_322 = tpu.memref_slice %arg11[%run_scoped3A_246, %dma_start3A_320, %dma_start3A_321] : memref<8x128x32xf32, #tpu.memory_space<vmem>> -> memref<1x128x32xf32, #tpu.memory_space<vmem>>
        %dma_start3A_323 = tpu.memref_squeeze %dma_start3A_322 : memref<1x128x32xf32, #tpu.memory_space<vmem>> -> memref<128x32xf32, #tpu.memory_space<vmem>>
        %dma_start3A_324 = arith.constant 0 : i32
        %dma_start3A_325 = tpu.memref_slice %arg10[%add3A_232, %dma_start3A_324] : memref<40x128xi32, #tpu.memory_space<vmem>> -> memref<1x128xi32, #tpu.memory_space<vmem>>
        %dma_start3A_326 = tpu.memref_squeeze %dma_start3A_325 : memref<1x128xi32, #tpu.memory_space<vmem>> -> memref<128xi32, #tpu.memory_space<vmem>>
        %dma_start3A_327 = arith.constant 0 : i32
        %dma_start3A_328 = arith.constant 0 : i32
        %dma_start3A_329 = tpu.memref_slice %arg9[%dma_start3A_327, %dma_start3A_328] : memref<10016x32xf32, #tpu.memory_space<vmem_shared>> -> memref<10016x32xf32, #tpu.memory_space<vmem_shared>>
        tpu.enqueue_indirect_dma source(%dma_start3A_323 : memref<128x32xf32, #tpu.memory_space<vmem>>) target(%dma_start3A_329 : memref<10016x32xf32, #tpu.memory_space<vmem_shared>>) offsets(%dma_start3A_326 : memref<128xi32, #tpu.memory_space<vmem>>) semaphore(%run_scoped3A_319 : memref<!tpu.dma_semaphore, #tpu.memory_space<semaphore_mem>>) {add = true}
        %dma_wait3A_330 = arith.constant 0 : i32
        %dma_wait3A_331 = arith.constant 0 : i32
        %dma_wait3A_332 = tpu.memref_slice %arg11[%run_scoped3A_246, %dma_wait3A_330, %dma_wait3A_331] : memref<8x128x32xf32, #tpu.memory_space<vmem>> -> memref<1x128x32xf32, #tpu.memory_space<vmem>>
        %dma_wait3A_333 = tpu.memref_squeeze %dma_wait3A_332 : memref<1x128x32xf32, #tpu.memory_space<vmem>> -> memref<128x32xf32, #tpu.memory_space<vmem>>
        %dma_wait3A_334 = arith.constant 0 : i32
        %dma_wait3A_335 = tpu.memref_slice %arg10[%add3A_232, %dma_wait3A_334] : memref<40x128xi32, #tpu.memory_space<vmem>> -> memref<1x128xi32, #tpu.memory_space<vmem>>
        %dma_wait3A_336 = tpu.memref_squeeze %dma_wait3A_335 : memref<1x128xi32, #tpu.memory_space<vmem>> -> memref<128xi32, #tpu.memory_space<vmem>>
        %dma_wait3A_337 = arith.constant 0 : i32
        %dma_wait3A_338 = arith.constant 0 : i32
        %dma_wait3A_339 = tpu.memref_slice %arg9[%dma_wait3A_337, %dma_wait3A_338] : memref<10016x32xf32, #tpu.memory_space<vmem_shared>> -> memref<10016x32xf32, #tpu.memory_space<vmem_shared>>
        tpu.wait_indirect_dma semaphore(%run_scoped3A_319 : memref<!tpu.dma_semaphore, #tpu.memory_space<semaphore_mem>>) src(%dma_wait3A_333 : memref<128x32xf32, #tpu.memory_space<vmem>>) dst(%dma_wait3A_339 : memref<10016x32xf32, #tpu.memory_space<vmem_shared>>)
        tpu.yield
      }) : () -> ()
      "tpu.region"() ({
        %run_scoped3A_319 = tpu.sem_alloc : memref<!tpu.dma_semaphore, #tpu.memory_space<semaphore_mem>>
        %dma_start3A_320 = arith.constant 0 : i32
        %dma_start3A_321 = tpu.memref_slice %arg10[%add3A_232, %dma_start3A_320] : memref<40x128xi32, #tpu.memory_space<vmem>> -> memref<1x128xi32, #tpu.memory_space<vmem>>
        %dma_start3A_322 = tpu.memref_squeeze %dma_start3A_321 : memref<1x128xi32, #tpu.memory_space<vmem>> -> memref<128xi32, #tpu.memory_space<vmem>>
        %dma_start3A_323 = arith.constant 0 : i32
        %dma_start3A_324 = arith.constant 0 : i32
        %dma_start3A_325 = tpu.memref_slice %arg21[%dma_start3A_323, %dma_start3A_324] : memref<10016x16xf32, #tpu.memory_space<vmem_shared>> -> memref<10016x16xf32, #tpu.memory_space<vmem_shared>>
        tpu.enqueue_indirect_dma source(%arg22 : memref<128x16xf32, #tpu.memory_space<vmem>>) target(%dma_start3A_325 : memref<10016x16xf32, #tpu.memory_space<vmem_shared>>) offsets(%dma_start3A_322 : memref<128xi32, #tpu.memory_space<vmem>>) semaphore(%run_scoped3A_319 : memref<!tpu.dma_semaphore, #tpu.memory_space<semaphore_mem>>) {add = true}
        %dma_wait3A_326 = arith.constant 0 : i32
        %dma_wait3A_327 = tpu.memref_slice %arg10[%add3A_232, %dma_wait3A_326] : memref<40x128xi32, #tpu.memory_space<vmem>> -> memref<1x128xi32, #tpu.memory_space<vmem>>
        %dma_wait3A_328 = tpu.memref_squeeze %dma_wait3A_327 : memref<1x128xi32, #tpu.memory_space<vmem>> -> memref<128xi32, #tpu.memory_space<vmem>>
        %dma_wait3A_329 = arith.constant 0 : i32
        %dma_wait3A_330 = arith.constant 0 : i32
        %dma_wait3A_331 = tpu.memref_slice %arg21[%dma_wait3A_329, %dma_wait3A_330] : memref<10016x16xf32, #tpu.memory_space<vmem_shared>> -> memref<10016x16xf32, #tpu.memory_space<vmem_shared>>
        tpu.wait_indirect_dma semaphore(%run_scoped3A_319 : memref<!tpu.dma_semaphore, #tpu.memory_space<semaphore_mem>>) src(%arg22 : memref<128x16xf32, #tpu.memory_space<vmem>>) dst(%dma_wait3A_331 : memref<10016x16xf32, #tpu.memory_space<vmem_shared>>)
        tpu.yield
      }) : () -> ()
      %mul3A_247 = arith.constant 8 : i32
      %mul3A_248 = arith.muli %scan3A_17, %mul3A_247 : i32
      %add3A_249 = arith.constant 4 : i32
      %add3A_250 = arith.addi %mul3A_248, %add3A_249 : i32
      %dma_wait3A_251 = arith.constant 4 : i32
      %dma_wait3A_252 = arith.constant 0 : i32
      %dma_wait3A_253 = arith.constant 0 : i32
      %dma_wait3A_254 = tpu.memref_slice %arg11[%dma_wait3A_251, %dma_wait3A_252, %dma_wait3A_253] : memref<8x128x32xf32, #tpu.memory_space<vmem>> -> memref<1x128x32xf32, #tpu.memory_space<vmem>>
      %dma_wait3A_255 = tpu.memref_squeeze %dma_wait3A_254 : memref<1x128x32xf32, #tpu.memory_space<vmem>> -> memref<128x32xf32, #tpu.memory_space<vmem>>
      %dma_wait3A_256 = arith.constant 0 : i32
      %dma_wait3A_257 = tpu.memref_slice %arg2[%mul3A_103, %dma_wait3A_256] : memref<163840x32xf32, #tpu.memory_space<hbm>> -> memref<128x32xf32, #tpu.memory_space<hbm>>
      %dma_wait3A_258 = arith.constant 0 : i32
      %dma_wait3A_259 = arith.constant 0 : i32
      %dma_wait3A_260 = tpu.memref_slice %arg11[%dma_wait3A_251, %dma_wait3A_258, %dma_wait3A_259] : memref<8x128x32xf32, #tpu.memory_space<vmem>> -> memref<1x128x32xf32, #tpu.memory_space<vmem>>
      %dma_wait3A_261 = tpu.memref_squeeze %dma_wait3A_260 : memref<1x128x32xf32, #tpu.memory_space<vmem>> -> memref<128x32xf32, #tpu.memory_space<vmem>>
      %dma_wait3A_262 = arith.constant 0 : i32
      %dma_wait3A_263 = tpu.memref_slice %arg2[%mul3A_103, %dma_wait3A_262] : memref<163840x32xf32, #tpu.memory_space<hbm>> -> memref<128x32xf32, #tpu.memory_space<hbm>>
      tpu.wait_dma2 semaphore(%arg17 : memref<!tpu.dma_semaphore, #tpu.memory_space<semaphore_mem>>) src(%dma_wait3A_263 : memref<128x32xf32, #tpu.memory_space<hbm>>) dst(%dma_wait3A_261 : memref<128x32xf32, #tpu.memory_space<vmem>>)
      %run_scoped3A_264 = arith.constant 4 : i32
      "tpu.region"() ({
        %run_scoped3A_319 = tpu.sem_alloc : memref<!tpu.dma_semaphore, #tpu.memory_space<semaphore_mem>>
        %dma_start3A_320 = arith.constant 0 : i32
        %dma_start3A_321 = arith.constant 0 : i32
        %dma_start3A_322 = tpu.memref_slice %arg11[%run_scoped3A_264, %dma_start3A_320, %dma_start3A_321] : memref<8x128x32xf32, #tpu.memory_space<vmem>> -> memref<1x128x32xf32, #tpu.memory_space<vmem>>
        %dma_start3A_323 = tpu.memref_squeeze %dma_start3A_322 : memref<1x128x32xf32, #tpu.memory_space<vmem>> -> memref<128x32xf32, #tpu.memory_space<vmem>>
        %dma_start3A_324 = arith.constant 0 : i32
        %dma_start3A_325 = tpu.memref_slice %arg10[%add3A_250, %dma_start3A_324] : memref<40x128xi32, #tpu.memory_space<vmem>> -> memref<1x128xi32, #tpu.memory_space<vmem>>
        %dma_start3A_326 = tpu.memref_squeeze %dma_start3A_325 : memref<1x128xi32, #tpu.memory_space<vmem>> -> memref<128xi32, #tpu.memory_space<vmem>>
        %dma_start3A_327 = arith.constant 0 : i32
        %dma_start3A_328 = arith.constant 0 : i32
        %dma_start3A_329 = tpu.memref_slice %arg9[%dma_start3A_327, %dma_start3A_328] : memref<10016x32xf32, #tpu.memory_space<vmem_shared>> -> memref<10016x32xf32, #tpu.memory_space<vmem_shared>>
        tpu.enqueue_indirect_dma source(%dma_start3A_323 : memref<128x32xf32, #tpu.memory_space<vmem>>) target(%dma_start3A_329 : memref<10016x32xf32, #tpu.memory_space<vmem_shared>>) offsets(%dma_start3A_326 : memref<128xi32, #tpu.memory_space<vmem>>) semaphore(%run_scoped3A_319 : memref<!tpu.dma_semaphore, #tpu.memory_space<semaphore_mem>>) {add = true}
        %dma_wait3A_330 = arith.constant 0 : i32
        %dma_wait3A_331 = arith.constant 0 : i32
        %dma_wait3A_332 = tpu.memref_slice %arg11[%run_scoped3A_264, %dma_wait3A_330, %dma_wait3A_331] : memref<8x128x32xf32, #tpu.memory_space<vmem>> -> memref<1x128x32xf32, #tpu.memory_space<vmem>>
        %dma_wait3A_333 = tpu.memref_squeeze %dma_wait3A_332 : memref<1x128x32xf32, #tpu.memory_space<vmem>> -> memref<128x32xf32, #tpu.memory_space<vmem>>
        %dma_wait3A_334 = arith.constant 0 : i32
        %dma_wait3A_335 = tpu.memref_slice %arg10[%add3A_250, %dma_wait3A_334] : memref<40x128xi32, #tpu.memory_space<vmem>> -> memref<1x128xi32, #tpu.memory_space<vmem>>
        %dma_wait3A_336 = tpu.memref_squeeze %dma_wait3A_335 : memref<1x128xi32, #tpu.memory_space<vmem>> -> memref<128xi32, #tpu.memory_space<vmem>>
        %dma_wait3A_337 = arith.constant 0 : i32
        %dma_wait3A_338 = arith.constant 0 : i32
        %dma_wait3A_339 = tpu.memref_slice %arg9[%dma_wait3A_337, %dma_wait3A_338] : memref<10016x32xf32, #tpu.memory_space<vmem_shared>> -> memref<10016x32xf32, #tpu.memory_space<vmem_shared>>
        tpu.wait_indirect_dma semaphore(%run_scoped3A_319 : memref<!tpu.dma_semaphore, #tpu.memory_space<semaphore_mem>>) src(%dma_wait3A_333 : memref<128x32xf32, #tpu.memory_space<vmem>>) dst(%dma_wait3A_339 : memref<10016x32xf32, #tpu.memory_space<vmem_shared>>)
        tpu.yield
      }) : () -> ()
      "tpu.region"() ({
        %run_scoped3A_319 = tpu.sem_alloc : memref<!tpu.dma_semaphore, #tpu.memory_space<semaphore_mem>>
        %dma_start3A_320 = arith.constant 0 : i32
        %dma_start3A_321 = tpu.memref_slice %arg10[%add3A_250, %dma_start3A_320] : memref<40x128xi32, #tpu.memory_space<vmem>> -> memref<1x128xi32, #tpu.memory_space<vmem>>
        %dma_start3A_322 = tpu.memref_squeeze %dma_start3A_321 : memref<1x128xi32, #tpu.memory_space<vmem>> -> memref<128xi32, #tpu.memory_space<vmem>>
        %dma_start3A_323 = arith.constant 0 : i32
        %dma_start3A_324 = arith.constant 0 : i32
        %dma_start3A_325 = tpu.memref_slice %arg21[%dma_start3A_323, %dma_start3A_324] : memref<10016x16xf32, #tpu.memory_space<vmem_shared>> -> memref<10016x16xf32, #tpu.memory_space<vmem_shared>>
        tpu.enqueue_indirect_dma source(%arg22 : memref<128x16xf32, #tpu.memory_space<vmem>>) target(%dma_start3A_325 : memref<10016x16xf32, #tpu.memory_space<vmem_shared>>) offsets(%dma_start3A_322 : memref<128xi32, #tpu.memory_space<vmem>>) semaphore(%run_scoped3A_319 : memref<!tpu.dma_semaphore, #tpu.memory_space<semaphore_mem>>) {add = true}
        %dma_wait3A_326 = arith.constant 0 : i32
        %dma_wait3A_327 = tpu.memref_slice %arg10[%add3A_250, %dma_wait3A_326] : memref<40x128xi32, #tpu.memory_space<vmem>> -> memref<1x128xi32, #tpu.memory_space<vmem>>
        %dma_wait3A_328 = tpu.memref_squeeze %dma_wait3A_327 : memref<1x128xi32, #tpu.memory_space<vmem>> -> memref<128xi32, #tpu.memory_space<vmem>>
        %dma_wait3A_329 = arith.constant 0 : i32
        %dma_wait3A_330 = arith.constant 0 : i32
        %dma_wait3A_331 = tpu.memref_slice %arg21[%dma_wait3A_329, %dma_wait3A_330] : memref<10016x16xf32, #tpu.memory_space<vmem_shared>> -> memref<10016x16xf32, #tpu.memory_space<vmem_shared>>
        tpu.wait_indirect_dma semaphore(%run_scoped3A_319 : memref<!tpu.dma_semaphore, #tpu.memory_space<semaphore_mem>>) src(%arg22 : memref<128x16xf32, #tpu.memory_space<vmem>>) dst(%dma_wait3A_331 : memref<10016x16xf32, #tpu.memory_space<vmem_shared>>)
        tpu.yield
      }) : () -> ()
      %mul3A_265 = arith.constant 8 : i32
      %mul3A_266 = arith.muli %scan3A_17, %mul3A_265 : i32
      %add3A_267 = arith.constant 5 : i32
      %add3A_268 = arith.addi %mul3A_266, %add3A_267 : i32
      %dma_wait3A_269 = arith.constant 5 : i32
      %dma_wait3A_270 = arith.constant 0 : i32
      %dma_wait3A_271 = arith.constant 0 : i32
      %dma_wait3A_272 = tpu.memref_slice %arg11[%dma_wait3A_269, %dma_wait3A_270, %dma_wait3A_271] : memref<8x128x32xf32, #tpu.memory_space<vmem>> -> memref<1x128x32xf32, #tpu.memory_space<vmem>>
      %dma_wait3A_273 = tpu.memref_squeeze %dma_wait3A_272 : memref<1x128x32xf32, #tpu.memory_space<vmem>> -> memref<128x32xf32, #tpu.memory_space<vmem>>
      %dma_wait3A_274 = arith.constant 0 : i32
      %dma_wait3A_275 = tpu.memref_slice %arg2[%mul3A_123, %dma_wait3A_274] : memref<163840x32xf32, #tpu.memory_space<hbm>> -> memref<128x32xf32, #tpu.memory_space<hbm>>
      %dma_wait3A_276 = arith.constant 0 : i32
      %dma_wait3A_277 = arith.constant 0 : i32
      %dma_wait3A_278 = tpu.memref_slice %arg11[%dma_wait3A_269, %dma_wait3A_276, %dma_wait3A_277] : memref<8x128x32xf32, #tpu.memory_space<vmem>> -> memref<1x128x32xf32, #tpu.memory_space<vmem>>
      %dma_wait3A_279 = tpu.memref_squeeze %dma_wait3A_278 : memref<1x128x32xf32, #tpu.memory_space<vmem>> -> memref<128x32xf32, #tpu.memory_space<vmem>>
      %dma_wait3A_280 = arith.constant 0 : i32
      %dma_wait3A_281 = tpu.memref_slice %arg2[%mul3A_123, %dma_wait3A_280] : memref<163840x32xf32, #tpu.memory_space<hbm>> -> memref<128x32xf32, #tpu.memory_space<hbm>>
      tpu.wait_dma2 semaphore(%arg18 : memref<!tpu.dma_semaphore, #tpu.memory_space<semaphore_mem>>) src(%dma_wait3A_281 : memref<128x32xf32, #tpu.memory_space<hbm>>) dst(%dma_wait3A_279 : memref<128x32xf32, #tpu.memory_space<vmem>>)
      %run_scoped3A_282 = arith.constant 5 : i32
      "tpu.region"() ({
        %run_scoped3A_319 = tpu.sem_alloc : memref<!tpu.dma_semaphore, #tpu.memory_space<semaphore_mem>>
        %dma_start3A_320 = arith.constant 0 : i32
        %dma_start3A_321 = arith.constant 0 : i32
        %dma_start3A_322 = tpu.memref_slice %arg11[%run_scoped3A_282, %dma_start3A_320, %dma_start3A_321] : memref<8x128x32xf32, #tpu.memory_space<vmem>> -> memref<1x128x32xf32, #tpu.memory_space<vmem>>
        %dma_start3A_323 = tpu.memref_squeeze %dma_start3A_322 : memref<1x128x32xf32, #tpu.memory_space<vmem>> -> memref<128x32xf32, #tpu.memory_space<vmem>>
        %dma_start3A_324 = arith.constant 0 : i32
        %dma_start3A_325 = tpu.memref_slice %arg10[%add3A_268, %dma_start3A_324] : memref<40x128xi32, #tpu.memory_space<vmem>> -> memref<1x128xi32, #tpu.memory_space<vmem>>
        %dma_start3A_326 = tpu.memref_squeeze %dma_start3A_325 : memref<1x128xi32, #tpu.memory_space<vmem>> -> memref<128xi32, #tpu.memory_space<vmem>>
        %dma_start3A_327 = arith.constant 0 : i32
        %dma_start3A_328 = arith.constant 0 : i32
        %dma_start3A_329 = tpu.memref_slice %arg9[%dma_start3A_327, %dma_start3A_328] : memref<10016x32xf32, #tpu.memory_space<vmem_shared>> -> memref<10016x32xf32, #tpu.memory_space<vmem_shared>>
        tpu.enqueue_indirect_dma source(%dma_start3A_323 : memref<128x32xf32, #tpu.memory_space<vmem>>) target(%dma_start3A_329 : memref<10016x32xf32, #tpu.memory_space<vmem_shared>>) offsets(%dma_start3A_326 : memref<128xi32, #tpu.memory_space<vmem>>) semaphore(%run_scoped3A_319 : memref<!tpu.dma_semaphore, #tpu.memory_space<semaphore_mem>>) {add = true}
        %dma_wait3A_330 = arith.constant 0 : i32
        %dma_wait3A_331 = arith.constant 0 : i32
        %dma_wait3A_332 = tpu.memref_slice %arg11[%run_scoped3A_282, %dma_wait3A_330, %dma_wait3A_331] : memref<8x128x32xf32, #tpu.memory_space<vmem>> -> memref<1x128x32xf32, #tpu.memory_space<vmem>>
        %dma_wait3A_333 = tpu.memref_squeeze %dma_wait3A_332 : memref<1x128x32xf32, #tpu.memory_space<vmem>> -> memref<128x32xf32, #tpu.memory_space<vmem>>
        %dma_wait3A_334 = arith.constant 0 : i32
        %dma_wait3A_335 = tpu.memref_slice %arg10[%add3A_268, %dma_wait3A_334] : memref<40x128xi32, #tpu.memory_space<vmem>> -> memref<1x128xi32, #tpu.memory_space<vmem>>
        %dma_wait3A_336 = tpu.memref_squeeze %dma_wait3A_335 : memref<1x128xi32, #tpu.memory_space<vmem>> -> memref<128xi32, #tpu.memory_space<vmem>>
        %dma_wait3A_337 = arith.constant 0 : i32
        %dma_wait3A_338 = arith.constant 0 : i32
        %dma_wait3A_339 = tpu.memref_slice %arg9[%dma_wait3A_337, %dma_wait3A_338] : memref<10016x32xf32, #tpu.memory_space<vmem_shared>> -> memref<10016x32xf32, #tpu.memory_space<vmem_shared>>
        tpu.wait_indirect_dma semaphore(%run_scoped3A_319 : memref<!tpu.dma_semaphore, #tpu.memory_space<semaphore_mem>>) src(%dma_wait3A_333 : memref<128x32xf32, #tpu.memory_space<vmem>>) dst(%dma_wait3A_339 : memref<10016x32xf32, #tpu.memory_space<vmem_shared>>)
        tpu.yield
      }) : () -> ()
      "tpu.region"() ({
        %run_scoped3A_319 = tpu.sem_alloc : memref<!tpu.dma_semaphore, #tpu.memory_space<semaphore_mem>>
        %dma_start3A_320 = arith.constant 0 : i32
        %dma_start3A_321 = tpu.memref_slice %arg10[%add3A_268, %dma_start3A_320] : memref<40x128xi32, #tpu.memory_space<vmem>> -> memref<1x128xi32, #tpu.memory_space<vmem>>
        %dma_start3A_322 = tpu.memref_squeeze %dma_start3A_321 : memref<1x128xi32, #tpu.memory_space<vmem>> -> memref<128xi32, #tpu.memory_space<vmem>>
        %dma_start3A_323 = arith.constant 0 : i32
        %dma_start3A_324 = arith.constant 0 : i32
        %dma_start3A_325 = tpu.memref_slice %arg21[%dma_start3A_323, %dma_start3A_324] : memref<10016x16xf32, #tpu.memory_space<vmem_shared>> -> memref<10016x16xf32, #tpu.memory_space<vmem_shared>>
        tpu.enqueue_indirect_dma source(%arg22 : memref<128x16xf32, #tpu.memory_space<vmem>>) target(%dma_start3A_325 : memref<10016x16xf32, #tpu.memory_space<vmem_shared>>) offsets(%dma_start3A_322 : memref<128xi32, #tpu.memory_space<vmem>>) semaphore(%run_scoped3A_319 : memref<!tpu.dma_semaphore, #tpu.memory_space<semaphore_mem>>) {add = true}
        %dma_wait3A_326 = arith.constant 0 : i32
        %dma_wait3A_327 = tpu.memref_slice %arg10[%add3A_268, %dma_wait3A_326] : memref<40x128xi32, #tpu.memory_space<vmem>> -> memref<1x128xi32, #tpu.memory_space<vmem>>
        %dma_wait3A_328 = tpu.memref_squeeze %dma_wait3A_327 : memref<1x128xi32, #tpu.memory_space<vmem>> -> memref<128xi32, #tpu.memory_space<vmem>>
        %dma_wait3A_329 = arith.constant 0 : i32
        %dma_wait3A_330 = arith.constant 0 : i32
        %dma_wait3A_331 = tpu.memref_slice %arg21[%dma_wait3A_329, %dma_wait3A_330] : memref<10016x16xf32, #tpu.memory_space<vmem_shared>> -> memref<10016x16xf32, #tpu.memory_space<vmem_shared>>
        tpu.wait_indirect_dma semaphore(%run_scoped3A_319 : memref<!tpu.dma_semaphore, #tpu.memory_space<semaphore_mem>>) src(%arg22 : memref<128x16xf32, #tpu.memory_space<vmem>>) dst(%dma_wait3A_331 : memref<10016x16xf32, #tpu.memory_space<vmem_shared>>)
        tpu.yield
      }) : () -> ()
      %mul3A_283 = arith.constant 8 : i32
      %mul3A_284 = arith.muli %scan3A_17, %mul3A_283 : i32
      %add3A_285 = arith.constant 6 : i32
      %add3A_286 = arith.addi %mul3A_284, %add3A_285 : i32
      %dma_wait3A_287 = arith.constant 6 : i32
      %dma_wait3A_288 = arith.constant 0 : i32
      %dma_wait3A_289 = arith.constant 0 : i32
      %dma_wait3A_290 = tpu.memref_slice %arg11[%dma_wait3A_287, %dma_wait3A_288, %dma_wait3A_289] : memref<8x128x32xf32, #tpu.memory_space<vmem>> -> memref<1x128x32xf32, #tpu.memory_space<vmem>>
      %dma_wait3A_291 = tpu.memref_squeeze %dma_wait3A_290 : memref<1x128x32xf32, #tpu.memory_space<vmem>> -> memref<128x32xf32, #tpu.memory_space<vmem>>
      %dma_wait3A_292 = arith.constant 0 : i32
      %dma_wait3A_293 = tpu.memref_slice %arg2[%mul3A_143, %dma_wait3A_292] : memref<163840x32xf32, #tpu.memory_space<hbm>> -> memref<128x32xf32, #tpu.memory_space<hbm>>
      %dma_wait3A_294 = arith.constant 0 : i32
      %dma_wait3A_295 = arith.constant 0 : i32
      %dma_wait3A_296 = tpu.memref_slice %arg11[%dma_wait3A_287, %dma_wait3A_294, %dma_wait3A_295] : memref<8x128x32xf32, #tpu.memory_space<vmem>> -> memref<1x128x32xf32, #tpu.memory_space<vmem>>
      %dma_wait3A_297 = tpu.memref_squeeze %dma_wait3A_296 : memref<1x128x32xf32, #tpu.memory_space<vmem>> -> memref<128x32xf32, #tpu.memory_space<vmem>>
      %dma_wait3A_298 = arith.constant 0 : i32
      %dma_wait3A_299 = tpu.memref_slice %arg2[%mul3A_143, %dma_wait3A_298] : memref<163840x32xf32, #tpu.memory_space<hbm>> -> memref<128x32xf32, #tpu.memory_space<hbm>>
      tpu.wait_dma2 semaphore(%arg19 : memref<!tpu.dma_semaphore, #tpu.memory_space<semaphore_mem>>) src(%dma_wait3A_299 : memref<128x32xf32, #tpu.memory_space<hbm>>) dst(%dma_wait3A_297 : memref<128x32xf32, #tpu.memory_space<vmem>>)
      %run_scoped3A_300 = arith.constant 6 : i32
      "tpu.region"() ({
        %run_scoped3A_319 = tpu.sem_alloc : memref<!tpu.dma_semaphore, #tpu.memory_space<semaphore_mem>>
        %dma_start3A_320 = arith.constant 0 : i32
        %dma_start3A_321 = arith.constant 0 : i32
        %dma_start3A_322 = tpu.memref_slice %arg11[%run_scoped3A_300, %dma_start3A_320, %dma_start3A_321] : memref<8x128x32xf32, #tpu.memory_space<vmem>> -> memref<1x128x32xf32, #tpu.memory_space<vmem>>
        %dma_start3A_323 = tpu.memref_squeeze %dma_start3A_322 : memref<1x128x32xf32, #tpu.memory_space<vmem>> -> memref<128x32xf32, #tpu.memory_space<vmem>>
        %dma_start3A_324 = arith.constant 0 : i32
        %dma_start3A_325 = tpu.memref_slice %arg10[%add3A_286, %dma_start3A_324] : memref<40x128xi32, #tpu.memory_space<vmem>> -> memref<1x128xi32, #tpu.memory_space<vmem>>
        %dma_start3A_326 = tpu.memref_squeeze %dma_start3A_325 : memref<1x128xi32, #tpu.memory_space<vmem>> -> memref<128xi32, #tpu.memory_space<vmem>>
        %dma_start3A_327 = arith.constant 0 : i32
        %dma_start3A_328 = arith.constant 0 : i32
        %dma_start3A_329 = tpu.memref_slice %arg9[%dma_start3A_327, %dma_start3A_328] : memref<10016x32xf32, #tpu.memory_space<vmem_shared>> -> memref<10016x32xf32, #tpu.memory_space<vmem_shared>>
        tpu.enqueue_indirect_dma source(%dma_start3A_323 : memref<128x32xf32, #tpu.memory_space<vmem>>) target(%dma_start3A_329 : memref<10016x32xf32, #tpu.memory_space<vmem_shared>>) offsets(%dma_start3A_326 : memref<128xi32, #tpu.memory_space<vmem>>) semaphore(%run_scoped3A_319 : memref<!tpu.dma_semaphore, #tpu.memory_space<semaphore_mem>>) {add = true}
        %dma_wait3A_330 = arith.constant 0 : i32
        %dma_wait3A_331 = arith.constant 0 : i32
        %dma_wait3A_332 = tpu.memref_slice %arg11[%run_scoped3A_300, %dma_wait3A_330, %dma_wait3A_331] : memref<8x128x32xf32, #tpu.memory_space<vmem>> -> memref<1x128x32xf32, #tpu.memory_space<vmem>>
        %dma_wait3A_333 = tpu.memref_squeeze %dma_wait3A_332 : memref<1x128x32xf32, #tpu.memory_space<vmem>> -> memref<128x32xf32, #tpu.memory_space<vmem>>
        %dma_wait3A_334 = arith.constant 0 : i32
        %dma_wait3A_335 = tpu.memref_slice %arg10[%add3A_286, %dma_wait3A_334] : memref<40x128xi32, #tpu.memory_space<vmem>> -> memref<1x128xi32, #tpu.memory_space<vmem>>
        %dma_wait3A_336 = tpu.memref_squeeze %dma_wait3A_335 : memref<1x128xi32, #tpu.memory_space<vmem>> -> memref<128xi32, #tpu.memory_space<vmem>>
        %dma_wait3A_337 = arith.constant 0 : i32
        %dma_wait3A_338 = arith.constant 0 : i32
        %dma_wait3A_339 = tpu.memref_slice %arg9[%dma_wait3A_337, %dma_wait3A_338] : memref<10016x32xf32, #tpu.memory_space<vmem_shared>> -> memref<10016x32xf32, #tpu.memory_space<vmem_shared>>
        tpu.wait_indirect_dma semaphore(%run_scoped3A_319 : memref<!tpu.dma_semaphore, #tpu.memory_space<semaphore_mem>>) src(%dma_wait3A_333 : memref<128x32xf32, #tpu.memory_space<vmem>>) dst(%dma_wait3A_339 : memref<10016x32xf32, #tpu.memory_space<vmem_shared>>)
        tpu.yield
      }) : () -> ()
      "tpu.region"() ({
        %run_scoped3A_319 = tpu.sem_alloc : memref<!tpu.dma_semaphore, #tpu.memory_space<semaphore_mem>>
        %dma_start3A_320 = arith.constant 0 : i32
        %dma_start3A_321 = tpu.memref_slice %arg10[%add3A_286, %dma_start3A_320] : memref<40x128xi32, #tpu.memory_space<vmem>> -> memref<1x128xi32, #tpu.memory_space<vmem>>
        %dma_start3A_322 = tpu.memref_squeeze %dma_start3A_321 : memref<1x128xi32, #tpu.memory_space<vmem>> -> memref<128xi32, #tpu.memory_space<vmem>>
        %dma_start3A_323 = arith.constant 0 : i32
        %dma_start3A_324 = arith.constant 0 : i32
        %dma_start3A_325 = tpu.memref_slice %arg21[%dma_start3A_323, %dma_start3A_324] : memref<10016x16xf32, #tpu.memory_space<vmem_shared>> -> memref<10016x16xf32, #tpu.memory_space<vmem_shared>>
        tpu.enqueue_indirect_dma source(%arg22 : memref<128x16xf32, #tpu.memory_space<vmem>>) target(%dma_start3A_325 : memref<10016x16xf32, #tpu.memory_space<vmem_shared>>) offsets(%dma_start3A_322 : memref<128xi32, #tpu.memory_space<vmem>>) semaphore(%run_scoped3A_319 : memref<!tpu.dma_semaphore, #tpu.memory_space<semaphore_mem>>) {add = true}
        %dma_wait3A_326 = arith.constant 0 : i32
        %dma_wait3A_327 = tpu.memref_slice %arg10[%add3A_286, %dma_wait3A_326] : memref<40x128xi32, #tpu.memory_space<vmem>> -> memref<1x128xi32, #tpu.memory_space<vmem>>
        %dma_wait3A_328 = tpu.memref_squeeze %dma_wait3A_327 : memref<1x128xi32, #tpu.memory_space<vmem>> -> memref<128xi32, #tpu.memory_space<vmem>>
        %dma_wait3A_329 = arith.constant 0 : i32
        %dma_wait3A_330 = arith.constant 0 : i32
        %dma_wait3A_331 = tpu.memref_slice %arg21[%dma_wait3A_329, %dma_wait3A_330] : memref<10016x16xf32, #tpu.memory_space<vmem_shared>> -> memref<10016x16xf32, #tpu.memory_space<vmem_shared>>
        tpu.wait_indirect_dma semaphore(%run_scoped3A_319 : memref<!tpu.dma_semaphore, #tpu.memory_space<semaphore_mem>>) src(%arg22 : memref<128x16xf32, #tpu.memory_space<vmem>>) dst(%dma_wait3A_331 : memref<10016x16xf32, #tpu.memory_space<vmem_shared>>)
        tpu.yield
      }) : () -> ()
      %mul3A_301 = arith.constant 8 : i32
      %mul3A_302 = arith.muli %scan3A_17, %mul3A_301 : i32
      %add3A_303 = arith.constant 7 : i32
      %add3A_304 = arith.addi %mul3A_302, %add3A_303 : i32
      %dma_wait3A_305 = arith.constant 7 : i32
      %dma_wait3A_306 = arith.constant 0 : i32
      %dma_wait3A_307 = arith.constant 0 : i32
      %dma_wait3A_308 = tpu.memref_slice %arg11[%dma_wait3A_305, %dma_wait3A_306, %dma_wait3A_307] : memref<8x128x32xf32, #tpu.memory_space<vmem>> -> memref<1x128x32xf32, #tpu.memory_space<vmem>>
      %dma_wait3A_309 = tpu.memref_squeeze %dma_wait3A_308 : memref<1x128x32xf32, #tpu.memory_space<vmem>> -> memref<128x32xf32, #tpu.memory_space<vmem>>
      %dma_wait3A_310 = arith.constant 0 : i32
      %dma_wait3A_311 = tpu.memref_slice %arg2[%mul3A_163, %dma_wait3A_310] : memref<163840x32xf32, #tpu.memory_space<hbm>> -> memref<128x32xf32, #tpu.memory_space<hbm>>
      %dma_wait3A_312 = arith.constant 0 : i32
      %dma_wait3A_313 = arith.constant 0 : i32
      %dma_wait3A_314 = tpu.memref_slice %arg11[%dma_wait3A_305, %dma_wait3A_312, %dma_wait3A_313] : memref<8x128x32xf32, #tpu.memory_space<vmem>> -> memref<1x128x32xf32, #tpu.memory_space<vmem>>
      %dma_wait3A_315 = tpu.memref_squeeze %dma_wait3A_314 : memref<1x128x32xf32, #tpu.memory_space<vmem>> -> memref<128x32xf32, #tpu.memory_space<vmem>>
      %dma_wait3A_316 = arith.constant 0 : i32
      %dma_wait3A_317 = tpu.memref_slice %arg2[%mul3A_163, %dma_wait3A_316] : memref<163840x32xf32, #tpu.memory_space<hbm>> -> memref<128x32xf32, #tpu.memory_space<hbm>>
      tpu.wait_dma2 semaphore(%arg20 : memref<!tpu.dma_semaphore, #tpu.memory_space<semaphore_mem>>) src(%dma_wait3A_317 : memref<128x32xf32, #tpu.memory_space<hbm>>) dst(%dma_wait3A_315 : memref<128x32xf32, #tpu.memory_space<vmem>>)
      %run_scoped3A_318 = arith.constant 7 : i32
      "tpu.region"() ({
        %run_scoped3A_319 = tpu.sem_alloc : memref<!tpu.dma_semaphore, #tpu.memory_space<semaphore_mem>>
        %dma_start3A_320 = arith.constant 0 : i32
        %dma_start3A_321 = arith.constant 0 : i32
        %dma_start3A_322 = tpu.memref_slice %arg11[%run_scoped3A_318, %dma_start3A_320, %dma_start3A_321] : memref<8x128x32xf32, #tpu.memory_space<vmem>> -> memref<1x128x32xf32, #tpu.memory_space<vmem>>
        %dma_start3A_323 = tpu.memref_squeeze %dma_start3A_322 : memref<1x128x32xf32, #tpu.memory_space<vmem>> -> memref<128x32xf32, #tpu.memory_space<vmem>>
        %dma_start3A_324 = arith.constant 0 : i32
        %dma_start3A_325 = tpu.memref_slice %arg10[%add3A_304, %dma_start3A_324] : memref<40x128xi32, #tpu.memory_space<vmem>> -> memref<1x128xi32, #tpu.memory_space<vmem>>
        %dma_start3A_326 = tpu.memref_squeeze %dma_start3A_325 : memref<1x128xi32, #tpu.memory_space<vmem>> -> memref<128xi32, #tpu.memory_space<vmem>>
        %dma_start3A_327 = arith.constant 0 : i32
        %dma_start3A_328 = arith.constant 0 : i32
        %dma_start3A_329 = tpu.memref_slice %arg9[%dma_start3A_327, %dma_start3A_328] : memref<10016x32xf32, #tpu.memory_space<vmem_shared>> -> memref<10016x32xf32, #tpu.memory_space<vmem_shared>>
        tpu.enqueue_indirect_dma source(%dma_start3A_323 : memref<128x32xf32, #tpu.memory_space<vmem>>) target(%dma_start3A_329 : memref<10016x32xf32, #tpu.memory_space<vmem_shared>>) offsets(%dma_start3A_326 : memref<128xi32, #tpu.memory_space<vmem>>) semaphore(%run_scoped3A_319 : memref<!tpu.dma_semaphore, #tpu.memory_space<semaphore_mem>>) {add = true}
        %dma_wait3A_330 = arith.constant 0 : i32
        %dma_wait3A_331 = arith.constant 0 : i32
        %dma_wait3A_332 = tpu.memref_slice %arg11[%run_scoped3A_318, %dma_wait3A_330, %dma_wait3A_331] : memref<8x128x32xf32, #tpu.memory_space<vmem>> -> memref<1x128x32xf32, #tpu.memory_space<vmem>>
        %dma_wait3A_333 = tpu.memref_squeeze %dma_wait3A_332 : memref<1x128x32xf32, #tpu.memory_space<vmem>> -> memref<128x32xf32, #tpu.memory_space<vmem>>
        %dma_wait3A_334 = arith.constant 0 : i32
        %dma_wait3A_335 = tpu.memref_slice %arg10[%add3A_304, %dma_wait3A_334] : memref<40x128xi32, #tpu.memory_space<vmem>> -> memref<1x128xi32, #tpu.memory_space<vmem>>
        %dma_wait3A_336 = tpu.memref_squeeze %dma_wait3A_335 : memref<1x128xi32, #tpu.memory_space<vmem>> -> memref<128xi32, #tpu.memory_space<vmem>>
        %dma_wait3A_337 = arith.constant 0 : i32
        %dma_wait3A_338 = arith.constant 0 : i32
        %dma_wait3A_339 = tpu.memref_slice %arg9[%dma_wait3A_337, %dma_wait3A_338] : memref<10016x32xf32, #tpu.memory_space<vmem_shared>> -> memref<10016x32xf32, #tpu.memory_space<vmem_shared>>
        tpu.wait_indirect_dma semaphore(%run_scoped3A_319 : memref<!tpu.dma_semaphore, #tpu.memory_space<semaphore_mem>>) src(%dma_wait3A_333 : memref<128x32xf32, #tpu.memory_space<vmem>>) dst(%dma_wait3A_339 : memref<10016x32xf32, #tpu.memory_space<vmem_shared>>)
        tpu.yield
      }) : () -> ()
      "tpu.region"() ({
        %run_scoped3A_319 = tpu.sem_alloc : memref<!tpu.dma_semaphore, #tpu.memory_space<semaphore_mem>>
        %dma_start3A_320 = arith.constant 0 : i32
        %dma_start3A_321 = tpu.memref_slice %arg10[%add3A_304, %dma_start3A_320] : memref<40x128xi32, #tpu.memory_space<vmem>> -> memref<1x128xi32, #tpu.memory_space<vmem>>
        %dma_start3A_322 = tpu.memref_squeeze %dma_start3A_321 : memref<1x128xi32, #tpu.memory_space<vmem>> -> memref<128xi32, #tpu.memory_space<vmem>>
        %dma_start3A_323 = arith.constant 0 : i32
        %dma_start3A_324 = arith.constant 0 : i32
        %dma_start3A_325 = tpu.memref_slice %arg21[%dma_start3A_323, %dma_start3A_324] : memref<10016x16xf32, #tpu.memory_space<vmem_shared>> -> memref<10016x16xf32, #tpu.memory_space<vmem_shared>>
        tpu.enqueue_indirect_dma source(%arg22 : memref<128x16xf32, #tpu.memory_space<vmem>>) target(%dma_start3A_325 : memref<10016x16xf32, #tpu.memory_space<vmem_shared>>) offsets(%dma_start3A_322 : memref<128xi32, #tpu.memory_space<vmem>>) semaphore(%run_scoped3A_319 : memref<!tpu.dma_semaphore, #tpu.memory_space<semaphore_mem>>) {add = true}
        %dma_wait3A_326 = arith.constant 0 : i32
        %dma_wait3A_327 = tpu.memref_slice %arg10[%add3A_304, %dma_wait3A_326] : memref<40x128xi32, #tpu.memory_space<vmem>> -> memref<1x128xi32, #tpu.memory_space<vmem>>
        %dma_wait3A_328 = tpu.memref_squeeze %dma_wait3A_327 : memref<1x128xi32, #tpu.memory_space<vmem>> -> memref<128xi32, #tpu.memory_space<vmem>>
        %dma_wait3A_329 = arith.constant 0 : i32
        %dma_wait3A_330 = arith.constant 0 : i32
        %dma_wait3A_331 = tpu.memref_slice %arg21[%dma_wait3A_329, %dma_wait3A_330] : memref<10016x16xf32, #tpu.memory_space<vmem_shared>> -> memref<10016x16xf32, #tpu.memory_space<vmem_shared>>
        tpu.wait_indirect_dma semaphore(%run_scoped3A_319 : memref<!tpu.dma_semaphore, #tpu.memory_space<semaphore_mem>>) src(%arg22 : memref<128x16xf32, #tpu.memory_space<vmem>>) dst(%dma_wait3A_331 : memref<10016x16xf32, #tpu.memory_space<vmem_shared>>)
        tpu.yield
      }) : () -> ()
    }
    %scan3A_9 = arith.constant 5 : i32
    %barrier3A_10 = arith.constant 0 : index
    tpu.barrier barrier_id(%barrier3A_10)
    "tpu.region"() ({
      %run_scoped3A = tpu.sem_alloc : memref<!tpu.dma_semaphore, #tpu.memory_space<semaphore_mem>>
      %dma_start3A = arith.constant 0 : i32
      %dma_start3A_17 = tpu.memref_slice %arg9[%mul3A_2, %dma_start3A] : memref<10016x32xf32, #tpu.memory_space<vmem_shared>> -> memref<626x32xf32, #tpu.memory_space<vmem_shared>>
      %dma_start3A_18 = arith.constant 0 : i32
      %dma_start3A_19 = tpu.memref_slice %arg9[%mul3A_2, %dma_start3A_18] : memref<10016x32xf32, #tpu.memory_space<vmem_shared>> -> memref<626x32xf32, #tpu.memory_space<vmem_shared>>
      tpu.enqueue_dma source(%dma_start3A_19 : memref<626x32xf32, #tpu.memory_space<vmem_shared>>) target(%arg12 : memref<626x32xf32, #tpu.memory_space<vmem>>) target_semaphore(%run_scoped3A : memref<!tpu.dma_semaphore, #tpu.memory_space<semaphore_mem>>)
      %dma_wait3A = arith.constant 0 : i32
      %dma_wait3A_20 = tpu.memref_slice %arg9[%mul3A_2, %dma_wait3A] : memref<10016x32xf32, #tpu.memory_space<vmem_shared>> -> memref<626x32xf32, #tpu.memory_space<vmem_shared>>
      %dma_wait3A_21 = arith.constant 0 : i32
      %dma_wait3A_22 = tpu.memref_slice %arg9[%mul3A_2, %dma_wait3A_21] : memref<10016x32xf32, #tpu.memory_space<vmem_shared>> -> memref<626x32xf32, #tpu.memory_space<vmem_shared>>
      tpu.wait_dma2 semaphore(%run_scoped3A : memref<!tpu.dma_semaphore, #tpu.memory_space<semaphore_mem>>) src(%dma_wait3A_22 : memref<626x32xf32, #tpu.memory_space<vmem_shared>>) dst(%arg12 : memref<626x32xf32, #tpu.memory_space<vmem>>)
      tpu.yield
    }) : () -> ()
    %mul3A_11 = arith.constant 10016 : i32
    %mul3A_12 = arith.muli %arg0, %mul3A_11 : i32
    %add3A_13 = arith.addi %mul3A_12, %mul3A_2 : i32
    "tpu.region"() ({
      %run_scoped3A = tpu.sem_alloc : memref<!tpu.dma_semaphore, #tpu.memory_space<semaphore_mem>>
      %dma_start3A = arith.constant 0 : i32
      %dma_start3A_17 = tpu.memref_slice %arg7[%add3A_13, %dma_start3A] : memref<20032x32xf32, #tpu.memory_space<hbm>> -> memref<626x32xf32, #tpu.memory_space<hbm>>
      %dma_start3A_18 = arith.constant 0 : i32
      %dma_start3A_19 = tpu.memref_slice %arg7[%add3A_13, %dma_start3A_18] : memref<20032x32xf32, #tpu.memory_space<hbm>> -> memref<626x32xf32, #tpu.memory_space<hbm>>
      tpu.enqueue_dma source(%arg12 : memref<626x32xf32, #tpu.memory_space<vmem>>) target(%dma_start3A_19 : memref<626x32xf32, #tpu.memory_space<hbm>>) target_semaphore(%run_scoped3A : memref<!tpu.dma_semaphore, #tpu.memory_space<semaphore_mem>>)
      %dma_wait3A = arith.constant 0 : i32
      %dma_wait3A_20 = tpu.memref_slice %arg7[%add3A_13, %dma_wait3A] : memref<20032x32xf32, #tpu.memory_space<hbm>> -> memref<626x32xf32, #tpu.memory_space<hbm>>
      %dma_wait3A_21 = arith.constant 0 : i32
      %dma_wait3A_22 = tpu.memref_slice %arg7[%add3A_13, %dma_wait3A_21] : memref<20032x32xf32, #tpu.memory_space<hbm>> -> memref<626x32xf32, #tpu.memory_space<hbm>>
      tpu.wait_dma2 semaphore(%run_scoped3A : memref<!tpu.dma_semaphore, #tpu.memory_space<semaphore_mem>>) src(%arg12 : memref<626x32xf32, #tpu.memory_space<vmem>>) dst(%dma_wait3A_22 : memref<626x32xf32, #tpu.memory_space<hbm>>)
      tpu.yield
    }) : () -> ()
    "tpu.region"() ({
      %run_scoped3A = tpu.sem_alloc : memref<!tpu.dma_semaphore, #tpu.memory_space<semaphore_mem>>
      %dma_start3A = arith.constant 0 : i32
      %dma_start3A_17 = tpu.memref_slice %arg21[%mul3A_2, %dma_start3A] : memref<10016x16xf32, #tpu.memory_space<vmem_shared>> -> memref<626x16xf32, #tpu.memory_space<vmem_shared>>
      %dma_start3A_18 = arith.constant 0 : i32
      %dma_start3A_19 = tpu.memref_slice %arg21[%mul3A_2, %dma_start3A_18] : memref<10016x16xf32, #tpu.memory_space<vmem_shared>> -> memref<626x16xf32, #tpu.memory_space<vmem_shared>>
      tpu.enqueue_dma source(%dma_start3A_19 : memref<626x16xf32, #tpu.memory_space<vmem_shared>>) target(%arg23 : memref<626x16xf32, #tpu.memory_space<vmem>>) target_semaphore(%run_scoped3A : memref<!tpu.dma_semaphore, #tpu.memory_space<semaphore_mem>>)
      %dma_wait3A = arith.constant 0 : i32
      %dma_wait3A_20 = tpu.memref_slice %arg21[%mul3A_2, %dma_wait3A] : memref<10016x16xf32, #tpu.memory_space<vmem_shared>> -> memref<626x16xf32, #tpu.memory_space<vmem_shared>>
      %dma_wait3A_21 = arith.constant 0 : i32
      %dma_wait3A_22 = tpu.memref_slice %arg21[%mul3A_2, %dma_wait3A_21] : memref<10016x16xf32, #tpu.memory_space<vmem_shared>> -> memref<626x16xf32, #tpu.memory_space<vmem_shared>>
      tpu.wait_dma2 semaphore(%run_scoped3A : memref<!tpu.dma_semaphore, #tpu.memory_space<semaphore_mem>>) src(%dma_wait3A_22 : memref<626x16xf32, #tpu.memory_space<vmem_shared>>) dst(%arg23 : memref<626x16xf32, #tpu.memory_space<vmem>>)
      tpu.yield
    }) : () -> ()
    %mul3A_14 = arith.constant 10016 : i32
    %mul3A_15 = arith.muli %arg0, %mul3A_14 : i32
    %add3A_16 = arith.addi %mul3A_15, %mul3A_2 : i32
    "tpu.region"() ({
      %run_scoped3A = tpu.sem_alloc : memref<!tpu.dma_semaphore, #tpu.memory_space<semaphore_mem>>
      %dma_start3A = arith.constant 0 : i32
      %dma_start3A_17 = tpu.memref_slice %arg8[%add3A_16, %dma_start3A] : memref<20032x16xf32, #tpu.memory_space<hbm>> -> memref<626x16xf32, #tpu.memory_space<hbm>>
      %dma_start3A_18 = arith.constant 0 : i32
      %dma_start3A_19 = tpu.memref_slice %arg8[%add3A_16, %dma_start3A_18] : memref<20032x16xf32, #tpu.memory_space<hbm>> -> memref<626x16xf32, #tpu.memory_space<hbm>>
      tpu.enqueue_dma source(%arg23 : memref<626x16xf32, #tpu.memory_space<vmem>>) target(%dma_start3A_19 : memref<626x16xf32, #tpu.memory_space<hbm>>) target_semaphore(%run_scoped3A : memref<!tpu.dma_semaphore, #tpu.memory_space<semaphore_mem>>)
      %dma_wait3A = arith.constant 0 : i32
      %dma_wait3A_20 = tpu.memref_slice %arg8[%add3A_16, %dma_wait3A] : memref<20032x16xf32, #tpu.memory_space<hbm>> -> memref<626x16xf32, #tpu.memory_space<hbm>>
      %dma_wait3A_21 = arith.constant 0 : i32
      %dma_wait3A_22 = tpu.memref_slice %arg8[%add3A_16, %dma_wait3A_21] : memref<20032x16xf32, #tpu.memory_space<hbm>> -> memref<626x16xf32, #tpu.memory_space<hbm>>
      tpu.wait_dma2 semaphore(%run_scoped3A : memref<!tpu.dma_semaphore, #tpu.memory_space<semaphore_mem>>) src(%arg23 : memref<626x16xf32, #tpu.memory_space<vmem>>) dst(%dma_wait3A_22 : memref<626x16xf32, #tpu.memory_space<hbm>>)
      tpu.yield
    }) : () -> ()
    return
  }
}

module attributes {stable_mosaic.version = 14 : i64} {
  func.func @_lin_body(%arg0: memref<10000x6xf32, #tpu.memory_space<vmem>>, %arg1: memref<6x32xf32, #tpu.memory_space<vmem>>, %arg2: memref<1x32xf32, #tpu.memory_space<vmem>>, %arg3: memref<10000x32xf32, #tpu.memory_space<vmem>>) attributes {dimension_semantics = [], scalar_prefetch = 0 : i64, scratch_operands = 0 : i64, tpu.core_type = #tpu.core_type<tc>} {
    %get3A = arith.constant 0 : index
    %get3A_0 = arith.constant 0 : index
    %get3A_1 = vector.load %arg0[%get3A, %get3A_0] : memref<10000x6xf32, #tpu.memory_space<vmem>>, vector<10000x6xf32>
    %get3A_2 = arith.constant 0 : index
    %get3A_3 = arith.constant 0 : index
    %get3A_4 = vector.load %arg1[%get3A_2, %get3A_3] : memref<6x32xf32, #tpu.memory_space<vmem>>, vector<6x32xf32>
    %dot_general3A = arith.constant dense<0.000000e+00> : vector<10000x32xf32>
    %dot_general3A_5 = tpu.matmul %get3A_1, %get3A_4, %dot_general3A {dimension_numbers = #tpu.dot_dimension_numbers<[1], [0], [0], [1], [0, 0, 1, 1], [], []>, transpose_lhs_hint = false} : vector<10000x6xf32>, vector<6x32xf32>, vector<10000x32xf32> -> vector<10000x32xf32>
    %get3A_6 = arith.constant 0 : index
    %get3A_7 = arith.constant 0 : index
    %get3A_8 = vector.load %arg2[%get3A_6, %get3A_7] : memref<1x32xf32, #tpu.memory_space<vmem>>, vector<1x32xf32>
    %add3A = vector.broadcast %get3A_8 : vector<1x32xf32> to vector<10000x32xf32>
    %add3A_9 = arith.addf %dot_general3A_5, %add3A : vector<10000x32xf32>
    %swap3A = arith.constant 0 : index
    %swap3A_10 = arith.constant 0 : index
    %swap3A_11 = vector.load %arg3[%swap3A, %swap3A_10] : memref<10000x32xf32, #tpu.memory_space<vmem>>, vector<10000x32xf32>
    tpu.vector_store %arg3[%swap3A, %swap3A_10], %add3A_9 {strides = array<i32>} : memref<10000x32xf32, #tpu.memory_space<vmem>>, vector<10000x32xf32>,
    return
  }
}

module attributes {stable_mosaic.version = 14 : i64} {
  func.func @_msg_body(%arg0: i32, %arg1: memref<640x10xf32, #tpu.memory_space<vmem>>, %arg2: memref<160x128xf32, #tpu.memory_space<vmem>>, %arg3: memref<10x128xf32, #tpu.memory_space<vmem>>, %arg4: memref<1x128xf32, #tpu.memory_space<vmem>>, %arg5: memref<128x256xf32, #tpu.memory_space<vmem>>, %arg6: memref<1x256xf32, #tpu.memory_space<vmem>>, %arg7: memref<256x1024xf32, #tpu.memory_space<vmem>>, %arg8: memref<32x1024xf32, #tpu.memory_space<vmem>>, %arg9: memref<1024x32xf32, #tpu.memory_space<vmem>>, %arg10: memref<32x32xf32, #tpu.memory_space<vmem>>, %arg11: memref<160x128xf32, #tpu.memory_space<vmem>>) attributes {dimension_semantics = [#tpu.dimension_semantics<arbitrary>], iteration_bounds = array<i64: 250>, scalar_prefetch = 0 : i64, scratch_operands = 0 : i64, tpu.core_type = #tpu.core_type<tc>, window_params = [{transform_indices = @transform_0, window_bounds = array<i64: 640, 10>}, {transform_indices = @transform_1, window_bounds = array<i64: 160, 128>}, {pipeline_mode = #tpu.pipeline_mode<synchronous>, transform_indices = @transform_2, window_bounds = array<i64: 10, 128>}, {pipeline_mode = #tpu.pipeline_mode<synchronous>, transform_indices = @transform_3, window_bounds = array<i64: 1, 128>}, {pipeline_mode = #tpu.pipeline_mode<synchronous>, transform_indices = @transform_4, window_bounds = array<i64: 128, 256>}, {pipeline_mode = #tpu.pipeline_mode<synchronous>, transform_indices = @transform_5, window_bounds = array<i64: 1, 256>}, {pipeline_mode = #tpu.pipeline_mode<synchronous>, transform_indices = @transform_6, window_bounds = array<i64: 256, 1024>}, {pipeline_mode = #tpu.pipeline_mode<synchronous>, transform_indices = @transform_7, window_bounds = array<i64: 32, 1024>}, {pipeline_mode = #tpu.pipeline_mode<synchronous>, transform_indices = @transform_8, window_bounds = array<i64: 1024, 32>}, {pipeline_mode = #tpu.pipeline_mode<synchronous>, transform_indices = @transform_9, window_bounds = array<i64: 32, 32>}, {transform_indices = @transform_10, window_bounds = array<i64: 160, 128>}]} {
    %get3A = arith.constant 0 : index
    %get3A_0 = arith.constant 0 : index
    %get3A_1 = vector.load %arg1[%get3A, %get3A_0] : memref<640x10xf32, #tpu.memory_space<vmem>>, vector<640x10xf32>
    %get3A_2 = arith.constant 0 : index
    %get3A_3 = arith.constant 0 : index
    %get3A_4 = vector.load %arg3[%get3A_2, %get3A_3] : memref<10x128xf32, #tpu.memory_space<vmem>>, vector<10x128xf32>
    %dot_general3A = arith.constant dense<0.000000e+00> : vector<640x128xf32>
    %dot_general3A_5 = tpu.matmul %get3A_1, %get3A_4, %dot_general3A {dimension_numbers = #tpu.dot_dimension_numbers<[1], [0], [0], [1], [0, 0, 1, 1], [], []>, transpose_lhs_hint = false} : vector<640x10xf32>, vector<10x128xf32>, vector<640x128xf32> -> vector<640x128xf32>
    %get3A_6 = arith.constant 0 : index
    %get3A_7 = arith.constant 0 : index
    %get3A_8 = vector.load %arg4[%get3A_6, %get3A_7] : memref<1x128xf32, #tpu.memory_space<vmem>>, vector<1x128xf32>
    %add3A = vector.broadcast %get3A_8 : vector<1x128xf32> to vector<640x128xf32>
    %add3A_9 = arith.addf %dot_general3A_5, %add3A : vector<640x128xf32>
    %max3A = arith.constant 0.000000e+00 : f32
    %max3A_10 = vector.broadcast %max3A : f32 to vector<640x128xf32>
    %max3A_11 = arith.maximumf %add3A_9, %max3A_10 : vector<640x128xf32>
    %get3A_12 = arith.constant 0 : index
    %get3A_13 = arith.constant 0 : index
    %get3A_14 = vector.load %arg5[%get3A_12, %get3A_13] : memref<128x256xf32, #tpu.memory_space<vmem>>, vector<128x256xf32>
    %dot_general3A_15 = arith.constant dense<0.000000e+00> : vector<640x256xf32>
    %dot_general3A_16 = tpu.matmul %max3A_11, %get3A_14, %dot_general3A_15 {dimension_numbers = #tpu.dot_dimension_numbers<[1], [0], [0], [1], [0, 0, 1, 1], [], []>, transpose_lhs_hint = false} : vector<640x128xf32>, vector<128x256xf32>, vector<640x256xf32> -> vector<640x256xf32>
    %get3A_17 = arith.constant 0 : index
    %get3A_18 = arith.constant 0 : index
    %get3A_19 = vector.load %arg6[%get3A_17, %get3A_18] : memref<1x256xf32, #tpu.memory_space<vmem>>, vector<1x256xf32>
    %add3A_20 = vector.broadcast %get3A_19 : vector<1x256xf32> to vector<640x256xf32>
    %add3A_21 = arith.addf %dot_general3A_16, %add3A_20 : vector<640x256xf32>
    %max3A_22 = arith.constant 0.000000e+00 : f32
    %max3A_23 = vector.broadcast %max3A_22 : f32 to vector<640x256xf32>
    %max3A_24 = arith.maximumf %add3A_21, %max3A_23 : vector<640x256xf32>
    %get3A_25 = arith.constant 0 : index
    %get3A_26 = arith.constant 0 : index
    %get3A_27 = vector.load %arg7[%get3A_25, %get3A_26] : memref<256x1024xf32, #tpu.memory_space<vmem>>, vector<256x1024xf32>
    %dot_general3A_28 = arith.constant dense<0.000000e+00> : vector<640x1024xf32>
    %dot_general3A_29 = tpu.matmul %max3A_24, %get3A_27, %dot_general3A_28 {dimension_numbers = #tpu.dot_dimension_numbers<[1], [0], [0], [1], [0, 0, 1, 1], [], []>, transpose_lhs_hint = false} : vector<640x256xf32>, vector<256x1024xf32>, vector<640x1024xf32> -> vector<640x1024xf32>
    %get3A_30 = arith.constant 0 : index
    %get3A_31 = arith.constant 0 : index
    %get3A_32 = vector.load %arg2[%get3A_30, %get3A_31] : memref<160x128xf32, #tpu.memory_space<vmem>>, vector<160x128xf32>
    %slice3A = vector.extract_strided_slice %get3A_32 {offsets = [0, 0], sizes = [160, 32], strides = [1, 1]} : vector<160x128xf32> to vector<160x32xf32>
    %slice3A_33 = vector.extract_strided_slice %get3A_32 {offsets = [0, 32], sizes = [160, 32], strides = [1, 1]} : vector<160x128xf32> to vector<160x32xf32>
    %slice3A_34 = vector.extract_strided_slice %get3A_32 {offsets = [0, 64], sizes = [160, 32], strides = [1, 1]} : vector<160x128xf32> to vector<160x32xf32>
    %slice3A_35 = vector.extract_strided_slice %get3A_32 {offsets = [0, 96], sizes = [160, 32], strides = [1, 1]} : vector<160x128xf32> to vector<160x32xf32>
    %concatenate3A = tpu.concatenate %slice3A, %slice3A_33, %slice3A_34, %slice3A_35 in 0 : vector<160x32xf32>, vector<160x32xf32>, vector<160x32xf32>, vector<160x32xf32> -> vector<640x32xf32>
    %get3A_36 = arith.constant 0 : index
    %get3A_37 = arith.constant 0 : index
    %get3A_38 = vector.load %arg8[%get3A_36, %get3A_37] : memref<32x1024xf32, #tpu.memory_space<vmem>>, vector<32x1024xf32>
    %dot_general3A_39 = arith.constant dense<0.000000e+00> : vector<640x1024xf32>
    %dot_general3A_40 = tpu.matmul %concatenate3A, %get3A_38, %dot_general3A_39 {dimension_numbers = #tpu.dot_dimension_numbers<[1], [0], [0], [1], [0, 0, 1, 1], [], []>, transpose_lhs_hint = false} : vector<640x32xf32>, vector<32x1024xf32>, vector<640x1024xf32> -> vector<640x1024xf32>
    %mul3A = arith.mulf %dot_general3A_40, %dot_general3A_29 : vector<640x1024xf32>
    %get3A_41 = arith.constant 0 : index
    %get3A_42 = arith.constant 0 : index
    %get3A_43 = vector.load %arg9[%get3A_41, %get3A_42] : memref<1024x32xf32, #tpu.memory_space<vmem>>, vector<1024x32xf32>
    %dot_general3A_44 = arith.constant dense<0.000000e+00> : vector<640x32xf32>
    %dot_general3A_45 = tpu.matmul %mul3A, %get3A_43, %dot_general3A_44 {dimension_numbers = #tpu.dot_dimension_numbers<[1], [0], [0], [1], [0, 0, 1, 1], [], []>, transpose_lhs_hint = false} : vector<640x1024xf32>, vector<1024x32xf32>, vector<640x32xf32> -> vector<640x32xf32>
    %get3A_46 = arith.constant 0 : index
    %get3A_47 = arith.constant 0 : index
    %get3A_48 = vector.load %arg10[%get3A_46, %get3A_47] : memref<32x32xf32, #tpu.memory_space<vmem>>, vector<32x32xf32>
    %dot_general3A_49 = arith.constant dense<0.000000e+00> : vector<640x32xf32>
    %dot_general3A_50 = tpu.matmul %concatenate3A, %get3A_48, %dot_general3A_49 {dimension_numbers = #tpu.dot_dimension_numbers<[1], [0], [0], [1], [0, 0, 1, 1], [], []>, transpose_lhs_hint = false} : vector<640x32xf32>, vector<32x32xf32>, vector<640x32xf32> -> vector<640x32xf32>
    %add3A_51 = arith.addf %dot_general3A_45, %dot_general3A_50 : vector<640x32xf32>
    %slice3A_52 = vector.extract_strided_slice %add3A_51 {offsets = [0, 0], sizes = [160, 32], strides = [1, 1]} : vector<640x32xf32> to vector<160x32xf32>
    %slice3A_53 = vector.extract_strided_slice %add3A_51 {offsets = [160, 0], sizes = [160, 32], strides = [1, 1]} : vector<640x32xf32> to vector<160x32xf32>
    %slice3A_54 = vector.extract_strided_slice %add3A_51 {offsets = [320, 0], sizes = [160, 32], strides = [1, 1]} : vector<640x32xf32> to vector<160x32xf32>
    %slice3A_55 = vector.extract_strided_slice %add3A_51 {offsets = [480, 0], sizes = [160, 32], strides = [1, 1]} : vector<640x32xf32> to vector<160x32xf32>
    %concatenate3A_56 = tpu.concatenate %slice3A_52, %slice3A_53, %slice3A_54, %slice3A_55 in 1 : vector<160x32xf32>, vector<160x32xf32>, vector<160x32xf32>, vector<160x32xf32> -> vector<160x128xf32>
    %swap3A = arith.constant 0 : index
    %swap3A_57 = arith.constant 0 : index
    %swap3A_58 = vector.load %arg11[%swap3A, %swap3A_57] : memref<160x128xf32, #tpu.memory_space<vmem>>, vector<160x128xf32>
    tpu.vector_store %arg11[%swap3A, %swap3A_57], %concatenate3A_56 {strides = array<i32>} : memref<160x128xf32, #tpu.memory_space<vmem>>, vector<160x128xf32>,
    return
  }
  func.func @transform_0(%arg0: i32) -> (i32, i32) {
    %c0_i32 = arith.constant 0 : i32
    %c0_i32_0 = arith.constant 0 : i32
    return %arg0, %c0_i32 : i32, i32
  }
  func.func @transform_1(%arg0: i32) -> (i32, i32) {
    %c0_i32 = arith.constant 0 : i32
    %c0_i32_0 = arith.constant 0 : i32
    return %arg0, %c0_i32 : i32, i32
  }
  func.func @transform_2(%arg0: i32) -> (i32, i32) {
    %c0_i32 = arith.constant 0 : i32
    %c0_i32_0 = arith.constant 0 : i32
    %c0_i32_1 = arith.constant 0 : i32
    return %c0_i32, %c0_i32_0 : i32, i32
  }
  func.func @transform_3(%arg0: i32) -> (i32, i32) {
    %c0_i32 = arith.constant 0 : i32
    %c0_i32_0 = arith.constant 0 : i32
    %c0_i32_1 = arith.constant 0 : i32
    return %c0_i32, %c0_i32_0 : i32, i32
  }
  func.func @transform_4(%arg0: i32) -> (i32, i32) {
    %c0_i32 = arith.constant 0 : i32
    %c0_i32_0 = arith.constant 0 : i32
    %c0_i32_1 = arith.constant 0 : i32
    return %c0_i32, %c0_i32_0 : i32, i32
  }
  func.func @transform_5(%arg0: i32) -> (i32, i32) {
    %c0_i32 = arith.constant 0 : i32
    %c0_i32_0 = arith.constant 0 : i32
    %c0_i32_1 = arith.constant 0 : i32
    return %c0_i32, %c0_i32_0 : i32, i32
  }
  func.func @transform_6(%arg0: i32) -> (i32, i32) {
    %c0_i32 = arith.constant 0 : i32
    %c0_i32_0 = arith.constant 0 : i32
    %c0_i32_1 = arith.constant 0 : i32
    return %c0_i32, %c0_i32_0 : i32, i32
  }
  func.func @transform_7(%arg0: i32) -> (i32, i32) {
    %c0_i32 = arith.constant 0 : i32
    %c0_i32_0 = arith.constant 0 : i32
    %c0_i32_1 = arith.constant 0 : i32
    return %c0_i32, %c0_i32_0 : i32, i32
  }
  func.func @transform_8(%arg0: i32) -> (i32, i32) {
    %c0_i32 = arith.constant 0 : i32
    %c0_i32_0 = arith.constant 0 : i32
    %c0_i32_1 = arith.constant 0 : i32
    return %c0_i32, %c0_i32_0 : i32, i32
  }
  func.func @transform_9(%arg0: i32) -> (i32, i32) {
    %c0_i32 = arith.constant 0 : i32
    %c0_i32_0 = arith.constant 0 : i32
    %c0_i32_1 = arith.constant 0 : i32
    return %c0_i32, %c0_i32_0 : i32, i32
  }
  func.func @transform_10(%arg0: i32) -> (i32, i32) {
    %c0_i32 = arith.constant 0 : i32
    %c0_i32_0 = arith.constant 0 : i32
    return %arg0, %c0_i32 : i32, i32
  }
}

module attributes {stable_mosaic.version = 14 : i64} {
  func.func @_update_body(%arg0: memref<20032x32xf32, #tpu.memory_space<vmem>>, %arg1: memref<20032x16xf32, #tpu.memory_space<vmem>>, %arg2: memref<10000x32xf32, #tpu.memory_space<vmem>>, %arg3: memref<32x32xf32, #tpu.memory_space<vmem>>, %arg4: memref<1x32xf32, #tpu.memory_space<vmem>>, %arg5: memref<10000x32xf32, #tpu.memory_space<vmem>>) attributes {dimension_semantics = [], scalar_prefetch = 0 : i64, scratch_operands = 0 : i64, tpu.core_type = #tpu.core_type<tc>} {
    %get3A = arith.constant 0 : index
    %get3A_0 = arith.constant 0 : index
    %get3A_1 = vector.load %arg1[%get3A, %get3A_0] : memref<20032x16xf32, #tpu.memory_space<vmem>>, vector<10000x1xf32>
    %get3A_2 = arith.constant 10016 : index
    %get3A_3 = arith.constant 0 : index
    %get3A_4 = vector.load %arg1[%get3A_2, %get3A_3] : memref<20032x16xf32, #tpu.memory_space<vmem>>, vector<10000x1xf32>
    %add3A = arith.addf %get3A_1, %get3A_4 : vector<10000x1xf32>
    %max3A = arith.constant 1.000000e+00 : f32
    %max3A_5 = vector.broadcast %max3A : f32 to vector<10000x1xf32>
    %max3A_6 = arith.maximumf %add3A, %max3A_5 : vector<10000x1xf32>
    %get3A_7 = arith.constant 0 : index
    %get3A_8 = arith.constant 0 : index
    %get3A_9 = vector.load %arg0[%get3A_7, %get3A_8] : memref<20032x32xf32, #tpu.memory_space<vmem>>, vector<10000x32xf32>
    %get3A_10 = arith.constant 10016 : index
    %get3A_11 = arith.constant 0 : index
    %get3A_12 = vector.load %arg0[%get3A_10, %get3A_11] : memref<20032x32xf32, #tpu.memory_space<vmem>>, vector<10000x32xf32>
    %add3A_13 = arith.addf %get3A_9, %get3A_12 : vector<10000x32xf32>
    %div3A = vector.broadcast %max3A_6 : vector<10000x1xf32> to vector<10000x32xf32>
    %div3A_14 = arith.divf %add3A_13, %div3A : vector<10000x32xf32>
    %get3A_15 = arith.constant 0 : index
    %get3A_16 = arith.constant 0 : index
    %get3A_17 = vector.load %arg2[%get3A_15, %get3A_16] : memref<10000x32xf32, #tpu.memory_space<vmem>>, vector<10000x32xf32>
    %get3A_18 = arith.constant 0 : index
    %get3A_19 = arith.constant 0 : index
    %get3A_20 = vector.load %arg3[%get3A_18, %get3A_19] : memref<32x32xf32, #tpu.memory_space<vmem>>, vector<32x32xf32>
    %dot_general3A = arith.constant dense<0.000000e+00> : vector<10000x32xf32>
    %dot_general3A_21 = tpu.matmul %get3A_17, %get3A_20, %dot_general3A {dimension_numbers = #tpu.dot_dimension_numbers<[1], [0], [0], [1], [0, 0, 1, 1], [], []>, transpose_lhs_hint = false} : vector<10000x32xf32>, vector<32x32xf32>, vector<10000x32xf32> -> vector<10000x32xf32>
    %add3A_22 = arith.addf %div3A_14, %dot_general3A_21 : vector<10000x32xf32>
    %get3A_23 = arith.constant 0 : index
    %get3A_24 = arith.constant 0 : index
    %get3A_25 = vector.load %arg4[%get3A_23, %get3A_24] : memref<1x32xf32, #tpu.memory_space<vmem>>, vector<1x32xf32>
    %add3A_26 = vector.broadcast %get3A_25 : vector<1x32xf32> to vector<10000x32xf32>
    %add3A_27 = arith.addf %add3A_22, %add3A_26 : vector<10000x32xf32>
    %max3A_28 = arith.constant 0.000000e+00 : f32
    %max3A_29 = vector.broadcast %max3A_28 : f32 to vector<10000x32xf32>
    %max3A_30 = arith.maximumf %add3A_27, %max3A_29 : vector<10000x32xf32>
    %swap3A = arith.constant 0 : index
    %swap3A_31 = arith.constant 0 : index
    %swap3A_32 = vector.load %arg5[%swap3A, %swap3A_31] : memref<10000x32xf32, #tpu.memory_space<vmem>>, vector<10000x32xf32>
    tpu.vector_store %arg5[%swap3A, %swap3A_31], %max3A_30 {strides = array<i32>} : memref<10000x32xf32, #tpu.memory_space<vmem>>, vector<10000x32xf32>,
    return
  }
}

module attributes {stable_mosaic.version = 14 : i64} {
  func.func @_update_body(%arg0: memref<20032x32xf32, #tpu.memory_space<vmem>>, %arg1: memref<20032x16xf32, #tpu.memory_space<vmem>>, %arg2: memref<10000x32xf32, #tpu.memory_space<vmem>>, %arg3: memref<32x32xf32, #tpu.memory_space<vmem>>, %arg4: memref<1x32xf32, #tpu.memory_space<vmem>>, %arg5: memref<10000x32xf32, #tpu.memory_space<vmem>>) attributes {dimension_semantics = [], scalar_prefetch = 0 : i64, scratch_operands = 0 : i64, tpu.core_type = #tpu.core_type<tc>} {
    %get3A = arith.constant 0 : index
    %get3A_0 = arith.constant 0 : index
    %get3A_1 = vector.load %arg1[%get3A, %get3A_0] : memref<20032x16xf32, #tpu.memory_space<vmem>>, vector<10000x1xf32>
    %get3A_2 = arith.constant 10016 : index
    %get3A_3 = arith.constant 0 : index
    %get3A_4 = vector.load %arg1[%get3A_2, %get3A_3] : memref<20032x16xf32, #tpu.memory_space<vmem>>, vector<10000x1xf32>
    %add3A = arith.addf %get3A_1, %get3A_4 : vector<10000x1xf32>
    %max3A = arith.constant 1.000000e+00 : f32
    %max3A_5 = vector.broadcast %max3A : f32 to vector<10000x1xf32>
    %max3A_6 = arith.maximumf %add3A, %max3A_5 : vector<10000x1xf32>
    %get3A_7 = arith.constant 0 : index
    %get3A_8 = arith.constant 0 : index
    %get3A_9 = vector.load %arg0[%get3A_7, %get3A_8] : memref<20032x32xf32, #tpu.memory_space<vmem>>, vector<10000x32xf32>
    %get3A_10 = arith.constant 10016 : index
    %get3A_11 = arith.constant 0 : index
    %get3A_12 = vector.load %arg0[%get3A_10, %get3A_11] : memref<20032x32xf32, #tpu.memory_space<vmem>>, vector<10000x32xf32>
    %add3A_13 = arith.addf %get3A_9, %get3A_12 : vector<10000x32xf32>
    %div3A = vector.broadcast %max3A_6 : vector<10000x1xf32> to vector<10000x32xf32>
    %div3A_14 = arith.divf %add3A_13, %div3A : vector<10000x32xf32>
    %get3A_15 = arith.constant 0 : index
    %get3A_16 = arith.constant 0 : index
    %get3A_17 = vector.load %arg2[%get3A_15, %get3A_16] : memref<10000x32xf32, #tpu.memory_space<vmem>>, vector<10000x32xf32>
    %get3A_18 = arith.constant 0 : index
    %get3A_19 = arith.constant 0 : index
    %get3A_20 = vector.load %arg3[%get3A_18, %get3A_19] : memref<32x32xf32, #tpu.memory_space<vmem>>, vector<32x32xf32>
    %dot_general3A = arith.constant dense<0.000000e+00> : vector<10000x32xf32>
    %dot_general3A_21 = tpu.matmul %get3A_17, %get3A_20, %dot_general3A {dimension_numbers = #tpu.dot_dimension_numbers<[1], [0], [0], [1], [0, 0, 1, 1], [], []>, transpose_lhs_hint = false} : vector<10000x32xf32>, vector<32x32xf32>, vector<10000x32xf32> -> vector<10000x32xf32>
    %add3A_22 = arith.addf %div3A_14, %dot_general3A_21 : vector<10000x32xf32>
    %get3A_23 = arith.constant 0 : index
    %get3A_24 = arith.constant 0 : index
    %get3A_25 = vector.load %arg4[%get3A_23, %get3A_24] : memref<1x32xf32, #tpu.memory_space<vmem>>, vector<1x32xf32>
    %add3A_26 = vector.broadcast %get3A_25 : vector<1x32xf32> to vector<10000x32xf32>
    %add3A_27 = arith.addf %add3A_22, %add3A_26 : vector<10000x32xf32>
    %swap3A = arith.constant 0 : index
    %swap3A_28 = arith.constant 0 : index
    %swap3A_29 = vector.load %arg5[%swap3A, %swap3A_28] : memref<10000x32xf32, #tpu.memory_space<vmem>>, vector<10000x32xf32>
    tpu.vector_store %arg5[%swap3A, %swap3A_28], %add3A_27 {strides = array<i32>} : memref<10000x32xf32, #tpu.memory_space<vmem>>, vector<10000x32xf32>,
    return
  }
}

module attributes {stable_mosaic.version = 14 : i64} {
  func.func @_head_body(%arg0: memref<10000x32xf32, #tpu.memory_space<vmem>>, %arg1: memref<32x256xf32, #tpu.memory_space<vmem>>, %arg2: memref<1x256xf32, #tpu.memory_space<vmem>>, %arg3: memref<256x1xf32, #tpu.memory_space<vmem>>, %arg4: memref<1x1xf32, #tpu.memory_space<vmem>>, %arg5: memref<10000x1xf32, #tpu.memory_space<vmem>>) attributes {dimension_semantics = [], scalar_prefetch = 0 : i64, scratch_operands = 0 : i64, tpu.core_type = #tpu.core_type<tc>} {
    %get3A = arith.constant 0 : index
    %get3A_0 = arith.constant 0 : index
    %get3A_1 = vector.load %arg0[%get3A, %get3A_0] : memref<10000x32xf32, #tpu.memory_space<vmem>>, vector<10000x32xf32>
    %get3A_2 = arith.constant 0 : index
    %get3A_3 = arith.constant 0 : index
    %get3A_4 = vector.load %arg1[%get3A_2, %get3A_3] : memref<32x256xf32, #tpu.memory_space<vmem>>, vector<32x256xf32>
    %dot_general3A = arith.constant dense<0.000000e+00> : vector<10000x256xf32>
    %dot_general3A_5 = tpu.matmul %get3A_1, %get3A_4, %dot_general3A {dimension_numbers = #tpu.dot_dimension_numbers<[1], [0], [0], [1], [0, 0, 1, 1], [], []>, transpose_lhs_hint = false} : vector<10000x32xf32>, vector<32x256xf32>, vector<10000x256xf32> -> vector<10000x256xf32>
    %get3A_6 = arith.constant 0 : index
    %get3A_7 = arith.constant 0 : index
    %get3A_8 = vector.load %arg2[%get3A_6, %get3A_7] : memref<1x256xf32, #tpu.memory_space<vmem>>, vector<1x256xf32>
    %add3A = vector.broadcast %get3A_8 : vector<1x256xf32> to vector<10000x256xf32>
    %add3A_9 = arith.addf %dot_general3A_5, %add3A : vector<10000x256xf32>
    %max3A = arith.constant 0.000000e+00 : f32
    %max3A_10 = vector.broadcast %max3A : f32 to vector<10000x256xf32>
    %max3A_11 = arith.maximumf %add3A_9, %max3A_10 : vector<10000x256xf32>
    %get3A_12 = arith.constant 0 : index
    %get3A_13 = arith.constant 0 : index
    %get3A_14 = vector.load %arg3[%get3A_12, %get3A_13] : memref<256x1xf32, #tpu.memory_space<vmem>>, vector<256x1xf32>
    %dot_general3A_15 = arith.constant dense<0.000000e+00> : vector<10000x1xf32>
    %dot_general3A_16 = tpu.matmul %max3A_11, %get3A_14, %dot_general3A_15 {dimension_numbers = #tpu.dot_dimension_numbers<[1], [0], [0], [1], [0, 0, 1, 1], [], []>, transpose_lhs_hint = false} : vector<10000x256xf32>, vector<256x1xf32>, vector<10000x1xf32> -> vector<10000x1xf32>
    %get3A_17 = arith.constant 0 : index
    %get3A_18 = arith.constant 0 : index
    %get3A_19 = vector.load %arg4[%get3A_17, %get3A_18] : memref<1x1xf32, #tpu.memory_space<vmem>>, vector<1x1xf32>
    %add3A_20 = vector.broadcast %get3A_19 : vector<1x1xf32> to vector<10000x1xf32>
    %add3A_21 = arith.addf %dot_general3A_16, %add3A_20 : vector<10000x1xf32>
    %swap3A = arith.constant 0 : index
    %swap3A_22 = arith.constant 0 : index
    %swap3A_23 = vector.load %arg5[%swap3A, %swap3A_22] : memref<10000x1xf32, #tpu.memory_space<vmem>>, vector<10000x1xf32>
    tpu.vector_store %arg5[%swap3A, %swap3A_22], %add3A_21 {strides = array<i32>} : memref<10000x1xf32, #tpu.memory_space<vmem>>, vector<10000x1xf32>,
    return
  }
}

</mosaic_0001>

<sc_bundles>
// kernel: kernel.12.cloned.1.call-start
scs
__scs_entry_jumppad:
0x0: {  	(pc) =	sbr.rel $0x88, $3  }
0x1: {  	(tag) =	ssettag $0x0;
	lr =	simm.s32 $0x1  }
0x2: {  	[smem:$0x3F90] =	sst lr;
	_ =	strace $0xD0000000  }
0x3: {  	_ = 	snop  }
0x4: {  	_ = 	snop  }
0x5: {  	_ = 	snop  }
0x6: {  	_ = 	snop  }
0x7: {  	_ = 	snop  }
__scs_overlays_trampoline_lowered:
0x8: {  	[smem:$0x3F9F] =	sst s0  }
0x9: {  	[smem:$0x3FA0] =	sst s1  }
0xa: {  	[smem:$0x3FA1] =	sst s2  }
0xb: {  	[smem:$0x3FA2] =	sst s3  }
0xc: {  	[smem:$0x3FA3] =	sst s4  }
0xd: {  	[smem:$0x3FA4] =	sst s5  }
0xe: {  	[smem:$0x3FA5] =	sst s6  }
0xf: {  	[smem:$0x3FA6] =	sst s7  }
0x10: {  	[smem:$0x3FA7] =	sst s8  }
0x11: {  	[smem:$0x3FA8] =	sst s9;
	s0 =	simm.s32 @!p0 $0x0  }
0x12: {  	s1 =	sld [smem:$0x3F8E];
	s0 =	simm.s32 @p0 $0x1  }
0x13: {  	[smem:$0x3FA9] =	sst s0;
	s0 =	simm.s32 @!p1 $0x0  }
0x14: {  	s2 =	sld [smem:$0x3F8D];
	s0 =	simm.s32 @p1 $0x1  }
0x15: {  	[smem:$0x3FAA] =	sst s0;
	s0 =	simm.s32 @!p2 $0x0  }
0x16: {  	s3 =	sld [smem:$0x3FDB];
	s0 =	simm.s32 @p2 $0x1  }
0x17: {  	s4 =	simm.s32 $0x1BF5;
	[smem:$0x3FAC] =	sst s0  }
0x18: {  	s0 =	sld [smem:$0x3F8F];
	_ =	swait.ge [sflag:s4], $0x0  }
0x19: {  	s7 =	sld [smem:$0x3F90]  }
0x1a: {  	s8 =	sadd.s32 $0xFFFFE003, lr  }
0x1b: {  	s9 =	sadd.s32 $0xFFFFFEF7, lr;
	s5 =	simm.s32 $0xFFFFFFFF;
	p2 =	slt.u32 s8, $0xFFFFF086  }
0x1c: {  	p1 =	slt.u32 s9, $0xF7A;
	s5 =	simm.s32 @!p2 $0x0  }
0x1d: {  	s5 =	simm.s32 @p1 $0x1;
	p0 =	seq.s32 s7, s2  }
0x1e: {  	s7 =	smul.u32 @!p0 $0xF7A, s2;
	p2 =	seq.s32 @!p0 s5, $0x0  }
0x1f: {  	s9 =	smul.u32 $0xF7A, s1;
	s8 =	simm.s32 @!p0 $0x1BF5;
	p2 =	por !p2, p0  }
0x20: {  	[sflag:s8] =	ssyncset.s32 @!p0 $0xFFFFF086;
	s6 =	sadd.s32 @!p0 s3, s7;
	s7 =	simm.s32 @!p0 $0x108  }
0x21: {  	s3 =	sadd.s32 s3, s9;
	s6 =	sadd.s32 @!p0 $0x88, s6;
	s7 =	simm.s32 @p2 $0x1082  }
0x22: {  	[simem:s7], [sflag:s8] =	dma.local @!p0 [hbm:s6], $0xF7A  }
0x23: {  	s9 =	sor.u32 $0xD0000000, s2;
	s6 =	simm.s32 $0x108;
	_ =	swait.ge @!p0 [sflag:s8], $0x0  }
0x24: {  	s3 =	sadd.s32 $0x88, s3;
	s6 =	simm.s32 @!p1 $0x1082;
	[sflag:s4] =	ssyncset.s32 $0xFFFFF086  }
0x25: {  	[simem:s6], [sflag:s4] =	dma.local [hbm:s3], $0xF7A  }
0x26: {  	[smem:$0x3F90] =	sst s1;
	(tag) =	ssettag s2;
	_ =	strace s9  }
0x27: {  	s1 =	sld [smem:$0x3FA0]  }
0x28: {  	s2 =	sld [smem:$0x3FA1]  }
0x29: {  	s4 =	sld [smem:$0x3FA3]  }
0x2a: {  	p0 =	seq.s32 s5, $0x0;
	s5 =	sld [smem:$0x3FA4]  }
0x2b: {  	s6 =	sld [smem:$0x3FA5]  }
0x2c: {  	s7 =	sld [smem:$0x3FA6]  }
0x2d: {  	s3 =	simm.s32 $0x108;
	s8 =	sld [smem:$0x3FA7]  }
0x2e: {  	s3 =	simm.s32 @!p0 $0x1082;
	s9 =	sld [smem:$0x3FA8]  }
0x2f: {  	lr =	sadd.s32 s0, s3;
	s0 =	sld [smem:$0x3F9F]  }
0x30: {  	s3 =	sld [smem:$0x3FA2]  }
0x31: {  	[smem:$0x3FAB] =	sst s10  }
0x32: {  	s10 =	sld [smem:$0x3FA9];
	_ =	sdelay $0x3  }
0x33: {  	p0 =	seq.s32 s10, $0x1;
	s10 =	sld [smem:$0x3FAB];
	_ =	sdelay $0x3  }
0x34: {  	[smem:$0x3FAB] =	sst s10  }
0x35: {  	s10 =	sld [smem:$0x3FAA];
	_ =	sdelay $0x3  }
0x36: {  	p1 =	seq.s32 s10, $0x1;
	s10 =	sld [smem:$0x3FAB];
	_ =	sdelay $0x3  }
0x37: {  	[smem:$0x3FAB] =	sst s10  }
0x38: {  	s10 =	sld [smem:$0x3FAC]  }
0x39: {  	_ = 	snop;
	(pc) =	sbr.ind lr, $3  }
0x3a: {  	_ = 	snop  }
0x3b: {  	_ = 	snop  }
0x3c: {  	p2 =	seq.s32 s10, $0x1;
	s10 =	sld [smem:$0x3FAB]  }
0x3d: {  	_ =	shalt  }
0x3e: {  	_ =	shalt  }
0x3f: {  	_ =	shalt  }
0x40: {  	_ =	shalt  }
0x41: {  	_ =	shalt  }
0x42: {  	_ =	shalt  }
0x43: {  	_ =	shalt  }
0x44: {  	_ =	shalt  }
0x45: {  	_ =	shalt  }
0x46: {  	_ =	shalt  }
0x47: {  	_ =	shalt  }
0x48: {  	_ =	shalt  }
0x49: {  	_ =	shalt  }
0x4a: {  	_ =	shalt  }
0x4b: {  	_ =	shalt  }
0x4c: {  	_ =	shalt  }
0x4d: {  	_ =	shalt  }
0x4e: {  	_ =	shalt  }
0x4f: {  	_ =	shalt  }
0x50: {  	_ =	shalt  }
0x51: {  	_ =	shalt  }
0x52: {  	_ =	shalt  }
0x53: {  	_ =	shalt  }
0x54: {  	_ =	shalt  }
0x55: {  	_ =	shalt  }
0x56: {  	_ =	shalt  }
0x57: {  	_ =	shalt  }
0x58: {  	_ =	shalt  }
0x59: {  	_ =	shalt  }
0x5a: {  	_ =	shalt  }
0x5b: {  	_ =	shalt  }
0x5c: {  	_ =	shalt  }
0x5d: {  	_ =	shalt  }
0x5e: {  	_ =	shalt  }
0x5f: {  	_ =	shalt  }
0x60: {  	_ =	shalt  }
0x61: {  	_ =	shalt  }
0x62: {  	_ =	shalt  }
0x63: {  	_ =	shalt  }
0x64: {  	_ =	shalt  }
0x65: {  	_ =	shalt  }
0x66: {  	_ =	shalt  }
0x67: {  	_ =	shalt  }
0x68: {  	_ =	shalt  }
0x69: {  	_ =	shalt  }
0x6a: {  	_ =	shalt  }
0x6b: {  	_ =	shalt  }
0x6c: {  	_ =	shalt  }
0x6d: {  	_ =	shalt  }
0x6e: {  	_ =	shalt  }
0x6f: {  	_ =	shalt  }
0x70: {  	_ =	shalt  }
0x71: {  	_ =	shalt  }
0x72: {  	_ =	shalt  }
0x73: {  	_ =	shalt  }
0x74: {  	_ =	shalt  }
0x75: {  	_ =	shalt  }
0x76: {  	_ =	shalt  }
0x77: {  	_ =	shalt  }
0x78: {  	_ =	shalt  }
0x79: {  	_ =	shalt  }
0x7a: {  	_ =	shalt  }
0x7b: {  	_ =	shalt  }
0x7c: {  	_ =	shalt  }
0x7d: {  	_ =	shalt  }
0x7e: {  	_ =	shalt  }
0x7f: {  	_ =	shalt  }
0x80: {  	_ =	shalt  }
0x81: {  	_ =	shalt  }
0x82: {  	_ =	shalt  }
0x83: {  	_ =	shalt  }
0x84: {  	_ =	shalt  }
0x85: {  	_ =	shalt  }
0x86: {  	_ =	shalt  }
0x87: {  	_ =	shalt  }
.Lfunc_end0:
.L_simem_size_0:
called_computation_lowered:
.L_overlay_start_0:
0x88: {  	s2 =	sld [smem:$0x3FD9]  }
0x89: {  	s3 =	sld [smem:$0x3FFE];
	_ =	sdelay $0x1  }
0x8a: {  	s1 =	srdreg.scid  }
0x8b: {  	s0 =	sand.u32 $0x1, s1  }
0x8c: {  	s16 =	sshll.u32 s0, $0xA;
	s2 =	sadd.s32 s3, s2  }
0x8d: {  	s2 =	sadd.s32 s2, s16  }
0x8e: {  	[smem:$0x3FB7] =	sst s2  }
0x8f: {  	_ = 	snop  }
0x90: {  	(tm) =	ssettm $0x1  }
0x91: {  	s17 =	sld [smem:$0x3FFB];
	_ =	sdelay $0x3  }
0x92: {  	_ =	strace s17  }
0x93: {  	s2 =	sld [smem:$0x3FFC];
	_ =	sdelay $0x3  }
0x94: {  	_ =	strace s2  }
0x95: {  	s2 =	sld [smem:$0x3FFD];
	_ =	sdelay $0x3  }
0x96: {  	_ =	strace s2  }
0x97: {  	_ =	strace $0x8FFFFFFF  }
0x98: {  	s18 =	sld [smem:$0x3FDB];
	_ =	sdelay $0x1  }
0x99: {  	s19 =	simm.s32 $_scs_section_size  }
0x9a: {  	s4 =	simm.s32 $_size__tile_overlayer_lowered;
	s5 =	simm.s32 $_tile_overlayer_lowered  }
0x9b: {  	s22 =	simm.s32 $0x1BFF;
	s21 =	sshll.u32 s5, $0x1;
	s2 =	sadd.s32 s19, s18  }
0x9c: {  	s6 =	simm.s32 $0x0;
	s20 =	sshll.u32 s4, $0x1;
	s4 =	sadd.s32 s21, s2  }
0x9d: {  	[timem:s6], [sflag:s22] =	dma.local [hbm:s4], s20  }
0x9e: {  	_ =	swait.ge [sflag:s22], s20  }
0x9f: {  	s3 =	ssub.s32 $0x0, s20;
	[sflag:s22] =	ssyncset.done $0x0  }
0xa0: {  	[sflag:s22] =	ssyncadd.s32 s3;
	_ =	sdelay $0x1  }
0xa1: {  	s23 =	simm.s32 $0x1B8B  }
0xa2: {  	_ =	swait.ge [sflag:s23], $0x1  }
0xa3: {  	[sflag:s23] =	ssyncset.done $0x0  }
0xa4: {  	s25 =	simm.s32 $0x1B8E;
	s24 =	sld [smem:$0x3FFE];
	[sflag:s23] =	ssyncadd.s32 $0xFFFFFFFF  }
0xa5: {  	s26 =	simm.s32 $execute0_lowered;
	[smem:$0x3FD2] =	sst s25  }
0xa6: {  	s4 =	sshll.u32 s26, $0x1;
	_ =	strace $0x80000046;
	[dreg:$0x1] =	wrdreg $0xFFFFFFFF  }
0xa7: {  	s28 =	simm.s32 $_size_execute0_lowered;
	s2 =	sadd.s32 s2, s4;
	[dreg:$0x0] =	wrdreg $0x0  }
0xa8: {  	s4 =	sshll.u32 s28, $0x1;
	[dreg:$0x2] =	wrdreg s2  }
0xa9: {  	[dreg:$0x3] =	wrdreg s4  }
0xaa: {  	[dreg:$0x4] =	wrdreg $0xC0  }
0xab: {  	_ =	task [dreg:s6], $0x5FFFF  }
0xac: {  	[dreg:$0x1] =	wrdreg $0xFFFFFFFF  }
0xad: {  	[dreg:$0x0] =	wrdreg $0x60  }
0xae: {  	[dreg:$0x2] =	wrdreg s24  }
0xaf: {  	[dreg:$0x3] =	wrdreg $0x9  }
0xb0: {  	_ =	task.clear_ibuf [dreg:s6], $0x4FFFF;
	_ =	strace $0x90000046  }
0xb1: {  	s29 =	simm.s32 $0x9;
	_ =	strace $0x80000048  }
0xb2: {  	_ =	swait.ge [sflag:s29], $0x1  }
0xb3: {  	[sflag:s29] =	ssyncadd.s32 $0xFFFFFFFF  }
0xb4: {  	_ =	strace $0x90000048  }
0xb5: {  	_ =	sfence  }
0xb6: {  	s30 =	sld [smem:$0x0];
	_ =	sdelay $0x2  }
0xb7: {  	s31 =	sshll.u32 s1, $0xD;
	s1 =	sshrl.u32 s1, $0x2  }
0xb8: {  	s3 =	sand.u32 $0x4000, s31;
	s1 =	sadd.s32 s1, s30  }
0xb9: {  	s0 =	sor.u32 s3, s0;
	s1 =	sshll.u32 s1, $0x11  }
0xba: {  	s0 =	sor.u32 s1, s0  }
0xbb: {  	s0 =	sadd.s32 $0x8F2B, s0  }
0xbc: {  	[sflag:s0] =	ssyncadd.remote.s32 $0x1  }
0xbd: {  	_ =	sfence.sel $0xFFFF  }
0xbe: {  	[dreg:$0x0] =	wrdreg $0xFFFFFFFF;
	(pc) =	sbr.abs _section_cstart, $3  }
0xbf: {  	[dreg:$0x1] =	wrdreg $0xFFFFFFFF  }
0xc0: {  	_ =	task.clear_ibuf [dreg:s6], $0x2FFFF;
	_ =	strace $0x9FFFFFFF  }
0xc1: {  	(tm) =	ssettm $0x7FFFFFFF  }
tec
execute0_lowered:
.L_overlay_start_1:
0x0: {  	(tag) =	ssettag $0x1  }
0x1: {  	s0 =	rddreg [dreg:$0x0];
	s1 =	srdreg.scid  }
0x2: {  	s8 =	stileid.u32;
	s2 =	simm.s32 $0x0;
	s18 =	simm.s32 $0x2  }
0x3: {  	s19 =	simm.s32 $0x3;
	s20 =	simm.s32 $0x4;
	s21 =	simm.s32 $0x5  }
0x4: {  	s28 =	simm.s32 $0xB;
	s29 =	simm.s32 $0xC;
	s30 =	simm.s32 $0xD  }
0x5: {  	s31 =	simm.s32 $0xE;
	s16 =	simm.s32 $0x7400;
	s17 =	simm.s32 $0x8400  }
0x6: {  	s1 =	sand.u32 $0x1, s1;
	s3 =	smul.u32 $0x50, s8;
	s4 =	sshll.u32 s8, $0x1  }
0x7: {  	[smem:$0x7FF] =	sst s2;
	s6 =	sadd.s32 $0x3A400, s0;
	s5 =	smul.u32 $0x28, s1  }
0x8: {  	s8 =	smul.u32 $0xA000, s8;
	s4 =	sor.u32 s1, s4;
	_ =	strace $0x80000047  }
0x9: {  	s22 =	ssub.s32 $0x2, s1;
	s4 =	smul.u32 $0x280, s4;
	s5 =	sadd.s32 s5, s3  }
0xa: {  	s1 =	smul.u32 $0x5000, s1;
	s23 =	sshrl.u32 s22, $0x1;
	s5 =	sshll.u32 s5, $0x9  }
0xb: {  	s3 =	sadd.s32 $0x2B600, s0;
	s0 =	sadd.s32 s4, s0;
	s9 =	sadd.s32 s5, s6  }
0xc: {  	s4 =	ssub.s32 s22, s23;
	s0 =	sadd.s32 $0x35400, s0;
	[dreg:$0x6] =	wrdreg s9  }
0xd: {  	s22 =	simm.s32 $0x6;
	s26 =	smax.u32 s4, $0x1;
	[dreg:$0x7] =	wrdreg s0  }
0xe: {  	s23 =	simm.s32 $0x7;
	s7 =	sadd.s32 $0xC00, s9;
	[dreg:$0x8] =	wrdreg s26  }
0xf: {  	s6 =	sadd.s32 s8, s6;
	s24 =	sadd.s32 $0x800, s9;
	[dreg:$0x2] =	wrdreg s7  }
0x10: {  	s8 =	simm.s32 $0x80;
	s25 =	sadd.s32 $0x400, s9;
	[dreg:$0x3] =	wrdreg s24  }
0x11: {  	s5 =	simm.s32 $0x0;
	s1 =	sadd.s32 s1, s6;
	[dreg:$0x4] =	wrdreg s25  }
0x12: {  	s26 =	simm.s32 $0xA;
	s0 =	simm.s32 $0xF;
	[dreg:$0x5] =	wrdreg s1  }
0x13: {  	s24 =	simm.s32 $0x8;
	s25 =	simm.s32 $0x9;
	s1 =	simm.s32 $0x10  }
.LBB2_1:
0x14: {  	[dreg:$0x9] =	wrdreg s5  }
0x15: {  	s4 =	rddreg [dreg:$0x7];
	s5 =	simm.s32 $0x11  }
0x16: {  	[tilespmem:s2], [sflag:$0x11] =	stream.linear.gather [hbm4b:s4+s2], $0x1400, $0x38;
	[tilespmem:$0x9400] =	vst v63  }
0x17: {  	_ =	swait.ge [sflag:s5], $0x1400  }
0x18: {  	[sflag:s5] =	ssyncset.done $0x0  }
0x19: {  	s6 =	simm.s32 $0x0;
	[sflag:s5] =	ssyncadd.s32 $0xFFFFEC00;
	s5 =	simm.s32 $0x1400  }
0x1a: {  	[tilespmem:s5], [sflag:$0x1] =	stream.indirect.gather [hbm4b:s3+s8], $0x20, s6, s8, $0xb8;
	[tilespmem:$0x9400] =	vst v63  }
0x1b: {  	s7 =	simm.s32 $0x80;
	s6 =	simm.s32 $0x2400  }
0x1c: {  	[tilespmem:s6], [sflag:$0x2] =	stream.indirect.gather [hbm4b:s3+s8], $0x20, s7, s8, $0xb8;
	[tilespmem:$0x9400] =	vst v63  }
0x1d: {  	s9 =	simm.s32 $0x100;
	s7 =	simm.s32 $0x3400  }
0x1e: {  	[tilespmem:s7], [sflag:$0x3] =	stream.indirect.gather [hbm4b:s3+s8], $0x20, s9, s8, $0xb8;
	[tilespmem:$0x9400] =	vst v63  }
0x1f: {  	s10 =	simm.s32 $0x180;
	s9 =	simm.s32 $0x4400  }
0x20: {  	[tilespmem:s9], [sflag:$0x4] =	stream.indirect.gather [hbm4b:s3+s8], $0x20, s10, s8, $0xb8;
	[tilespmem:$0x9400] =	vst v63  }
0x21: {  	s11 =	simm.s32 $0x200;
	s10 =	simm.s32 $0x5400  }
0x22: {  	[tilespmem:s10], [sflag:$0x5] =	stream.indirect.gather [hbm4b:s3+s8], $0x20, s11, s8, $0xb8;
	[tilespmem:$0x9400] =	vst v63  }
0x23: {  	s12 =	simm.s32 $0x280;
	s11 =	simm.s32 $0x6400  }
0x24: {  	[tilespmem:s11], [sflag:$0x6] =	stream.indirect.gather [hbm4b:s3+s8], $0x20, s12, s8, $0xb8;
	[tilespmem:$0x9400] =	vst v63  }
0x25: {  	s13 =	simm.s32 $0x300;
	s12 =	simm.s32 $0x7400  }
0x26: {  	[tilespmem:s12], [sflag:$0x7] =	stream.indirect.gather [hbm4b:s3+s8], $0x20, s13, s8, $0xb8;
	[tilespmem:$0x9400] =	vst v63  }
0x27: {  	s14 =	simm.s32 $0x380;
	s13 =	simm.s32 $0x8400  }
0x28: {  	[tilespmem:s13], [sflag:$0x8] =	stream.indirect.gather [hbm4b:s3+s8], $0x20, s14, s8, $0xb8;
	[tilespmem:$0x9400] =	vst v63  }
0x29: {  	s14 =	simm.s32 $0x1  }
0x2a: {  	_ =	swait.ge [sflag:s14], $0x1000  }
0x2b: {  	s15 =	rddreg [dreg:$0x5];
	[sflag:s14] =	ssyncset.done $0x0  }
0x2c: {  	[sflag:s14] =	ssyncadd.s32 $0xFFFFF000;
	s4 =	sadd.s32 $0x0, s15  }
0x2d: {  	[hbm4b:s4+s2] =	stream.linear.scatter [tilespmem:s5], [sflag:$0x9], $0x1000, $0x38;
	[tilespmem:$0x9400] =	vst v63  }
0x2e: {  	_ =	swait.ge [sflag:s18], $0x1000  }
0x2f: {  	s14 =	rddreg [dreg:$0x6]  }
0x30: {  	[sflag:s18] =	ssyncset.done $0x0;
	s4 =	sadd.s32 $0x0, s14  }
0x31: {  	[sflag:s18] =	ssyncadd.s32 $0xFFFFF000;
	s15 =	sadd.s32 $0x200, s4  }
0x32: {  	[hbm4b:s15+s2] =	stream.linear.scatter [tilespmem:s6], [sflag:$0xA], $0x1000, $0x38;
	[tilespmem:$0x9400] =	vst v63  }
0x33: {  	_ =	swait.ge [sflag:s19], $0x1000  }
0x34: {  	s6 =	rddreg [dreg:$0x4];
	[sflag:s19] =	ssyncset.done $0x0  }
0x35: {  	[sflag:s19] =	ssyncadd.s32 $0xFFFFF000;
	s5 =	sadd.s32 $0x0, s6  }
0x36: {  	[hbm4b:s5+s2] =	stream.linear.scatter [tilespmem:s7], [sflag:$0xB], $0x1000, $0x38;
	[tilespmem:$0x9400] =	vst v63  }
0x37: {  	_ =	swait.ge [sflag:s20], $0x1000  }
0x38: {  	[sflag:s20] =	ssyncset.done $0x0  }
0x39: {  	s7 =	sadd.s32 $0x600, s4;
	[sflag:s20] =	ssyncadd.s32 $0xFFFFF000  }
0x3a: {  	[hbm4b:s7+s2] =	stream.linear.scatter [tilespmem:s9], [sflag:$0xC], $0x1000, $0x38;
	[tilespmem:$0x9400] =	vst v63  }
0x3b: {  	_ =	swait.ge [sflag:s21], $0x1000  }
0x3c: {  	s9 =	rddreg [dreg:$0x3];
	[sflag:s21] =	ssyncset.done $0x0  }
0x3d: {  	[sflag:s21] =	ssyncadd.s32 $0xFFFFF000;
	s5 =	sadd.s32 $0x0, s9  }
0x3e: {  	[hbm4b:s5+s2] =	stream.linear.scatter [tilespmem:s10], [sflag:$0xD], $0x1000, $0x38;
	[tilespmem:$0x9400] =	vst v63  }
0x3f: {  	_ =	swait.ge [sflag:s22], $0x1000  }
0x40: {  	[sflag:s22] =	ssyncset.done $0x0  }
0x41: {  	s14 =	sadd.s32 $0xA00, s4;
	[sflag:s22] =	ssyncadd.s32 $0xFFFFF000  }
0x42: {  	[hbm4b:s14+s2] =	stream.linear.scatter [tilespmem:s11], [sflag:$0xE], $0x1000, $0x38;
	[tilespmem:$0x9400] =	vst v63  }
0x43: {  	_ =	swait.ge [sflag:s23], $0x1000  }
0x44: {  	s15 =	rddreg [dreg:$0x2];
	[sflag:s23] =	ssyncset.done $0x0  }
0x45: {  	[sflag:s23] =	ssyncadd.s32 $0xFFFFF000;
	s5 =	sadd.s32 $0x0, s15  }
0x46: {  	[hbm4b:s5+s2] =	stream.linear.scatter [tilespmem:s12], [sflag:$0xF], $0x1000, $0x38;
	[tilespmem:$0x9400] =	vst v63  }
0x47: {  	_ =	swait.ge [sflag:s24], $0x1000  }
0x48: {  	[sflag:s24] =	ssyncset.done $0x0  }
0x49: {  	s4 =	sadd.s32 $0xE00, s4;
	[sflag:s24] =	ssyncadd.s32 $0xFFFFF000  }
0x4a: {  	[hbm4b:s4+s2] =	stream.linear.scatter [tilespmem:s13], [sflag:$0x10], $0x1000, $0x38;
	[tilespmem:$0x9400] =	vst v63  }
0x4b: {  	_ =	swait.ge [sflag:s25], $0x1000  }
0x4c: {  	[sflag:s25] =	ssyncset.done $0x0  }
0x4d: {  	[sflag:s25] =	ssyncadd.s32 $0xFFFFF000  }
0x4e: {  	_ =	swait.ge [sflag:s26], $0x1000  }
0x4f: {  	[sflag:s26] =	ssyncset.done $0x0  }
0x50: {  	[sflag:s26] =	ssyncadd.s32 $0xFFFFF000  }
0x51: {  	_ =	swait.ge [sflag:s28], $0x1000  }
0x52: {  	[sflag:s28] =	ssyncset.done $0x0  }
0x53: {  	[sflag:s28] =	ssyncadd.s32 $0xFFFFF000  }
0x54: {  	_ =	swait.ge [sflag:s29], $0x1000  }
0x55: {  	[sflag:s29] =	ssyncset.done $0x0  }
0x56: {  	[sflag:s29] =	ssyncadd.s32 $0xFFFFF000  }
0x57: {  	_ =	swait.ge [sflag:s30], $0x1000  }
0x58: {  	[sflag:s30] =	ssyncset.done $0x0  }
0x59: {  	[sflag:s30] =	ssyncadd.s32 $0xFFFFF000  }
0x5a: {  	_ =	swait.ge [sflag:s31], $0x1000  }
0x5b: {  	[sflag:s31] =	ssyncset.done $0x0  }
0x5c: {  	[sflag:s31] =	ssyncadd.s32 $0xFFFFF000  }
0x5d: {  	_ =	swait.ge [sflag:s0], $0x1000  }
0x5e: {  	[sflag:s0] =	ssyncset.done $0x0  }
0x5f: {  	[sflag:s0] =	ssyncadd.s32 $0xFFFFF000  }
0x60: {  	_ =	swait.ge [sflag:s1], $0x1000  }
0x61: {  	s6 =	simm.s32 $0x1000;
	s4 =	simm.s32 $0x2000;
	[sflag:s1] =	ssyncset.done $0x0  }
.LBB2_2:
0x62: {  	s9 =	sshra.s32 s6, $0x2;
	[sflag:s1] =	ssyncadd.s32 $0xFFFFF000;
	s10 =	simm.s32 $0x1400  }
0x63: {  	[tilespmem:s10], [sflag:$0x1] =	stream.indirect.gather [hbm4b:s3+s8], $0x20, s9, s8, $0xb8;
	[tilespmem:$0x9400] =	vst v63  }
0x64: {  	s11 =	simm.s32 $0x2400;
	s12 =	sadd.s32 $0x80, s9  }
0x65: {  	[tilespmem:s11], [sflag:$0x2] =	stream.indirect.gather [hbm4b:s3+s8], $0x20, s12, s8, $0xb8;
	[tilespmem:$0x9400] =	vst v63  }
0x66: {  	s13 =	sadd.s32 $0x100, s9;
	s12 =	simm.s32 $0x3400  }
0x67: {  	[tilespmem:s12], [sflag:$0x3] =	stream.indirect.gather [hbm4b:s3+s8], $0x20, s13, s8, $0xb8;
	[tilespmem:$0x9400] =	vst v63  }
0x68: {  	s5 =	smov.u32 s4;
	s14 =	sadd.s32 $0x180, s9;
	s13 =	simm.s32 $0x4400  }
0x69: {  	[tilespmem:s13], [sflag:$0x4] =	stream.indirect.gather [hbm4b:s3+s8], $0x20, s14, s8, $0xb8;
	[tilespmem:$0x9400] =	vst v63  }
0x6a: {  	s7 =	sadd.s32 $0x1000, s4;
	s15 =	sadd.s32 $0x200, s9;
	s14 =	simm.s32 $0x5400  }
0x6b: {  	[tilespmem:s14], [sflag:$0x5] =	stream.indirect.gather [hbm4b:s3+s8], $0x20, s15, s8, $0xb8;
	[tilespmem:$0x9400] =	vst v63  }
0x6c: {  	p0 =	sne.s32 s4, $0x4000;
	s4 =	sadd.s32 $0x280, s9;
	s15 =	simm.s32 $0x6400  }
0x6d: {  	[tilespmem:s15], [sflag:$0x6] =	stream.indirect.gather [hbm4b:s3+s8], $0x20, s4, s8, $0xb8;
	[tilespmem:$0x9400] =	vst v63  }
0x6e: {  	s4 =	sadd.s32 $0x300, s9  }
0x6f: {  	[tilespmem:s16], [sflag:$0x7] =	stream.indirect.gather [hbm4b:s3+s8], $0x20, s4, s8, $0xb8;
	[tilespmem:$0x9400] =	vst v63  }
0x70: {  	s9 =	sadd.s32 $0x380, s9  }
0x71: {  	[tilespmem:s17], [sflag:$0x8] =	stream.indirect.gather [hbm4b:s3+s8], $0x20, s9, s8, $0xb8;
	[tilespmem:$0x9400] =	vst v63  }
0x72: {  	s9 =	simm.s32 $0x1  }
0x73: {  	_ =	swait.ge [sflag:s9], $0x1000  }
0x74: {  	s4 =	rddreg [dreg:$0x5];
	[sflag:s9] =	ssyncset.done $0x0  }
0x75: {  	[sflag:s9] =	ssyncadd.s32 $0xFFFFF000;
	s4 =	sadd.s32 s6, s4  }
0x76: {  	[hbm4b:s4+s2] =	stream.linear.scatter [tilespmem:s10], [sflag:$0x9], $0x1000, $0x38;
	[tilespmem:$0x9400] =	vst v63  }
0x77: {  	_ =	swait.ge [sflag:s18], $0x1000  }
0x78: {  	s9 =	rddreg [dreg:$0x6]  }
0x79: {  	[sflag:s18] =	ssyncset.done $0x0;
	s4 =	sadd.s32 s6, s9  }
0x7a: {  	[sflag:s18] =	ssyncadd.s32 $0xFFFFF000;
	s10 =	sadd.s32 $0x200, s4  }
0x7b: {  	[hbm4b:s10+s2] =	stream.linear.scatter [tilespmem:s11], [sflag:$0xA], $0x1000, $0x38;
	[tilespmem:$0x9400] =	vst v63  }
0x7c: {  	_ =	swait.ge [sflag:s19], $0x1000  }
0x7d: {  	s11 =	rddreg [dreg:$0x4];
	[sflag:s19] =	ssyncset.done $0x0  }
0x7e: {  	[sflag:s19] =	ssyncadd.s32 $0xFFFFF000;
	s9 =	sadd.s32 s6, s11  }
0x7f: {  	[hbm4b:s9+s2] =	stream.linear.scatter [tilespmem:s12], [sflag:$0xB], $0x1000, $0x38;
	[tilespmem:$0x9400] =	vst v63  }
0x80: {  	_ =	swait.ge [sflag:s20], $0x1000  }
0x81: {  	[sflag:s20] =	ssyncset.done $0x0  }
0x82: {  	s12 =	sadd.s32 $0x600, s4;
	[sflag:s20] =	ssyncadd.s32 $0xFFFFF000  }
0x83: {  	[hbm4b:s12+s2] =	stream.linear.scatter [tilespmem:s13], [sflag:$0xC], $0x1000, $0x38;
	[tilespmem:$0x9400] =	vst v63  }
0x84: {  	_ =	swait.ge [sflag:s21], $0x1000  }
0x85: {  	s13 =	rddreg [dreg:$0x3];
	[sflag:s21] =	ssyncset.done $0x0  }
0x86: {  	[sflag:s21] =	ssyncadd.s32 $0xFFFFF000;
	s9 =	sadd.s32 s6, s13  }
0x87: {  	[hbm4b:s9+s2] =	stream.linear.scatter [tilespmem:s14], [sflag:$0xD], $0x1000, $0x38;
	[tilespmem:$0x9400] =	vst v63  }
0x88: {  	_ =	swait.ge [sflag:s22], $0x1000  }
0x89: {  	[sflag:s22] =	ssyncset.done $0x0  }
0x8a: {  	s14 =	sadd.s32 $0xA00, s4;
	[sflag:s22] =	ssyncadd.s32 $0xFFFFF000  }
0x8b: {  	[hbm4b:s14+s2] =	stream.linear.scatter [tilespmem:s15], [sflag:$0xE], $0x1000, $0x38;
	[tilespmem:$0x9400] =	vst v63  }
0x8c: {  	_ =	swait.ge [sflag:s23], $0x1000  }
0x8d: {  	s15 =	rddreg [dreg:$0x2];
	[sflag:s23] =	ssyncset.done $0x0  }
0x8e: {  	[sflag:s23] =	ssyncadd.s32 $0xFFFFF000;
	s9 =	sadd.s32 s6, s15  }
0x8f: {  	[hbm4b:s9+s2] =	stream.linear.scatter [tilespmem:s16], [sflag:$0xF], $0x1000, $0x38;
	[tilespmem:$0x9400] =	vst v63  }
0x90: {  	_ =	swait.ge [sflag:s24], $0x1000  }
0x91: {  	[sflag:s24] =	ssyncset.done $0x0  }
0x92: {  	s4 =	sadd.s32 $0xE00, s4;
	[sflag:s24] =	ssyncadd.s32 $0xFFFFF000  }
0x93: {  	[hbm4b:s4+s2] =	stream.linear.scatter [tilespmem:s17], [sflag:$0x10], $0x1000, $0x38;
	[tilespmem:$0x9400] =	vst v63  }
0x94: {  	_ =	swait.ge [sflag:s25], $0x1000  }
0x95: {  	[sflag:s25] =	ssyncset.done $0x0  }
0x96: {  	[sflag:s25] =	ssyncadd.s32 $0xFFFFF000  }
0x97: {  	_ =	swait.ge [sflag:s26], $0x1000  }
0x98: {  	[sflag:s26] =	ssyncset.done $0x0  }
0x99: {  	[sflag:s26] =	ssyncadd.s32 $0xFFFFF000  }
0x9a: {  	_ =	swait.ge [sflag:s28], $0x1000  }
0x9b: {  	[sflag:s28] =	ssyncset.done $0x0  }
0x9c: {  	[sflag:s28] =	ssyncadd.s32 $0xFFFFF000  }
0x9d: {  	_ =	swait.ge [sflag:s29], $0x1000  }
0x9e: {  	[sflag:s29] =	ssyncset.done $0x0  }
0x9f: {  	[sflag:s29] =	ssyncadd.s32 $0xFFFFF000  }
0xa0: {  	_ =	swait.ge [sflag:s30], $0x1000  }
0xa1: {  	[sflag:s30] =	ssyncset.done $0x0  }
0xa2: {  	[sflag:s30] =	ssyncadd.s32 $0xFFFFF000  }
0xa3: {  	_ =	swait.ge [sflag:s31], $0x1000  }
0xa4: {  	[sflag:s31] =	ssyncset.done $0x0  }
0xa5: {  	[sflag:s31] =	ssyncadd.s32 $0xFFFFF000  }
.Ltmp0:
0xa6: {  	_ =	swait.ge [sflag:s0], $0x1000;
	(pc) =	sbr.rel @p0 .LBB2_2-.Ltmp0, $4  }
0xa7: {  	[sflag:s0] =	ssyncset.done $0x0  }
0xa8: {  	[sflag:s0] =	ssyncadd.s32 $0xFFFFF000  }
0xa9: {  	_ =	swait.ge [sflag:s1], $0x1000  }
0xaa: {  	s6 =	smov.u32 s5;
	s4 =	smov.u32 s7;
	[sflag:s1] =	ssyncset.done $0x0  }
0xab: {  	s4 =	sshra.s32 s6, $0x2;
	[sflag:s1] =	ssyncadd.s32 $0xFFFFF000;
	s7 =	simm.s32 $0x1400  }
0xac: {  	[tilespmem:s7], [sflag:$0x1] =	stream.indirect.gather [hbm4b:s3+s8], $0x20, s4, s8, $0xb8;
	[tilespmem:$0x9400] =	vst v63  }
0xad: {  	s9 =	simm.s32 $0x2400;
	s5 =	sadd.s32 $0x80, s4  }
0xae: {  	[tilespmem:s9], [sflag:$0x2] =	stream.indirect.gather [hbm4b:s3+s8], $0x20, s5, s8, $0xb8;
	[tilespmem:$0x9400] =	vst v63  }
0xaf: {  	s10 =	simm.s32 $0x3400;
	s11 =	sadd.s32 $0x100, s4  }
0xb0: {  	[tilespmem:s10], [sflag:$0x3] =	stream.indirect.gather [hbm4b:s3+s8], $0x20, s11, s8, $0xb8;
	[tilespmem:$0x9400] =	vst v63  }
0xb1: {  	s12 =	sadd.s32 $0x180, s4;
	s11 =	simm.s32 $0x4400  }
0xb2: {  	[tilespmem:s11], [sflag:$0x4] =	stream.indirect.gather [hbm4b:s3+s8], $0x20, s12, s8, $0xb8;
	[tilespmem:$0x9400] =	vst v63  }
0xb3: {  	s13 =	sadd.s32 $0x200, s4;
	s12 =	simm.s32 $0x5400  }
0xb4: {  	[tilespmem:s12], [sflag:$0x5] =	stream.indirect.gather [hbm4b:s3+s8], $0x20, s13, s8, $0xb8;
	[tilespmem:$0x9400] =	vst v63  }
0xb5: {  	s14 =	sadd.s32 $0x280, s4;
	s13 =	simm.s32 $0x6400  }
0xb6: {  	[tilespmem:s13], [sflag:$0x6] =	stream.indirect.gather [hbm4b:s3+s8], $0x20, s14, s8, $0xb8;
	[tilespmem:$0x9400] =	vst v63  }
0xb7: {  	s15 =	sadd.s32 $0x300, s4;
	s14 =	simm.s32 $0x7400  }
0xb8: {  	[tilespmem:s14], [sflag:$0x7] =	stream.indirect.gather [hbm4b:s3+s8], $0x20, s15, s8, $0xb8;
	[tilespmem:$0x9400] =	vst v63  }
0xb9: {  	s4 =	sadd.s32 $0x380, s4;
	s5 =	simm.s32 $0x1;
	s15 =	simm.s32 $0x8400  }
0xba: {  	[tilespmem:s15], [sflag:$0x8] =	stream.indirect.gather [hbm4b:s3+s8], $0x20, s4, s8, $0xb8;
	[tilespmem:$0x9400] =	vst v63  }
0xbb: {  	_ =	swait.ge [sflag:s5], $0x1000  }
0xbc: {  	s4 =	rddreg [dreg:$0x5];
	[sflag:s5] =	ssyncset.done $0x0  }
0xbd: {  	[sflag:s5] =	ssyncadd.s32 $0xFFFFF000;
	s4 =	sadd.s32 s6, s4  }
0xbe: {  	[hbm4b:s4+s2] =	stream.linear.scatter [tilespmem:s7], [sflag:$0x9], $0x1000, $0x38;
	[tilespmem:$0x9400] =	vst v63  }
0xbf: {  	_ =	swait.ge [sflag:s18], $0x1000  }
0xc0: {  	s5 =	rddreg [dreg:$0x6]  }
0xc1: {  	[sflag:s18] =	ssyncset.done $0x0;
	s4 =	sadd.s32 s6, s5  }
0xc2: {  	[sflag:s18] =	ssyncadd.s32 $0xFFFFF000;
	s7 =	sadd.s32 $0x200, s4  }
0xc3: {  	[hbm4b:s7+s2] =	stream.linear.scatter [tilespmem:s9], [sflag:$0xA], $0x1000, $0x38;
	[tilespmem:$0x9400] =	vst v63  }
0xc4: {  	_ =	swait.ge [sflag:s19], $0x1000  }
0xc5: {  	s9 =	rddreg [dreg:$0x4];
	[sflag:s19] =	ssyncset.done $0x0  }
0xc6: {  	[sflag:s19] =	ssyncadd.s32 $0xFFFFF000;
	s5 =	sadd.s32 s6, s9  }
0xc7: {  	[hbm4b:s5+s2] =	stream.linear.scatter [tilespmem:s10], [sflag:$0xB], $0x1000, $0x38;
	[tilespmem:$0x9400] =	vst v63  }
0xc8: {  	_ =	swait.ge [sflag:s20], $0x1000  }
0xc9: {  	[sflag:s20] =	ssyncset.done $0x0  }
0xca: {  	s10 =	sadd.s32 $0x600, s4;
	[sflag:s20] =	ssyncadd.s32 $0xFFFFF000  }
0xcb: {  	[hbm4b:s10+s2] =	stream.linear.scatter [tilespmem:s11], [sflag:$0xC], $0x1000, $0x38;
	[tilespmem:$0x9400] =	vst v63  }
0xcc: {  	_ =	swait.ge [sflag:s21], $0x1000  }
0xcd: {  	s11 =	rddreg [dreg:$0x3];
	[sflag:s21] =	ssyncset.done $0x0  }
0xce: {  	[sflag:s21] =	ssyncadd.s32 $0xFFFFF000;
	s5 =	sadd.s32 s6, s11  }
0xcf: {  	[hbm4b:s5+s2] =	stream.linear.scatter [tilespmem:s12], [sflag:$0xD], $0x1000, $0x38;
	[tilespmem:$0x9400] =	vst v63  }
0xd0: {  	_ =	swait.ge [sflag:s22], $0x1000  }
0xd1: {  	[sflag:s22] =	ssyncset.done $0x0  }
0xd2: {  	s12 =	sadd.s32 $0xA00, s4;
	[sflag:s22] =	ssyncadd.s32 $0xFFFFF000  }
0xd3: {  	[hbm4b:s12+s2] =	stream.linear.scatter [tilespmem:s13], [sflag:$0xE], $0x1000, $0x38;
	[tilespmem:$0x9400] =	vst v63  }
0xd4: {  	_ =	swait.ge [sflag:s23], $0x1000  }
0xd5: {  	s13 =	rddreg [dreg:$0x2];
	[sflag:s23] =	ssyncset.done $0x0  }
0xd6: {  	s5 =	sadd.s32 s6, s13;
	[sflag:s23] =	ssyncadd.s32 $0xFFFFF000  }
0xd7: {  	[hbm4b:s5+s2] =	stream.linear.scatter [tilespmem:s14], [sflag:$0xF], $0x1000, $0x38;
	[tilespmem:$0x9400] =	vst v63  }
0xd8: {  	_ =	swait.ge [sflag:s24], $0x1000  }
0xd9: {  	[sflag:s24] =	ssyncset.done $0x0  }
0xda: {  	s4 =	sadd.s32 $0xE00, s4;
	[sflag:s24] =	ssyncadd.s32 $0xFFFFF000  }
0xdb: {  	[hbm4b:s4+s2] =	stream.linear.scatter [tilespmem:s15], [sflag:$0x10], $0x1000, $0x38;
	[tilespmem:$0x9400] =	vst v63  }
0xdc: {  	_ =	swait.ge [sflag:s25], $0x1000  }
0xdd: {  	[sflag:s25] =	ssyncset.done $0x0  }
0xde: {  	[sflag:s25] =	ssyncadd.s32 $0xFFFFF000  }
0xdf: {  	_ =	swait.ge [sflag:s26], $0x1000  }
0xe0: {  	[sflag:s26] =	ssyncset.done $0x0  }
0xe1: {  	[sflag:s26] =	ssyncadd.s32 $0xFFFFF000  }
0xe2: {  	_ =	swait.ge [sflag:s28], $0x1000  }
0xe3: {  	[sflag:s28] =	ssyncset.done $0x0  }
0xe4: {  	[sflag:s28] =	ssyncadd.s32 $0xFFFFF000  }
0xe5: {  	_ =	swait.ge [sflag:s29], $0x1000  }
0xe6: {  	[sflag:s29] =	ssyncset.done $0x0  }
0xe7: {  	[sflag:s29] =	ssyncadd.s32 $0xFFFFF000  }
0xe8: {  	_ =	swait.ge [sflag:s30], $0x1000  }
0xe9: {  	[sflag:s30] =	ssyncset.done $0x0  }
0xea: {  	[sflag:s30] =	ssyncadd.s32 $0xFFFFF000  }
0xeb: {  	_ =	swait.ge [sflag:s31], $0x1000  }
0xec: {  	[sflag:s31] =	ssyncset.done $0x0  }
0xed: {  	[sflag:s31] =	ssyncadd.s32 $0xFFFFF000  }
0xee: {  	_ =	swait.ge [sflag:s0], $0x1000  }
0xef: {  	[sflag:s0] =	ssyncset.done $0x0  }
0xf0: {  	[sflag:s0] =	ssyncadd.s32 $0xFFFFF000  }
0xf1: {  	_ =	swait.ge [sflag:s1], $0x1000  }
0xf2: {  	s14 =	rddreg [dreg:$0x9]  }
0xf3: {  	s15 =	rddreg [dreg:$0x8];
	s5 =	sadd.s32 $0x1, s14  }
0xf4: {  	p0 =	sne.s32 s5, s15  }
.Ltmp1:
0xf5: {  	_ = 	snop;
	(pc) =	sbr.rel @p0 .LBB2_1-.Ltmp1, $3  }
0xf6: {  	_ =	sdelay $0x1  }
0xf7: {  	[sflag:s1] =	ssyncset.done $0x0  }
0xf8: {  	[sflag:s1] =	ssyncadd.s32 $0xFFFFF000  }
0xf9: {  	_ =	sfence.sel $0x180000  }
0xfa: {  	[bflag:$0x0] =	sbarrier.arrive $0xFFFF  }
0xfb: {  	_ =	strace $0x90000047  }
0xfc: {  	s0 =	stileid.u32;
	[bflag:$0x2] =	sbarrier.arrive $0xFFFF  }
0xfd: {  	p0 =	sne.s32 s0, $0x0;
	s0 =	rddreg [dreg:$0x1]  }
0xfe: {  	s0 =	sadd.s32 @!p0 $0x100000, s0  }
0xff: {  	[sflag:s0] =	ssyncadd.tile.s32 @!p0 $0x1;
	_ =	shalt  }
.Lfunc_end2:
_tile_overlayer_lowered:
.L_overlay_start_2:
0x100: {  	(tag) =	ssettag $0x2  }
0x101: {  	s0 =	rddreg [dreg:$0x0];
	s2 =	stileid.u32  }
0x102: {  	s1 =	rddreg [dreg:$0x1];
	p0 =	sne.s32 s2, $0x0  }
0x103: {  	s3 =	rddreg [dreg:$0x2];
	[bflag:$0x3] =	sbarrier.arrive $0xFFFF;
	s2 =	simm.s32 @!p0 $0x1C11  }
0x104: {  	[timem:s3], [sflag:s2] =	dma.local @!p0 [hbm:s0], s1  }
0x105: {  	s0 =	simm.s32 @!p0 $0x11  }
0x106: {  	_ =	swait.ge @!p0 [sflag:s0], s1  }
0x107: {  	s1 =	ssub.s32 @!p0 $0x0, s1;
	[sflag:s0] =	ssyncset.done @!p0 $0x0  }
0x108: {  	[sflag:s0] =	ssyncadd.s32 @!p0 s1  }
0x109: {  	[bflag:$0x3] =	sbarrier.arrive $0xFFFF  }
0x10a: {  	_ =	shalt  }

// kernel: kernel.15.cloned.1.call-start
scs
__scs_entry_jumppad:
0x0: {  	(pc) =	sbr.rel $0x88, $3  }
0x1: {  	(tag) =	ssettag $0x0;
	lr =	simm.s32 $0x1  }
0x2: {  	[smem:$0x3F90] =	sst lr;
	_ =	strace $0xD0000000  }
0x3: {  	_ = 	snop  }
0x4: {  	_ = 	snop  }
0x5: {  	_ = 	snop  }
0x6: {  	_ = 	snop  }
0x7: {  	_ = 	snop  }
__scs_overlays_trampoline_lowered:
0x8: {  	[smem:$0x3F9F] =	sst s0  }
0x9: {  	[smem:$0x3FA0] =	sst s1  }
0xa: {  	[smem:$0x3FA1] =	sst s2  }
0xb: {  	[smem:$0x3FA2] =	sst s3  }
0xc: {  	[smem:$0x3FA3] =	sst s4  }
0xd: {  	[smem:$0x3FA4] =	sst s5  }
0xe: {  	[smem:$0x3FA5] =	sst s6  }
0xf: {  	[smem:$0x3FA6] =	sst s7  }
0x10: {  	[smem:$0x3FA7] =	sst s8  }
0x11: {  	[smem:$0x3FA8] =	sst s9;
	s0 =	simm.s32 @!p0 $0x0  }
0x12: {  	s1 =	sld [smem:$0x3F8E];
	s0 =	simm.s32 @p0 $0x1  }
0x13: {  	[smem:$0x3FA9] =	sst s0;
	s0 =	simm.s32 @!p1 $0x0  }
0x14: {  	s2 =	sld [smem:$0x3F8D];
	s0 =	simm.s32 @p1 $0x1  }
0x15: {  	[smem:$0x3FAA] =	sst s0;
	s0 =	simm.s32 @!p2 $0x0  }
0x16: {  	s3 =	sld [smem:$0x3FDB];
	s0 =	simm.s32 @p2 $0x1  }
0x17: {  	s4 =	simm.s32 $0x1BF5;
	[smem:$0x3FAC] =	sst s0  }
0x18: {  	s0 =	sld [smem:$0x3F8F];
	_ =	swait.ge [sflag:s4], $0x0  }
0x19: {  	s7 =	sld [smem:$0x3F90]  }
0x1a: {  	s8 =	sadd.s32 $0xFFFFE003, lr  }
0x1b: {  	s9 =	sadd.s32 $0xFFFFFEF7, lr;
	s5 =	simm.s32 $0xFFFFFFFF;
	p2 =	slt.u32 s8, $0xFFFFF086  }
0x1c: {  	p1 =	slt.u32 s9, $0xF7A;
	s5 =	simm.s32 @!p2 $0x0  }
0x1d: {  	s5 =	simm.s32 @p1 $0x1;
	p0 =	seq.s32 s7, s2  }
0x1e: {  	s7 =	smul.u32 @!p0 $0xF7A, s2;
	p2 =	seq.s32 @!p0 s5, $0x0  }
0x1f: {  	s9 =	smul.u32 $0xF7A, s1;
	s8 =	simm.s32 @!p0 $0x1BF5;
	p2 =	por !p2, p0  }
0x20: {  	[sflag:s8] =	ssyncset.s32 @!p0 $0xFFFFF086;
	s6 =	sadd.s32 @!p0 s3, s7;
	s7 =	simm.s32 @!p0 $0x108  }
0x21: {  	s3 =	sadd.s32 s3, s9;
	s6 =	sadd.s32 @!p0 $0x88, s6;
	s7 =	simm.s32 @p2 $0x1082  }
0x22: {  	[simem:s7], [sflag:s8] =	dma.local @!p0 [hbm:s6], $0xF7A  }
0x23: {  	s9 =	sor.u32 $0xD0000000, s2;
	s6 =	simm.s32 $0x108;
	_ =	swait.ge @!p0 [sflag:s8], $0x0  }
0x24: {  	s3 =	sadd.s32 $0x88, s3;
	s6 =	simm.s32 @!p1 $0x1082;
	[sflag:s4] =	ssyncset.s32 $0xFFFFF086  }
0x25: {  	[simem:s6], [sflag:s4] =	dma.local [hbm:s3], $0xF7A  }
0x26: {  	[smem:$0x3F90] =	sst s1;
	(tag) =	ssettag s2;
	_ =	strace s9  }
0x27: {  	s1 =	sld [smem:$0x3FA0]  }
0x28: {  	s2 =	sld [smem:$0x3FA1]  }
0x29: {  	s4 =	sld [smem:$0x3FA3]  }
0x2a: {  	p0 =	seq.s32 s5, $0x0;
	s5 =	sld [smem:$0x3FA4]  }
0x2b: {  	s6 =	sld [smem:$0x3FA5]  }
0x2c: {  	s7 =	sld [smem:$0x3FA6]  }
0x2d: {  	s3 =	simm.s32 $0x108;
	s8 =	sld [smem:$0x3FA7]  }
0x2e: {  	s3 =	simm.s32 @!p0 $0x1082;
	s9 =	sld [smem:$0x3FA8]  }
0x2f: {  	lr =	sadd.s32 s0, s3;
	s0 =	sld [smem:$0x3F9F]  }
0x30: {  	s3 =	sld [smem:$0x3FA2]  }
0x31: {  	[smem:$0x3FAB] =	sst s10  }
0x32: {  	s10 =	sld [smem:$0x3FA9];
	_ =	sdelay $0x3  }
0x33: {  	p0 =	seq.s32 s10, $0x1;
	s10 =	sld [smem:$0x3FAB];
	_ =	sdelay $0x3  }
0x34: {  	[smem:$0x3FAB] =	sst s10  }
0x35: {  	s10 =	sld [smem:$0x3FAA];
	_ =	sdelay $0x3  }
0x36: {  	p1 =	seq.s32 s10, $0x1;
	s10 =	sld [smem:$0x3FAB];
	_ =	sdelay $0x3  }
0x37: {  	[smem:$0x3FAB] =	sst s10  }
0x38: {  	s10 =	sld [smem:$0x3FAC]  }
0x39: {  	_ = 	snop;
	(pc) =	sbr.ind lr, $3  }
0x3a: {  	_ = 	snop  }
0x3b: {  	_ = 	snop  }
0x3c: {  	p2 =	seq.s32 s10, $0x1;
	s10 =	sld [smem:$0x3FAB]  }
0x3d: {  	_ =	shalt  }
0x3e: {  	_ =	shalt  }
0x3f: {  	_ =	shalt  }
0x40: {  	_ =	shalt  }
0x41: {  	_ =	shalt  }
0x42: {  	_ =	shalt  }
0x43: {  	_ =	shalt  }
0x44: {  	_ =	shalt  }
0x45: {  	_ =	shalt  }
0x46: {  	_ =	shalt  }
0x47: {  	_ =	shalt  }
0x48: {  	_ =	shalt  }
0x49: {  	_ =	shalt  }
0x4a: {  	_ =	shalt  }
0x4b: {  	_ =	shalt  }
0x4c: {  	_ =	shalt  }
0x4d: {  	_ =	shalt  }
0x4e: {  	_ =	shalt  }
0x4f: {  	_ =	shalt  }
0x50: {  	_ =	shalt  }
0x51: {  	_ =	shalt  }
0x52: {  	_ =	shalt  }
0x53: {  	_ =	shalt  }
0x54: {  	_ =	shalt  }
0x55: {  	_ =	shalt  }
0x56: {  	_ =	shalt  }
0x57: {  	_ =	shalt  }
0x58: {  	_ =	shalt  }
0x59: {  	_ =	shalt  }
0x5a: {  	_ =	shalt  }
0x5b: {  	_ =	shalt  }
0x5c: {  	_ =	shalt  }
0x5d: {  	_ =	shalt  }
0x5e: {  	_ =	shalt  }
0x5f: {  	_ =	shalt  }
0x60: {  	_ =	shalt  }
0x61: {  	_ =	shalt  }
0x62: {  	_ =	shalt  }
0x63: {  	_ =	shalt  }
0x64: {  	_ =	shalt  }
0x65: {  	_ =	shalt  }
0x66: {  	_ =	shalt  }
0x67: {  	_ =	shalt  }
0x68: {  	_ =	shalt  }
0x69: {  	_ =	shalt  }
0x6a: {  	_ =	shalt  }
0x6b: {  	_ =	shalt  }
0x6c: {  	_ =	shalt  }
0x6d: {  	_ =	shalt  }
0x6e: {  	_ =	shalt  }
0x6f: {  	_ =	shalt  }
0x70: {  	_ =	shalt  }
0x71: {  	_ =	shalt  }
0x72: {  	_ =	shalt  }
0x73: {  	_ =	shalt  }
0x74: {  	_ =	shalt  }
0x75: {  	_ =	shalt  }
0x76: {  	_ =	shalt  }
0x77: {  	_ =	shalt  }
0x78: {  	_ =	shalt  }
0x79: {  	_ =	shalt  }
0x7a: {  	_ =	shalt  }
0x7b: {  	_ =	shalt  }
0x7c: {  	_ =	shalt  }
0x7d: {  	_ =	shalt  }
0x7e: {  	_ =	shalt  }
0x7f: {  	_ =	shalt  }
0x80: {  	_ =	shalt  }
0x81: {  	_ =	shalt  }
0x82: {  	_ =	shalt  }
0x83: {  	_ =	shalt  }
0x84: {  	_ =	shalt  }
0x85: {  	_ =	shalt  }
0x86: {  	_ =	shalt  }
0x87: {  	_ =	shalt  }
.Lfunc_end0:
.L_simem_size_0:
called_computation.1_lowered:
.L_overlay_start_0:
0x88: {  	s2 =	sld [smem:$0x3FD9]  }
0x89: {  	s3 =	sld [smem:$0x3FFE];
	_ =	sdelay $0x1  }
0x8a: {  	s1 =	srdreg.scid  }
0x8b: {  	s0 =	sand.u32 $0x1, s1  }
0x8c: {  	s17 =	sshll.u32 s0, $0xA;
	s2 =	sadd.s32 s3, s2  }
0x8d: {  	s2 =	sadd.s32 s2, s17  }
0x8e: {  	[smem:$0x3FB7] =	sst s2  }
0x8f: {  	_ = 	snop  }
0x90: {  	s2 =	sld [smem:$0x3FD0];
	(tm) =	ssettm $0x1  }
0x91: {  	s18 =	sld [smem:$0x3FFB];
	_ =	sdelay $0x3  }
0x92: {  	_ =	strace s18  }
0x93: {  	s3 =	sld [smem:$0x3FFC];
	_ =	sdelay $0x3  }
0x94: {  	_ =	strace s3  }
0x95: {  	s3 =	sld [smem:$0x3FFD];
	_ =	sdelay $0x3  }
0x96: {  	_ =	strace s3  }
0x97: {  	_ =	strace $0x8FFFFFFF  }
0x98: {  	s19 =	sld [smem:$0x3FDB];
	_ =	sdelay $0x1  }
0x99: {  	s4 =	simm.s32 $_scs_section_size  }
0x9a: {  	s5 =	simm.s32 $_size__tile_overlayer_lowered;
	s6 =	simm.s32 $_tile_overlayer_lowered  }
0x9b: {  	s22 =	simm.s32 $0x1BFF;
	s21 =	sshll.u32 s6, $0x1;
	s3 =	sadd.s32 s4, s19  }
0x9c: {  	s7 =	simm.s32 $0x0;
	s20 =	sshll.u32 s5, $0x1;
	s5 =	sadd.s32 s21, s3  }
0x9d: {  	[timem:s7], [sflag:s22] =	dma.local [hbm:s5], s20  }
0x9e: {  	_ =	swait.ge [sflag:s22], s20  }
0x9f: {  	s4 =	ssub.s32 $0x0, s20;
	[sflag:s22] =	ssyncset.done $0x0  }
0xa0: {  	[sflag:s22] =	ssyncadd.s32 s4;
	_ =	sdelay $0x1  }
0xa1: {  	s23 =	simm.s32 $0x1B8B  }
0xa2: {  	_ =	swait.ge [sflag:s23], $0x1  }
0xa3: {  	[sflag:s23] =	ssyncset.done $0x0  }
0xa4: {  	s25 =	simm.s32 $0x1B8E;
	s24 =	sld [smem:$0x3FFE];
	[sflag:s23] =	ssyncadd.s32 $0xFFFFFFFF  }
0xa5: {  	s26 =	simm.s32 $execute0_lowered;
	[smem:$0x3FD2] =	sst s25  }
0xa6: {  	s5 =	sshll.u32 s26, $0x1;
	_ =	strace $0x80000049;
	[dreg:$0x1] =	wrdreg $0xFFFFFFFF  }
0xa7: {  	s28 =	simm.s32 $_size_execute0_lowered;
	s3 =	sadd.s32 s3, s5;
	[dreg:$0x0] =	wrdreg $0x0  }
0xa8: {  	s5 =	sshll.u32 s28, $0x1;
	[dreg:$0x2] =	wrdreg s3  }
0xa9: {  	[dreg:$0x3] =	wrdreg s5  }
0xaa: {  	[dreg:$0x4] =	wrdreg $0xC0  }
0xab: {  	_ =	task [dreg:s7], $0x5FFFF  }
0xac: {  	[dreg:$0x1] =	wrdreg $0xFFFFFFFF  }
0xad: {  	[dreg:$0x0] =	wrdreg $0x60  }
0xae: {  	[dreg:$0x2] =	wrdreg s24  }
0xaf: {  	[dreg:$0x3] =	wrdreg s2  }
0xb0: {  	[dreg:$0x4] =	wrdreg $0x0  }
0xb1: {  	[dreg:$0x5] =	wrdreg $0x130800  }
0xb2: {  	[dreg:$0x6] =	wrdreg $0x9  }
0xb3: {  	_ =	task.clear_ibuf [dreg:s7], $0x7FFFF;
	_ =	strace $0x90000049  }
0xb4: {  	s29 =	simm.s32 $0x9;
	_ =	strace $0x8000004B  }
0xb5: {  	_ =	swait.ge [sflag:s29], $0x1  }
0xb6: {  	[sflag:s29] =	ssyncadd.s32 $0xFFFFFFFF  }
0xb7: {  	_ =	strace $0x9000004B  }
0xb8: {  	_ =	sfence  }
0xb9: {  	s30 =	sld [smem:$0x0];
	_ =	sdelay $0x2  }
0xba: {  	s31 =	sshll.u32 s1, $0xD;
	s1 =	sshrl.u32 s1, $0x2  }
0xbb: {  	s3 =	sand.u32 $0x4000, s31;
	s1 =	sadd.s32 s1, s30  }
0xbc: {  	s0 =	sor.u32 s3, s0;
	s1 =	sshll.u32 s1, $0x11  }
0xbd: {  	s0 =	sor.u32 s1, s0  }
0xbe: {  	s0 =	sadd.s32 $0x8F2B, s0  }
0xbf: {  	[sflag:s0] =	ssyncadd.remote.s32 $0x1  }
0xc0: {  	_ =	sfence.sel $0xFFFF  }
0xc1: {  	[dreg:$0x0] =	wrdreg $0xFFFFFFFF;
	(pc) =	sbr.abs _section_cstart, $3  }
0xc2: {  	[dreg:$0x1] =	wrdreg $0xFFFFFFFF  }
0xc3: {  	_ =	task.clear_ibuf [dreg:s7], $0x2FFFF;
	_ =	strace $0x9FFFFFFF  }
0xc4: {  	(tm) =	ssettm $0x7FFFFFFF  }
0xc5: {  	_ =	shalt  }
tec
execute0_lowered:
.L_overlay_start_1:
0x0: {  	(tag) =	ssettag $0x1  }
0x1: {  	s0 =	srdreg.scid  }
0x2: {  	s18 =	stileid.u32;
	s1 =	rddreg [dreg:$0x0]  }
0x3: {  	s3 =	rddreg [dreg:$0x2];
	s6 =	smul.u32 $0x4E40, s18  }
0x4: {  	s4 =	rddreg [dreg:$0x3];
	s8 =	smul.u32 $0x2720, s18  }
0x5: {  	s5 =	simm.s32 $0x0;
	s28 =	simm.s32 $0xD240;
	s7 =	smul.u32 $0x272, s18  }
0x6: {  	s29 =	simm.s32 $0x1;
	s30 =	simm.s32 $0x80;
	s14 =	smul.u32 $0x50, s18  }
0x7: {  	s31 =	simm.s32 $0x2;
	s0 =	sand.u32 $0x1, s0;
	s23 =	smul.u32 $0xA000, s18  }
0x8: {  	s2 =	sshll.u32 s18, $0x1;
	[smem:$0x7FF] =	sst s5;
	s10 =	smul.u32 $0x2720, s0  }
0x9: {  	s9 =	sadd.s32 $0x3A400, s1;
	s2 =	sor.u32 s0, s2;
	s16 =	smul.u32 $0x28, s0  }
0xa: {  	_ =	strace $0x8000004A;
	s13 =	ssub.s32 $0x2, s0;
	s0 =	smul.u32 $0x5000, s0  }
0xb: {  	s2 =	smul.u32 $0x280, s2;
	s11 =	sshrl.u32 s6, $0x3;
	s12 =	sshrl.u32 s8, $0x3  }
0xc: {  	s15 =	sshrl.u32 s13, $0x1;
	s11 =	sadd.s32 s11, s1;
	s12 =	sadd.s32 s12, s1  }
0xd: {  	s7 =	sadd.s32 s7, s10;
	s13 =	ssub.s32 s13, s15;
	s16 =	sadd.s32 s16, s14  }
0xe: {  	s14 =	simm.s32 $0x15FA0;
	s2 =	sadd.s32 s2, s1;
	s10 =	sshll.u32 s7, $0x2  }
0xf: {  	s7 =	sshll.u32 s7, $0x1;
	s15 =	sadd.s32 $0x2B600, s11;
	s19 =	sadd.s32 $0xDF400, s12  }
0x10: {  	s20 =	sshll.u32 s16, $0x9;
	s11 =	sadd.s32 s8, s4;
	s26 =	smax.u32 s13, $0x1  }
0x11: {  	s13 =	simm.s32 $0xE240;
	s16 =	simm.s32 $0x9;
	s8 =	simm.s32 $0x8  }
0x12: {  	s17 =	sadd.s32 s10, s1;
	s1 =	sadd.s32 s7, s1;
	[dreg:$0x9] =	wrdreg s15  }
0x13: {  	s10 =	sadd.s32 s6, s3;
	s2 =	sadd.s32 $0xDA400, s2;
	[dreg:$0xb] =	wrdreg s19  }
0x14: {  	s12 =	sadd.s32 s20, s9;
	[dreg:$0xe] =	wrdreg s26;
	s19 =	simm.s32 $0x157A0  }
0x15: {  	s20 =	simm.s32 $0x6240;
	[dreg:$0xa] =	wrdreg s2;
	s21 =	sadd.s32 $0xE4400, s17  }
0x16: {  	s26 =	simm.s32 $0xC240;
	s1 =	sadd.s32 $0xF7E00, s1;
	[dreg:$0xc] =	wrdreg s21  }
0x17: {  	s6 =	simm.s32 $0x7;
	s22 =	sadd.s32 $0xC00, s12;
	[dreg:$0xd] =	wrdreg s1  }
0x18: {  	s24 =	sadd.s32 $0x800, s12;
	s25 =	sadd.s32 $0x400, s12;
	[dreg:$0x5] =	wrdreg s22  }
0x19: {  	s2 =	sadd.s32 s23, s9;
	s23 =	simm.s32 $0x9240;
	[dreg:$0x6] =	wrdreg s24  }
0x1a: {  	s17 =	simm.s32 $0x6;
	s9 =	simm.s32 $0x0;
	[dreg:$0x7] =	wrdreg s25  }
0x1b: {  	s0 =	sadd.s32 s0, s2;
	s21 =	simm.s32 $0x7240;
	s22 =	simm.s32 $0x8240  }
0x1c: {  	s24 =	simm.s32 $0xA240;
	s25 =	simm.s32 $0xB240;
	s1 =	simm.s32 $0x3  }
0x1d: {  	s2 =	simm.s32 $0x5;
	[dreg:$0x8] =	wrdreg s0;
	s0 =	simm.s32 $0x4  }
.LBB2_1:
0x1e: {  	s7 =	rddreg [dreg:$0x9]  }
0x1f: {  	[tilespmem:s13], [sflag:$0x9] =	stream.linear.gather [hbm4b:s7+s5], $0x4E40, $0x38;
	[tilespmem:$0x186C0] =	vst v63  }
0x20: {  	_ =	swait.ge [sflag:s16], $0x4E40  }
0x21: {  	[sflag:s16] =	ssyncset.done $0x0  }
0x22: {  	[sflag:s16] =	ssyncadd.s32 $0xFFFFB1C0  }
0x23: {  	[spmem:s10] =	stream.linear.scatter [tilespmem:s13], [sflag:$0x9], $0x4E40, $0x38;
	[tilespmem:$0x186C0] =	vst v63  }
0x24: {  	_ =	swait.ge [sflag:s16], $0x4E40  }
0x25: {  	[sflag:s16] =	ssyncset.done $0x0  }
0x26: {  	s18 =	simm.s32 $0x4E40;
	s13 =	rddreg [dreg:$0xa];
	[sflag:s16] =	ssyncadd.s32 $0xFFFFB1C0  }
0x27: {  	[tilespmem:s18], [sflag:$0x9] =	stream.linear.gather [hbm4b:s13+s5], $0x1400, $0x38;
	[tilespmem:$0x186C0] =	vst v63  }
0x28: {  	_ =	swait.ge [sflag:s16], $0x1400  }
0x29: {  	[sflag:s16] =	ssyncset.done $0x0  }
0x2a: {  	s15 =	smov.u32 s10;
	s10 =	rddreg [dreg:$0xb];
	[sflag:s16] =	ssyncadd.s32 $0xFFFFEC00  }
0x2b: {  	[tilespmem:s14], [sflag:$0x9] =	stream.linear.gather [hbm4b:s10+s5], $0x2720, $0x38;
	[tilespmem:$0x186C0] =	vst v63  }
0x2c: {  	_ =	swait.ge [sflag:s16], $0x2720  }
0x2d: {  	[sflag:s16] =	ssyncset.done $0x0  }
0x2e: {  	[sflag:s16] =	ssyncadd.s32 $0xFFFFD8E0  }
0x2f: {  	[spmem:s11] =	stream.linear.scatter [tilespmem:s14], [sflag:$0x9], $0x2720, $0x38;
	[tilespmem:$0x186C0] =	vst v63  }
0x30: {  	_ =	swait.ge [sflag:s16], $0x2720  }
0x31: {  	[sflag:s16] =	ssyncset.done $0x0  }
0x32: {  	[sflag:s16] =	ssyncadd.s32 $0xFFFFD8E0  }
0x33: {  	s13 =	rddreg [dreg:$0x1]  }
0x34: {  	[tilespmem:s19], [sflag:$0x9] =	stream.linear.gather [hbm4b:s13+s5], $0x800, $0x38;
	[tilespmem:$0x186C0] =	vst v63  }
0x35: {  	_ =	swait.ge [sflag:s16], $0x800  }
0x36: {  	[sflag:s16] =	ssyncset.done $0x0  }
0x37: {  	[sflag:s16] =	ssyncadd.s32 $0xFFFFF800  }
0x38: {  	[bflag:$0x0] =	sbarrier.arrive $0xFFFF  }
0x39: {  	s14 =	rddreg [dreg:$0x8]  }
0x3a: {  	s18 =	smov.u32 s11;
	s11 =	sadd.s32 $0x0, s14;
	s14 =	sadd.s32 $0x0, s12  }
0x3b: {  	[tilespmem:s20], [sflag:$0x1] =	stream.linear.gather [hbm4b:s11+s5], $0x1000, $0x38;
	[tilespmem:$0x186C0] =	vst v63  }
0x3c: {  	s7 =	rddreg [dreg:$0x7];
	s10 =	sadd.s32 $0x200, s14  }
0x3d: {  	[tilespmem:s21], [sflag:$0x2] =	stream.linear.gather [hbm4b:s10+s5], $0x1000, $0x38;
	[tilespmem:$0x186C0] =	vst v63  }
0x3e: {  	s13 =	sadd.s32 $0x0, s7  }
0x3f: {  	[tilespmem:s22], [sflag:$0x3] =	stream.linear.gather [hbm4b:s13+s5], $0x1000, $0x38;
	[tilespmem:$0x186C0] =	vst v63  }
0x40: {  	s7 =	rddreg [dreg:$0x6];
	s10 =	sadd.s32 $0x600, s14  }
0x41: {  	[tilespmem:s23], [sflag:$0x4] =	stream.linear.gather [hbm4b:s10+s5], $0x1000, $0x38;
	[tilespmem:$0x186C0] =	vst v63  }
0x42: {  	s13 =	sadd.s32 $0x0, s7  }
0x43: {  	[tilespmem:s24], [sflag:$0x5] =	stream.linear.gather [hbm4b:s13+s5], $0x1000, $0x38;
	[tilespmem:$0x186C0] =	vst v63  }
0x44: {  	s7 =	rddreg [dreg:$0x5];
	s10 =	sadd.s32 $0xA00, s14  }
0x45: {  	[tilespmem:s25], [sflag:$0x6] =	stream.linear.gather [hbm4b:s10+s5], $0x1000, $0x38;
	[tilespmem:$0x186C0] =	vst v63  }
0x46: {  	s13 =	sadd.s32 $0x0, s7  }
0x47: {  	[tilespmem:s26], [sflag:$0x7] =	stream.linear.gather [hbm4b:s13+s5], $0x1000, $0x38;
	[tilespmem:$0x186C0] =	vst v63  }
0x48: {  	s14 =	sadd.s32 $0xE00, s14  }
0x49: {  	[tilespmem:s28], [sflag:$0x8] =	stream.linear.gather [hbm4b:s14+s5], $0x1000, $0x38;
	[tilespmem:$0x186C0] =	vst v63  }
0x4a: {  	_ =	swait.ge [sflag:s29], $0x1000  }
0x4b: {  	[sflag:s29] =	ssyncset.done $0x0  }
0x4c: {  	s7 =	simm.s32 $0x4E40;
	[sflag:s29] =	ssyncadd.s32 $0xFFFFF000  }
0x4d: {  	[spmem:s3] =	stream.indirect.scatter.add.f32 [tilespmem:s20], [sflag:$0x9], $0x20, s7, s30, $0xb8;
	[tilespmem:$0x186C0] =	vst v63  }
0x4e: {  	_ =	swait.ge [sflag:s16], $0x1000  }
0x4f: {  	[sflag:s16] =	ssyncset.done $0x0  }
0x50: {  	[sflag:s16] =	ssyncadd.s32 $0xFFFFF000  }
0x51: {  	[spmem:s4] =	stream.indirect.scatter.add.f32 [tilespmem:s19], [sflag:$0x9], $0x10, s7, s30, $0xb8;
	[tilespmem:$0x186C0] =	vst v63  }
0x52: {  	_ =	swait.ge [sflag:s16], $0x800  }
0x53: {  	[sflag:s16] =	ssyncset.done $0x0  }
0x54: {  	[sflag:s16] =	ssyncadd.s32 $0xFFFFF800  }
0x55: {  	_ =	swait.ge [sflag:s31], $0x1000  }
0x56: {  	[sflag:s31] =	ssyncset.done $0x0  }
0x57: {  	s10 =	simm.s32 $0x4EC0;
	[sflag:s31] =	ssyncadd.s32 $0xFFFFF000  }
0x58: {  	[spmem:s3] =	stream.indirect.scatter.add.f32 [tilespmem:s21], [sflag:$0x9], $0x20, s10, s30, $0xb8;
	[tilespmem:$0x186C0] =	vst v63  }
0x59: {  	_ =	swait.ge [sflag:s16], $0x1000  }
0x5a: {  	[sflag:s16] =	ssyncset.done $0x0  }
0x5b: {  	[sflag:s16] =	ssyncadd.s32 $0xFFFFF000  }
0x5c: {  	[spmem:s4] =	stream.indirect.scatter.add.f32 [tilespmem:s19], [sflag:$0x9], $0x10, s10, s30, $0xb8;
	[tilespmem:$0x186C0] =	vst v63  }
0x5d: {  	_ =	swait.ge [sflag:s16], $0x800  }
0x5e: {  	[sflag:s16] =	ssyncset.done $0x0  }
0x5f: {  	[sflag:s16] =	ssyncadd.s32 $0xFFFFF800  }
0x60: {  	_ =	swait.ge [sflag:s1], $0x1000  }
0x61: {  	[sflag:s1] =	ssyncset.done $0x0  }
0x62: {  	s13 =	simm.s32 $0x4F40;
	[sflag:s1] =	ssyncadd.s32 $0xFFFFF000  }
0x63: {  	[spmem:s3] =	stream.indirect.scatter.add.f32 [tilespmem:s22], [sflag:$0x9], $0x20, s13, s30, $0xb8;
	[tilespmem:$0x186C0] =	vst v63  }
0x64: {  	_ =	swait.ge [sflag:s16], $0x1000  }
0x65: {  	[sflag:s16] =	ssyncset.done $0x0  }
0x66: {  	[sflag:s16] =	ssyncadd.s32 $0xFFFFF000  }
0x67: {  	[spmem:s4] =	stream.indirect.scatter.add.f32 [tilespmem:s19], [sflag:$0x9], $0x10, s13, s30, $0xb8;
	[tilespmem:$0x186C0] =	vst v63  }
0x68: {  	_ =	swait.ge [sflag:s16], $0x800  }
0x69: {  	[sflag:s16] =	ssyncset.done $0x0  }
0x6a: {  	[sflag:s16] =	ssyncadd.s32 $0xFFFFF800  }
0x6b: {  	_ =	swait.ge [sflag:s0], $0x1000  }
0x6c: {  	[sflag:s0] =	ssyncset.done $0x0  }
0x6d: {  	s14 =	simm.s32 $0x4FC0;
	[sflag:s0] =	ssyncadd.s32 $0xFFFFF000  }
0x6e: {  	[spmem:s3] =	stream.indirect.scatter.add.f32 [tilespmem:s23], [sflag:$0x9], $0x20, s14, s30, $0xb8;
	[tilespmem:$0x186C0] =	vst v63  }
0x6f: {  	_ =	swait.ge [sflag:s16], $0x1000  }
0x70: {  	[sflag:s16] =	ssyncset.done $0x0  }
0x71: {  	[sflag:s16] =	ssyncadd.s32 $0xFFFFF000  }
0x72: {  	[spmem:s4] =	stream.indirect.scatter.add.f32 [tilespmem:s19], [sflag:$0x9], $0x10, s14, s30, $0xb8;
	[tilespmem:$0x186C0] =	vst v63  }
0x73: {  	_ =	swait.ge [sflag:s16], $0x800  }
0x74: {  	[sflag:s16] =	ssyncset.done $0x0  }
0x75: {  	[sflag:s16] =	ssyncadd.s32 $0xFFFFF800  }
0x76: {  	_ =	swait.ge [sflag:s2], $0x1000  }
0x77: {  	[sflag:s2] =	ssyncset.done $0x0  }
0x78: {  	s7 =	simm.s32 $0x5040;
	[sflag:s2] =	ssyncadd.s32 $0xFFFFF000  }
0x79: {  	[spmem:s3] =	stream.indirect.scatter.add.f32 [tilespmem:s24], [sflag:$0x9], $0x20, s7, s30, $0xb8;
	[tilespmem:$0x186C0] =	vst v63  }
0x7a: {  	_ =	swait.ge [sflag:s16], $0x1000  }
0x7b: {  	[sflag:s16] =	ssyncset.done $0x0  }
0x7c: {  	[sflag:s16] =	ssyncadd.s32 $0xFFFFF000  }
0x7d: {  	[spmem:s4] =	stream.indirect.scatter.add.f32 [tilespmem:s19], [sflag:$0x9], $0x10, s7, s30, $0xb8;
	[tilespmem:$0x186C0] =	vst v63  }
0x7e: {  	_ =	swait.ge [sflag:s16], $0x800  }
0x7f: {  	[sflag:s16] =	ssyncset.done $0x0  }
0x80: {  	[sflag:s16] =	ssyncadd.s32 $0xFFFFF800  }
0x81: {  	_ =	swait.ge [sflag:s17], $0x1000  }
0x82: {  	[sflag:s17] =	ssyncset.done $0x0  }
0x83: {  	s10 =	simm.s32 $0x50C0;
	[sflag:s17] =	ssyncadd.s32 $0xFFFFF000  }
0x84: {  	[spmem:s3] =	stream.indirect.scatter.add.f32 [tilespmem:s25], [sflag:$0x9], $0x20, s10, s30, $0xb8;
	[tilespmem:$0x186C0] =	vst v63  }
0x85: {  	_ =	swait.ge [sflag:s16], $0x1000  }
0x86: {  	[sflag:s16] =	ssyncset.done $0x0  }
0x87: {  	[sflag:s16] =	ssyncadd.s32 $0xFFFFF000  }
0x88: {  	[spmem:s4] =	stream.indirect.scatter.add.f32 [tilespmem:s19], [sflag:$0x9], $0x10, s10, s30, $0xb8;
	[tilespmem:$0x186C0] =	vst v63  }
0x89: {  	_ =	swait.ge [sflag:s16], $0x800  }
0x8a: {  	[sflag:s16] =	ssyncset.done $0x0  }
0x8b: {  	[sflag:s16] =	ssyncadd.s32 $0xFFFFF800  }
0x8c: {  	_ =	swait.ge [sflag:s6], $0x1000  }
0x8d: {  	[sflag:s6] =	ssyncset.done $0x0  }
0x8e: {  	s13 =	simm.s32 $0x5140;
	[sflag:s6] =	ssyncadd.s32 $0xFFFFF000  }
0x8f: {  	[spmem:s3] =	stream.indirect.scatter.add.f32 [tilespmem:s26], [sflag:$0x9], $0x20, s13, s30, $0xb8;
	[tilespmem:$0x186C0] =	vst v63  }
0x90: {  	_ =	swait.ge [sflag:s16], $0x1000  }
0x91: {  	[sflag:s16] =	ssyncset.done $0x0  }
0x92: {  	[sflag:s16] =	ssyncadd.s32 $0xFFFFF000  }
0x93: {  	[spmem:s4] =	stream.indirect.scatter.add.f32 [tilespmem:s19], [sflag:$0x9], $0x10, s13, s30, $0xb8;
	[tilespmem:$0x186C0] =	vst v63  }
0x94: {  	_ =	swait.ge [sflag:s16], $0x800  }
0x95: {  	[sflag:s16] =	ssyncset.done $0x0  }
0x96: {  	[sflag:s16] =	ssyncadd.s32 $0xFFFFF800  }
0x97: {  	_ =	swait.ge [sflag:s8], $0x1000  }
0x98: {  	[sflag:s8] =	ssyncset.done $0x0  }
0x99: {  	s14 =	simm.s32 $0x51C0;
	[sflag:s8] =	ssyncadd.s32 $0xFFFFF000  }
0x9a: {  	[spmem:s3] =	stream.indirect.scatter.add.f32 [tilespmem:s28], [sflag:$0x9], $0x20, s14, s30, $0xb8;
	[tilespmem:$0x186C0] =	vst v63  }
0x9b: {  	_ =	swait.ge [sflag:s16], $0x1000  }
0x9c: {  	[sflag:s16] =	ssyncset.done $0x0  }
0x9d: {  	[sflag:s16] =	ssyncadd.s32 $0xFFFFF000  }
0x9e: {  	[spmem:s4] =	stream.indirect.scatter.add.f32 [tilespmem:s19], [sflag:$0x9], $0x10, s14, s30, $0xb8;
	[tilespmem:$0x186C0] =	vst v63  }
0x9f: {  	s11 =	simm.s32 $0x1000;
	_ =	swait.ge [sflag:s16], $0x800  }
.LBB2_2:
0xa0: {  	s13 =	rddreg [dreg:$0x8];
	s14 =	smov.u32 s11;
	[sflag:s16] =	ssyncset.done $0x0  }
0xa1: {  	s13 =	sadd.s32 s14, s13;
	s10 =	sadd.s32 s14, s12;
	[sflag:s16] =	ssyncadd.s32 $0xFFFFF800  }
0xa2: {  	[tilespmem:s20], [sflag:$0x1] =	stream.linear.gather [hbm4b:s13+s5], $0x1000, $0x38;
	[tilespmem:$0x186C0] =	vst v63  }
0xa3: {  	s7 =	rddreg [dreg:$0x7];
	s13 =	sadd.s32 $0x200, s10  }
0xa4: {  	[tilespmem:s21], [sflag:$0x2] =	stream.linear.gather [hbm4b:s13+s5], $0x1000, $0x38;
	[tilespmem:$0x186C0] =	vst v63  }
0xa5: {  	s7 =	sadd.s32 s14, s7  }
0xa6: {  	[tilespmem:s22], [sflag:$0x3] =	stream.linear.gather [hbm4b:s7+s5], $0x1000, $0x38;
	[tilespmem:$0x186C0] =	vst v63  }
0xa7: {  	s13 =	rddreg [dreg:$0x6];
	s7 =	sadd.s32 $0x600, s10  }
0xa8: {  	[tilespmem:s23], [sflag:$0x4] =	stream.linear.gather [hbm4b:s7+s5], $0x1000, $0x38;
	[tilespmem:$0x186C0] =	vst v63  }
0xa9: {  	s7 =	sadd.s32 s14, s13  }
0xaa: {  	[tilespmem:s24], [sflag:$0x5] =	stream.linear.gather [hbm4b:s7+s5], $0x1000, $0x38;
	[tilespmem:$0x186C0] =	vst v63  }
0xab: {  	s13 =	rddreg [dreg:$0x5];
	s7 =	sadd.s32 $0xA00, s10  }
0xac: {  	[tilespmem:s25], [sflag:$0x6] =	stream.linear.gather [hbm4b:s7+s5], $0x1000, $0x38;
	[tilespmem:$0x186C0] =	vst v63  }
0xad: {  	s13 =	sadd.s32 s14, s13  }
0xae: {  	[tilespmem:s26], [sflag:$0x7] =	stream.linear.gather [hbm4b:s13+s5], $0x1000, $0x38;
	[tilespmem:$0x186C0] =	vst v63  }
0xaf: {  	s13 =	sadd.s32 $0xE00, s10  }
0xb0: {  	[tilespmem:s28], [sflag:$0x8] =	stream.linear.gather [hbm4b:s13+s5], $0x1000, $0x38;
	[tilespmem:$0x186C0] =	vst v63  }
0xb1: {  	_ =	swait.ge [sflag:s29], $0x1000  }
0xb2: {  	s13 =	sshra.s32 s14, $0x2;
	[sflag:s29] =	ssyncset.done $0x0  }
0xb3: {  	s10 =	sadd.s32 $0x4E40, s13;
	[sflag:s29] =	ssyncadd.s32 $0xFFFFF000  }
0xb4: {  	[spmem:s3] =	stream.indirect.scatter.add.f32 [tilespmem:s20], [sflag:$0x9], $0x20, s10, s30, $0xb8;
	[tilespmem:$0x186C0] =	vst v63  }
0xb5: {  	_ =	swait.ge [sflag:s16], $0x1000  }
0xb6: {  	[sflag:s16] =	ssyncset.done $0x0  }
0xb7: {  	[sflag:s16] =	ssyncadd.s32 $0xFFFFF000  }
0xb8: {  	[spmem:s4] =	stream.indirect.scatter.add.f32 [tilespmem:s19], [sflag:$0x9], $0x10, s10, s30, $0xb8;
	[tilespmem:$0x186C0] =	vst v63  }
0xb9: {  	_ =	swait.ge [sflag:s16], $0x800  }
0xba: {  	[sflag:s16] =	ssyncset.done $0x0  }
0xbb: {  	[sflag:s16] =	ssyncadd.s32 $0xFFFFF800  }
0xbc: {  	_ =	swait.ge [sflag:s31], $0x1000  }
0xbd: {  	[sflag:s31] =	ssyncset.done $0x0  }
0xbe: {  	s14 =	sadd.s32 $0x4EC0, s13;
	[sflag:s31] =	ssyncadd.s32 $0xFFFFF000  }
0xbf: {  	[spmem:s3] =	stream.indirect.scatter.add.f32 [tilespmem:s21], [sflag:$0x9], $0x20, s14, s30, $0xb8;
	[tilespmem:$0x186C0] =	vst v63  }
0xc0: {  	_ =	swait.ge [sflag:s16], $0x1000  }
0xc1: {  	[sflag:s16] =	ssyncset.done $0x0  }
0xc2: {  	[sflag:s16] =	ssyncadd.s32 $0xFFFFF000  }
0xc3: {  	[spmem:s4] =	stream.indirect.scatter.add.f32 [tilespmem:s19], [sflag:$0x9], $0x10, s14, s30, $0xb8;
	[tilespmem:$0x186C0] =	vst v63  }
0xc4: {  	_ =	swait.ge [sflag:s16], $0x800  }
0xc5: {  	[sflag:s16] =	ssyncset.done $0x0  }
0xc6: {  	[sflag:s16] =	ssyncadd.s32 $0xFFFFF800  }
0xc7: {  	_ =	swait.ge [sflag:s1], $0x1000  }
0xc8: {  	[sflag:s1] =	ssyncset.done $0x0  }
0xc9: {  	s10 =	sadd.s32 $0x4F40, s13;
	[sflag:s1] =	ssyncadd.s32 $0xFFFFF000  }
0xca: {  	[spmem:s3] =	stream.indirect.scatter.add.f32 [tilespmem:s22], [sflag:$0x9], $0x20, s10, s30, $0xb8;
	[tilespmem:$0x186C0] =	vst v63  }
0xcb: {  	_ =	swait.ge [sflag:s16], $0x1000  }
0xcc: {  	[sflag:s16] =	ssyncset.done $0x0  }
0xcd: {  	[sflag:s16] =	ssyncadd.s32 $0xFFFFF000  }
0xce: {  	[spmem:s4] =	stream.indirect.scatter.add.f32 [tilespmem:s19], [sflag:$0x9], $0x10, s10, s30, $0xb8;
	[tilespmem:$0x186C0] =	vst v63  }
0xcf: {  	_ =	swait.ge [sflag:s16], $0x800  }
0xd0: {  	[sflag:s16] =	ssyncset.done $0x0  }
0xd1: {  	[sflag:s16] =	ssyncadd.s32 $0xFFFFF800  }
0xd2: {  	_ =	swait.ge [sflag:s0], $0x1000  }
0xd3: {  	[sflag:s0] =	ssyncset.done $0x0  }
0xd4: {  	s14 =	sadd.s32 $0x4FC0, s13;
	[sflag:s0] =	ssyncadd.s32 $0xFFFFF000  }
0xd5: {  	[spmem:s3] =	stream.indirect.scatter.add.f32 [tilespmem:s23], [sflag:$0x9], $0x20, s14, s30, $0xb8;
	[tilespmem:$0x186C0] =	vst v63  }
0xd6: {  	_ =	swait.ge [sflag:s16], $0x1000  }
0xd7: {  	[sflag:s16] =	ssyncset.done $0x0  }
0xd8: {  	[sflag:s16] =	ssyncadd.s32 $0xFFFFF000  }
0xd9: {  	[spmem:s4] =	stream.indirect.scatter.add.f32 [tilespmem:s19], [sflag:$0x9], $0x10, s14, s30, $0xb8;
	[tilespmem:$0x186C0] =	vst v63  }
0xda: {  	_ =	swait.ge [sflag:s16], $0x800  }
0xdb: {  	[sflag:s16] =	ssyncset.done $0x0  }
0xdc: {  	[sflag:s16] =	ssyncadd.s32 $0xFFFFF800  }
0xdd: {  	_ =	swait.ge [sflag:s2], $0x1000  }
0xde: {  	[sflag:s2] =	ssyncset.done $0x0  }
0xdf: {  	s10 =	sadd.s32 $0x5040, s13;
	[sflag:s2] =	ssyncadd.s32 $0xFFFFF000  }
0xe0: {  	[spmem:s3] =	stream.indirect.scatter.add.f32 [tilespmem:s24], [sflag:$0x9], $0x20, s10, s30, $0xb8;
	[tilespmem:$0x186C0] =	vst v63  }
0xe1: {  	_ =	swait.ge [sflag:s16], $0x1000  }
0xe2: {  	[sflag:s16] =	ssyncset.done $0x0  }
0xe3: {  	[sflag:s16] =	ssyncadd.s32 $0xFFFFF000  }
0xe4: {  	[spmem:s4] =	stream.indirect.scatter.add.f32 [tilespmem:s19], [sflag:$0x9], $0x10, s10, s30, $0xb8;
	[tilespmem:$0x186C0] =	vst v63  }
0xe5: {  	_ =	swait.ge [sflag:s16], $0x800  }
0xe6: {  	[sflag:s16] =	ssyncset.done $0x0  }
0xe7: {  	[sflag:s16] =	ssyncadd.s32 $0xFFFFF800  }
0xe8: {  	_ =	swait.ge [sflag:s17], $0x1000  }
0xe9: {  	[sflag:s17] =	ssyncset.done $0x0  }
0xea: {  	s14 =	sadd.s32 $0x50C0, s13;
	[sflag:s17] =	ssyncadd.s32 $0xFFFFF000  }
0xeb: {  	[spmem:s3] =	stream.indirect.scatter.add.f32 [tilespmem:s25], [sflag:$0x9], $0x20, s14, s30, $0xb8;
	[tilespmem:$0x186C0] =	vst v63  }
0xec: {  	_ =	swait.ge [sflag:s16], $0x1000  }
0xed: {  	[sflag:s16] =	ssyncset.done $0x0  }
0xee: {  	[sflag:s16] =	ssyncadd.s32 $0xFFFFF000  }
0xef: {  	[spmem:s4] =	stream.indirect.scatter.add.f32 [tilespmem:s19], [sflag:$0x9], $0x10, s14, s30, $0xb8;
	[tilespmem:$0x186C0] =	vst v63  }
0xf0: {  	_ =	swait.ge [sflag:s16], $0x800  }
0xf1: {  	[sflag:s16] =	ssyncset.done $0x0  }
0xf2: {  	[sflag:s16] =	ssyncadd.s32 $0xFFFFF800  }
0xf3: {  	_ =	swait.ge [sflag:s6], $0x1000  }
0xf4: {  	[sflag:s6] =	ssyncset.done $0x0  }
0xf5: {  	s10 =	sadd.s32 $0x5140, s13;
	[sflag:s6] =	ssyncadd.s32 $0xFFFFF000  }
0xf6: {  	[spmem:s3] =	stream.indirect.scatter.add.f32 [tilespmem:s26], [sflag:$0x9], $0x20, s10, s30, $0xb8;
	[tilespmem:$0x186C0] =	vst v63  }
0xf7: {  	_ =	swait.ge [sflag:s16], $0x1000  }
0xf8: {  	[sflag:s16] =	ssyncset.done $0x0  }
0xf9: {  	[sflag:s16] =	ssyncadd.s32 $0xFFFFF000  }
0xfa: {  	[spmem:s4] =	stream.indirect.scatter.add.f32 [tilespmem:s19], [sflag:$0x9], $0x10, s10, s30, $0xb8;
	[tilespmem:$0x186C0] =	vst v63  }
0xfb: {  	_ =	swait.ge [sflag:s16], $0x800  }
0xfc: {  	[sflag:s16] =	ssyncset.done $0x0  }
0xfd: {  	[sflag:s16] =	ssyncadd.s32 $0xFFFFF800  }
0xfe: {  	_ =	swait.ge [sflag:s8], $0x1000  }
0xff: {  	[sflag:s8] =	ssyncset.done $0x0  }
0x100: {  	p0 =	sne.s32 s11, $0x4000;
	s14 =	sadd.s32 $0x51C0, s13;
	[sflag:s8] =	ssyncadd.s32 $0xFFFFF000  }
0x101: {  	[spmem:s3] =	stream.indirect.scatter.add.f32 [tilespmem:s28], [sflag:$0x9], $0x20, s14, s30, $0xb8;
	[tilespmem:$0x186C0] =	vst v63  }
.Ltmp0:
0x102: {  	_ =	swait.ge [sflag:s16], $0x1000;
	(pc) =	sbr.rel @p0 .LBB2_2-.Ltmp0, $4  }
0x103: {  	[sflag:s16] =	ssyncset.done $0x0  }
0x104: {  	[sflag:s16] =	ssyncadd.s32 $0xFFFFF000  }
0x105: {  	[spmem:s4] =	stream.indirect.scatter.add.f32 [tilespmem:s19], [sflag:$0x9], $0x10, s14, s30, $0xb8;
	[tilespmem:$0x186C0] =	vst v63  }
0x106: {  	s11 =	sadd.s32 $0x1000, s11;
	_ =	swait.ge [sflag:s16], $0x800  }
0x107: {  	[sflag:s16] =	ssyncset.done $0x0  }
0x108: {  	[sflag:s16] =	ssyncadd.s32 $0xFFFFF800  }
0x109: {  	s13 =	simm.s32 $0xE240;
	[bflag:$0x0] =	sbarrier.arrive $0xFFFF  }
0x10a: {  	[tilespmem:s13], [sflag:$0x9] =	stream.linear.gather [spmem:s15], $0x4E40, $0x38;
	[tilespmem:$0x186C0] =	vst v63  }
0x10b: {  	_ =	swait.ge [sflag:s16], $0x4E40  }
0x10c: {  	[sflag:s16] =	ssyncset.done $0x0  }
0x10d: {  	s7 =	rddreg [dreg:$0xc];
	[sflag:s16] =	ssyncadd.s32 $0xFFFFB1C0  }
0x10e: {  	[hbm4b:s7+s5] =	stream.linear.scatter [tilespmem:s13], [sflag:$0x9], $0x4E40, $0x38;
	[tilespmem:$0x186C0] =	vst v63  }
0x10f: {  	_ =	swait.ge [sflag:s16], $0x4E40  }
0x110: {  	[sflag:s16] =	ssyncset.done $0x0  }
0x111: {  	s14 =	simm.s32 $0x15FA0;
	[sflag:s16] =	ssyncadd.s32 $0xFFFFB1C0  }
0x112: {  	[tilespmem:s14], [sflag:$0x9] =	stream.linear.gather [spmem:s18], $0x2720, $0x38;
	[tilespmem:$0x186C0] =	vst v63  }
0x113: {  	_ =	swait.ge [sflag:s16], $0x2720  }
0x114: {  	[sflag:s16] =	ssyncset.done $0x0  }
0x115: {  	s10 =	smov.u32 s15;
	s15 =	rddreg [dreg:$0xd];
	[sflag:s16] =	ssyncadd.s32 $0xFFFFD8E0  }
0x116: {  	[hbm4b:s15+s5] =	stream.linear.scatter [tilespmem:s14], [sflag:$0x9], $0x2720, $0x38;
	[tilespmem:$0x186C0] =	vst v63  }
0x117: {  	_ =	swait.ge [sflag:s16], $0x2720  }
0x118: {  	s11 =	smov.u32 s18;
	s9 =	sadd.s32 $0x1, s9;
	s18 =	rddreg [dreg:$0xe]  }
0x119: {  	p0 =	sne.s32 s9, s18  }
.Ltmp1:
0x11a: {  	_ = 	snop;
	(pc) =	sbr.rel @p0 .LBB2_1-.Ltmp1, $3  }
0x11b: {  	_ =	sdelay $0x1  }
0x11c: {  	[sflag:s16] =	ssyncset.done $0x0  }
0x11d: {  	[sflag:s16] =	ssyncadd.s32 $0xFFFFD8E0  }
0x11e: {  	_ =	sfence.sel $0x180000  }
0x11f: {  	[bflag:$0x0] =	sbarrier.arrive $0xFFFF  }
0x120: {  	_ =	strace $0x9000004A  }
0x121: {  	s0 =	stileid.u32;
	[bflag:$0x2] =	sbarrier.arrive $0xFFFF  }
0x122: {  	p0 =	sne.s32 s0, $0x0;
	s0 =	rddreg [dreg:$0x4]  }
0x123: {  	s0 =	sadd.s32 @!p0 $0x100000, s0  }
0x124: {  	[sflag:s0] =	ssyncadd.tile.s32 @!p0 $0x1;
	_ =	shalt  }
.Lfunc_end2:
_tile_overlayer_lowered:
.L_overlay_start_2:
0x125: {  	(tag) =	ssettag $0x2  }
0x126: {  	s0 =	rddreg [dreg:$0x0];
	s2 =	stileid.u32  }
0x127: {  	s1 =	rddreg [dreg:$0x1];
	p0 =	sne.s32 s2, $0x0  }
0x128: {  	s3 =	rddreg [dreg:$0x2];
	[bflag:$0x3] =	sbarrier.arrive $0xFFFF;
	s2 =	simm.s32 @!p0 $0x1C09  }
0x129: {  	[timem:s3], [sflag:s2] =	dma.local @!p0 [hbm:s0], s1  }
0x12a: {  	s0 =	simm.s32 @!p0 $0x9  }
0x12b: {  	_ =	swait.ge @!p0 [sflag:s0], s1  }
0x12c: {  	s1 =	ssub.s32 @!p0 $0x0, s1;
	[sflag:s0] =	ssyncset.done @!p0 $0x0  }
0x12d: {  	[sflag:s0] =	ssyncadd.s32 @!p0 s1  }
0x12e: {  	[bflag:$0x3] =	sbarrier.arrive $0xFFFF  }
0x12f: {  	_ =	shalt  }

// kernel: kernel.18.cloned.1.call-start
scs
__scs_entry_jumppad:
0x0: {  	(pc) =	sbr.rel $0x88, $3  }
0x1: {  	(tag) =	ssettag $0x0;
	lr =	simm.s32 $0x1  }
0x2: {  	[smem:$0x3F90] =	sst lr;
	_ =	strace $0xD0000000  }
0x3: {  	_ = 	snop  }
0x4: {  	_ = 	snop  }
0x5: {  	_ = 	snop  }
0x6: {  	_ = 	snop  }
0x7: {  	_ = 	snop  }
__scs_overlays_trampoline_lowered:
0x8: {  	[smem:$0x3F9F] =	sst s0  }
0x9: {  	[smem:$0x3FA0] =	sst s1  }
0xa: {  	[smem:$0x3FA1] =	sst s2  }
0xb: {  	[smem:$0x3FA2] =	sst s3  }
0xc: {  	[smem:$0x3FA3] =	sst s4  }
0xd: {  	[smem:$0x3FA4] =	sst s5  }
0xe: {  	[smem:$0x3FA5] =	sst s6  }
0xf: {  	[smem:$0x3FA6] =	sst s7  }
0x10: {  	[smem:$0x3FA7] =	sst s8  }
0x11: {  	[smem:$0x3FA8] =	sst s9;
	s0 =	simm.s32 @!p0 $0x0  }
0x12: {  	s1 =	sld [smem:$0x3F8E];
	s0 =	simm.s32 @p0 $0x1  }
0x13: {  	[smem:$0x3FA9] =	sst s0;
	s0 =	simm.s32 @!p1 $0x0  }
0x14: {  	s2 =	sld [smem:$0x3F8D];
	s0 =	simm.s32 @p1 $0x1  }
0x15: {  	[smem:$0x3FAA] =	sst s0;
	s0 =	simm.s32 @!p2 $0x0  }
0x16: {  	s3 =	sld [smem:$0x3FDB];
	s0 =	simm.s32 @p2 $0x1  }
0x17: {  	s4 =	simm.s32 $0x1BF5;
	[smem:$0x3FAC] =	sst s0  }
0x18: {  	s0 =	sld [smem:$0x3F8F];
	_ =	swait.ge [sflag:s4], $0x0  }
0x19: {  	s7 =	sld [smem:$0x3F90]  }
0x1a: {  	s8 =	sadd.s32 $0xFFFFE003, lr  }
0x1b: {  	s9 =	sadd.s32 $0xFFFFFEF7, lr;
	s5 =	simm.s32 $0xFFFFFFFF;
	p2 =	slt.u32 s8, $0xFFFFF086  }
0x1c: {  	p1 =	slt.u32 s9, $0xF7A;
	s5 =	simm.s32 @!p2 $0x0  }
0x1d: {  	s5 =	simm.s32 @p1 $0x1;
	p0 =	seq.s32 s7, s2  }
0x1e: {  	s7 =	smul.u32 @!p0 $0xF7A, s2;
	p2 =	seq.s32 @!p0 s5, $0x0  }
0x1f: {  	s9 =	smul.u32 $0xF7A, s1;
	s8 =	simm.s32 @!p0 $0x1BF5;
	p2 =	por !p2, p0  }
0x20: {  	[sflag:s8] =	ssyncset.s32 @!p0 $0xFFFFF086;
	s6 =	sadd.s32 @!p0 s3, s7;
	s7 =	simm.s32 @!p0 $0x108  }
0x21: {  	s3 =	sadd.s32 s3, s9;
	s6 =	sadd.s32 @!p0 $0x88, s6;
	s7 =	simm.s32 @p2 $0x1082  }
0x22: {  	[simem:s7], [sflag:s8] =	dma.local @!p0 [hbm:s6], $0xF7A  }
0x23: {  	s9 =	sor.u32 $0xD0000000, s2;
	s6 =	simm.s32 $0x108;
	_ =	swait.ge @!p0 [sflag:s8], $0x0  }
0x24: {  	s3 =	sadd.s32 $0x88, s3;
	s6 =	simm.s32 @!p1 $0x1082;
	[sflag:s4] =	ssyncset.s32 $0xFFFFF086  }
0x25: {  	[simem:s6], [sflag:s4] =	dma.local [hbm:s3], $0xF7A  }
0x26: {  	[smem:$0x3F90] =	sst s1;
	(tag) =	ssettag s2;
	_ =	strace s9  }
0x27: {  	s1 =	sld [smem:$0x3FA0]  }
0x28: {  	s2 =	sld [smem:$0x3FA1]  }
0x29: {  	s4 =	sld [smem:$0x3FA3]  }
0x2a: {  	p0 =	seq.s32 s5, $0x0;
	s5 =	sld [smem:$0x3FA4]  }
0x2b: {  	s6 =	sld [smem:$0x3FA5]  }
0x2c: {  	s7 =	sld [smem:$0x3FA6]  }
0x2d: {  	s3 =	simm.s32 $0x108;
	s8 =	sld [smem:$0x3FA7]  }
0x2e: {  	s3 =	simm.s32 @!p0 $0x1082;
	s9 =	sld [smem:$0x3FA8]  }
0x2f: {  	lr =	sadd.s32 s0, s3;
	s0 =	sld [smem:$0x3F9F]  }
0x30: {  	s3 =	sld [smem:$0x3FA2]  }
0x31: {  	[smem:$0x3FAB] =	sst s10  }
0x32: {  	s10 =	sld [smem:$0x3FA9];
	_ =	sdelay $0x3  }
0x33: {  	p0 =	seq.s32 s10, $0x1;
	s10 =	sld [smem:$0x3FAB];
	_ =	sdelay $0x3  }
0x34: {  	[smem:$0x3FAB] =	sst s10  }
0x35: {  	s10 =	sld [smem:$0x3FAA];
	_ =	sdelay $0x3  }
0x36: {  	p1 =	seq.s32 s10, $0x1;
	s10 =	sld [smem:$0x3FAB];
	_ =	sdelay $0x3  }
0x37: {  	[smem:$0x3FAB] =	sst s10  }
0x38: {  	s10 =	sld [smem:$0x3FAC]  }
0x39: {  	_ = 	snop;
	(pc) =	sbr.ind lr, $3  }
0x3a: {  	_ = 	snop  }
0x3b: {  	_ = 	snop  }
0x3c: {  	p2 =	seq.s32 s10, $0x1;
	s10 =	sld [smem:$0x3FAB]  }
0x3d: {  	_ =	shalt  }
0x3e: {  	_ =	shalt  }
0x3f: {  	_ =	shalt  }
0x40: {  	_ =	shalt  }
0x41: {  	_ =	shalt  }
0x42: {  	_ =	shalt  }
0x43: {  	_ =	shalt  }
0x44: {  	_ =	shalt  }
0x45: {  	_ =	shalt  }
0x46: {  	_ =	shalt  }
0x47: {  	_ =	shalt  }
0x48: {  	_ =	shalt  }
0x49: {  	_ =	shalt  }
0x4a: {  	_ =	shalt  }
0x4b: {  	_ =	shalt  }
0x4c: {  	_ =	shalt  }
0x4d: {  	_ =	shalt  }
0x4e: {  	_ =	shalt  }
0x4f: {  	_ =	shalt  }
0x50: {  	_ =	shalt  }
0x51: {  	_ =	shalt  }
0x52: {  	_ =	shalt  }
0x53: {  	_ =	shalt  }
0x54: {  	_ =	shalt  }
0x55: {  	_ =	shalt  }
0x56: {  	_ =	shalt  }
0x57: {  	_ =	shalt  }
0x58: {  	_ =	shalt  }
0x59: {  	_ =	shalt  }
0x5a: {  	_ =	shalt  }
0x5b: {  	_ =	shalt  }
0x5c: {  	_ =	shalt  }
0x5d: {  	_ =	shalt  }
0x5e: {  	_ =	shalt  }
0x5f: {  	_ =	shalt  }
0x60: {  	_ =	shalt  }
0x61: {  	_ =	shalt  }
0x62: {  	_ =	shalt  }
0x63: {  	_ =	shalt  }
0x64: {  	_ =	shalt  }
0x65: {  	_ =	shalt  }
0x66: {  	_ =	shalt  }
0x67: {  	_ =	shalt  }
0x68: {  	_ =	shalt  }
0x69: {  	_ =	shalt  }
0x6a: {  	_ =	shalt  }
0x6b: {  	_ =	shalt  }
0x6c: {  	_ =	shalt  }
0x6d: {  	_ =	shalt  }
0x6e: {  	_ =	shalt  }
0x6f: {  	_ =	shalt  }
0x70: {  	_ =	shalt  }
0x71: {  	_ =	shalt  }
0x72: {  	_ =	shalt  }
0x73: {  	_ =	shalt  }
0x74: {  	_ =	shalt  }
0x75: {  	_ =	shalt  }
0x76: {  	_ =	shalt  }
0x77: {  	_ =	shalt  }
0x78: {  	_ =	shalt  }
0x79: {  	_ =	shalt  }
0x7a: {  	_ =	shalt  }
0x7b: {  	_ =	shalt  }
0x7c: {  	_ =	shalt  }
0x7d: {  	_ =	shalt  }
0x7e: {  	_ =	shalt  }
0x7f: {  	_ =	shalt  }
0x80: {  	_ =	shalt  }
0x81: {  	_ =	shalt  }
0x82: {  	_ =	shalt  }
0x83: {  	_ =	shalt  }
0x84: {  	_ =	shalt  }
0x85: {  	_ =	shalt  }
0x86: {  	_ =	shalt  }
0x87: {  	_ =	shalt  }
.Lfunc_end0:
.L_simem_size_0:
called_computation.2_lowered:
.L_overlay_start_0:
0x88: {  	s2 =	sld [smem:$0x3FD9]  }
0x89: {  	s3 =	sld [smem:$0x3FFE];
	_ =	sdelay $0x1  }
0x8a: {  	s1 =	srdreg.scid  }
0x8b: {  	s0 =	sand.u32 $0x1, s1  }
0x8c: {  	s16 =	sshll.u32 s0, $0xA;
	s2 =	sadd.s32 s3, s2  }
0x8d: {  	s2 =	sadd.s32 s2, s16  }
0x8e: {  	[smem:$0x3FB7] =	sst s2  }
0x8f: {  	_ = 	snop  }
0x90: {  	(tm) =	ssettm $0x1  }
0x91: {  	s17 =	sld [smem:$0x3FFB];
	_ =	sdelay $0x3  }
0x92: {  	_ =	strace s17  }
0x93: {  	s2 =	sld [smem:$0x3FFC];
	_ =	sdelay $0x3  }
0x94: {  	_ =	strace s2  }
0x95: {  	s2 =	sld [smem:$0x3FFD];
	_ =	sdelay $0x3  }
0x96: {  	_ =	strace s2  }
0x97: {  	_ =	strace $0x8FFFFFFF  }
0x98: {  	s18 =	sld [smem:$0x3FDB];
	_ =	sdelay $0x1  }
0x99: {  	s19 =	simm.s32 $_scs_section_size  }
0x9a: {  	s4 =	simm.s32 $_size__tile_overlayer_lowered;
	s5 =	simm.s32 $_tile_overlayer_lowered  }
0x9b: {  	s22 =	simm.s32 $0x1BFF;
	s21 =	sshll.u32 s5, $0x1;
	s2 =	sadd.s32 s19, s18  }
0x9c: {  	s6 =	simm.s32 $0x0;
	s20 =	sshll.u32 s4, $0x1;
	s4 =	sadd.s32 s21, s2  }
0x9d: {  	[timem:s6], [sflag:s22] =	dma.local [hbm:s4], s20  }
0x9e: {  	_ =	swait.ge [sflag:s22], s20  }
0x9f: {  	s3 =	ssub.s32 $0x0, s20;
	[sflag:s22] =	ssyncset.done $0x0  }
0xa0: {  	[sflag:s22] =	ssyncadd.s32 s3;
	_ =	sdelay $0x1  }
0xa1: {  	s23 =	simm.s32 $0x1B8B  }
0xa2: {  	_ =	swait.ge [sflag:s23], $0x1  }
0xa3: {  	[sflag:s23] =	ssyncset.done $0x0  }
0xa4: {  	s25 =	simm.s32 $0x1B8E;
	s24 =	sld [smem:$0x3FFE];
	[sflag:s23] =	ssyncadd.s32 $0xFFFFFFFF  }
0xa5: {  	s26 =	simm.s32 $execute0_lowered;
	[smem:$0x3FD2] =	sst s25  }
0xa6: {  	s4 =	sshll.u32 s26, $0x1;
	_ =	strace $0x8000004C;
	[dreg:$0x1] =	wrdreg $0xFFFFFFFF  }
0xa7: {  	s28 =	simm.s32 $_size_execute0_lowered;
	s2 =	sadd.s32 s2, s4;
	[dreg:$0x0] =	wrdreg $0x0  }
0xa8: {  	s4 =	sshll.u32 s28, $0x1;
	[dreg:$0x2] =	wrdreg s2  }
0xa9: {  	[dreg:$0x3] =	wrdreg s4  }
0xaa: {  	[dreg:$0x4] =	wrdreg $0xC0  }
0xab: {  	_ =	task [dreg:s6], $0x5FFFF  }
0xac: {  	[dreg:$0x1] =	wrdreg $0xFFFFFFFF  }
0xad: {  	[dreg:$0x0] =	wrdreg $0x60  }
0xae: {  	[dreg:$0x2] =	wrdreg s24  }
0xaf: {  	[dreg:$0x3] =	wrdreg $0x9  }
0xb0: {  	_ =	task.clear_ibuf [dreg:s6], $0x4FFFF;
	_ =	strace $0x9000004C  }
0xb1: {  	s29 =	simm.s32 $0x9;
	_ =	strace $0x8000004E  }
0xb2: {  	_ =	swait.ge [sflag:s29], $0x1  }
0xb3: {  	[sflag:s29] =	ssyncadd.s32 $0xFFFFFFFF  }
0xb4: {  	_ =	strace $0x9000004E  }
0xb5: {  	_ =	sfence  }
0xb6: {  	s30 =	sld [smem:$0x0];
	_ =	sdelay $0x2  }
0xb7: {  	s31 =	sshll.u32 s1, $0xD;
	s1 =	sshrl.u32 s1, $0x2  }
0xb8: {  	s3 =	sand.u32 $0x4000, s31;
	s1 =	sadd.s32 s1, s30  }
0xb9: {  	s0 =	sor.u32 s3, s0;
	s1 =	sshll.u32 s1, $0x11  }
0xba: {  	s0 =	sor.u32 s1, s0  }
0xbb: {  	s0 =	sadd.s32 $0x8F2B, s0  }
0xbc: {  	[sflag:s0] =	ssyncadd.remote.s32 $0x1  }
0xbd: {  	_ =	sfence.sel $0xFFFF  }
0xbe: {  	[dreg:$0x0] =	wrdreg $0xFFFFFFFF;
	(pc) =	sbr.abs _section_cstart, $3  }
0xbf: {  	[dreg:$0x1] =	wrdreg $0xFFFFFFFF  }
0xc0: {  	_ =	task.clear_ibuf [dreg:s6], $0x2FFFF;
	_ =	strace $0x9FFFFFFF  }
0xc1: {  	(tm) =	ssettm $0x7FFFFFFF  }
tec
execute0_lowered:
.L_overlay_start_1:
0x0: {  	(tag) =	ssettag $0x1  }
0x1: {  	s0 =	rddreg [dreg:$0x0];
	s1 =	srdreg.scid  }
0x2: {  	s8 =	stileid.u32;
	s2 =	simm.s32 $0x0;
	s18 =	simm.s32 $0x2  }
0x3: {  	s19 =	simm.s32 $0x3;
	s20 =	simm.s32 $0x4;
	s21 =	simm.s32 $0x5  }
0x4: {  	s28 =	simm.s32 $0xB;
	s29 =	simm.s32 $0xC;
	s30 =	simm.s32 $0xD  }
0x5: {  	s31 =	simm.s32 $0xE;
	s16 =	simm.s32 $0x7400;
	s17 =	simm.s32 $0x8400  }
0x6: {  	s1 =	sand.u32 $0x1, s1;
	s3 =	smul.u32 $0x50, s8;
	s4 =	sshll.u32 s8, $0x1  }
0x7: {  	[smem:$0x7FF] =	sst s2;
	s6 =	sadd.s32 $0xDF400, s0;
	s5 =	smul.u32 $0x28, s1  }
0x8: {  	s8 =	smul.u32 $0xA000, s8;
	s4 =	sor.u32 s1, s4;
	_ =	strace $0x8000004D  }
0x9: {  	s22 =	ssub.s32 $0x2, s1;
	s4 =	smul.u32 $0x280, s4;
	s5 =	sadd.s32 s5, s3  }
0xa: {  	s1 =	smul.u32 $0x5000, s1;
	s23 =	sshrl.u32 s22, $0x1;
	s5 =	sshll.u32 s5, $0x9  }
0xb: {  	s3 =	sadd.s32 $0x4400, s0;
	s0 =	sadd.s32 s4, s0;
	s9 =	sadd.s32 s5, s6  }
0xc: {  	s4 =	ssub.s32 s22, s23;
	s0 =	sadd.s32 $0x35400, s0;
	[dreg:$0x6] =	wrdreg s9  }
0xd: {  	s22 =	simm.s32 $0x6;
	s26 =	smax.u32 s4, $0x1;
	[dreg:$0x7] =	wrdreg s0  }
0xe: {  	s23 =	simm.s32 $0x7;
	s7 =	sadd.s32 $0xC00, s9;
	[dreg:$0x8] =	wrdreg s26  }
0xf: {  	s6 =	sadd.s32 s8, s6;
	s24 =	sadd.s32 $0x800, s9;
	[dreg:$0x2] =	wrdreg s7  }
0x10: {  	s8 =	simm.s32 $0x80;
	s25 =	sadd.s32 $0x400, s9;
	[dreg:$0x3] =	wrdreg s24  }
0x11: {  	s5 =	simm.s32 $0x0;
	s1 =	sadd.s32 s1, s6;
	[dreg:$0x4] =	wrdreg s25  }
0x12: {  	s26 =	simm.s32 $0xA;
	s0 =	simm.s32 $0xF;
	[dreg:$0x5] =	wrdreg s1  }
0x13: {  	s24 =	simm.s32 $0x8;
	s25 =	simm.s32 $0x9;
	s1 =	simm.s32 $0x10  }
.LBB2_1:
0x14: {  	[dreg:$0x9] =	wrdreg s5  }
0x15: {  	s4 =	rddreg [dreg:$0x7];
	s5 =	simm.s32 $0x11  }
0x16: {  	[tilespmem:s2], [sflag:$0x11] =	stream.linear.gather [hbm4b:s4+s2], $0x1400, $0x38;
	[tilespmem:$0x9400] =	vst v63  }
0x17: {  	_ =	swait.ge [sflag:s5], $0x1400  }
0x18: {  	[sflag:s5] =	ssyncset.done $0x0  }
0x19: {  	s6 =	simm.s32 $0x0;
	[sflag:s5] =	ssyncadd.s32 $0xFFFFEC00;
	s5 =	simm.s32 $0x1400  }
0x1a: {  	[tilespmem:s5], [sflag:$0x1] =	stream.indirect.gather [hbm4b:s3+s8], $0x20, s6, s8, $0xb8;
	[tilespmem:$0x9400] =	vst v63  }
0x1b: {  	s7 =	simm.s32 $0x80;
	s6 =	simm.s32 $0x2400  }
0x1c: {  	[tilespmem:s6], [sflag:$0x2] =	stream.indirect.gather [hbm4b:s3+s8], $0x20, s7, s8, $0xb8;
	[tilespmem:$0x9400] =	vst v63  }
0x1d: {  	s9 =	simm.s32 $0x100;
	s7 =	simm.s32 $0x3400  }
0x1e: {  	[tilespmem:s7], [sflag:$0x3] =	stream.indirect.gather [hbm4b:s3+s8], $0x20, s9, s8, $0xb8;
	[tilespmem:$0x9400] =	vst v63  }
0x1f: {  	s10 =	simm.s32 $0x180;
	s9 =	simm.s32 $0x4400  }
0x20: {  	[tilespmem:s9], [sflag:$0x4] =	stream.indirect.gather [hbm4b:s3+s8], $0x20, s10, s8, $0xb8;
	[tilespmem:$0x9400] =	vst v63  }
0x21: {  	s11 =	simm.s32 $0x200;
	s10 =	simm.s32 $0x5400  }
0x22: {  	[tilespmem:s10], [sflag:$0x5] =	stream.indirect.gather [hbm4b:s3+s8], $0x20, s11, s8, $0xb8;
	[tilespmem:$0x9400] =	vst v63  }
0x23: {  	s12 =	simm.s32 $0x280;
	s11 =	simm.s32 $0x6400  }
0x24: {  	[tilespmem:s11], [sflag:$0x6] =	stream.indirect.gather [hbm4b:s3+s8], $0x20, s12, s8, $0xb8;
	[tilespmem:$0x9400] =	vst v63  }
0x25: {  	s13 =	simm.s32 $0x300;
	s12 =	simm.s32 $0x7400  }
0x26: {  	[tilespmem:s12], [sflag:$0x7] =	stream.indirect.gather [hbm4b:s3+s8], $0x20, s13, s8, $0xb8;
	[tilespmem:$0x9400] =	vst v63  }
0x27: {  	s14 =	simm.s32 $0x380;
	s13 =	simm.s32 $0x8400  }
0x28: {  	[tilespmem:s13], [sflag:$0x8] =	stream.indirect.gather [hbm4b:s3+s8], $0x20, s14, s8, $0xb8;
	[tilespmem:$0x9400] =	vst v63  }
0x29: {  	s14 =	simm.s32 $0x1  }
0x2a: {  	_ =	swait.ge [sflag:s14], $0x1000  }
0x2b: {  	s15 =	rddreg [dreg:$0x5];
	[sflag:s14] =	ssyncset.done $0x0  }
0x2c: {  	[sflag:s14] =	ssyncadd.s32 $0xFFFFF000;
	s4 =	sadd.s32 $0x0, s15  }
0x2d: {  	[hbm4b:s4+s2] =	stream.linear.scatter [tilespmem:s5], [sflag:$0x9], $0x1000, $0x38;
	[tilespmem:$0x9400] =	vst v63  }
0x2e: {  	_ =	swait.ge [sflag:s18], $0x1000  }
0x2f: {  	s14 =	rddreg [dreg:$0x6]  }
0x30: {  	[sflag:s18] =	ssyncset.done $0x0;
	s4 =	sadd.s32 $0x0, s14  }
0x31: {  	[sflag:s18] =	ssyncadd.s32 $0xFFFFF000;
	s15 =	sadd.s32 $0x200, s4  }
0x32: {  	[hbm4b:s15+s2] =	stream.linear.scatter [tilespmem:s6], [sflag:$0xA], $0x1000, $0x38;
	[tilespmem:$0x9400] =	vst v63  }
0x33: {  	_ =	swait.ge [sflag:s19], $0x1000  }
0x34: {  	s6 =	rddreg [dreg:$0x4];
	[sflag:s19] =	ssyncset.done $0x0  }
0x35: {  	[sflag:s19] =	ssyncadd.s32 $0xFFFFF000;
	s5 =	sadd.s32 $0x0, s6  }
0x36: {  	[hbm4b:s5+s2] =	stream.linear.scatter [tilespmem:s7], [sflag:$0xB], $0x1000, $0x38;
	[tilespmem:$0x9400] =	vst v63  }
0x37: {  	_ =	swait.ge [sflag:s20], $0x1000  }
0x38: {  	[sflag:s20] =	ssyncset.done $0x0  }
0x39: {  	s7 =	sadd.s32 $0x600, s4;
	[sflag:s20] =	ssyncadd.s32 $0xFFFFF000  }
0x3a: {  	[hbm4b:s7+s2] =	stream.linear.scatter [tilespmem:s9], [sflag:$0xC], $0x1000, $0x38;
	[tilespmem:$0x9400] =	vst v63  }
0x3b: {  	_ =	swait.ge [sflag:s21], $0x1000  }
0x3c: {  	s9 =	rddreg [dreg:$0x3];
	[sflag:s21] =	ssyncset.done $0x0  }
0x3d: {  	[sflag:s21] =	ssyncadd.s32 $0xFFFFF000;
	s5 =	sadd.s32 $0x0, s9  }
0x3e: {  	[hbm4b:s5+s2] =	stream.linear.scatter [tilespmem:s10], [sflag:$0xD], $0x1000, $0x38;
	[tilespmem:$0x9400] =	vst v63  }
0x3f: {  	_ =	swait.ge [sflag:s22], $0x1000  }
0x40: {  	[sflag:s22] =	ssyncset.done $0x0  }
0x41: {  	s14 =	sadd.s32 $0xA00, s4;
	[sflag:s22] =	ssyncadd.s32 $0xFFFFF000  }
0x42: {  	[hbm4b:s14+s2] =	stream.linear.scatter [tilespmem:s11], [sflag:$0xE], $0x1000, $0x38;
	[tilespmem:$0x9400] =	vst v63  }
0x43: {  	_ =	swait.ge [sflag:s23], $0x1000  }
0x44: {  	s15 =	rddreg [dreg:$0x2];
	[sflag:s23] =	ssyncset.done $0x0  }
0x45: {  	[sflag:s23] =	ssyncadd.s32 $0xFFFFF000;
	s5 =	sadd.s32 $0x0, s15  }
0x46: {  	[hbm4b:s5+s2] =	stream.linear.scatter [tilespmem:s12], [sflag:$0xF], $0x1000, $0x38;
	[tilespmem:$0x9400] =	vst v63  }
0x47: {  	_ =	swait.ge [sflag:s24], $0x1000  }
0x48: {  	[sflag:s24] =	ssyncset.done $0x0  }
0x49: {  	s4 =	sadd.s32 $0xE00, s4;
	[sflag:s24] =	ssyncadd.s32 $0xFFFFF000  }
0x4a: {  	[hbm4b:s4+s2] =	stream.linear.scatter [tilespmem:s13], [sflag:$0x10], $0x1000, $0x38;
	[tilespmem:$0x9400] =	vst v63  }
0x4b: {  	_ =	swait.ge [sflag:s25], $0x1000  }
0x4c: {  	[sflag:s25] =	ssyncset.done $0x0  }
0x4d: {  	[sflag:s25] =	ssyncadd.s32 $0xFFFFF000  }
0x4e: {  	_ =	swait.ge [sflag:s26], $0x1000  }
0x4f: {  	[sflag:s26] =	ssyncset.done $0x0  }
0x50: {  	[sflag:s26] =	ssyncadd.s32 $0xFFFFF000  }
0x51: {  	_ =	swait.ge [sflag:s28], $0x1000  }
0x52: {  	[sflag:s28] =	ssyncset.done $0x0  }
0x53: {  	[sflag:s28] =	ssyncadd.s32 $0xFFFFF000  }
0x54: {  	_ =	swait.ge [sflag:s29], $0x1000  }
0x55: {  	[sflag:s29] =	ssyncset.done $0x0  }
0x56: {  	[sflag:s29] =	ssyncadd.s32 $0xFFFFF000  }
0x57: {  	_ =	swait.ge [sflag:s30], $0x1000  }
0x58: {  	[sflag:s30] =	ssyncset.done $0x0  }
0x59: {  	[sflag:s30] =	ssyncadd.s32 $0xFFFFF000  }
0x5a: {  	_ =	swait.ge [sflag:s31], $0x1000  }
0x5b: {  	[sflag:s31] =	ssyncset.done $0x0  }
0x5c: {  	[sflag:s31] =	ssyncadd.s32 $0xFFFFF000  }
0x5d: {  	_ =	swait.ge [sflag:s0], $0x1000  }
0x5e: {  	[sflag:s0] =	ssyncset.done $0x0  }
0x5f: {  	[sflag:s0] =	ssyncadd.s32 $0xFFFFF000  }
0x60: {  	_ =	swait.ge [sflag:s1], $0x1000  }
0x61: {  	s6 =	simm.s32 $0x1000;
	s4 =	simm.s32 $0x2000;
	[sflag:s1] =	ssyncset.done $0x0  }
.LBB2_2:
0x62: {  	s9 =	sshra.s32 s6, $0x2;
	[sflag:s1] =	ssyncadd.s32 $0xFFFFF000;
	s10 =	simm.s32 $0x1400  }
0x63: {  	[tilespmem:s10], [sflag:$0x1] =	stream.indirect.gather [hbm4b:s3+s8], $0x20, s9, s8, $0xb8;
	[tilespmem:$0x9400] =	vst v63  }
0x64: {  	s11 =	simm.s32 $0x2400;
	s12 =	sadd.s32 $0x80, s9  }
0x65: {  	[tilespmem:s11], [sflag:$0x2] =	stream.indirect.gather [hbm4b:s3+s8], $0x20, s12, s8, $0xb8;
	[tilespmem:$0x9400] =	vst v63  }
0x66: {  	s13 =	sadd.s32 $0x100, s9;
	s12 =	simm.s32 $0x3400  }
0x67: {  	[tilespmem:s12], [sflag:$0x3] =	stream.indirect.gather [hbm4b:s3+s8], $0x20, s13, s8, $0xb8;
	[tilespmem:$0x9400] =	vst v63  }
0x68: {  	s5 =	smov.u32 s4;
	s14 =	sadd.s32 $0x180, s9;
	s13 =	simm.s32 $0x4400  }
0x69: {  	[tilespmem:s13], [sflag:$0x4] =	stream.indirect.gather [hbm4b:s3+s8], $0x20, s14, s8, $0xb8;
	[tilespmem:$0x9400] =	vst v63  }
0x6a: {  	s7 =	sadd.s32 $0x1000, s4;
	s15 =	sadd.s32 $0x200, s9;
	s14 =	simm.s32 $0x5400  }
0x6b: {  	[tilespmem:s14], [sflag:$0x5] =	stream.indirect.gather [hbm4b:s3+s8], $0x20, s15, s8, $0xb8;
	[tilespmem:$0x9400] =	vst v63  }
0x6c: {  	p0 =	sne.s32 s4, $0x4000;
	s4 =	sadd.s32 $0x280, s9;
	s15 =	simm.s32 $0x6400  }
0x6d: {  	[tilespmem:s15], [sflag:$0x6] =	stream.indirect.gather [hbm4b:s3+s8], $0x20, s4, s8, $0xb8;
	[tilespmem:$0x9400] =	vst v63  }
0x6e: {  	s4 =	sadd.s32 $0x300, s9  }
0x6f: {  	[tilespmem:s16], [sflag:$0x7] =	stream.indirect.gather [hbm4b:s3+s8], $0x20, s4, s8, $0xb8;
	[tilespmem:$0x9400] =	vst v63  }
0x70: {  	s9 =	sadd.s32 $0x380, s9  }
0x71: {  	[tilespmem:s17], [sflag:$0x8] =	stream.indirect.gather [hbm4b:s3+s8], $0x20, s9, s8, $0xb8;
	[tilespmem:$0x9400] =	vst v63  }
0x72: {  	s9 =	simm.s32 $0x1  }
0x73: {  	_ =	swait.ge [sflag:s9], $0x1000  }
0x74: {  	s4 =	rddreg [dreg:$0x5];
	[sflag:s9] =	ssyncset.done $0x0  }
0x75: {  	[sflag:s9] =	ssyncadd.s32 $0xFFFFF000;
	s4 =	sadd.s32 s6, s4  }
0x76: {  	[hbm4b:s4+s2] =	stream.linear.scatter [tilespmem:s10], [sflag:$0x9], $0x1000, $0x38;
	[tilespmem:$0x9400] =	vst v63  }
0x77: {  	_ =	swait.ge [sflag:s18], $0x1000  }
0x78: {  	s9 =	rddreg [dreg:$0x6]  }
0x79: {  	[sflag:s18] =	ssyncset.done $0x0;
	s4 =	sadd.s32 s6, s9  }
0x7a: {  	[sflag:s18] =	ssyncadd.s32 $0xFFFFF000;
	s10 =	sadd.s32 $0x200, s4  }
0x7b: {  	[hbm4b:s10+s2] =	stream.linear.scatter [tilespmem:s11], [sflag:$0xA], $0x1000, $0x38;
	[tilespmem:$0x9400] =	vst v63  }
0x7c: {  	_ =	swait.ge [sflag:s19], $0x1000  }
0x7d: {  	s11 =	rddreg [dreg:$0x4];
	[sflag:s19] =	ssyncset.done $0x0  }
0x7e: {  	[sflag:s19] =	ssyncadd.s32 $0xFFFFF000;
	s9 =	sadd.s32 s6, s11  }
0x7f: {  	[hbm4b:s9+s2] =	stream.linear.scatter [tilespmem:s12], [sflag:$0xB], $0x1000, $0x38;
	[tilespmem:$0x9400] =	vst v63  }
0x80: {  	_ =	swait.ge [sflag:s20], $0x1000  }
0x81: {  	[sflag:s20] =	ssyncset.done $0x0  }
0x82: {  	s12 =	sadd.s32 $0x600, s4;
	[sflag:s20] =	ssyncadd.s32 $0xFFFFF000  }
0x83: {  	[hbm4b:s12+s2] =	stream.linear.scatter [tilespmem:s13], [sflag:$0xC], $0x1000, $0x38;
	[tilespmem:$0x9400] =	vst v63  }
0x84: {  	_ =	swait.ge [sflag:s21], $0x1000  }
0x85: {  	s13 =	rddreg [dreg:$0x3];
	[sflag:s21] =	ssyncset.done $0x0  }
0x86: {  	[sflag:s21] =	ssyncadd.s32 $0xFFFFF000;
	s9 =	sadd.s32 s6, s13  }
0x87: {  	[hbm4b:s9+s2] =	stream.linear.scatter [tilespmem:s14], [sflag:$0xD], $0x1000, $0x38;
	[tilespmem:$0x9400] =	vst v63  }
0x88: {  	_ =	swait.ge [sflag:s22], $0x1000  }
0x89: {  	[sflag:s22] =	ssyncset.done $0x0  }
0x8a: {  	s14 =	sadd.s32 $0xA00, s4;
	[sflag:s22] =	ssyncadd.s32 $0xFFFFF000  }
0x8b: {  	[hbm4b:s14+s2] =	stream.linear.scatter [tilespmem:s15], [sflag:$0xE], $0x1000, $0x38;
	[tilespmem:$0x9400] =	vst v63  }
0x8c: {  	_ =	swait.ge [sflag:s23], $0x1000  }
0x8d: {  	s15 =	rddreg [dreg:$0x2];
	[sflag:s23] =	ssyncset.done $0x0  }
0x8e: {  	[sflag:s23] =	ssyncadd.s32 $0xFFFFF000;
	s9 =	sadd.s32 s6, s15  }
0x8f: {  	[hbm4b:s9+s2] =	stream.linear.scatter [tilespmem:s16], [sflag:$0xF], $0x1000, $0x38;
	[tilespmem:$0x9400] =	vst v63  }
0x90: {  	_ =	swait.ge [sflag:s24], $0x1000  }
0x91: {  	[sflag:s24] =	ssyncset.done $0x0  }
0x92: {  	s4 =	sadd.s32 $0xE00, s4;
	[sflag:s24] =	ssyncadd.s32 $0xFFFFF000  }
0x93: {  	[hbm4b:s4+s2] =	stream.linear.scatter [tilespmem:s17], [sflag:$0x10], $0x1000, $0x38;
	[tilespmem:$0x9400] =	vst v63  }
0x94: {  	_ =	swait.ge [sflag:s25], $0x1000  }
0x95: {  	[sflag:s25] =	ssyncset.done $0x0  }
0x96: {  	[sflag:s25] =	ssyncadd.s32 $0xFFFFF000  }
0x97: {  	_ =	swait.ge [sflag:s26], $0x1000  }
0x98: {  	[sflag:s26] =	ssyncset.done $0x0  }
0x99: {  	[sflag:s26] =	ssyncadd.s32 $0xFFFFF000  }
0x9a: {  	_ =	swait.ge [sflag:s28], $0x1000  }
0x9b: {  	[sflag:s28] =	ssyncset.done $0x0  }
0x9c: {  	[sflag:s28] =	ssyncadd.s32 $0xFFFFF000  }
0x9d: {  	_ =	swait.ge [sflag:s29], $0x1000  }
0x9e: {  	[sflag:s29] =	ssyncset.done $0x0  }
0x9f: {  	[sflag:s29] =	ssyncadd.s32 $0xFFFFF000  }
0xa0: {  	_ =	swait.ge [sflag:s30], $0x1000  }
0xa1: {  	[sflag:s30] =	ssyncset.done $0x0  }
0xa2: {  	[sflag:s30] =	ssyncadd.s32 $0xFFFFF000  }
0xa3: {  	_ =	swait.ge [sflag:s31], $0x1000  }
0xa4: {  	[sflag:s31] =	ssyncset.done $0x0  }
0xa5: {  	[sflag:s31] =	ssyncadd.s32 $0xFFFFF000  }
.Ltmp0:
0xa6: {  	_ =	swait.ge [sflag:s0], $0x1000;
	(pc) =	sbr.rel @p0 .LBB2_2-.Ltmp0, $4  }
0xa7: {  	[sflag:s0] =	ssyncset.done $0x0  }
0xa8: {  	[sflag:s0] =	ssyncadd.s32 $0xFFFFF000  }
0xa9: {  	_ =	swait.ge [sflag:s1], $0x1000  }
0xaa: {  	s6 =	smov.u32 s5;
	s4 =	smov.u32 s7;
	[sflag:s1] =	ssyncset.done $0x0  }
0xab: {  	s4 =	sshra.s32 s6, $0x2;
	[sflag:s1] =	ssyncadd.s32 $0xFFFFF000;
	s7 =	simm.s32 $0x1400  }
0xac: {  	[tilespmem:s7], [sflag:$0x1] =	stream.indirect.gather [hbm4b:s3+s8], $0x20, s4, s8, $0xb8;
	[tilespmem:$0x9400] =	vst v63  }
0xad: {  	s9 =	simm.s32 $0x2400;
	s5 =	sadd.s32 $0x80, s4  }
0xae: {  	[tilespmem:s9], [sflag:$0x2] =	stream.indirect.gather [hbm4b:s3+s8], $0x20, s5, s8, $0xb8;
	[tilespmem:$0x9400] =	vst v63  }
0xaf: {  	s10 =	simm.s32 $0x3400;
	s11 =	sadd.s32 $0x100, s4  }
0xb0: {  	[tilespmem:s10], [sflag:$0x3] =	stream.indirect.gather [hbm4b:s3+s8], $0x20, s11, s8, $0xb8;
	[tilespmem:$0x9400] =	vst v63  }
0xb1: {  	s12 =	sadd.s32 $0x180, s4;
	s11 =	simm.s32 $0x4400  }
0xb2: {  	[tilespmem:s11], [sflag:$0x4] =	stream.indirect.gather [hbm4b:s3+s8], $0x20, s12, s8, $0xb8;
	[tilespmem:$0x9400] =	vst v63  }
0xb3: {  	s13 =	sadd.s32 $0x200, s4;
	s12 =	simm.s32 $0x5400  }
0xb4: {  	[tilespmem:s12], [sflag:$0x5] =	stream.indirect.gather [hbm4b:s3+s8], $0x20, s13, s8, $0xb8;
	[tilespmem:$0x9400] =	vst v63  }
0xb5: {  	s14 =	sadd.s32 $0x280, s4;
	s13 =	simm.s32 $0x6400  }
0xb6: {  	[tilespmem:s13], [sflag:$0x6] =	stream.indirect.gather [hbm4b:s3+s8], $0x20, s14, s8, $0xb8;
	[tilespmem:$0x9400] =	vst v63  }
0xb7: {  	s15 =	sadd.s32 $0x300, s4;
	s14 =	simm.s32 $0x7400  }
0xb8: {  	[tilespmem:s14], [sflag:$0x7] =	stream.indirect.gather [hbm4b:s3+s8], $0x20, s15, s8, $0xb8;
	[tilespmem:$0x9400] =	vst v63  }
0xb9: {  	s4 =	sadd.s32 $0x380, s4;
	s5 =	simm.s32 $0x1;
	s15 =	simm.s32 $0x8400  }
0xba: {  	[tilespmem:s15], [sflag:$0x8] =	stream.indirect.gather [hbm4b:s3+s8], $0x20, s4, s8, $0xb8;
	[tilespmem:$0x9400] =	vst v63  }
0xbb: {  	_ =	swait.ge [sflag:s5], $0x1000  }
0xbc: {  	s4 =	rddreg [dreg:$0x5];
	[sflag:s5] =	ssyncset.done $0x0  }
0xbd: {  	[sflag:s5] =	ssyncadd.s32 $0xFFFFF000;
	s4 =	sadd.s32 s6, s4  }
0xbe: {  	[hbm4b:s4+s2] =	stream.linear.scatter [tilespmem:s7], [sflag:$0x9], $0x1000, $0x38;
	[tilespmem:$0x9400] =	vst v63  }
0xbf: {  	_ =	swait.ge [sflag:s18], $0x1000  }
0xc0: {  	s5 =	rddreg [dreg:$0x6]  }
0xc1: {  	[sflag:s18] =	ssyncset.done $0x0;
	s4 =	sadd.s32 s6, s5  }
0xc2: {  	[sflag:s18] =	ssyncadd.s32 $0xFFFFF000;
	s7 =	sadd.s32 $0x200, s4  }
0xc3: {  	[hbm4b:s7+s2] =	stream.linear.scatter [tilespmem:s9], [sflag:$0xA], $0x1000, $0x38;
	[tilespmem:$0x9400] =	vst v63  }
0xc4: {  	_ =	swait.ge [sflag:s19], $0x1000  }
0xc5: {  	s9 =	rddreg [dreg:$0x4];
	[sflag:s19] =	ssyncset.done $0x0  }
0xc6: {  	[sflag:s19] =	ssyncadd.s32 $0xFFFFF000;
	s5 =	sadd.s32 s6, s9  }
0xc7: {  	[hbm4b:s5+s2] =	stream.linear.scatter [tilespmem:s10], [sflag:$0xB], $0x1000, $0x38;
	[tilespmem:$0x9400] =	vst v63  }
0xc8: {  	_ =	swait.ge [sflag:s20], $0x1000  }
0xc9: {  	[sflag:s20] =	ssyncset.done $0x0  }
0xca: {  	s10 =	sadd.s32 $0x600, s4;
	[sflag:s20] =	ssyncadd.s32 $0xFFFFF000  }
0xcb: {  	[hbm4b:s10+s2] =	stream.linear.scatter [tilespmem:s11], [sflag:$0xC], $0x1000, $0x38;
	[tilespmem:$0x9400] =	vst v63  }
0xcc: {  	_ =	swait.ge [sflag:s21], $0x1000  }
0xcd: {  	s11 =	rddreg [dreg:$0x3];
	[sflag:s21] =	ssyncset.done $0x0  }
0xce: {  	[sflag:s21] =	ssyncadd.s32 $0xFFFFF000;
	s5 =	sadd.s32 s6, s11  }
0xcf: {  	[hbm4b:s5+s2] =	stream.linear.scatter [tilespmem:s12], [sflag:$0xD], $0x1000, $0x38;
	[tilespmem:$0x9400] =	vst v63  }
0xd0: {  	_ =	swait.ge [sflag:s22], $0x1000  }
0xd1: {  	[sflag:s22] =	ssyncset.done $0x0  }
0xd2: {  	s12 =	sadd.s32 $0xA00, s4;
	[sflag:s22] =	ssyncadd.s32 $0xFFFFF000  }
0xd3: {  	[hbm4b:s12+s2] =	stream.linear.scatter [tilespmem:s13], [sflag:$0xE], $0x1000, $0x38;
	[tilespmem:$0x9400] =	vst v63  }
0xd4: {  	_ =	swait.ge [sflag:s23], $0x1000  }
0xd5: {  	s13 =	rddreg [dreg:$0x2];
	[sflag:s23] =	ssyncset.done $0x0  }
0xd6: {  	s5 =	sadd.s32 s6, s13;
	[sflag:s23] =	ssyncadd.s32 $0xFFFFF000  }
0xd7: {  	[hbm4b:s5+s2] =	stream.linear.scatter [tilespmem:s14], [sflag:$0xF], $0x1000, $0x38;
	[tilespmem:$0x9400] =	vst v63  }
0xd8: {  	_ =	swait.ge [sflag:s24], $0x1000  }
0xd9: {  	[sflag:s24] =	ssyncset.done $0x0  }
0xda: {  	s4 =	sadd.s32 $0xE00, s4;
	[sflag:s24] =	ssyncadd.s32 $0xFFFFF000  }
0xdb: {  	[hbm4b:s4+s2] =	stream.linear.scatter [tilespmem:s15], [sflag:$0x10], $0x1000, $0x38;
	[tilespmem:$0x9400] =	vst v63  }
0xdc: {  	_ =	swait.ge [sflag:s25], $0x1000  }
0xdd: {  	[sflag:s25] =	ssyncset.done $0x0  }
0xde: {  	[sflag:s25] =	ssyncadd.s32 $0xFFFFF000  }
0xdf: {  	_ =	swait.ge [sflag:s26], $0x1000  }
0xe0: {  	[sflag:s26] =	ssyncset.done $0x0  }
0xe1: {  	[sflag:s26] =	ssyncadd.s32 $0xFFFFF000  }
0xe2: {  	_ =	swait.ge [sflag:s28], $0x1000  }
0xe3: {  	[sflag:s28] =	ssyncset.done $0x0  }
0xe4: {  	[sflag:s28] =	ssyncadd.s32 $0xFFFFF000  }
0xe5: {  	_ =	swait.ge [sflag:s29], $0x1000  }
0xe6: {  	[sflag:s29] =	ssyncset.done $0x0  }
0xe7: {  	[sflag:s29] =	ssyncadd.s32 $0xFFFFF000  }
0xe8: {  	_ =	swait.ge [sflag:s30], $0x1000  }
0xe9: {  	[sflag:s30] =	ssyncset.done $0x0  }
0xea: {  	[sflag:s30] =	ssyncadd.s32 $0xFFFFF000  }
0xeb: {  	_ =	swait.ge [sflag:s31], $0x1000  }
0xec: {  	[sflag:s31] =	ssyncset.done $0x0  }
0xed: {  	[sflag:s31] =	ssyncadd.s32 $0xFFFFF000  }
0xee: {  	_ =	swait.ge [sflag:s0], $0x1000  }
0xef: {  	[sflag:s0] =	ssyncset.done $0x0  }
0xf0: {  	[sflag:s0] =	ssyncadd.s32 $0xFFFFF000  }
0xf1: {  	_ =	swait.ge [sflag:s1], $0x1000  }
0xf2: {  	s14 =	rddreg [dreg:$0x9]  }
0xf3: {  	s15 =	rddreg [dreg:$0x8];
	s5 =	sadd.s32 $0x1, s14  }
0xf4: {  	p0 =	sne.s32 s5, s15  }
.Ltmp1:
0xf5: {  	_ = 	snop;
	(pc) =	sbr.rel @p0 .LBB2_1-.Ltmp1, $3  }
0xf6: {  	_ =	sdelay $0x1  }
0xf7: {  	[sflag:s1] =	ssyncset.done $0x0  }
0xf8: {  	[sflag:s1] =	ssyncadd.s32 $0xFFFFF000  }
0xf9: {  	_ =	sfence.sel $0x180000  }
0xfa: {  	[bflag:$0x0] =	sbarrier.arrive $0xFFFF  }
0xfb: {  	_ =	strace $0x9000004D  }
0xfc: {  	s0 =	stileid.u32;
	[bflag:$0x2] =	sbarrier.arrive $0xFFFF  }
0xfd: {  	p0 =	sne.s32 s0, $0x0;
	s0 =	rddreg [dreg:$0x1]  }
0xfe: {  	s0 =	sadd.s32 @!p0 $0x100000, s0  }
0xff: {  	[sflag:s0] =	ssyncadd.tile.s32 @!p0 $0x1;
	_ =	shalt  }
.Lfunc_end2:
_tile_overlayer_lowered:
.L_overlay_start_2:
0x100: {  	(tag) =	ssettag $0x2  }
0x101: {  	s0 =	rddreg [dreg:$0x0];
	s2 =	stileid.u32  }
0x102: {  	s1 =	rddreg [dreg:$0x1];
	p0 =	sne.s32 s2, $0x0  }
0x103: {  	s3 =	rddreg [dreg:$0x2];
	[bflag:$0x3] =	sbarrier.arrive $0xFFFF;
	s2 =	simm.s32 @!p0 $0x1C11  }
0x104: {  	[timem:s3], [sflag:s2] =	dma.local @!p0 [hbm:s0], s1  }
0x105: {  	s0 =	simm.s32 @!p0 $0x11  }
0x106: {  	_ =	swait.ge @!p0 [sflag:s0], s1  }
0x107: {  	s1 =	ssub.s32 @!p0 $0x0, s1;
	[sflag:s0] =	ssyncset.done @!p0 $0x0  }
0x108: {  	[sflag:s0] =	ssyncadd.s32 @!p0 s1  }
0x109: {  	[bflag:$0x3] =	sbarrier.arrive $0xFFFF  }
0x10a: {  	_ =	shalt  }

// kernel: kernel.21.cloned.1.call-start
scs
__scs_entry_jumppad:
0x0: {  	(pc) =	sbr.rel $0x88, $3  }
0x1: {  	(tag) =	ssettag $0x0;
	lr =	simm.s32 $0x1  }
0x2: {  	[smem:$0x3F90] =	sst lr;
	_ =	strace $0xD0000000  }
0x3: {  	_ = 	snop  }
0x4: {  	_ = 	snop  }
0x5: {  	_ = 	snop  }
0x6: {  	_ = 	snop  }
0x7: {  	_ = 	snop  }
__scs_overlays_trampoline_lowered:
0x8: {  	[smem:$0x3F9F] =	sst s0  }
0x9: {  	[smem:$0x3FA0] =	sst s1  }
0xa: {  	[smem:$0x3FA1] =	sst s2  }
0xb: {  	[smem:$0x3FA2] =	sst s3  }
0xc: {  	[smem:$0x3FA3] =	sst s4  }
0xd: {  	[smem:$0x3FA4] =	sst s5  }
0xe: {  	[smem:$0x3FA5] =	sst s6  }
0xf: {  	[smem:$0x3FA6] =	sst s7  }
0x10: {  	[smem:$0x3FA7] =	sst s8  }
0x11: {  	[smem:$0x3FA8] =	sst s9;
	s0 =	simm.s32 @!p0 $0x0  }
0x12: {  	s1 =	sld [smem:$0x3F8E];
	s0 =	simm.s32 @p0 $0x1  }
0x13: {  	[smem:$0x3FA9] =	sst s0;
	s0 =	simm.s32 @!p1 $0x0  }
0x14: {  	s2 =	sld [smem:$0x3F8D];
	s0 =	simm.s32 @p1 $0x1  }
0x15: {  	[smem:$0x3FAA] =	sst s0;
	s0 =	simm.s32 @!p2 $0x0  }
0x16: {  	s3 =	sld [smem:$0x3FDB];
	s0 =	simm.s32 @p2 $0x1  }
0x17: {  	s4 =	simm.s32 $0x1BF5;
	[smem:$0x3FAC] =	sst s0  }
0x18: {  	s0 =	sld [smem:$0x3F8F];
	_ =	swait.ge [sflag:s4], $0x0  }
0x19: {  	s7 =	sld [smem:$0x3F90]  }
0x1a: {  	s8 =	sadd.s32 $0xFFFFE003, lr  }
0x1b: {  	s9 =	sadd.s32 $0xFFFFFEF7, lr;
	s5 =	simm.s32 $0xFFFFFFFF;
	p2 =	slt.u32 s8, $0xFFFFF086  }
0x1c: {  	p1 =	slt.u32 s9, $0xF7A;
	s5 =	simm.s32 @!p2 $0x0  }
0x1d: {  	s5 =	simm.s32 @p1 $0x1;
	p0 =	seq.s32 s7, s2  }
0x1e: {  	s7 =	smul.u32 @!p0 $0xF7A, s2;
	p2 =	seq.s32 @!p0 s5, $0x0  }
0x1f: {  	s9 =	smul.u32 $0xF7A, s1;
	s8 =	simm.s32 @!p0 $0x1BF5;
	p2 =	por !p2, p0  }
0x20: {  	[sflag:s8] =	ssyncset.s32 @!p0 $0xFFFFF086;
	s6 =	sadd.s32 @!p0 s3, s7;
	s7 =	simm.s32 @!p0 $0x108  }
0x21: {  	s3 =	sadd.s32 s3, s9;
	s6 =	sadd.s32 @!p0 $0x88, s6;
	s7 =	simm.s32 @p2 $0x1082  }
0x22: {  	[simem:s7], [sflag:s8] =	dma.local @!p0 [hbm:s6], $0xF7A  }
0x23: {  	s9 =	sor.u32 $0xD0000000, s2;
	s6 =	simm.s32 $0x108;
	_ =	swait.ge @!p0 [sflag:s8], $0x0  }
0x24: {  	s3 =	sadd.s32 $0x88, s3;
	s6 =	simm.s32 @!p1 $0x1082;
	[sflag:s4] =	ssyncset.s32 $0xFFFFF086  }
0x25: {  	[simem:s6], [sflag:s4] =	dma.local [hbm:s3], $0xF7A  }
0x26: {  	[smem:$0x3F90] =	sst s1;
	(tag) =	ssettag s2;
	_ =	strace s9  }
0x27: {  	s1 =	sld [smem:$0x3FA0]  }
0x28: {  	s2 =	sld [smem:$0x3FA1]  }
0x29: {  	s4 =	sld [smem:$0x3FA3]  }
0x2a: {  	p0 =	seq.s32 s5, $0x0;
	s5 =	sld [smem:$0x3FA4]  }
0x2b: {  	s6 =	sld [smem:$0x3FA5]  }
0x2c: {  	s7 =	sld [smem:$0x3FA6]  }
0x2d: {  	s3 =	simm.s32 $0x108;
	s8 =	sld [smem:$0x3FA7]  }
0x2e: {  	s3 =	simm.s32 @!p0 $0x1082;
	s9 =	sld [smem:$0x3FA8]  }
0x2f: {  	lr =	sadd.s32 s0, s3;
	s0 =	sld [smem:$0x3F9F]  }
0x30: {  	s3 =	sld [smem:$0x3FA2]  }
0x31: {  	[smem:$0x3FAB] =	sst s10  }
0x32: {  	s10 =	sld [smem:$0x3FA9];
	_ =	sdelay $0x3  }
0x33: {  	p0 =	seq.s32 s10, $0x1;
	s10 =	sld [smem:$0x3FAB];
	_ =	sdelay $0x3  }
0x34: {  	[smem:$0x3FAB] =	sst s10  }
0x35: {  	s10 =	sld [smem:$0x3FAA];
	_ =	sdelay $0x3  }
0x36: {  	p1 =	seq.s32 s10, $0x1;
	s10 =	sld [smem:$0x3FAB];
	_ =	sdelay $0x3  }
0x37: {  	[smem:$0x3FAB] =	sst s10  }
0x38: {  	s10 =	sld [smem:$0x3FAC]  }
0x39: {  	_ = 	snop;
	(pc) =	sbr.ind lr, $3  }
0x3a: {  	_ = 	snop  }
0x3b: {  	_ = 	snop  }
0x3c: {  	p2 =	seq.s32 s10, $0x1;
	s10 =	sld [smem:$0x3FAB]  }
0x3d: {  	_ =	shalt  }
0x3e: {  	_ =	shalt  }
0x3f: {  	_ =	shalt  }
0x40: {  	_ =	shalt  }
0x41: {  	_ =	shalt  }
0x42: {  	_ =	shalt  }
0x43: {  	_ =	shalt  }
0x44: {  	_ =	shalt  }
0x45: {  	_ =	shalt  }
0x46: {  	_ =	shalt  }
0x47: {  	_ =	shalt  }
0x48: {  	_ =	shalt  }
0x49: {  	_ =	shalt  }
0x4a: {  	_ =	shalt  }
0x4b: {  	_ =	shalt  }
0x4c: {  	_ =	shalt  }
0x4d: {  	_ =	shalt  }
0x4e: {  	_ =	shalt  }
0x4f: {  	_ =	shalt  }
0x50: {  	_ =	shalt  }
0x51: {  	_ =	shalt  }
0x52: {  	_ =	shalt  }
0x53: {  	_ =	shalt  }
0x54: {  	_ =	shalt  }
0x55: {  	_ =	shalt  }
0x56: {  	_ =	shalt  }
0x57: {  	_ =	shalt  }
0x58: {  	_ =	shalt  }
0x59: {  	_ =	shalt  }
0x5a: {  	_ =	shalt  }
0x5b: {  	_ =	shalt  }
0x5c: {  	_ =	shalt  }
0x5d: {  	_ =	shalt  }
0x5e: {  	_ =	shalt  }
0x5f: {  	_ =	shalt  }
0x60: {  	_ =	shalt  }
0x61: {  	_ =	shalt  }
0x62: {  	_ =	shalt  }
0x63: {  	_ =	shalt  }
0x64: {  	_ =	shalt  }
0x65: {  	_ =	shalt  }
0x66: {  	_ =	shalt  }
0x67: {  	_ =	shalt  }
0x68: {  	_ =	shalt  }
0x69: {  	_ =	shalt  }
0x6a: {  	_ =	shalt  }
0x6b: {  	_ =	shalt  }
0x6c: {  	_ =	shalt  }
0x6d: {  	_ =	shalt  }
0x6e: {  	_ =	shalt  }
0x6f: {  	_ =	shalt  }
0x70: {  	_ =	shalt  }
0x71: {  	_ =	shalt  }
0x72: {  	_ =	shalt  }
0x73: {  	_ =	shalt  }
0x74: {  	_ =	shalt  }
0x75: {  	_ =	shalt  }
0x76: {  	_ =	shalt  }
0x77: {  	_ =	shalt  }
0x78: {  	_ =	shalt  }
0x79: {  	_ =	shalt  }
0x7a: {  	_ =	shalt  }
0x7b: {  	_ =	shalt  }
0x7c: {  	_ =	shalt  }
0x7d: {  	_ =	shalt  }
0x7e: {  	_ =	shalt  }
0x7f: {  	_ =	shalt  }
0x80: {  	_ =	shalt  }
0x81: {  	_ =	shalt  }
0x82: {  	_ =	shalt  }
0x83: {  	_ =	shalt  }
0x84: {  	_ =	shalt  }
0x85: {  	_ =	shalt  }
0x86: {  	_ =	shalt  }
0x87: {  	_ =	shalt  }
.Lfunc_end0:
.L_simem_size_0:
called_computation.3_lowered:
.L_overlay_start_0:
0x88: {  	s2 =	sld [smem:$0x3FD9]  }
0x89: {  	s3 =	sld [smem:$0x3FFE];
	_ =	sdelay $0x1  }
0x8a: {  	s1 =	srdreg.scid  }
0x8b: {  	s0 =	sand.u32 $0x1, s1  }
0x8c: {  	s16 =	sshll.u32 s0, $0xA;
	s2 =	sadd.s32 s3, s2  }
0x8d: {  	s2 =	sadd.s32 s2, s16  }
0x8e: {  	[smem:$0x3FB7] =	sst s2  }
0x8f: {  	_ = 	snop  }
0x90: {  	(tm) =	ssettm $0x1  }
0x91: {  	s17 =	sld [smem:$0x3FFB];
	_ =	sdelay $0x3  }
0x92: {  	_ =	strace s17  }
0x93: {  	s2 =	sld [smem:$0x3FFC];
	_ =	sdelay $0x3  }
0x94: {  	_ =	strace s2  }
0x95: {  	s2 =	sld [smem:$0x3FFD];
	_ =	sdelay $0x3  }
0x96: {  	_ =	strace s2  }
0x97: {  	_ =	strace $0x8FFFFFFF  }
0x98: {  	s18 =	sld [smem:$0x3FDB];
	_ =	sdelay $0x1  }
0x99: {  	s19 =	simm.s32 $_scs_section_size  }
0x9a: {  	s4 =	simm.s32 $_size__tile_overlayer_lowered;
	s5 =	simm.s32 $_tile_overlayer_lowered  }
0x9b: {  	s22 =	simm.s32 $0x1BFF;
	s21 =	sshll.u32 s5, $0x1;
	s2 =	sadd.s32 s19, s18  }
0x9c: {  	s6 =	simm.s32 $0x0;
	s20 =	sshll.u32 s4, $0x1;
	s4 =	sadd.s32 s21, s2  }
0x9d: {  	[timem:s6], [sflag:s22] =	dma.local [hbm:s4], s20  }
0x9e: {  	_ =	swait.ge [sflag:s22], s20  }
0x9f: {  	s3 =	ssub.s32 $0x0, s20;
	[sflag:s22] =	ssyncset.done $0x0  }
0xa0: {  	[sflag:s22] =	ssyncadd.s32 s3;
	_ =	sdelay $0x1  }
0xa1: {  	s23 =	simm.s32 $0x1B8B  }
0xa2: {  	_ =	swait.ge [sflag:s23], $0x1  }
0xa3: {  	[sflag:s23] =	ssyncset.done $0x0  }
0xa4: {  	s25 =	simm.s32 $0x1B8E;
	s24 =	sld [smem:$0x3FFE];
	[sflag:s23] =	ssyncadd.s32 $0xFFFFFFFF  }
0xa5: {  	s26 =	simm.s32 $execute0_lowered;
	[smem:$0x3FD2] =	sst s25  }
0xa6: {  	s4 =	sshll.u32 s26, $0x1;
	_ =	strace $0x8000004F;
	[dreg:$0x1] =	wrdreg $0xFFFFFFFF  }
0xa7: {  	s28 =	simm.s32 $_size_execute0_lowered;
	s2 =	sadd.s32 s2, s4;
	[dreg:$0x0] =	wrdreg $0x0  }
0xa8: {  	s4 =	sshll.u32 s28, $0x1;
	[dreg:$0x2] =	wrdreg s2  }
0xa9: {  	[dreg:$0x3] =	wrdreg s4  }
0xaa: {  	[dreg:$0x4] =	wrdreg $0xC0  }
0xab: {  	_ =	task [dreg:s6], $0x5FFFF  }
0xac: {  	[dreg:$0x1] =	wrdreg $0xFFFFFFFF  }
0xad: {  	[dreg:$0x0] =	wrdreg $0x60  }
0xae: {  	[dreg:$0x2] =	wrdreg s24  }
0xaf: {  	[dreg:$0x3] =	wrdreg $0x0  }
0xb0: {  	[dreg:$0x4] =	wrdreg $0x9  }
0xb1: {  	_ =	task.clear_ibuf [dreg:s6], $0x5FFFF;
	_ =	strace $0x9000004F  }
0xb2: {  	s29 =	simm.s32 $0x9;
	_ =	strace $0x80000051  }
0xb3: {  	_ =	swait.ge [sflag:s29], $0x1  }
0xb4: {  	[sflag:s29] =	ssyncadd.s32 $0xFFFFFFFF  }
0xb5: {  	_ =	strace $0x90000051  }
0xb6: {  	_ =	sfence  }
0xb7: {  	s30 =	sld [smem:$0x0];
	_ =	sdelay $0x2  }
0xb8: {  	s31 =	sshll.u32 s1, $0xD;
	s1 =	sshrl.u32 s1, $0x2  }
0xb9: {  	s3 =	sand.u32 $0x4000, s31;
	s1 =	sadd.s32 s1, s30  }
0xba: {  	s0 =	sor.u32 s3, s0;
	s1 =	sshll.u32 s1, $0x11  }
0xbb: {  	s0 =	sor.u32 s1, s0  }
0xbc: {  	s0 =	sadd.s32 $0x8F2B, s0  }
0xbd: {  	[sflag:s0] =	ssyncadd.remote.s32 $0x1  }
0xbe: {  	_ =	sfence.sel $0xFFFF  }
0xbf: {  	[dreg:$0x0] =	wrdreg $0xFFFFFFFF;
	(pc) =	sbr.abs _section_cstart, $3  }
0xc0: {  	[dreg:$0x1] =	wrdreg $0xFFFFFFFF  }
0xc1: {  	_ =	task.clear_ibuf [dreg:s6], $0x2FFFF;
	_ =	strace $0x9FFFFFFF  }
0xc2: {  	(tm) =	ssettm $0x7FFFFFFF  }
0xc3: {  	_ =	shalt  }
tec
execute0_lowered:
.L_overlay_start_1:
0x0: {  	(tag) =	ssettag $0x1  }
0x1: {  	s0 =	srdreg.scid;
	s4 =	rddreg [dreg:$0x0]  }
0x2: {  	s13 =	stileid.u32;
	s2 =	rddreg [dreg:$0x1]  }
0x3: {  	s3 =	simm.s32 $0x0;
	s14 =	simm.s32 $0x7240;
	s6 =	smul.u32 $0x4E40, s13  }
0x4: {  	s15 =	simm.s32 $0x8240;
	s16 =	simm.s32 $0x9240;
	s5 =	smul.u32 $0x9C8, s13  }
0x5: {  	s28 =	simm.s32 $0x6;
	s29 =	simm.s32 $0x7;
	s8 =	smul.u32 $0x50, s13  }
0x6: {  	s30 =	simm.s32 $0x8;
	s0 =	sand.u32 $0x1, s0;
	s23 =	smul.u32 $0xA000, s13  }
0x7: {  	s31 =	simm.s32 $0x0;
	s1 =	sshll.u32 s13, $0x1;
	s7 =	smul.u32 $0x9C80, s0  }
0x8: {  	[smem:$0x7FF] =	sst s3;
	s11 =	sadd.s32 $0xDF400, s4;
	s10 =	smul.u32 $0x28, s0  }
0x9: {  	s1 =	sor.u32 s0, s1;
	s17 =	ssub.s32 $0x2, s0;
	s0 =	smul.u32 $0x5000, s0  }
0xa: {  	s13 =	simm.s32 $0x6240;
	_ =	strace $0x80000050;
	s1 =	smul.u32 $0x280, s1  }
0xb: {  	s9 =	sshrl.u32 s6, $0x3;
	s19 =	sshrl.u32 s17, $0x1;
	s6 =	sadd.s32 s6, s2  }
0xc: {  	s9 =	sadd.s32 s9, s4;
	s5 =	sadd.s32 s5, s7;
	s8 =	sadd.s32 s10, s8  }
0xd: {  	s12 =	ssub.s32 s17, s19;
	s10 =	simm.s32 $0xE240;
	s17 =	simm.s32 $0xA240  }
0xe: {  	s19 =	simm.s32 $0xC240;
	s1 =	sadd.s32 s1, s4;
	s18 =	sadd.s32 s5, s4  }
0xf: {  	s20 =	sshll.u32 s8, $0x9;
	s21 =	sadd.s32 $0x2B600, s9;
	s8 =	sadd.s32 s23, s11  }
0x10: {  	s9 =	smax.u32 s12, $0x1;
	[dreg:$0x7] =	wrdreg s21;
	s1 =	sadd.s32 $0xDA400, s1  }
0x11: {  	s23 =	simm.s32 $0x2;
	s26 =	sadd.s32 $0x4400, s18;
	[dreg:$0x8] =	wrdreg s1  }
0x12: {  	s5 =	sadd.s32 s20, s11;
	s0 =	sadd.s32 s0, s8;
	[dreg:$0x9] =	wrdreg s26  }
0x13: {  	s11 =	simm.s32 $0x9;
	s22 =	sadd.s32 $0xC00, s5;
	[dreg:$0x6] =	wrdreg s0  }
0x14: {  	s18 =	simm.s32 $0xB240;
	s24 =	sadd.s32 $0x800, s5;
	[dreg:$0x3] =	wrdreg s22  }
0x15: {  	s20 =	simm.s32 $0xD240;
	s25 =	sadd.s32 $0x400, s5;
	[dreg:$0x4] =	wrdreg s24  }
0x16: {  	s21 =	simm.s32 $0x1;
	s26 =	simm.s32 $0x5;
	[dreg:$0x5] =	wrdreg s25  }
0x17: {  	s22 =	simm.s32 $0x80;
	s24 =	simm.s32 $0x3;
	s25 =	simm.s32 $0x4  }
.LBB2_1:
0x18: {  	s0 =	rddreg [dreg:$0x7]  }
0x19: {  	[tilespmem:s10], [sflag:$0x9] =	stream.linear.gather [hbm4b:s0+s3], $0x4E40, $0x38;
	[tilespmem:$0x13080] =	vst v63  }
0x1a: {  	_ =	swait.ge [sflag:s11], $0x4E40  }
0x1b: {  	[sflag:s11] =	ssyncset.done $0x0  }
0x1c: {  	[sflag:s11] =	ssyncadd.s32 $0xFFFFB1C0  }
0x1d: {  	[spmem:s6] =	stream.linear.scatter [tilespmem:s10], [sflag:$0x9], $0x4E40, $0x38;
	[tilespmem:$0x13080] =	vst v63  }
0x1e: {  	_ =	swait.ge [sflag:s11], $0x4E40  }
0x1f: {  	[sflag:s11] =	ssyncset.done $0x0  }
0x20: {  	s1 =	simm.s32 $0x4E40;
	s4 =	rddreg [dreg:$0x8];
	[sflag:s11] =	ssyncadd.s32 $0xFFFFB1C0  }
0x21: {  	[tilespmem:s1], [sflag:$0x9] =	stream.linear.gather [hbm4b:s4+s3], $0x1400, $0x38;
	[tilespmem:$0x13080] =	vst v63  }
0x22: {  	_ =	swait.ge [sflag:s11], $0x1400  }
0x23: {  	[sflag:s11] =	ssyncset.done $0x0  }
0x24: {  	[sflag:s11] =	ssyncadd.s32 $0xFFFFEC00  }
0x25: {  	[bflag:$0x0] =	sbarrier.arrive $0xFFFF  }
0x26: {  	s7 =	rddreg [dreg:$0x6]  }
0x27: {  	s1 =	sadd.s32 $0x0, s5;
	s0 =	sadd.s32 $0x0, s7  }
0x28: {  	[tilespmem:s13], [sflag:$0x1] =	stream.linear.gather [hbm4b:s0+s3], $0x1000, $0x38;
	[tilespmem:$0x13080] =	vst v63  }
0x29: {  	s8 =	sadd.s32 $0x200, s1;
	s12 =	rddreg [dreg:$0x5]  }
0x2a: {  	[tilespmem:s14], [sflag:$0x2] =	stream.linear.gather [hbm4b:s8+s3], $0x1000, $0x38;
	[tilespmem:$0x13080] =	vst v63  }
0x2b: {  	s4 =	sadd.s32 $0x0, s12  }
0x2c: {  	[tilespmem:s15], [sflag:$0x3] =	stream.linear.gather [hbm4b:s4+s3], $0x1000, $0x38;
	[tilespmem:$0x13080] =	vst v63  }
0x2d: {  	s7 =	rddreg [dreg:$0x4];
	s8 =	sadd.s32 $0x600, s1  }
0x2e: {  	[tilespmem:s16], [sflag:$0x4] =	stream.linear.gather [hbm4b:s8+s3], $0x1000, $0x38;
	[tilespmem:$0x13080] =	vst v63  }
0x2f: {  	s4 =	sadd.s32 $0x0, s7  }
0x30: {  	[tilespmem:s17], [sflag:$0x5] =	stream.linear.gather [hbm4b:s4+s3], $0x1000, $0x38;
	[tilespmem:$0x13080] =	vst v63  }
0x31: {  	s7 =	rddreg [dreg:$0x3];
	s8 =	sadd.s32 $0xA00, s1  }
0x32: {  	[tilespmem:s18], [sflag:$0x6] =	stream.linear.gather [hbm4b:s8+s3], $0x1000, $0x38;
	[tilespmem:$0x13080] =	vst v63  }
0x33: {  	s12 =	sadd.s32 $0x0, s7  }
0x34: {  	[tilespmem:s19], [sflag:$0x7] =	stream.linear.gather [hbm4b:s12+s3], $0x1000, $0x38;
	[tilespmem:$0x13080] =	vst v63  }
0x35: {  	s4 =	sadd.s32 $0xE00, s1  }
0x36: {  	[tilespmem:s20], [sflag:$0x8] =	stream.linear.gather [hbm4b:s4+s3], $0x1000, $0x38;
	[tilespmem:$0x13080] =	vst v63  }
0x37: {  	_ =	swait.ge [sflag:s21], $0x1000  }
0x38: {  	[sflag:s21] =	ssyncset.done $0x0  }
0x39: {  	s7 =	simm.s32 $0x4E40;
	[sflag:s21] =	ssyncadd.s32 $0xFFFFF000  }
0x3a: {  	[spmem:s2] =	stream.indirect.scatter.add.f32 [tilespmem:s13], [sflag:$0x9], $0x20, s7, s22, $0xb8;
	[tilespmem:$0x13080] =	vst v63  }
0x3b: {  	_ =	swait.ge [sflag:s11], $0x1000  }
0x3c: {  	[sflag:s11] =	ssyncset.done $0x0  }
0x3d: {  	[sflag:s11] =	ssyncadd.s32 $0xFFFFF000  }
0x3e: {  	_ =	swait.ge [sflag:s23], $0x1000  }
0x3f: {  	[sflag:s23] =	ssyncset.done $0x0  }
0x40: {  	s8 =	simm.s32 $0x4EC0;
	[sflag:s23] =	ssyncadd.s32 $0xFFFFF000  }
0x41: {  	[spmem:s2] =	stream.indirect.scatter.add.f32 [tilespmem:s14], [sflag:$0x9], $0x20, s8, s22, $0xb8;
	[tilespmem:$0x13080] =	vst v63  }
0x42: {  	_ =	swait.ge [sflag:s11], $0x1000  }
0x43: {  	[sflag:s11] =	ssyncset.done $0x0  }
0x44: {  	[sflag:s11] =	ssyncadd.s32 $0xFFFFF000  }
0x45: {  	_ =	swait.ge [sflag:s24], $0x1000  }
0x46: {  	[sflag:s24] =	ssyncset.done $0x0  }
0x47: {  	s12 =	simm.s32 $0x4F40;
	[sflag:s24] =	ssyncadd.s32 $0xFFFFF000  }
0x48: {  	[spmem:s2] =	stream.indirect.scatter.add.f32 [tilespmem:s15], [sflag:$0x9], $0x20, s12, s22, $0xb8;
	[tilespmem:$0x13080] =	vst v63  }
0x49: {  	_ =	swait.ge [sflag:s11], $0x1000  }
0x4a: {  	[sflag:s11] =	ssyncset.done $0x0  }
0x4b: {  	[sflag:s11] =	ssyncadd.s32 $0xFFFFF000  }
0x4c: {  	_ =	swait.ge [sflag:s25], $0x1000  }
0x4d: {  	[sflag:s25] =	ssyncset.done $0x0  }
0x4e: {  	s1 =	simm.s32 $0x4FC0;
	[sflag:s25] =	ssyncadd.s32 $0xFFFFF000  }
0x4f: {  	[spmem:s2] =	stream.indirect.scatter.add.f32 [tilespmem:s16], [sflag:$0x9], $0x20, s1, s22, $0xb8;
	[tilespmem:$0x13080] =	vst v63  }
0x50: {  	_ =	swait.ge [sflag:s11], $0x1000  }
0x51: {  	[sflag:s11] =	ssyncset.done $0x0  }
0x52: {  	[sflag:s11] =	ssyncadd.s32 $0xFFFFF000  }
0x53: {  	_ =	swait.ge [sflag:s26], $0x1000  }
0x54: {  	[sflag:s26] =	ssyncset.done $0x0  }
0x55: {  	s4 =	simm.s32 $0x5040;
	[sflag:s26] =	ssyncadd.s32 $0xFFFFF000  }
0x56: {  	[spmem:s2] =	stream.indirect.scatter.add.f32 [tilespmem:s17], [sflag:$0x9], $0x20, s4, s22, $0xb8;
	[tilespmem:$0x13080] =	vst v63  }
0x57: {  	_ =	swait.ge [sflag:s11], $0x1000  }
0x58: {  	[sflag:s11] =	ssyncset.done $0x0  }
0x59: {  	[sflag:s11] =	ssyncadd.s32 $0xFFFFF000  }
0x5a: {  	_ =	swait.ge [sflag:s28], $0x1000  }
0x5b: {  	[sflag:s28] =	ssyncset.done $0x0  }
0x5c: {  	s7 =	simm.s32 $0x50C0;
	[sflag:s28] =	ssyncadd.s32 $0xFFFFF000  }
0x5d: {  	[spmem:s2] =	stream.indirect.scatter.add.f32 [tilespmem:s18], [sflag:$0x9], $0x20, s7, s22, $0xb8;
	[tilespmem:$0x13080] =	vst v63  }
0x5e: {  	_ =	swait.ge [sflag:s11], $0x1000  }
0x5f: {  	[sflag:s11] =	ssyncset.done $0x0  }
0x60: {  	[sflag:s11] =	ssyncadd.s32 $0xFFFFF000  }
0x61: {  	_ =	swait.ge [sflag:s29], $0x1000  }
0x62: {  	[sflag:s29] =	ssyncset.done $0x0  }
0x63: {  	s8 =	simm.s32 $0x5140;
	[sflag:s29] =	ssyncadd.s32 $0xFFFFF000  }
0x64: {  	[spmem:s2] =	stream.indirect.scatter.add.f32 [tilespmem:s19], [sflag:$0x9], $0x20, s8, s22, $0xb8;
	[tilespmem:$0x13080] =	vst v63  }
0x65: {  	_ =	swait.ge [sflag:s11], $0x1000  }
0x66: {  	[sflag:s11] =	ssyncset.done $0x0  }
0x67: {  	[sflag:s11] =	ssyncadd.s32 $0xFFFFF000  }
0x68: {  	_ =	swait.ge [sflag:s30], $0x1000  }
0x69: {  	[sflag:s30] =	ssyncset.done $0x0  }
0x6a: {  	s12 =	simm.s32 $0x51C0;
	[sflag:s30] =	ssyncadd.s32 $0xFFFFF000  }
0x6b: {  	[spmem:s2] =	stream.indirect.scatter.add.f32 [tilespmem:s20], [sflag:$0x9], $0x20, s12, s22, $0xb8;
	[tilespmem:$0x13080] =	vst v63  }
0x6c: {  	s0 =	simm.s32 $0x2000;
	_ =	swait.ge [sflag:s11], $0x1000  }
0x6d: {  	s1 =	simm.s32 $0x1000;
	s12 =	rddreg [dreg:$0x6];
	[sflag:s11] =	ssyncset.done $0x0  }
.LBB2_2:
0x6e: {  	[sflag:s11] =	ssyncadd.s32 $0xFFFFF000;
	s12 =	sadd.s32 s1, s12;
	s7 =	sadd.s32 s1, s5  }
0x6f: {  	[tilespmem:s13], [sflag:$0x1] =	stream.linear.gather [hbm4b:s12+s3], $0x1000, $0x38;
	[tilespmem:$0x13080] =	vst v63  }
0x70: {  	s8 =	rddreg [dreg:$0x5];
	s12 =	sadd.s32 $0x200, s7  }
0x71: {  	[tilespmem:s14], [sflag:$0x2] =	stream.linear.gather [hbm4b:s12+s3], $0x1000, $0x38;
	[tilespmem:$0x13080] =	vst v63  }
0x72: {  	s8 =	sadd.s32 s1, s8  }
0x73: {  	[tilespmem:s15], [sflag:$0x3] =	stream.linear.gather [hbm4b:s8+s3], $0x1000, $0x38;
	[tilespmem:$0x13080] =	vst v63  }
0x74: {  	s12 =	rddreg [dreg:$0x4];
	s8 =	sadd.s32 $0x600, s7  }
0x75: {  	[tilespmem:s16], [sflag:$0x4] =	stream.linear.gather [hbm4b:s8+s3], $0x1000, $0x38;
	[tilespmem:$0x13080] =	vst v63  }
0x76: {  	s8 =	sadd.s32 s1, s12  }
0x77: {  	[tilespmem:s17], [sflag:$0x5] =	stream.linear.gather [hbm4b:s8+s3], $0x1000, $0x38;
	[tilespmem:$0x13080] =	vst v63  }
0x78: {  	s12 =	rddreg [dreg:$0x3];
	s8 =	sadd.s32 $0xA00, s7  }
0x79: {  	[tilespmem:s18], [sflag:$0x6] =	stream.linear.gather [hbm4b:s8+s3], $0x1000, $0x38;
	[tilespmem:$0x13080] =	vst v63  }
0x7a: {  	s12 =	sadd.s32 s1, s12  }
0x7b: {  	[tilespmem:s19], [sflag:$0x7] =	stream.linear.gather [hbm4b:s12+s3], $0x1000, $0x38;
	[tilespmem:$0x13080] =	vst v63  }
0x7c: {  	s7 =	sadd.s32 $0xE00, s7  }
0x7d: {  	[tilespmem:s20], [sflag:$0x8] =	stream.linear.gather [hbm4b:s7+s3], $0x1000, $0x38;
	[tilespmem:$0x13080] =	vst v63  }
0x7e: {  	_ =	swait.ge [sflag:s21], $0x1000  }
0x7f: {  	s12 =	sshra.s32 s1, $0x2;
	[sflag:s21] =	ssyncset.done $0x0  }
0x80: {  	s8 =	sadd.s32 $0x4E40, s12;
	[sflag:s21] =	ssyncadd.s32 $0xFFFFF000  }
0x81: {  	[spmem:s2] =	stream.indirect.scatter.add.f32 [tilespmem:s13], [sflag:$0x9], $0x20, s8, s22, $0xb8;
	[tilespmem:$0x13080] =	vst v63  }
0x82: {  	_ =	swait.ge [sflag:s11], $0x1000  }
0x83: {  	[sflag:s11] =	ssyncset.done $0x0  }
0x84: {  	[sflag:s11] =	ssyncadd.s32 $0xFFFFF000  }
0x85: {  	_ =	swait.ge [sflag:s23], $0x1000  }
0x86: {  	[sflag:s23] =	ssyncset.done $0x0  }
0x87: {  	s7 =	sadd.s32 $0x4EC0, s12;
	[sflag:s23] =	ssyncadd.s32 $0xFFFFF000  }
0x88: {  	[spmem:s2] =	stream.indirect.scatter.add.f32 [tilespmem:s14], [sflag:$0x9], $0x20, s7, s22, $0xb8;
	[tilespmem:$0x13080] =	vst v63  }
0x89: {  	_ =	swait.ge [sflag:s11], $0x1000  }
0x8a: {  	[sflag:s11] =	ssyncset.done $0x0  }
0x8b: {  	[sflag:s11] =	ssyncadd.s32 $0xFFFFF000  }
0x8c: {  	_ =	swait.ge [sflag:s24], $0x1000  }
0x8d: {  	[sflag:s24] =	ssyncset.done $0x0  }
0x8e: {  	s8 =	sadd.s32 $0x4F40, s12;
	[sflag:s24] =	ssyncadd.s32 $0xFFFFF000  }
0x8f: {  	[spmem:s2] =	stream.indirect.scatter.add.f32 [tilespmem:s15], [sflag:$0x9], $0x20, s8, s22, $0xb8;
	[tilespmem:$0x13080] =	vst v63  }
0x90: {  	_ =	swait.ge [sflag:s11], $0x1000  }
0x91: {  	[sflag:s11] =	ssyncset.done $0x0  }
0x92: {  	[sflag:s11] =	ssyncadd.s32 $0xFFFFF000  }
0x93: {  	_ =	swait.ge [sflag:s25], $0x1000  }
0x94: {  	[sflag:s25] =	ssyncset.done $0x0  }
0x95: {  	s7 =	sadd.s32 $0x4FC0, s12;
	[sflag:s25] =	ssyncadd.s32 $0xFFFFF000  }
0x96: {  	[spmem:s2] =	stream.indirect.scatter.add.f32 [tilespmem:s16], [sflag:$0x9], $0x20, s7, s22, $0xb8;
	[tilespmem:$0x13080] =	vst v63  }
0x97: {  	_ =	swait.ge [sflag:s11], $0x1000  }
0x98: {  	[sflag:s11] =	ssyncset.done $0x0  }
0x99: {  	[sflag:s11] =	ssyncadd.s32 $0xFFFFF000  }
0x9a: {  	_ =	swait.ge [sflag:s26], $0x1000  }
0x9b: {  	[sflag:s26] =	ssyncset.done $0x0  }
0x9c: {  	s8 =	sadd.s32 $0x5040, s12;
	[sflag:s26] =	ssyncadd.s32 $0xFFFFF000  }
0x9d: {  	[spmem:s2] =	stream.indirect.scatter.add.f32 [tilespmem:s17], [sflag:$0x9], $0x20, s8, s22, $0xb8;
	[tilespmem:$0x13080] =	vst v63  }
0x9e: {  	_ =	swait.ge [sflag:s11], $0x1000  }
0x9f: {  	[sflag:s11] =	ssyncset.done $0x0  }
0xa0: {  	[sflag:s11] =	ssyncadd.s32 $0xFFFFF000  }
0xa1: {  	_ =	swait.ge [sflag:s28], $0x1000  }
0xa2: {  	[sflag:s28] =	ssyncset.done $0x0  }
0xa3: {  	s7 =	sadd.s32 $0x50C0, s12;
	[sflag:s28] =	ssyncadd.s32 $0xFFFFF000  }
0xa4: {  	[spmem:s2] =	stream.indirect.scatter.add.f32 [tilespmem:s18], [sflag:$0x9], $0x20, s7, s22, $0xb8;
	[tilespmem:$0x13080] =	vst v63  }
0xa5: {  	_ =	swait.ge [sflag:s11], $0x1000  }
0xa6: {  	[sflag:s11] =	ssyncset.done $0x0  }
0xa7: {  	[sflag:s11] =	ssyncadd.s32 $0xFFFFF000  }
0xa8: {  	_ =	swait.ge [sflag:s29], $0x1000  }
0xa9: {  	[sflag:s29] =	ssyncset.done $0x0  }
0xaa: {  	s8 =	sadd.s32 $0x5140, s12;
	[sflag:s29] =	ssyncadd.s32 $0xFFFFF000  }
0xab: {  	[spmem:s2] =	stream.indirect.scatter.add.f32 [tilespmem:s19], [sflag:$0x9], $0x20, s8, s22, $0xb8;
	[tilespmem:$0x13080] =	vst v63  }
0xac: {  	_ =	swait.ge [sflag:s11], $0x1000  }
0xad: {  	[sflag:s11] =	ssyncset.done $0x0  }
0xae: {  	[sflag:s11] =	ssyncadd.s32 $0xFFFFF000  }
0xaf: {  	p0 =	sne.s32 s0, $0x4000;
	_ =	swait.ge [sflag:s30], $0x1000  }
.Ltmp0:
0xb0: {  	[sflag:s30] =	ssyncset.done $0x0;
	(pc) =	sbr.rel @p0 .LBB2_2-.Ltmp0, $4  }
0xb1: {  	s12 =	sadd.s32 $0x51C0, s12;
	[sflag:s30] =	ssyncadd.s32 $0xFFFFF000  }
0xb2: {  	[spmem:s2] =	stream.indirect.scatter.add.f32 [tilespmem:s20], [sflag:$0x9], $0x20, s12, s22, $0xb8;
	[tilespmem:$0x13080] =	vst v63  }
0xb3: {  	s4 =	smov.u32 s0;
	s0 =	sadd.s32 $0x1000, s0;
	_ =	swait.ge [sflag:s11], $0x1000  }
0xb4: {  	s1 =	smov.u32 s4;
	s12 =	rddreg [dreg:$0x6];
	[sflag:s11] =	ssyncset.done $0x0  }
0xb5: {  	[sflag:s11] =	ssyncadd.s32 $0xFFFFF000;
	s0 =	sadd.s32 s1, s12;
	s4 =	sadd.s32 s1, s5  }
0xb6: {  	[tilespmem:s13], [sflag:$0x1] =	stream.linear.gather [hbm4b:s0+s3], $0x1000, $0x38;
	[tilespmem:$0x13080] =	vst v63  }
0xb7: {  	s7 =	rddreg [dreg:$0x5];
	s12 =	sadd.s32 $0x200, s4  }
0xb8: {  	[tilespmem:s14], [sflag:$0x2] =	stream.linear.gather [hbm4b:s12+s3], $0x1000, $0x38;
	[tilespmem:$0x13080] =	vst v63  }
0xb9: {  	s7 =	sadd.s32 s1, s7  }
0xba: {  	[tilespmem:s15], [sflag:$0x3] =	stream.linear.gather [hbm4b:s7+s3], $0x1000, $0x38;
	[tilespmem:$0x13080] =	vst v63  }
0xbb: {  	s8 =	rddreg [dreg:$0x4];
	s12 =	sadd.s32 $0x600, s4  }
0xbc: {  	[tilespmem:s16], [sflag:$0x4] =	stream.linear.gather [hbm4b:s12+s3], $0x1000, $0x38;
	[tilespmem:$0x13080] =	vst v63  }
0xbd: {  	s8 =	sadd.s32 s1, s8  }
0xbe: {  	[tilespmem:s17], [sflag:$0x5] =	stream.linear.gather [hbm4b:s8+s3], $0x1000, $0x38;
	[tilespmem:$0x13080] =	vst v63  }
0xbf: {  	s12 =	rddreg [dreg:$0x3];
	s8 =	sadd.s32 $0xA00, s4  }
0xc0: {  	[tilespmem:s18], [sflag:$0x6] =	stream.linear.gather [hbm4b:s8+s3], $0x1000, $0x38;
	[tilespmem:$0x13080] =	vst v63  }
0xc1: {  	s12 =	sadd.s32 s1, s12  }
0xc2: {  	[tilespmem:s19], [sflag:$0x7] =	stream.linear.gather [hbm4b:s12+s3], $0x1000, $0x38;
	[tilespmem:$0x13080] =	vst v63  }
0xc3: {  	s4 =	sadd.s32 $0xE00, s4  }
0xc4: {  	[tilespmem:s20], [sflag:$0x8] =	stream.linear.gather [hbm4b:s4+s3], $0x1000, $0x38;
	[tilespmem:$0x13080] =	vst v63  }
0xc5: {  	_ =	swait.ge [sflag:s21], $0x1000  }
0xc6: {  	s0 =	sshra.s32 s1, $0x2;
	[sflag:s21] =	ssyncset.done $0x0  }
0xc7: {  	s1 =	sadd.s32 $0x4E40, s0;
	[sflag:s21] =	ssyncadd.s32 $0xFFFFF000  }
0xc8: {  	[spmem:s2] =	stream.indirect.scatter.add.f32 [tilespmem:s13], [sflag:$0x9], $0x20, s1, s22, $0xb8;
	[tilespmem:$0x13080] =	vst v63  }
0xc9: {  	_ =	swait.ge [sflag:s11], $0x1000  }
0xca: {  	[sflag:s11] =	ssyncset.done $0x0  }
0xcb: {  	[sflag:s11] =	ssyncadd.s32 $0xFFFFF000  }
0xcc: {  	_ =	swait.ge [sflag:s23], $0x1000  }
0xcd: {  	[sflag:s23] =	ssyncset.done $0x0  }
0xce: {  	s7 =	sadd.s32 $0x4EC0, s0;
	[sflag:s23] =	ssyncadd.s32 $0xFFFFF000  }
0xcf: {  	[spmem:s2] =	stream.indirect.scatter.add.f32 [tilespmem:s14], [sflag:$0x9], $0x20, s7, s22, $0xb8;
	[tilespmem:$0x13080] =	vst v63  }
0xd0: {  	_ =	swait.ge [sflag:s11], $0x1000  }
0xd1: {  	[sflag:s11] =	ssyncset.done $0x0  }
0xd2: {  	[sflag:s11] =	ssyncadd.s32 $0xFFFFF000  }
0xd3: {  	_ =	swait.ge [sflag:s24], $0x1000  }
0xd4: {  	[sflag:s24] =	ssyncset.done $0x0  }
0xd5: {  	s8 =	sadd.s32 $0x4F40, s0;
	[sflag:s24] =	ssyncadd.s32 $0xFFFFF000  }
0xd6: {  	[spmem:s2] =	stream.indirect.scatter.add.f32 [tilespmem:s15], [sflag:$0x9], $0x20, s8, s22, $0xb8;
	[tilespmem:$0x13080] =	vst v63  }
0xd7: {  	_ =	swait.ge [sflag:s11], $0x1000  }
0xd8: {  	[sflag:s11] =	ssyncset.done $0x0  }
0xd9: {  	[sflag:s11] =	ssyncadd.s32 $0xFFFFF000  }
0xda: {  	_ =	swait.ge [sflag:s25], $0x1000  }
0xdb: {  	[sflag:s25] =	ssyncset.done $0x0  }
0xdc: {  	s12 =	sadd.s32 $0x4FC0, s0;
	[sflag:s25] =	ssyncadd.s32 $0xFFFFF000  }
0xdd: {  	[spmem:s2] =	stream.indirect.scatter.add.f32 [tilespmem:s16], [sflag:$0x9], $0x20, s12, s22, $0xb8;
	[tilespmem:$0x13080] =	vst v63  }
0xde: {  	_ =	swait.ge [sflag:s11], $0x1000  }
0xdf: {  	[sflag:s11] =	ssyncset.done $0x0  }
0xe0: {  	[sflag:s11] =	ssyncadd.s32 $0xFFFFF000  }
0xe1: {  	_ =	swait.ge [sflag:s26], $0x1000  }
0xe2: {  	[sflag:s26] =	ssyncset.done $0x0  }
0xe3: {  	s4 =	sadd.s32 $0x5040, s0;
	[sflag:s26] =	ssyncadd.s32 $0xFFFFF000  }
0xe4: {  	[spmem:s2] =	stream.indirect.scatter.add.f32 [tilespmem:s17], [sflag:$0x9], $0x20, s4, s22, $0xb8;
	[tilespmem:$0x13080] =	vst v63  }
0xe5: {  	_ =	swait.ge [sflag:s11], $0x1000  }
0xe6: {  	[sflag:s11] =	ssyncset.done $0x0  }
0xe7: {  	[sflag:s11] =	ssyncadd.s32 $0xFFFFF000  }
0xe8: {  	_ =	swait.ge [sflag:s28], $0x1000  }
0xe9: {  	[sflag:s28] =	ssyncset.done $0x0  }
0xea: {  	s7 =	sadd.s32 $0x50C0, s0;
	[sflag:s28] =	ssyncadd.s32 $0xFFFFF000  }
0xeb: {  	[spmem:s2] =	stream.indirect.scatter.add.f32 [tilespmem:s18], [sflag:$0x9], $0x20, s7, s22, $0xb8;
	[tilespmem:$0x13080] =	vst v63  }
0xec: {  	_ =	swait.ge [sflag:s11], $0x1000  }
0xed: {  	[sflag:s11] =	ssyncset.done $0x0  }
0xee: {  	[sflag:s11] =	ssyncadd.s32 $0xFFFFF000  }
0xef: {  	_ =	swait.ge [sflag:s29], $0x1000  }
0xf0: {  	[sflag:s29] =	ssyncset.done $0x0  }
0xf1: {  	s8 =	sadd.s32 $0x5140, s0;
	[sflag:s29] =	ssyncadd.s32 $0xFFFFF000  }
0xf2: {  	[spmem:s2] =	stream.indirect.scatter.add.f32 [tilespmem:s19], [sflag:$0x9], $0x20, s8, s22, $0xb8;
	[tilespmem:$0x13080] =	vst v63  }
0xf3: {  	_ =	swait.ge [sflag:s11], $0x1000  }
0xf4: {  	[sflag:s11] =	ssyncset.done $0x0  }
0xf5: {  	[sflag:s11] =	ssyncadd.s32 $0xFFFFF000  }
0xf6: {  	_ =	swait.ge [sflag:s30], $0x1000  }
0xf7: {  	[sflag:s30] =	ssyncset.done $0x0  }
0xf8: {  	s0 =	sadd.s32 $0x51C0, s0;
	[sflag:s30] =	ssyncadd.s32 $0xFFFFF000  }
0xf9: {  	[spmem:s2] =	stream.indirect.scatter.add.f32 [tilespmem:s20], [sflag:$0x9], $0x20, s0, s22, $0xb8;
	[tilespmem:$0x13080] =	vst v63  }
0xfa: {  	_ =	swait.ge [sflag:s11], $0x1000  }
0xfb: {  	[sflag:s11] =	ssyncset.done $0x0  }
0xfc: {  	[sflag:s11] =	ssyncadd.s32 $0xFFFFF000  }
0xfd: {  	[bflag:$0x0] =	sbarrier.arrive $0xFFFF  }
0xfe: {  	[tilespmem:s10], [sflag:$0x9] =	stream.linear.gather [spmem:s6], $0x4E40, $0x38;
	[tilespmem:$0x13080] =	vst v63  }
0xff: {  	s31 =	sadd.s32 $0x1, s31;
	_ =	swait.ge [sflag:s11], $0x4E40  }
0x100: {  	p0 =	sne.s32 s31, s9;
	[sflag:s11] =	ssyncset.done $0x0  }
.Ltmp1:
0x101: {  	s12 =	rddreg [dreg:$0x9];
	[sflag:s11] =	ssyncadd.s32 $0xFFFFB1C0;
	(pc) =	sbr.rel @p0 .LBB2_1-.Ltmp1, $4  }
0x102: {  	[hbm4b:s12+s3] =	stream.linear.scatter [tilespmem:s10], [sflag:$0x9], $0x4E40, $0x38;
	[tilespmem:$0x13080] =	vst v63  }
0x103: {  	_ =	swait.ge [sflag:s11], $0x4E40  }
0x104: {  	[sflag:s11] =	ssyncset.done $0x0  }
0x105: {  	[sflag:s11] =	ssyncadd.s32 $0xFFFFB1C0  }
0x106: {  	_ =	sfence.sel $0x180000  }
0x107: {  	[bflag:$0x0] =	sbarrier.arrive $0xFFFF  }
0x108: {  	_ =	strace $0x90000050  }
0x109: {  	s0 =	stileid.u32;
	[bflag:$0x2] =	sbarrier.arrive $0xFFFF  }
0x10a: {  	p0 =	sne.s32 s0, $0x0;
	s0 =	rddreg [dreg:$0x2]  }
0x10b: {  	s0 =	sadd.s32 @!p0 $0x100000, s0  }
0x10c: {  	[sflag:s0] =	ssyncadd.tile.s32 @!p0 $0x1;
	_ =	shalt  }
.Lfunc_end2:
_tile_overlayer_lowered:
.L_overlay_start_2:
0x10d: {  	(tag) =	ssettag $0x2  }
0x10e: {  	s0 =	rddreg [dreg:$0x0];
	s2 =	stileid.u32  }
0x10f: {  	s1 =	rddreg [dreg:$0x1];
	p0 =	sne.s32 s2, $0x0  }
0x110: {  	s3 =	rddreg [dreg:$0x2];
	[bflag:$0x3] =	sbarrier.arrive $0xFFFF;
	s2 =	simm.s32 @!p0 $0x1C09  }
0x111: {  	[timem:s3], [sflag:s2] =	dma.local @!p0 [hbm:s0], s1  }
0x112: {  	s0 =	simm.s32 @!p0 $0x9  }
0x113: {  	_ =	swait.ge @!p0 [sflag:s0], s1  }
0x114: {  	s1 =	ssub.s32 @!p0 $0x0, s1;
	[sflag:s0] =	ssyncset.done @!p0 $0x0  }
0x115: {  	[sflag:s0] =	ssyncadd.s32 @!p0 s1  }
0x116: {  	[bflag:$0x3] =	sbarrier.arrive $0xFFFF  }
0x117: {  	_ =	shalt  }

</sc_bundles>
